<compile_context>
chip_gen: v7x
topology: tpu7x:2x2x1
jax: 0.10.2.dev20260603
libtpu: 0.0.44.dev20260713+nightly
codegen_flags: <defaults>
</compile_context>

<pallas_src>
import functools

import jax
import jax.numpy as jnp
from jax import lax
from jax.experimental import pallas as pl
from jax.experimental.pallas import tpu as pltpu
from jax.experimental.pallas import tpu_sc as plsc

N = 10000
E = 320000
D = 128
DE = 16
NW = 32
EP = 327680
ET = EP // NW
NCH = 5
CH = ET // NCH
NIV = 16
EP8 = EP * DE // 128
E8 = E * DE // 128
NP = 10112
NPS = NP // 16

_mesh = plsc.VectorSubcoreMesh(core_axis_name="c", subcore_axis_name="s")


GNCH = 8
GCH = ET // GNCH
GNIV = GCH // 128


@functools.partial(
    pl.kernel,
    mesh=_mesh,
    out_type=jax.ShapeDtypeStruct((EP, DE), jnp.float32),
    compiler_params=pltpu.CompilerParams(use_tc_tiling_on_sc=False),
    scratch_types=[
        pltpu.VMEM((ET // 128, 128), jnp.int32),
        pltpu.VMEM((GCH, DE), jnp.float32),
        pltpu.VMEM((GCH, DE), jnp.float32),
        pltpu.VMEM_SHARED((N, DE), jnp.float32),
        pltpu.SemaphoreType.DMA,
        pltpu.SemaphoreType.DMA,
        pltpu.SemaphoreType.DMA,
        pltpu.SemaphoreType.DMA,
    ],
)
def _sc_gather(p_hbm, idx_hbm, out_hbm, idx_v, rows_a, rows_b, p_sh,
               gsem_a, gsem_b, osem_a, osem_b):
    cid = lax.axis_index("c")
    sid = lax.axis_index("s")
    wid = sid * 2 + cid

    idx_load = pltpu.async_copy(
        idx_hbm.at[pl.ds(wid * (ET // 128), ET // 128)], idx_v, gsem_a)

    @pl.when(sid == 0)
    def _():
        pltpu.sync_copy(p_hbm, p_sh)

    idx_load.wait()
    plsc.subcore_barrier()

    def superstep(s, carry):
        for par, rows_v, gsem, osem in ((0, rows_a, gsem_a, osem_a),
                                        (1, rows_b, gsem_b, osem_b)):
            c = s * 2 + par

            @pl.when(s > 0)
            def _():
                pltpu.make_async_copy(
                    rows_v, out_hbm.at[pl.ds(0, GCH)], osem).wait()

            descs = [
                pltpu.async_copy(p_sh.at[idx_v.at[c * GNIV + j]],
                                 rows_v.at[pl.ds(j * 128, 128)], gsem)
                for j in range(GNIV)
            ]
            for d in descs:
                d.wait()
            pltpu.async_copy(rows_v,
                             out_hbm.at[pl.ds(wid * ET + c * GCH, GCH)], osem)
        return carry

    lax.fori_loop(0, GNCH // 2, superstep, 0)
    pltpu.make_async_copy(rows_a, out_hbm.at[pl.ds(0, GCH)], osem_a).wait()
    pltpu.make_async_copy(rows_b, out_hbm.at[pl.ds(0, GCH)], osem_b).wait()


@functools.partial(
    pl.kernel,
    mesh=_mesh,
    out_type=jax.ShapeDtypeStruct((2 * NP, DE), jnp.float32),
    compiler_params=pltpu.CompilerParams(use_tc_tiling_on_sc=False),
    scratch_types=[
        pltpu.VMEM((ET // 128, 128), jnp.int32),
        pltpu.VMEM((GCH, DE), jnp.float32),
        pltpu.VMEM((GCH, DE), jnp.float32),
        pltpu.VMEM((NPS, DE), jnp.float32),
        pltpu.VMEM_SHARED((NP, DE), jnp.float32),
        pltpu.SemaphoreType.DMA,
        pltpu.SemaphoreType.DMA,
        pltpu.SemaphoreType.DMA,
    ],
)
def _sc_scatter(msg_hbm, idx_hbm, out_hbm, idx_v, msg_a, msg_b, tmp_v, acc_sh,
                lsem_a, lsem_b, ssem):
    cid = lax.axis_index("c")
    sid = lax.axis_index("s")
    wid = sid * 2 + cid

    idxd = pltpu.async_copy(
        idx_hbm.at[pl.ds(wid * (ET // 128), ET // 128)], idx_v, ssem)

    def zrow(i, carry):
        tmp_v[i, :] = jnp.zeros((DE,), jnp.float32)
        return carry

    lax.fori_loop(0, NPS, zrow, 0)
    pltpu.sync_copy(tmp_v, acc_sh.at[pl.ds(sid * NPS, NPS)])
    idxd.wait()
    plsc.subcore_barrier()

    pltpu.async_copy(msg_hbm.at[pl.ds(wid * ET, GCH)], msg_a, lsem_a)

    def superstep(s, carry):
        c0 = s * 2
        pltpu.make_async_copy(msg_hbm.at[pl.ds(0, GCH)], msg_a, lsem_a).wait()

        pltpu.async_copy(msg_hbm.at[pl.ds(wid * ET + (c0 + 1) * GCH, GCH)],
                         msg_b, lsem_b)
        descs0 = [
            pltpu.async_copy(msg_a.at[pl.ds(j * 128, 128)],
                             acc_sh.at[idx_v.at[c0 * GNIV + j]],
                             ssem, add=True)
            for j in range(GNIV)
        ]
        pltpu.make_async_copy(msg_hbm.at[pl.ds(0, GCH)], msg_b, lsem_b).wait()
        for d in descs0:
            d.wait()

        @pl.when(c0 + 2 < GNCH)
        def _():
            pltpu.async_copy(
                msg_hbm.at[pl.ds(wid * ET + (c0 + 2) * GCH, GCH)],
                msg_a, lsem_a)

        descs1 = [
            pltpu.async_copy(msg_b.at[pl.ds(j * 128, 128)],
                             acc_sh.at[idx_v.at[(c0 + 1) * GNIV + j]],
                             ssem, add=True)
            for j in range(GNIV)
        ]
        for d in descs1:
            d.wait()
        return carry

    lax.fori_loop(0, GNCH // 2, superstep, 0)
    plsc.subcore_barrier()
    pltpu.sync_copy(acc_sh.at[pl.ds(sid * NPS, NPS)], tmp_v)
    pltpu.sync_copy(tmp_v, out_hbm.at[pl.ds(cid * NP + sid * NPS, NPS)])


def _p_body(x_ref, w_ref, o_ref):
    o_ref[...] = jnp.dot(x_ref[...], w_ref[...],
                         preferred_element_type=jnp.float32)


def _tc_project(x, w_xe):
    return pl.pallas_call(
        _p_body,
        out_shape=jax.ShapeDtypeStruct((N, DE), jnp.float32),
    )(x, w_xe)


BE = 2000
BQ = 8 * BE


def _t2p(eat, i16):
    pieces = []
    for a in range(8):
        sl = eat[:, a * BE:(a + 1) * BE]
        pieces.append(lax.dot_general(
            sl, i16, (((0,), (0,)), ((), ())),
            preferred_element_type=jnp.float32))
    return jnp.concatenate(pieces, axis=1)


def _p2t(m8, i16):
    pieces = []
    for a in range(8):
        sl = m8[:, DE * a:DE * (a + 1)]
        pieces.append(lax.dot_general(
            i16, sl, (((1,), (1,)), ((), ())),
            preferred_element_type=jnp.float32))
    return jnp.concatenate(pieces, axis=1)


def _edge0_body(g_ref, eat_ref, wd_ref, be_ref, i16_ref, msg_ref, eao_ref):
    ea8 = _t2p(eat_ref[...], i16_ref[...])
    q = jnp.dot(ea8, wd_ref[...],
                preferred_element_type=jnp.float32) + be_ref[...]
    m = jnp.maximum(g_ref[...] + q, 0.0)
    msg_ref[...] = m
    eao_ref[...] = ea8 + m


def _tc_edge0(g8, eat, wd, be8, i16):
    return pl.pallas_call(
        _edge0_body,
        grid=(E8 // BE,),
        in_specs=[
            pl.BlockSpec((BE, 128), lambda i: (i, 0)),
            pl.BlockSpec((DE, BQ), lambda i: (0, i)),
            pl.BlockSpec((128, 128), lambda i: (0, 0)),
            pl.BlockSpec((1, 128), lambda i: (0, 0)),
            pl.BlockSpec((DE, DE), lambda i: (0, 0)),
        ],
        out_specs=[
            pl.BlockSpec((BE, 128), lambda i: (i, 0)),
            pl.BlockSpec((BE, 128), lambda i: (i, 0)),
        ],
        out_shape=[
            jax.ShapeDtypeStruct((EP8, 128), jnp.float32),
            jax.ShapeDtypeStruct((E8, 128), jnp.float32),
        ],
    )(g8, eat, wd, be8, i16)


def _edge1_body(g_ref, ea_ref, wd_ref, be_ref, i16_ref, msg_ref, eat_ref):
    q = jnp.dot(ea_ref[...], wd_ref[...],
                preferred_element_type=jnp.float32) + be_ref[...]
    m = jnp.maximum(g_ref[...] + q, 0.0)
    msg_ref[...] = m
    eat_ref[...] = _p2t(ea_ref[...] + m, i16_ref[...])


def _tc_edge1(g8, ea8, wd, be8, i16):
    return pl.pallas_call(
        _edge1_body,
        grid=(E8 // BE,),
        in_specs=[
            pl.BlockSpec((BE, 128), lambda i: (i, 0)),
            pl.BlockSpec((BE, 128), lambda i: (i, 0)),
            pl.BlockSpec((128, 128), lambda i: (0, 0)),
            pl.BlockSpec((1, 128), lambda i: (0, 0)),
            pl.BlockSpec((DE, DE), lambda i: (0, 0)),
        ],
        out_specs=[
            pl.BlockSpec((BE, 128), lambda i: (i, 0)),
            pl.BlockSpec((DE, BQ), lambda i: (0, i)),
        ],
        out_shape=[
            jax.ShapeDtypeStruct((EP8, 128), jnp.float32),
            jax.ShapeDtypeStruct((DE, E), jnp.float32),
        ],
    )(g8, ea8, wd, be8, i16)


def _node_body(x_ref, a0_ref, a1_ref, wnx_ref, wna_ref, bn_ref, wxe_ref,
               xo_ref, po_ref):
    agg = a0_ref[...] + a1_ref[...]
    h = jnp.dot(x_ref[...], wnx_ref[...], preferred_element_type=jnp.float32)
    h = h + jnp.dot(agg, wna_ref[...], preferred_element_type=jnp.float32)
    h = h + bn_ref[...]
    xn = x_ref[...] + jnp.maximum(h, 0.0)
    xo_ref[...] = xn
    po_ref[...] = jnp.dot(xn, wxe_ref[...], preferred_element_type=jnp.float32)


def _tc_node(x, a0, a1, w_nx, w_na, bn, w_xe):
    BN = 2000
    return pl.pallas_call(
        _node_body,
        grid=(N // BN,),
        in_specs=[
            pl.BlockSpec((BN, 128), lambda i: (i, 0)),
            pl.BlockSpec((BN, DE), lambda i: (i, 0)),
            pl.BlockSpec((BN, DE), lambda i: (i, 0)),
            pl.BlockSpec((128, 128), lambda i: (0, 0)),
            pl.BlockSpec((DE, 128), lambda i: (0, 0)),
            pl.BlockSpec((1, 128), lambda i: (0, 0)),
            pl.BlockSpec((128, DE), lambda i: (0, 0)),
        ],
        out_specs=[
            pl.BlockSpec((BN, 128), lambda i: (i, 0)),
            pl.BlockSpec((BN, DE), lambda i: (i, 0)),
        ],
        out_shape=[
            jax.ShapeDtypeStruct((N, 128), jnp.float32),
            jax.ShapeDtypeStruct((N, DE), jnp.float32),
        ],
    )(x, a0, a1, w_nx, w_na, bn, w_xe)


def kernel(x, edge_index, edge_attr, W_e, b_e, W_n, b_n):
    ei = edge_index.astype(jnp.int32)

    def _perm16(v):
        return v.reshape(E // BQ, 8, BE).transpose(0, 2, 1).reshape(E)

    row_p = jnp.concatenate(
        [_perm16(ei[0]), jnp.zeros((EP - E,), jnp.int32)]).reshape(EP // 128, 128)
    dst_p = jnp.concatenate(
        [_perm16(ei[1]), jnp.full((EP - E,), N, jnp.int32)]).reshape(EP // 128, 128)
    eat = edge_attr.T

    W_xe = W_e[:D] + W_e[D:2 * D]
    W_ee = W_e[2 * D:]
    Wd = jnp.kron(jnp.eye(8, dtype=jnp.float32), W_ee)
    be8 = jnp.tile(b_e, 8).reshape(1, 128)
    W_nx = W_n[:D]
    W_na = W_n[D:]
    bn = b_n.reshape(1, 128)

    i16 = jnp.eye(DE, dtype=jnp.float32)
    p = _tc_project(x, W_xe)

    g = _sc_gather(p, row_p)
    msg8, ea8 = _tc_edge0(g.reshape(EP8, 128), eat, Wd, be8, i16)
    aggf = _sc_scatter(msg8.reshape(EP, DE), dst_p)
    x, p = _tc_node(x, aggf[:NP], aggf[NP:], W_nx, W_na, bn, W_xe)

    g = _sc_gather(p, row_p)
    msg8, eat_out = _tc_edge1(g.reshape(EP8, 128), ea8, Wd, be8, i16)
    aggf = _sc_scatter(msg8.reshape(EP, DE), dst_p)
    x, _ = _tc_node(x, aggf[:NP], aggf[NP:], W_nx, W_na, bn, W_xe)

    return (x, eat_out.T)

# --- scband reference (transcript-rebuilt; emitter-appended) ---
"""Pipeline reference for scband-gnblock-56427280335509 (READ-ONLY COPY).

The authoritative reference and input builder live on the scoring server;
editing this copy changes nothing except your own understanding.
"""

import jax, jax.numpy as jnp
import numpy as np

N_NODES = 10000
N_EDGES = 320000
D_FEAT = 128
D_EDGE = 16
M_ITERS = 2


def setup_inputs(seed: int = 0) -> dict:
    key = jax.random.key(seed)
    k_x, k_ei, k_ea, k_we, k_be, k_wn, k_bn = jax.random.split(key, 7)
    x = jax.random.normal(k_x, (N_NODES, D_FEAT), dtype=jnp.float32)
    edge_index = jax.random.randint(k_ei, (2, N_EDGES), 0, N_NODES, dtype=jnp.int64)
    edge_attr = jax.random.normal(k_ea, (N_EDGES, D_EDGE), dtype=jnp.float32)
    # Shared edge_model / node_model parameters (the ModuleList holds the SAME
    # module instance M times, so weights are shared across iterations).
    # edge_model: Linear(2*d_feat + d_edge -> d_edge) + ReLU on concat(x_row, x_col, edge_attr)
    W_e = jax.random.normal(k_we, (2 * D_FEAT + D_EDGE, D_EDGE), dtype=jnp.float32) * (1.0 / np.sqrt(2 * D_FEAT + D_EDGE))
    b_e = jnp.zeros((D_EDGE,), dtype=jnp.float32)
    # node_model: segment-sum aggregate of edge messages to dst nodes, then
    # Linear(d_feat + d_edge -> d_feat) + ReLU on concat(x, agg)
    W_n = jax.random.normal(k_wn, (D_FEAT + D_EDGE, D_FEAT), dtype=jnp.float32) * (1.0 / np.sqrt(D_FEAT + D_EDGE))
    b_n = jnp.zeros((D_FEAT,), dtype=jnp.float32)
    return {"x": x, "edge_index": edge_index, "edge_attr": edge_attr,
            "W_e": W_e, "b_e": b_e, "W_n": W_n, "b_n": b_n}


def reference(x, edge_index, edge_attr, W_e, b_e, W_n, b_n):
    # Faithful to the torch forward: row and col are BOTH edge_index[0]
    row = edge_index[0]
    col = edge_index[0]
    dst = edge_index[1]
    for _ in range(M_ITERS):
        # edge_model(x[row], x[col], edge_attr)
        e_in = jnp.concatenate([x[row], x[col], edge_attr], axis=-1)
        edge_attr_ = jax.nn.relu(e_in @ W_e + b_e)
        # node_model(x, edge_index, edge_attr_): scatter-add messages to dst nodes
        agg = jax.ops.segment_sum(edge_attr_, dst, num_segments=x.shape[0])
        n_in = jnp.concatenate([x, agg], axis=-1)
        x_ = jax.nn.relu(n_in @ W_n + b_n)
        edge_attr = edge_attr + edge_attr_
        x = x + x_
    return (x, edge_attr)

if __name__ == "__main__":
    import jax
    _d = setup_inputs()
    print(jax.jit(kernel)(*tuple(_d.values())))

</pallas_src>

<mosaic_0001>
#map = affine_map<(d0, d1) -> (0, 0)>
module attributes {stable_mosaic.version = 14 : i64} {
  func.func @_sc_scatter(%arg0: i32, %arg1: i32, %arg2: memref<327680x16xf32, #tpu.memory_space<hbm>>, %arg3: memref<2560x128xi32, #tpu.memory_space<hbm>>, %arg4: memref<20224x16xf32, #tpu.memory_space<hbm>>, %arg5: memref<80x128xi32, #tpu.memory_space<vmem>>, %arg6: memref<1280x16xf32, #tpu.memory_space<vmem>>, %arg7: memref<1280x16xf32, #tpu.memory_space<vmem>>, %arg8: memref<632x16xf32, #tpu.memory_space<vmem>>, %arg9: memref<10112x16xf32, #tpu.memory_space<vmem_shared>>, %arg10: memref<!tpu.dma_semaphore, #tpu.memory_space<semaphore_mem>>, %arg11: memref<!tpu.dma_semaphore, #tpu.memory_space<semaphore_mem>>, %arg12: memref<!tpu.dma_semaphore, #tpu.memory_space<semaphore_mem>>) attributes {dimension_semantics = [#tpu.dimension_semantics<core_parallel>, #tpu.dimension_semantics<subcore_parallel>], iteration_bounds = array<i64: 2, 16>, scalar_prefetch = 0 : i64, scratch_operands = 8 : i64, tpu.core_type = #tpu.core_type<sc_vector_subcore>, window_params = [{transform_indices = #map}, {transform_indices = #map}, {transform_indices = #map}]} {
    %mul3A = arith.constant 2 : i32
    %mul3A_0 = arith.muli %arg1, %mul3A : i32
    %add3A = arith.addi %mul3A_0, %arg0 : i32
    %mul3A_1 = arith.constant 80 : i32
    %mul3A_2 = arith.muli %add3A, %mul3A_1 : i32
    %dma_start3A = arith.constant 0 : i32
    %dma_start3A_3 = tpu.memref_slice %arg3[%mul3A_2, %dma_start3A] : memref<2560x128xi32, #tpu.memory_space<hbm>> -> memref<80x128xi32, #tpu.memory_space<hbm>>
    %dma_start3A_4 = arith.constant 0 : i32
    %dma_start3A_5 = tpu.memref_slice %arg3[%mul3A_2, %dma_start3A_4] : memref<2560x128xi32, #tpu.memory_space<hbm>> -> memref<80x128xi32, #tpu.memory_space<hbm>>
    tpu.enqueue_dma source(%dma_start3A_5 : memref<80x128xi32, #tpu.memory_space<hbm>>) target(%arg5 : memref<80x128xi32, #tpu.memory_space<vmem>>) target_semaphore(%arg12 : memref<!tpu.dma_semaphore, #tpu.memory_space<semaphore_mem>>)
    %scan3A = arith.constant 0 : i32
    %scan3A_6 = arith.constant 0 : i32
    %scan3A_7 = arith.constant 632 : i32
    %scan3A_8 = arith.addi %scan3A_6, %scan3A_7 : i32
    %scan3A_9 = arith.constant 1 : i32
    scf.for %scan3A_36 = %scan3A_6 to %scan3A_8 step %scan3A_9  : i32 {
      %broadcast_in_dim3A = arith.constant 0.000000e+00 : f32
      %broadcast_in_dim3A_37 = vector.broadcast %broadcast_in_dim3A : f32 to vector<16xf32>
      %swap3A = arith.index_cast %scan3A_36 : i32 to index
      %swap3A_38 = arith.constant 0 : index
      %swap3A_39 = tpu.vector_load %arg8[%swap3A, %swap3A_38] {strides = array<i32>} : memref<632x16xf32, #tpu.memory_space<vmem>>, vector<1x16xf32>,
      %swap3A_40 = vector.shape_cast %swap3A_39 : vector<1x16xf32> to vector<16xf32>
      %swap3A_41 = vector.shape_cast %broadcast_in_dim3A_37 : vector<16xf32> to vector<1x16xf32>
      tpu.vector_store %arg8[%swap3A, %swap3A_38], %swap3A_41 {strides = array<i32>} : memref<632x16xf32, #tpu.memory_space<vmem>>, vector<1x16xf32>,
    }
    %scan3A_10 = arith.constant 632 : i32
    %mul3A_11 = arith.constant 632 : i32
    %mul3A_12 = arith.muli %arg1, %mul3A_11 : i32
    "tpu.region"() ({
      %run_scoped3A = tpu.sem_alloc : memref<!tpu.dma_semaphore, #tpu.memory_space<semaphore_mem>>
      %dma_start3A_36 = arith.constant 0 : i32
      %dma_start3A_37 = tpu.memref_slice %arg9[%mul3A_12, %dma_start3A_36] : memref<10112x16xf32, #tpu.memory_space<vmem_shared>> -> memref<632x16xf32, #tpu.memory_space<vmem_shared>>
      %dma_start3A_38 = arith.constant 0 : i32
      %dma_start3A_39 = tpu.memref_slice %arg9[%mul3A_12, %dma_start3A_38] : memref<10112x16xf32, #tpu.memory_space<vmem_shared>> -> memref<632x16xf32, #tpu.memory_space<vmem_shared>>
      tpu.enqueue_dma source(%arg8 : memref<632x16xf32, #tpu.memory_space<vmem>>) target(%dma_start3A_39 : memref<632x16xf32, #tpu.memory_space<vmem_shared>>) target_semaphore(%run_scoped3A : memref<!tpu.dma_semaphore, #tpu.memory_space<semaphore_mem>>)
      %dma_wait3A_40 = arith.constant 0 : i32
      %dma_wait3A_41 = tpu.memref_slice %arg9[%mul3A_12, %dma_wait3A_40] : memref<10112x16xf32, #tpu.memory_space<vmem_shared>> -> memref<632x16xf32, #tpu.memory_space<vmem_shared>>
      %dma_wait3A_42 = arith.constant 0 : i32
      %dma_wait3A_43 = tpu.memref_slice %arg9[%mul3A_12, %dma_wait3A_42] : memref<10112x16xf32, #tpu.memory_space<vmem_shared>> -> memref<632x16xf32, #tpu.memory_space<vmem_shared>>
      tpu.wait_dma2 semaphore(%run_scoped3A : memref<!tpu.dma_semaphore, #tpu.memory_space<semaphore_mem>>) src(%arg8 : memref<632x16xf32, #tpu.memory_space<vmem>>) dst(%dma_wait3A_43 : memref<632x16xf32, #tpu.memory_space<vmem_shared>>)
      tpu.yield
    }) : () -> ()
    %dma_wait3A = arith.constant 0 : i32
    %dma_wait3A_13 = tpu.memref_slice %arg3[%mul3A_2, %dma_wait3A] : memref<2560x128xi32, #tpu.memory_space<hbm>> -> memref<80x128xi32, #tpu.memory_space<hbm>>
    %dma_wait3A_14 = arith.constant 0 : i32
    %dma_wait3A_15 = tpu.memref_slice %arg3[%mul3A_2, %dma_wait3A_14] : memref<2560x128xi32, #tpu.memory_space<hbm>> -> memref<80x128xi32, #tpu.memory_space<hbm>>
    tpu.wait_dma2 semaphore(%arg12 : memref<!tpu.dma_semaphore, #tpu.memory_space<semaphore_mem>>) src(%dma_wait3A_15 : memref<80x128xi32, #tpu.memory_space<hbm>>) dst(%arg5 : memref<80x128xi32, #tpu.memory_space<vmem>>)
    %barrier3A = arith.constant 0 : index
    tpu.barrier barrier_id(%barrier3A)
    %mul3A_16 = arith.constant 10240 : i32
    %mul3A_17 = arith.muli %add3A, %mul3A_16 : i32
    %dma_start3A_18 = arith.constant 0 : i32
    %dma_start3A_19 = tpu.memref_slice %arg2[%mul3A_17, %dma_start3A_18] : memref<327680x16xf32, #tpu.memory_space<hbm>> -> memref<1280x16xf32, #tpu.memory_space<hbm>>
    %dma_start3A_20 = arith.constant 0 : i32
    %dma_start3A_21 = tpu.memref_slice %arg2[%mul3A_17, %dma_start3A_20] : memref<327680x16xf32, #tpu.memory_space<hbm>> -> memref<1280x16xf32, #tpu.memory_space<hbm>>
    tpu.enqueue_dma source(%dma_start3A_21 : memref<1280x16xf32, #tpu.memory_space<hbm>>) target(%arg6 : memref<1280x16xf32, #tpu.memory_space<vmem>>) target_semaphore(%arg10 : memref<!tpu.dma_semaphore, #tpu.memory_space<semaphore_mem>>)
    %scan3A_22 = arith.constant 0 : i32
    %scan3A_23 = arith.constant 0 : i32
    %scan3A_24 = arith.constant 4 : i32
    %scan3A_25 = arith.addi %scan3A_23, %scan3A_24 : i32
    %scan3A_26 = arith.constant 1 : i32
    scf.for %scan3A_36 = %scan3A_23 to %scan3A_25 step %scan3A_26  : i32 {
      %mul3A_37 = arith.constant 2 : i32
      %mul3A_38 = arith.muli %scan3A_36, %mul3A_37 : i32
      %dma_wait3A_39 = arith.constant 0 : i32
      %dma_wait3A_40 = arith.constant 0 : i32
      %dma_wait3A_41 = tpu.memref_slice %arg2[%dma_wait3A_39, %dma_wait3A_40] : memref<327680x16xf32, #tpu.memory_space<hbm>> -> memref<1280x16xf32, #tpu.memory_space<hbm>>
      %dma_wait3A_42 = arith.constant 0 : i32
      %dma_wait3A_43 = arith.constant 0 : i32
      %dma_wait3A_44 = tpu.memref_slice %arg2[%dma_wait3A_42, %dma_wait3A_43] : memref<327680x16xf32, #tpu.memory_space<hbm>> -> memref<1280x16xf32, #tpu.memory_space<hbm>>
      tpu.wait_dma2 semaphore(%arg10 : memref<!tpu.dma_semaphore, #tpu.memory_space<semaphore_mem>>) src(%dma_wait3A_44 : memref<1280x16xf32, #tpu.memory_space<hbm>>) dst(%arg6 : memref<1280x16xf32, #tpu.memory_space<vmem>>)
      %mul3A_45 = arith.constant 10240 : i32
      %mul3A_46 = arith.muli %add3A, %mul3A_45 : i32
      %add3A_47 = arith.constant 1 : i32
      %add3A_48 = arith.addi %mul3A_38, %add3A_47 : i32
      %mul3A_49 = arith.constant 1280 : i32
      %mul3A_50 = arith.muli %add3A_48, %mul3A_49 : i32
      %add3A_51 = arith.addi %mul3A_46, %mul3A_50 : i32
      %dma_start3A_52 = arith.constant 0 : i32
      %dma_start3A_53 = tpu.memref_slice %arg2[%add3A_51, %dma_start3A_52] : memref<327680x16xf32, #tpu.memory_space<hbm>> -> memref<1280x16xf32, #tpu.memory_space<hbm>>
      %dma_start3A_54 = arith.constant 0 : i32
      %dma_start3A_55 = tpu.memref_slice %arg2[%add3A_51, %dma_start3A_54] : memref<327680x16xf32, #tpu.memory_space<hbm>> -> memref<1280x16xf32, #tpu.memory_space<hbm>>
      tpu.enqueue_dma source(%dma_start3A_55 : memref<1280x16xf32, #tpu.memory_space<hbm>>) target(%arg7 : memref<1280x16xf32, #tpu.memory_space<vmem>>) target_semaphore(%arg11 : memref<!tpu.dma_semaphore, #tpu.memory_space<semaphore_mem>>)
      %mul3A_56 = arith.constant 10 : i32
      %mul3A_57 = arith.muli %mul3A_38, %mul3A_56 : i32
      %add3A_58 = arith.constant 0 : i32
      %add3A_59 = arith.addi %mul3A_57, %add3A_58 : i32
      %dma_start3A_60 = arith.constant 0 : i32
      %dma_start3A_61 = arith.constant 0 : i32
      %dma_start3A_62 = tpu.memref_slice %arg6[%dma_start3A_60, %dma_start3A_61] : memref<1280x16xf32, #tpu.memory_space<vmem>> -> memref<128x16xf32, #tpu.memory_space<vmem>>
      %dma_start3A_63 = arith.constant 0 : i32
      %dma_start3A_64 = tpu.memref_slice %arg5[%add3A_59, %dma_start3A_63] : memref<80x128xi32, #tpu.memory_space<vmem>> -> memref<1x128xi32, #tpu.memory_space<vmem>>
      %dma_start3A_65 = tpu.memref_squeeze %dma_start3A_64 : memref<1x128xi32, #tpu.memory_space<vmem>> -> memref<128xi32, #tpu.memory_space<vmem>>
      %dma_start3A_66 = arith.constant 0 : i32
      %dma_start3A_67 = arith.constant 0 : i32
      %dma_start3A_68 = tpu.memref_slice %arg9[%dma_start3A_66, %dma_start3A_67] : memref<10112x16xf32, #tpu.memory_space<vmem_shared>> -> memref<10112x16xf32, #tpu.memory_space<vmem_shared>>
      tpu.enqueue_indirect_dma source(%dma_start3A_62 : memref<128x16xf32, #tpu.memory_space<vmem>>) target(%dma_start3A_68 : memref<10112x16xf32, #tpu.memory_space<vmem_shared>>) offsets(%dma_start3A_65 : memref<128xi32, #tpu.memory_space<vmem>>) semaphore(%arg12 : memref<!tpu.dma_semaphore, #tpu.memory_space<semaphore_mem>>) {add = true}
      %mul3A_69 = arith.constant 10 : i32
      %mul3A_70 = arith.muli %mul3A_38, %mul3A_69 : i32
      %add3A_71 = arith.constant 1 : i32
      %add3A_72 = arith.addi %mul3A_70, %add3A_71 : i32
      %dma_start3A_73 = arith.constant 128 : i32
      %dma_start3A_74 = arith.constant 0 : i32
      %dma_start3A_75 = tpu.memref_slice %arg6[%dma_start3A_73, %dma_start3A_74] : memref<1280x16xf32, #tpu.memory_space<vmem>> -> memref<128x16xf32, #tpu.memory_space<vmem>>
      %dma_start3A_76 = arith.constant 0 : i32
      %dma_start3A_77 = tpu.memref_slice %arg5[%add3A_72, %dma_start3A_76] : memref<80x128xi32, #tpu.memory_space<vmem>> -> memref<1x128xi32, #tpu.memory_space<vmem>>
      %dma_start3A_78 = tpu.memref_squeeze %dma_start3A_77 : memref<1x128xi32, #tpu.memory_space<vmem>> -> memref<128xi32, #tpu.memory_space<vmem>>
      %dma_start3A_79 = arith.constant 0 : i32
      %dma_start3A_80 = arith.constant 0 : i32
      %dma_start3A_81 = tpu.memref_slice %arg9[%dma_start3A_79, %dma_start3A_80] : memref<10112x16xf32, #tpu.memory_space<vmem_shared>> -> memref<10112x16xf32, #tpu.memory_space<vmem_shared>>
      tpu.enqueue_indirect_dma source(%dma_start3A_75 : memref<128x16xf32, #tpu.memory_space<vmem>>) target(%dma_start3A_81 : memref<10112x16xf32, #tpu.memory_space<vmem_shared>>) offsets(%dma_start3A_78 : memref<128xi32, #tpu.memory_space<vmem>>) semaphore(%arg12 : memref<!tpu.dma_semaphore, #tpu.memory_space<semaphore_mem>>) {add = true}
      %mul3A_82 = arith.constant 10 : i32
      %mul3A_83 = arith.muli %mul3A_38, %mul3A_82 : i32
      %add3A_84 = arith.constant 2 : i32
      %add3A_85 = arith.addi %mul3A_83, %add3A_84 : i32
      %dma_start3A_86 = arith.constant 256 : i32
      %dma_start3A_87 = arith.constant 0 : i32
      %dma_start3A_88 = tpu.memref_slice %arg6[%dma_start3A_86, %dma_start3A_87] : memref<1280x16xf32, #tpu.memory_space<vmem>> -> memref<128x16xf32, #tpu.memory_space<vmem>>
      %dma_start3A_89 = arith.constant 0 : i32
      %dma_start3A_90 = tpu.memref_slice %arg5[%add3A_85, %dma_start3A_89] : memref<80x128xi32, #tpu.memory_space<vmem>> -> memref<1x128xi32, #tpu.memory_space<vmem>>
      %dma_start3A_91 = tpu.memref_squeeze %dma_start3A_90 : memref<1x128xi32, #tpu.memory_space<vmem>> -> memref<128xi32, #tpu.memory_space<vmem>>
      %dma_start3A_92 = arith.constant 0 : i32
      %dma_start3A_93 = arith.constant 0 : i32
      %dma_start3A_94 = tpu.memref_slice %arg9[%dma_start3A_92, %dma_start3A_93] : memref<10112x16xf32, #tpu.memory_space<vmem_shared>> -> memref<10112x16xf32, #tpu.memory_space<vmem_shared>>
      tpu.enqueue_indirect_dma source(%dma_start3A_88 : memref<128x16xf32, #tpu.memory_space<vmem>>) target(%dma_start3A_94 : memref<10112x16xf32, #tpu.memory_space<vmem_shared>>) offsets(%dma_start3A_91 : memref<128xi32, #tpu.memory_space<vmem>>) semaphore(%arg12 : memref<!tpu.dma_semaphore, #tpu.memory_space<semaphore_mem>>) {add = true}
      %mul3A_95 = arith.constant 10 : i32
      %mul3A_96 = arith.muli %mul3A_38, %mul3A_95 : i32
      %add3A_97 = arith.constant 3 : i32
      %add3A_98 = arith.addi %mul3A_96, %add3A_97 : i32
      %dma_start3A_99 = arith.constant 384 : i32
      %dma_start3A_100 = arith.constant 0 : i32
      %dma_start3A_101 = tpu.memref_slice %arg6[%dma_start3A_99, %dma_start3A_100] : memref<1280x16xf32, #tpu.memory_space<vmem>> -> memref<128x16xf32, #tpu.memory_space<vmem>>
      %dma_start3A_102 = arith.constant 0 : i32
      %dma_start3A_103 = tpu.memref_slice %arg5[%add3A_98, %dma_start3A_102] : memref<80x128xi32, #tpu.memory_space<vmem>> -> memref<1x128xi32, #tpu.memory_space<vmem>>
      %dma_start3A_104 = tpu.memref_squeeze %dma_start3A_103 : memref<1x128xi32, #tpu.memory_space<vmem>> -> memref<128xi32, #tpu.memory_space<vmem>>
      %dma_start3A_105 = arith.constant 0 : i32
      %dma_start3A_106 = arith.constant 0 : i32
      %dma_start3A_107 = tpu.memref_slice %arg9[%dma_start3A_105, %dma_start3A_106] : memref<10112x16xf32, #tpu.memory_space<vmem_shared>> -> memref<10112x16xf32, #tpu.memory_space<vmem_shared>>
      tpu.enqueue_indirect_dma source(%dma_start3A_101 : memref<128x16xf32, #tpu.memory_space<vmem>>) target(%dma_start3A_107 : memref<10112x16xf32, #tpu.memory_space<vmem_shared>>) offsets(%dma_start3A_104 : memref<128xi32, #tpu.memory_space<vmem>>) semaphore(%arg12 : memref<!tpu.dma_semaphore, #tpu.memory_space<semaphore_mem>>) {add = true}
      %mul3A_108 = arith.constant 10 : i32
      %mul3A_109 = arith.muli %mul3A_38, %mul3A_108 : i32
      %add3A_110 = arith.constant 4 : i32
      %add3A_111 = arith.addi %mul3A_109, %add3A_110 : i32
      %dma_start3A_112 = arith.constant 512 : i32
      %dma_start3A_113 = arith.constant 0 : i32
      %dma_start3A_114 = tpu.memref_slice %arg6[%dma_start3A_112, %dma_start3A_113] : memref<1280x16xf32, #tpu.memory_space<vmem>> -> memref<128x16xf32, #tpu.memory_space<vmem>>
      %dma_start3A_115 = arith.constant 0 : i32
      %dma_start3A_116 = tpu.memref_slice %arg5[%add3A_111, %dma_start3A_115] : memref<80x128xi32, #tpu.memory_space<vmem>> -> memref<1x128xi32, #tpu.memory_space<vmem>>
      %dma_start3A_117 = tpu.memref_squeeze %dma_start3A_116 : memref<1x128xi32, #tpu.memory_space<vmem>> -> memref<128xi32, #tpu.memory_space<vmem>>
      %dma_start3A_118 = arith.constant 0 : i32
      %dma_start3A_119 = arith.constant 0 : i32
      %dma_start3A_120 = tpu.memref_slice %arg9[%dma_start3A_118, %dma_start3A_119] : memref<10112x16xf32, #tpu.memory_space<vmem_shared>> -> memref<10112x16xf32, #tpu.memory_space<vmem_shared>>
      tpu.enqueue_indirect_dma source(%dma_start3A_114 : memref<128x16xf32, #tpu.memory_space<vmem>>) target(%dma_start3A_120 : memref<10112x16xf32, #tpu.memory_space<vmem_shared>>) offsets(%dma_start3A_117 : memref<128xi32, #tpu.memory_space<vmem>>) semaphore(%arg12 : memref<!tpu.dma_semaphore, #tpu.memory_space<semaphore_mem>>) {add = true}
      %mul3A_121 = arith.constant 10 : i32
      %mul3A_122 = arith.muli %mul3A_38, %mul3A_121 : i32
      %add3A_123 = arith.constant 5 : i32
      %add3A_124 = arith.addi %mul3A_122, %add3A_123 : i32
      %dma_start3A_125 = arith.constant 640 : i32
      %dma_start3A_126 = arith.constant 0 : i32
      %dma_start3A_127 = tpu.memref_slice %arg6[%dma_start3A_125, %dma_start3A_126] : memref<1280x16xf32, #tpu.memory_space<vmem>> -> memref<128x16xf32, #tpu.memory_space<vmem>>
      %dma_start3A_128 = arith.constant 0 : i32
      %dma_start3A_129 = tpu.memref_slice %arg5[%add3A_124, %dma_start3A_128] : memref<80x128xi32, #tpu.memory_space<vmem>> -> memref<1x128xi32, #tpu.memory_space<vmem>>
      %dma_start3A_130 = tpu.memref_squeeze %dma_start3A_129 : memref<1x128xi32, #tpu.memory_space<vmem>> -> memref<128xi32, #tpu.memory_space<vmem>>
      %dma_start3A_131 = arith.constant 0 : i32
      %dma_start3A_132 = arith.constant 0 : i32
      %dma_start3A_133 = tpu.memref_slice %arg9[%dma_start3A_131, %dma_start3A_132] : memref<10112x16xf32, #tpu.memory_space<vmem_shared>> -> memref<10112x16xf32, #tpu.memory_space<vmem_shared>>
      tpu.enqueue_indirect_dma source(%dma_start3A_127 : memref<128x16xf32, #tpu.memory_space<vmem>>) target(%dma_start3A_133 : memref<10112x16xf32, #tpu.memory_space<vmem_shared>>) offsets(%dma_start3A_130 : memref<128xi32, #tpu.memory_space<vmem>>) semaphore(%arg12 : memref<!tpu.dma_semaphore, #tpu.memory_space<semaphore_mem>>) {add = true}
      %mul3A_134 = arith.constant 10 : i32
      %mul3A_135 = arith.muli %mul3A_38, %mul3A_134 : i32
      %add3A_136 = arith.constant 6 : i32
      %add3A_137 = arith.addi %mul3A_135, %add3A_136 : i32
      %dma_start3A_138 = arith.constant 768 : i32
      %dma_start3A_139 = arith.constant 0 : i32
      %dma_start3A_140 = tpu.memref_slice %arg6[%dma_start3A_138, %dma_start3A_139] : memref<1280x16xf32, #tpu.memory_space<vmem>> -> memref<128x16xf32, #tpu.memory_space<vmem>>
      %dma_start3A_141 = arith.constant 0 : i32
      %dma_start3A_142 = tpu.memref_slice %arg5[%add3A_137, %dma_start3A_141] : memref<80x128xi32, #tpu.memory_space<vmem>> -> memref<1x128xi32, #tpu.memory_space<vmem>>
      %dma_start3A_143 = tpu.memref_squeeze %dma_start3A_142 : memref<1x128xi32, #tpu.memory_space<vmem>> -> memref<128xi32, #tpu.memory_space<vmem>>
      %dma_start3A_144 = arith.constant 0 : i32
      %dma_start3A_145 = arith.constant 0 : i32
      %dma_start3A_146 = tpu.memref_slice %arg9[%dma_start3A_144, %dma_start3A_145] : memref<10112x16xf32, #tpu.memory_space<vmem_shared>> -> memref<10112x16xf32, #tpu.memory_space<vmem_shared>>
      tpu.enqueue_indirect_dma source(%dma_start3A_140 : memref<128x16xf32, #tpu.memory_space<vmem>>) target(%dma_start3A_146 : memref<10112x16xf32, #tpu.memory_space<vmem_shared>>) offsets(%dma_start3A_143 : memref<128xi32, #tpu.memory_space<vmem>>) semaphore(%arg12 : memref<!tpu.dma_semaphore, #tpu.memory_space<semaphore_mem>>) {add = true}
      %mul3A_147 = arith.constant 10 : i32
      %mul3A_148 = arith.muli %mul3A_38, %mul3A_147 : i32
      %add3A_149 = arith.constant 7 : i32
      %add3A_150 = arith.addi %mul3A_148, %add3A_149 : i32
      %dma_start3A_151 = arith.constant 896 : i32
      %dma_start3A_152 = arith.constant 0 : i32
      %dma_start3A_153 = tpu.memref_slice %arg6[%dma_start3A_151, %dma_start3A_152] : memref<1280x16xf32, #tpu.memory_space<vmem>> -> memref<128x16xf32, #tpu.memory_space<vmem>>
      %dma_start3A_154 = arith.constant 0 : i32
      %dma_start3A_155 = tpu.memref_slice %arg5[%add3A_150, %dma_start3A_154] : memref<80x128xi32, #tpu.memory_space<vmem>> -> memref<1x128xi32, #tpu.memory_space<vmem>>
      %dma_start3A_156 = tpu.memref_squeeze %dma_start3A_155 : memref<1x128xi32, #tpu.memory_space<vmem>> -> memref<128xi32, #tpu.memory_space<vmem>>
      %dma_start3A_157 = arith.constant 0 : i32
      %dma_start3A_158 = arith.constant 0 : i32
      %dma_start3A_159 = tpu.memref_slice %arg9[%dma_start3A_157, %dma_start3A_158] : memref<10112x16xf32, #tpu.memory_space<vmem_shared>> -> memref<10112x16xf32, #tpu.memory_space<vmem_shared>>
      tpu.enqueue_indirect_dma source(%dma_start3A_153 : memref<128x16xf32, #tpu.memory_space<vmem>>) target(%dma_start3A_159 : memref<10112x16xf32, #tpu.memory_space<vmem_shared>>) offsets(%dma_start3A_156 : memref<128xi32, #tpu.memory_space<vmem>>) semaphore(%arg12 : memref<!tpu.dma_semaphore, #tpu.memory_space<semaphore_mem>>) {add = true}
      %mul3A_160 = arith.constant 10 : i32
      %mul3A_161 = arith.muli %mul3A_38, %mul3A_160 : i32
      %add3A_162 = arith.constant 8 : i32
      %add3A_163 = arith.addi %mul3A_161, %add3A_162 : i32
      %dma_start3A_164 = arith.constant 1024 : i32
      %dma_start3A_165 = arith.constant 0 : i32
      %dma_start3A_166 = tpu.memref_slice %arg6[%dma_start3A_164, %dma_start3A_165] : memref<1280x16xf32, #tpu.memory_space<vmem>> -> memref<128x16xf32, #tpu.memory_space<vmem>>
      %dma_start3A_167 = arith.constant 0 : i32
      %dma_start3A_168 = tpu.memref_slice %arg5[%add3A_163, %dma_start3A_167] : memref<80x128xi32, #tpu.memory_space<vmem>> -> memref<1x128xi32, #tpu.memory_space<vmem>>
      %dma_start3A_169 = tpu.memref_squeeze %dma_start3A_168 : memref<1x128xi32, #tpu.memory_space<vmem>> -> memref<128xi32, #tpu.memory_space<vmem>>
      %dma_start3A_170 = arith.constant 0 : i32
      %dma_start3A_171 = arith.constant 0 : i32
      %dma_start3A_172 = tpu.memref_slice %arg9[%dma_start3A_170, %dma_start3A_171] : memref<10112x16xf32, #tpu.memory_space<vmem_shared>> -> memref<10112x16xf32, #tpu.memory_space<vmem_shared>>
      tpu.enqueue_indirect_dma source(%dma_start3A_166 : memref<128x16xf32, #tpu.memory_space<vmem>>) target(%dma_start3A_172 : memref<10112x16xf32, #tpu.memory_space<vmem_shared>>) offsets(%dma_start3A_169 : memref<128xi32, #tpu.memory_space<vmem>>) semaphore(%arg12 : memref<!tpu.dma_semaphore, #tpu.memory_space<semaphore_mem>>) {add = true}
      %mul3A_173 = arith.constant 10 : i32
      %mul3A_174 = arith.muli %mul3A_38, %mul3A_173 : i32
      %add3A_175 = arith.constant 9 : i32
      %add3A_176 = arith.addi %mul3A_174, %add3A_175 : i32
      %dma_start3A_177 = arith.constant 1152 : i32
      %dma_start3A_178 = arith.constant 0 : i32
      %dma_start3A_179 = tpu.memref_slice %arg6[%dma_start3A_177, %dma_start3A_178] : memref<1280x16xf32, #tpu.memory_space<vmem>> -> memref<128x16xf32, #tpu.memory_space<vmem>>
      %dma_start3A_180 = arith.constant 0 : i32
      %dma_start3A_181 = tpu.memref_slice %arg5[%add3A_176, %dma_start3A_180] : memref<80x128xi32, #tpu.memory_space<vmem>> -> memref<1x128xi32, #tpu.memory_space<vmem>>
      %dma_start3A_182 = tpu.memref_squeeze %dma_start3A_181 : memref<1x128xi32, #tpu.memory_space<vmem>> -> memref<128xi32, #tpu.memory_space<vmem>>
      %dma_start3A_183 = arith.constant 0 : i32
      %dma_start3A_184 = arith.constant 0 : i32
      %dma_start3A_185 = tpu.memref_slice %arg9[%dma_start3A_183, %dma_start3A_184] : memref<10112x16xf32, #tpu.memory_space<vmem_shared>> -> memref<10112x16xf32, #tpu.memory_space<vmem_shared>>
      tpu.enqueue_indirect_dma source(%dma_start3A_179 : memref<128x16xf32, #tpu.memory_space<vmem>>) target(%dma_start3A_185 : memref<10112x16xf32, #tpu.memory_space<vmem_shared>>) offsets(%dma_start3A_182 : memref<128xi32, #tpu.memory_space<vmem>>) semaphore(%arg12 : memref<!tpu.dma_semaphore, #tpu.memory_space<semaphore_mem>>) {add = true}
      %dma_wait3A_186 = arith.constant 0 : i32
      %dma_wait3A_187 = arith.constant 0 : i32
      %dma_wait3A_188 = tpu.memref_slice %arg2[%dma_wait3A_186, %dma_wait3A_187] : memref<327680x16xf32, #tpu.memory_space<hbm>> -> memref<1280x16xf32, #tpu.memory_space<hbm>>
      %dma_wait3A_189 = arith.constant 0 : i32
      %dma_wait3A_190 = arith.constant 0 : i32
      %dma_wait3A_191 = tpu.memref_slice %arg2[%dma_wait3A_189, %dma_wait3A_190] : memref<327680x16xf32, #tpu.memory_space<hbm>> -> memref<1280x16xf32, #tpu.memory_space<hbm>>
      tpu.wait_dma2 semaphore(%arg11 : memref<!tpu.dma_semaphore, #tpu.memory_space<semaphore_mem>>) src(%dma_wait3A_191 : memref<1280x16xf32, #tpu.memory_space<hbm>>) dst(%arg7 : memref<1280x16xf32, #tpu.memory_space<vmem>>)
      %dma_wait3A_192 = arith.constant 0 : i32
      %dma_wait3A_193 = arith.constant 0 : i32
      %dma_wait3A_194 = tpu.memref_slice %arg6[%dma_wait3A_192, %dma_wait3A_193] : memref<1280x16xf32, #tpu.memory_space<vmem>> -> memref<128x16xf32, #tpu.memory_space<vmem>>
      %dma_wait3A_195 = arith.constant 0 : i32
      %dma_wait3A_196 = tpu.memref_slice %arg5[%add3A_59, %dma_wait3A_195] : memref<80x128xi32, #tpu.memory_space<vmem>> -> memref<1x128xi32, #tpu.memory_space<vmem>>
      %dma_wait3A_197 = tpu.memref_squeeze %dma_wait3A_196 : memref<1x128xi32, #tpu.memory_space<vmem>> -> memref<128xi32, #tpu.memory_space<vmem>>
      %dma_wait3A_198 = arith.constant 0 : i32
      %dma_wait3A_199 = arith.constant 0 : i32
      %dma_wait3A_200 = tpu.memref_slice %arg9[%dma_wait3A_198, %dma_wait3A_199] : memref<10112x16xf32, #tpu.memory_space<vmem_shared>> -> memref<10112x16xf32, #tpu.memory_space<vmem_shared>>
      tpu.wait_indirect_dma semaphore(%arg12 : memref<!tpu.dma_semaphore, #tpu.memory_space<semaphore_mem>>) src(%dma_wait3A_194 : memref<128x16xf32, #tpu.memory_space<vmem>>) dst(%dma_wait3A_200 : memref<10112x16xf32, #tpu.memory_space<vmem_shared>>)
      %dma_wait3A_201 = arith.constant 128 : i32
      %dma_wait3A_202 = arith.constant 0 : i32
      %dma_wait3A_203 = tpu.memref_slice %arg6[%dma_wait3A_201, %dma_wait3A_202] : memref<1280x16xf32, #tpu.memory_space<vmem>> -> memref<128x16xf32, #tpu.memory_space<vmem>>
      %dma_wait3A_204 = arith.constant 0 : i32
      %dma_wait3A_205 = tpu.memref_slice %arg5[%add3A_72, %dma_wait3A_204] : memref<80x128xi32, #tpu.memory_space<vmem>> -> memref<1x128xi32, #tpu.memory_space<vmem>>
      %dma_wait3A_206 = tpu.memref_squeeze %dma_wait3A_205 : memref<1x128xi32, #tpu.memory_space<vmem>> -> memref<128xi32, #tpu.memory_space<vmem>>
      %dma_wait3A_207 = arith.constant 0 : i32
      %dma_wait3A_208 = arith.constant 0 : i32
      %dma_wait3A_209 = tpu.memref_slice %arg9[%dma_wait3A_207, %dma_wait3A_208] : memref<10112x16xf32, #tpu.memory_space<vmem_shared>> -> memref<10112x16xf32, #tpu.memory_space<vmem_shared>>
      tpu.wait_indirect_dma semaphore(%arg12 : memref<!tpu.dma_semaphore, #tpu.memory_space<semaphore_mem>>) src(%dma_wait3A_203 : memref<128x16xf32, #tpu.memory_space<vmem>>) dst(%dma_wait3A_209 : memref<10112x16xf32, #tpu.memory_space<vmem_shared>>)
      %dma_wait3A_210 = arith.constant 256 : i32
      %dma_wait3A_211 = arith.constant 0 : i32
      %dma_wait3A_212 = tpu.memref_slice %arg6[%dma_wait3A_210, %dma_wait3A_211] : memref<1280x16xf32, #tpu.memory_space<vmem>> -> memref<128x16xf32, #tpu.memory_space<vmem>>
      %dma_wait3A_213 = arith.constant 0 : i32
      %dma_wait3A_214 = tpu.memref_slice %arg5[%add3A_85, %dma_wait3A_213] : memref<80x128xi32, #tpu.memory_space<vmem>> -> memref<1x128xi32, #tpu.memory_space<vmem>>
      %dma_wait3A_215 = tpu.memref_squeeze %dma_wait3A_214 : memref<1x128xi32, #tpu.memory_space<vmem>> -> memref<128xi32, #tpu.memory_space<vmem>>
      %dma_wait3A_216 = arith.constant 0 : i32
      %dma_wait3A_217 = arith.constant 0 : i32
      %dma_wait3A_218 = tpu.memref_slice %arg9[%dma_wait3A_216, %dma_wait3A_217] : memref<10112x16xf32, #tpu.memory_space<vmem_shared>> -> memref<10112x16xf32, #tpu.memory_space<vmem_shared>>
      tpu.wait_indirect_dma semaphore(%arg12 : memref<!tpu.dma_semaphore, #tpu.memory_space<semaphore_mem>>) src(%dma_wait3A_212 : memref<128x16xf32, #tpu.memory_space<vmem>>) dst(%dma_wait3A_218 : memref<10112x16xf32, #tpu.memory_space<vmem_shared>>)
      %dma_wait3A_219 = arith.constant 384 : i32
      %dma_wait3A_220 = arith.constant 0 : i32
      %dma_wait3A_221 = tpu.memref_slice %arg6[%dma_wait3A_219, %dma_wait3A_220] : memref<1280x16xf32, #tpu.memory_space<vmem>> -> memref<128x16xf32, #tpu.memory_space<vmem>>
      %dma_wait3A_222 = arith.constant 0 : i32
      %dma_wait3A_223 = tpu.memref_slice %arg5[%add3A_98, %dma_wait3A_222] : memref<80x128xi32, #tpu.memory_space<vmem>> -> memref<1x128xi32, #tpu.memory_space<vmem>>
      %dma_wait3A_224 = tpu.memref_squeeze %dma_wait3A_223 : memref<1x128xi32, #tpu.memory_space<vmem>> -> memref<128xi32, #tpu.memory_space<vmem>>
      %dma_wait3A_225 = arith.constant 0 : i32
      %dma_wait3A_226 = arith.constant 0 : i32
      %dma_wait3A_227 = tpu.memref_slice %arg9[%dma_wait3A_225, %dma_wait3A_226] : memref<10112x16xf32, #tpu.memory_space<vmem_shared>> -> memref<10112x16xf32, #tpu.memory_space<vmem_shared>>
      tpu.wait_indirect_dma semaphore(%arg12 : memref<!tpu.dma_semaphore, #tpu.memory_space<semaphore_mem>>) src(%dma_wait3A_221 : memref<128x16xf32, #tpu.memory_space<vmem>>) dst(%dma_wait3A_227 : memref<10112x16xf32, #tpu.memory_space<vmem_shared>>)
      %dma_wait3A_228 = arith.constant 512 : i32
      %dma_wait3A_229 = arith.constant 0 : i32
      %dma_wait3A_230 = tpu.memref_slice %arg6[%dma_wait3A_228, %dma_wait3A_229] : memref<1280x16xf32, #tpu.memory_space<vmem>> -> memref<128x16xf32, #tpu.memory_space<vmem>>
      %dma_wait3A_231 = arith.constant 0 : i32
      %dma_wait3A_232 = tpu.memref_slice %arg5[%add3A_111, %dma_wait3A_231] : memref<80x128xi32, #tpu.memory_space<vmem>> -> memref<1x128xi32, #tpu.memory_space<vmem>>
      %dma_wait3A_233 = tpu.memref_squeeze %dma_wait3A_232 : memref<1x128xi32, #tpu.memory_space<vmem>> -> memref<128xi32, #tpu.memory_space<vmem>>
      %dma_wait3A_234 = arith.constant 0 : i32
      %dma_wait3A_235 = arith.constant 0 : i32
      %dma_wait3A_236 = tpu.memref_slice %arg9[%dma_wait3A_234, %dma_wait3A_235] : memref<10112x16xf32, #tpu.memory_space<vmem_shared>> -> memref<10112x16xf32, #tpu.memory_space<vmem_shared>>
      tpu.wait_indirect_dma semaphore(%arg12 : memref<!tpu.dma_semaphore, #tpu.memory_space<semaphore_mem>>) src(%dma_wait3A_230 : memref<128x16xf32, #tpu.memory_space<vmem>>) dst(%dma_wait3A_236 : memref<10112x16xf32, #tpu.memory_space<vmem_shared>>)
      %dma_wait3A_237 = arith.constant 640 : i32
      %dma_wait3A_238 = arith.constant 0 : i32
      %dma_wait3A_239 = tpu.memref_slice %arg6[%dma_wait3A_237, %dma_wait3A_238] : memref<1280x16xf32, #tpu.memory_space<vmem>> -> memref<128x16xf32, #tpu.memory_space<vmem>>
      %dma_wait3A_240 = arith.constant 0 : i32
      %dma_wait3A_241 = tpu.memref_slice %arg5[%add3A_124, %dma_wait3A_240] : memref<80x128xi32, #tpu.memory_space<vmem>> -> memref<1x128xi32, #tpu.memory_space<vmem>>
      %dma_wait3A_242 = tpu.memref_squeeze %dma_wait3A_241 : memref<1x128xi32, #tpu.memory_space<vmem>> -> memref<128xi32, #tpu.memory_space<vmem>>
      %dma_wait3A_243 = arith.constant 0 : i32
      %dma_wait3A_244 = arith.constant 0 : i32
      %dma_wait3A_245 = tpu.memref_slice %arg9[%dma_wait3A_243, %dma_wait3A_244] : memref<10112x16xf32, #tpu.memory_space<vmem_shared>> -> memref<10112x16xf32, #tpu.memory_space<vmem_shared>>
      tpu.wait_indirect_dma semaphore(%arg12 : memref<!tpu.dma_semaphore, #tpu.memory_space<semaphore_mem>>) src(%dma_wait3A_239 : memref<128x16xf32, #tpu.memory_space<vmem>>) dst(%dma_wait3A_245 : memref<10112x16xf32, #tpu.memory_space<vmem_shared>>)
      %dma_wait3A_246 = arith.constant 768 : i32
      %dma_wait3A_247 = arith.constant 0 : i32
      %dma_wait3A_248 = tpu.memref_slice %arg6[%dma_wait3A_246, %dma_wait3A_247] : memref<1280x16xf32, #tpu.memory_space<vmem>> -> memref<128x16xf32, #tpu.memory_space<vmem>>
      %dma_wait3A_249 = arith.constant 0 : i32
      %dma_wait3A_250 = tpu.memref_slice %arg5[%add3A_137, %dma_wait3A_249] : memref<80x128xi32, #tpu.memory_space<vmem>> -> memref<1x128xi32, #tpu.memory_space<vmem>>
      %dma_wait3A_251 = tpu.memref_squeeze %dma_wait3A_250 : memref<1x128xi32, #tpu.memory_space<vmem>> -> memref<128xi32, #tpu.memory_space<vmem>>
      %dma_wait3A_252 = arith.constant 0 : i32
      %dma_wait3A_253 = arith.constant 0 : i32
      %dma_wait3A_254 = tpu.memref_slice %arg9[%dma_wait3A_252, %dma_wait3A_253] : memref<10112x16xf32, #tpu.memory_space<vmem_shared>> -> memref<10112x16xf32, #tpu.memory_space<vmem_shared>>
      tpu.wait_indirect_dma semaphore(%arg12 : memref<!tpu.dma_semaphore, #tpu.memory_space<semaphore_mem>>) src(%dma_wait3A_248 : memref<128x16xf32, #tpu.memory_space<vmem>>) dst(%dma_wait3A_254 : memref<10112x16xf32, #tpu.memory_space<vmem_shared>>)
      %dma_wait3A_255 = arith.constant 896 : i32
      %dma_wait3A_256 = arith.constant 0 : i32
      %dma_wait3A_257 = tpu.memref_slice %arg6[%dma_wait3A_255, %dma_wait3A_256] : memref<1280x16xf32, #tpu.memory_space<vmem>> -> memref<128x16xf32, #tpu.memory_space<vmem>>
      %dma_wait3A_258 = arith.constant 0 : i32
      %dma_wait3A_259 = tpu.memref_slice %arg5[%add3A_150, %dma_wait3A_258] : memref<80x128xi32, #tpu.memory_space<vmem>> -> memref<1x128xi32, #tpu.memory_space<vmem>>
      %dma_wait3A_260 = tpu.memref_squeeze %dma_wait3A_259 : memref<1x128xi32, #tpu.memory_space<vmem>> -> memref<128xi32, #tpu.memory_space<vmem>>
      %dma_wait3A_261 = arith.constant 0 : i32
      %dma_wait3A_262 = arith.constant 0 : i32
      %dma_wait3A_263 = tpu.memref_slice %arg9[%dma_wait3A_261, %dma_wait3A_262] : memref<10112x16xf32, #tpu.memory_space<vmem_shared>> -> memref<10112x16xf32, #tpu.memory_space<vmem_shared>>
      tpu.wait_indirect_dma semaphore(%arg12 : memref<!tpu.dma_semaphore, #tpu.memory_space<semaphore_mem>>) src(%dma_wait3A_257 : memref<128x16xf32, #tpu.memory_space<vmem>>) dst(%dma_wait3A_263 : memref<10112x16xf32, #tpu.memory_space<vmem_shared>>)
      %dma_wait3A_264 = arith.constant 1024 : i32
      %dma_wait3A_265 = arith.constant 0 : i32
      %dma_wait3A_266 = tpu.memref_slice %arg6[%dma_wait3A_264, %dma_wait3A_265] : memref<1280x16xf32, #tpu.memory_space<vmem>> -> memref<128x16xf32, #tpu.memory_space<vmem>>
      %dma_wait3A_267 = arith.constant 0 : i32
      %dma_wait3A_268 = tpu.memref_slice %arg5[%add3A_163, %dma_wait3A_267] : memref<80x128xi32, #tpu.memory_space<vmem>> -> memref<1x128xi32, #tpu.memory_space<vmem>>
      %dma_wait3A_269 = tpu.memref_squeeze %dma_wait3A_268 : memref<1x128xi32, #tpu.memory_space<vmem>> -> memref<128xi32, #tpu.memory_space<vmem>>
      %dma_wait3A_270 = arith.constant 0 : i32
      %dma_wait3A_271 = arith.constant 0 : i32
      %dma_wait3A_272 = tpu.memref_slice %arg9[%dma_wait3A_270, %dma_wait3A_271] : memref<10112x16xf32, #tpu.memory_space<vmem_shared>> -> memref<10112x16xf32, #tpu.memory_space<vmem_shared>>
      tpu.wait_indirect_dma semaphore(%arg12 : memref<!tpu.dma_semaphore, #tpu.memory_space<semaphore_mem>>) src(%dma_wait3A_266 : memref<128x16xf32, #tpu.memory_space<vmem>>) dst(%dma_wait3A_272 : memref<10112x16xf32, #tpu.memory_space<vmem_shared>>)
      %dma_wait3A_273 = arith.constant 1152 : i32
      %dma_wait3A_274 = arith.constant 0 : i32
      %dma_wait3A_275 = tpu.memref_slice %arg6[%dma_wait3A_273, %dma_wait3A_274] : memref<1280x16xf32, #tpu.memory_space<vmem>> -> memref<128x16xf32, #tpu.memory_space<vmem>>
      %dma_wait3A_276 = arith.constant 0 : i32
      %dma_wait3A_277 = tpu.memref_slice %arg5[%add3A_176, %dma_wait3A_276] : memref<80x128xi32, #tpu.memory_space<vmem>> -> memref<1x128xi32, #tpu.memory_space<vmem>>
      %dma_wait3A_278 = tpu.memref_squeeze %dma_wait3A_277 : memref<1x128xi32, #tpu.memory_space<vmem>> -> memref<128xi32, #tpu.memory_space<vmem>>
      %dma_wait3A_279 = arith.constant 0 : i32
      %dma_wait3A_280 = arith.constant 0 : i32
      %dma_wait3A_281 = tpu.memref_slice %arg9[%dma_wait3A_279, %dma_wait3A_280] : memref<10112x16xf32, #tpu.memory_space<vmem_shared>> -> memref<10112x16xf32, #tpu.memory_space<vmem_shared>>
      tpu.wait_indirect_dma semaphore(%arg12 : memref<!tpu.dma_semaphore, #tpu.memory_space<semaphore_mem>>) src(%dma_wait3A_275 : memref<128x16xf32, #tpu.memory_space<vmem>>) dst(%dma_wait3A_281 : memref<10112x16xf32, #tpu.memory_space<vmem_shared>>)
      %add3A_282 = arith.constant 2 : i32
      %add3A_283 = arith.addi %mul3A_38, %add3A_282 : i32
      %lt3A = arith.constant 8 : i32
      %lt3A_284 = arith.cmpi slt, %add3A_283, %lt3A : i32
      %convert_element_type3A = arith.extui %lt3A_284 : i1 to i32
      %cond3A = arith.constant 0 : i32
      %cond3A_285 = arith.cmpi ne, %convert_element_type3A, %cond3A : i32
      scf.if %cond3A_285 {
        %mul3A_526 = arith.constant 10240 : i32
        %mul3A_527 = arith.muli %add3A, %mul3A_526 : i32
        %add3A_528 = arith.constant 2 : i32
        %add3A_529 = arith.addi %mul3A_38, %add3A_528 : i32
        %mul3A_530 = arith.constant 1280 : i32
        %mul3A_531 = arith.muli %add3A_529, %mul3A_530 : i32
        %add3A_532 = arith.addi %mul3A_527, %mul3A_531 : i32
        %dma_start3A_533 = arith.constant 0 : i32
        %dma_start3A_534 = tpu.memref_slice %arg2[%add3A_532, %dma_start3A_533] : memref<327680x16xf32, #tpu.memory_space<hbm>> -> memref<1280x16xf32, #tpu.memory_space<hbm>>
        %dma_start3A_535 = arith.constant 0 : i32
        %dma_start3A_536 = tpu.memref_slice %arg2[%add3A_532, %dma_start3A_535] : memref<327680x16xf32, #tpu.memory_space<hbm>> -> memref<1280x16xf32, #tpu.memory_space<hbm>>
        tpu.enqueue_dma source(%dma_start3A_536 : memref<1280x16xf32, #tpu.memory_space<hbm>>) target(%arg6 : memref<1280x16xf32, #tpu.memory_space<vmem>>) target_semaphore(%arg10 : memref<!tpu.dma_semaphore, #tpu.memory_space<semaphore_mem>>)
      } else {
      }
      %add3A_286 = arith.constant 1 : i32
      %add3A_287 = arith.addi %mul3A_38, %add3A_286 : i32
      %mul3A_288 = arith.constant 10 : i32
      %mul3A_289 = arith.muli %add3A_287, %mul3A_288 : i32
      %add3A_290 = arith.constant 0 : i32
      %add3A_291 = arith.addi %mul3A_289, %add3A_290 : i32
      %dma_start3A_292 = arith.constant 0 : i32
      %dma_start3A_293 = arith.constant 0 : i32
      %dma_start3A_294 = tpu.memref_slice %arg7[%dma_start3A_292, %dma_start3A_293] : memref<1280x16xf32, #tpu.memory_space<vmem>> -> memref<128x16xf32, #tpu.memory_space<vmem>>
      %dma_start3A_295 = arith.constant 0 : i32
      %dma_start3A_296 = tpu.memref_slice %arg5[%add3A_291, %dma_start3A_295] : memref<80x128xi32, #tpu.memory_space<vmem>> -> memref<1x128xi32, #tpu.memory_space<vmem>>
      %dma_start3A_297 = tpu.memref_squeeze %dma_start3A_296 : memref<1x128xi32, #tpu.memory_space<vmem>> -> memref<128xi32, #tpu.memory_space<vmem>>
      %dma_start3A_298 = arith.constant 0 : i32
      %dma_start3A_299 = arith.constant 0 : i32
      %dma_start3A_300 = tpu.memref_slice %arg9[%dma_start3A_298, %dma_start3A_299] : memref<10112x16xf32, #tpu.memory_space<vmem_shared>> -> memref<10112x16xf32, #tpu.memory_space<vmem_shared>>
      tpu.enqueue_indirect_dma source(%dma_start3A_294 : memref<128x16xf32, #tpu.memory_space<vmem>>) target(%dma_start3A_300 : memref<10112x16xf32, #tpu.memory_space<vmem_shared>>) offsets(%dma_start3A_297 : memref<128xi32, #tpu.memory_space<vmem>>) semaphore(%arg12 : memref<!tpu.dma_semaphore, #tpu.memory_space<semaphore_mem>>) {add = true}
      %add3A_301 = arith.constant 1 : i32
      %add3A_302 = arith.addi %mul3A_38, %add3A_301 : i32
      %mul3A_303 = arith.constant 10 : i32
      %mul3A_304 = arith.muli %add3A_302, %mul3A_303 : i32
      %add3A_305 = arith.constant 1 : i32
      %add3A_306 = arith.addi %mul3A_304, %add3A_305 : i32
      %dma_start3A_307 = arith.constant 128 : i32
      %dma_start3A_308 = arith.constant 0 : i32
      %dma_start3A_309 = tpu.memref_slice %arg7[%dma_start3A_307, %dma_start3A_308] : memref<1280x16xf32, #tpu.memory_space<vmem>> -> memref<128x16xf32, #tpu.memory_space<vmem>>
      %dma_start3A_310 = arith.constant 0 : i32
      %dma_start3A_311 = tpu.memref_slice %arg5[%add3A_306, %dma_start3A_310] : memref<80x128xi32, #tpu.memory_space<vmem>> -> memref<1x128xi32, #tpu.memory_space<vmem>>
      %dma_start3A_312 = tpu.memref_squeeze %dma_start3A_311 : memref<1x128xi32, #tpu.memory_space<vmem>> -> memref<128xi32, #tpu.memory_space<vmem>>
      %dma_start3A_313 = arith.constant 0 : i32
      %dma_start3A_314 = arith.constant 0 : i32
      %dma_start3A_315 = tpu.memref_slice %arg9[%dma_start3A_313, %dma_start3A_314] : memref<10112x16xf32, #tpu.memory_space<vmem_shared>> -> memref<10112x16xf32, #tpu.memory_space<vmem_shared>>
      tpu.enqueue_indirect_dma source(%dma_start3A_309 : memref<128x16xf32, #tpu.memory_space<vmem>>) target(%dma_start3A_315 : memref<10112x16xf32, #tpu.memory_space<vmem_shared>>) offsets(%dma_start3A_312 : memref<128xi32, #tpu.memory_space<vmem>>) semaphore(%arg12 : memref<!tpu.dma_semaphore, #tpu.memory_space<semaphore_mem>>) {add = true}
      %add3A_316 = arith.constant 1 : i32
      %add3A_317 = arith.addi %mul3A_38, %add3A_316 : i32
      %mul3A_318 = arith.constant 10 : i32
      %mul3A_319 = arith.muli %add3A_317, %mul3A_318 : i32
      %add3A_320 = arith.constant 2 : i32
      %add3A_321 = arith.addi %mul3A_319, %add3A_320 : i32
      %dma_start3A_322 = arith.constant 256 : i32
      %dma_start3A_323 = arith.constant 0 : i32
      %dma_start3A_324 = tpu.memref_slice %arg7[%dma_start3A_322, %dma_start3A_323] : memref<1280x16xf32, #tpu.memory_space<vmem>> -> memref<128x16xf32, #tpu.memory_space<vmem>>
      %dma_start3A_325 = arith.constant 0 : i32
      %dma_start3A_326 = tpu.memref_slice %arg5[%add3A_321, %dma_start3A_325] : memref<80x128xi32, #tpu.memory_space<vmem>> -> memref<1x128xi32, #tpu.memory_space<vmem>>
      %dma_start3A_327 = tpu.memref_squeeze %dma_start3A_326 : memref<1x128xi32, #tpu.memory_space<vmem>> -> memref<128xi32, #tpu.memory_space<vmem>>
      %dma_start3A_328 = arith.constant 0 : i32
      %dma_start3A_329 = arith.constant 0 : i32
      %dma_start3A_330 = tpu.memref_slice %arg9[%dma_start3A_328, %dma_start3A_329] : memref<10112x16xf32, #tpu.memory_space<vmem_shared>> -> memref<10112x16xf32, #tpu.memory_space<vmem_shared>>
      tpu.enqueue_indirect_dma source(%dma_start3A_324 : memref<128x16xf32, #tpu.memory_space<vmem>>) target(%dma_start3A_330 : memref<10112x16xf32, #tpu.memory_space<vmem_shared>>) offsets(%dma_start3A_327 : memref<128xi32, #tpu.memory_space<vmem>>) semaphore(%arg12 : memref<!tpu.dma_semaphore, #tpu.memory_space<semaphore_mem>>) {add = true}
      %add3A_331 = arith.constant 1 : i32
      %add3A_332 = arith.addi %mul3A_38, %add3A_331 : i32
      %mul3A_333 = arith.constant 10 : i32
      %mul3A_334 = arith.muli %add3A_332, %mul3A_333 : i32
      %add3A_335 = arith.constant 3 : i32
      %add3A_336 = arith.addi %mul3A_334, %add3A_335 : i32
      %dma_start3A_337 = arith.constant 384 : i32
      %dma_start3A_338 = arith.constant 0 : i32
      %dma_start3A_339 = tpu.memref_slice %arg7[%dma_start3A_337, %dma_start3A_338] : memref<1280x16xf32, #tpu.memory_space<vmem>> -> memref<128x16xf32, #tpu.memory_space<vmem>>
      %dma_start3A_340 = arith.constant 0 : i32
      %dma_start3A_341 = tpu.memref_slice %arg5[%add3A_336, %dma_start3A_340] : memref<80x128xi32, #tpu.memory_space<vmem>> -> memref<1x128xi32, #tpu.memory_space<vmem>>
      %dma_start3A_342 = tpu.memref_squeeze %dma_start3A_341 : memref<1x128xi32, #tpu.memory_space<vmem>> -> memref<128xi32, #tpu.memory_space<vmem>>
      %dma_start3A_343 = arith.constant 0 : i32
      %dma_start3A_344 = arith.constant 0 : i32
      %dma_start3A_345 = tpu.memref_slice %arg9[%dma_start3A_343, %dma_start3A_344] : memref<10112x16xf32, #tpu.memory_space<vmem_shared>> -> memref<10112x16xf32, #tpu.memory_space<vmem_shared>>
      tpu.enqueue_indirect_dma source(%dma_start3A_339 : memref<128x16xf32, #tpu.memory_space<vmem>>) target(%dma_start3A_345 : memref<10112x16xf32, #tpu.memory_space<vmem_shared>>) offsets(%dma_start3A_342 : memref<128xi32, #tpu.memory_space<vmem>>) semaphore(%arg12 : memref<!tpu.dma_semaphore, #tpu.memory_space<semaphore_mem>>) {add = true}
      %add3A_346 = arith.constant 1 : i32
      %add3A_347 = arith.addi %mul3A_38, %add3A_346 : i32
      %mul3A_348 = arith.constant 10 : i32
      %mul3A_349 = arith.muli %add3A_347, %mul3A_348 : i32
      %add3A_350 = arith.constant 4 : i32
      %add3A_351 = arith.addi %mul3A_349, %add3A_350 : i32
      %dma_start3A_352 = arith.constant 512 : i32
      %dma_start3A_353 = arith.constant 0 : i32
      %dma_start3A_354 = tpu.memref_slice %arg7[%dma_start3A_352, %dma_start3A_353] : memref<1280x16xf32, #tpu.memory_space<vmem>> -> memref<128x16xf32, #tpu.memory_space<vmem>>
      %dma_start3A_355 = arith.constant 0 : i32
      %dma_start3A_356 = tpu.memref_slice %arg5[%add3A_351, %dma_start3A_355] : memref<80x128xi32, #tpu.memory_space<vmem>> -> memref<1x128xi32, #tpu.memory_space<vmem>>
      %dma_start3A_357 = tpu.memref_squeeze %dma_start3A_356 : memref<1x128xi32, #tpu.memory_space<vmem>> -> memref<128xi32, #tpu.memory_space<vmem>>
      %dma_start3A_358 = arith.constant 0 : i32
      %dma_start3A_359 = arith.constant 0 : i32
      %dma_start3A_360 = tpu.memref_slice %arg9[%dma_start3A_358, %dma_start3A_359] : memref<10112x16xf32, #tpu.memory_space<vmem_shared>> -> memref<10112x16xf32, #tpu.memory_space<vmem_shared>>
      tpu.enqueue_indirect_dma source(%dma_start3A_354 : memref<128x16xf32, #tpu.memory_space<vmem>>) target(%dma_start3A_360 : memref<10112x16xf32, #tpu.memory_space<vmem_shared>>) offsets(%dma_start3A_357 : memref<128xi32, #tpu.memory_space<vmem>>) semaphore(%arg12 : memref<!tpu.dma_semaphore, #tpu.memory_space<semaphore_mem>>) {add = true}
      %add3A_361 = arith.constant 1 : i32
      %add3A_362 = arith.addi %mul3A_38, %add3A_361 : i32
      %mul3A_363 = arith.constant 10 : i32
      %mul3A_364 = arith.muli %add3A_362, %mul3A_363 : i32
      %add3A_365 = arith.constant 5 : i32
      %add3A_366 = arith.addi %mul3A_364, %add3A_365 : i32
      %dma_start3A_367 = arith.constant 640 : i32
      %dma_start3A_368 = arith.constant 0 : i32
      %dma_start3A_369 = tpu.memref_slice %arg7[%dma_start3A_367, %dma_start3A_368] : memref<1280x16xf32, #tpu.memory_space<vmem>> -> memref<128x16xf32, #tpu.memory_space<vmem>>
      %dma_start3A_370 = arith.constant 0 : i32
      %dma_start3A_371 = tpu.memref_slice %arg5[%add3A_366, %dma_start3A_370] : memref<80x128xi32, #tpu.memory_space<vmem>> -> memref<1x128xi32, #tpu.memory_space<vmem>>
      %dma_start3A_372 = tpu.memref_squeeze %dma_start3A_371 : memref<1x128xi32, #tpu.memory_space<vmem>> -> memref<128xi32, #tpu.memory_space<vmem>>
      %dma_start3A_373 = arith.constant 0 : i32
      %dma_start3A_374 = arith.constant 0 : i32
      %dma_start3A_375 = tpu.memref_slice %arg9[%dma_start3A_373, %dma_start3A_374] : memref<10112x16xf32, #tpu.memory_space<vmem_shared>> -> memref<10112x16xf32, #tpu.memory_space<vmem_shared>>
      tpu.enqueue_indirect_dma source(%dma_start3A_369 : memref<128x16xf32, #tpu.memory_space<vmem>>) target(%dma_start3A_375 : memref<10112x16xf32, #tpu.memory_space<vmem_shared>>) offsets(%dma_start3A_372 : memref<128xi32, #tpu.memory_space<vmem>>) semaphore(%arg12 : memref<!tpu.dma_semaphore, #tpu.memory_space<semaphore_mem>>) {add = true}
      %add3A_376 = arith.constant 1 : i32
      %add3A_377 = arith.addi %mul3A_38, %add3A_376 : i32
      %mul3A_378 = arith.constant 10 : i32
      %mul3A_379 = arith.muli %add3A_377, %mul3A_378 : i32
      %add3A_380 = arith.constant 6 : i32
      %add3A_381 = arith.addi %mul3A_379, %add3A_380 : i32
      %dma_start3A_382 = arith.constant 768 : i32
      %dma_start3A_383 = arith.constant 0 : i32
      %dma_start3A_384 = tpu.memref_slice %arg7[%dma_start3A_382, %dma_start3A_383] : memref<1280x16xf32, #tpu.memory_space<vmem>> -> memref<128x16xf32, #tpu.memory_space<vmem>>
      %dma_start3A_385 = arith.constant 0 : i32
      %dma_start3A_386 = tpu.memref_slice %arg5[%add3A_381, %dma_start3A_385] : memref<80x128xi32, #tpu.memory_space<vmem>> -> memref<1x128xi32, #tpu.memory_space<vmem>>
      %dma_start3A_387 = tpu.memref_squeeze %dma_start3A_386 : memref<1x128xi32, #tpu.memory_space<vmem>> -> memref<128xi32, #tpu.memory_space<vmem>>
      %dma_start3A_388 = arith.constant 0 : i32
      %dma_start3A_389 = arith.constant 0 : i32
      %dma_start3A_390 = tpu.memref_slice %arg9[%dma_start3A_388, %dma_start3A_389] : memref<10112x16xf32, #tpu.memory_space<vmem_shared>> -> memref<10112x16xf32, #tpu.memory_space<vmem_shared>>
      tpu.enqueue_indirect_dma source(%dma_start3A_384 : memref<128x16xf32, #tpu.memory_space<vmem>>) target(%dma_start3A_390 : memref<10112x16xf32, #tpu.memory_space<vmem_shared>>) offsets(%dma_start3A_387 : memref<128xi32, #tpu.memory_space<vmem>>) semaphore(%arg12 : memref<!tpu.dma_semaphore, #tpu.memory_space<semaphore_mem>>) {add = true}
      %add3A_391 = arith.constant 1 : i32
      %add3A_392 = arith.addi %mul3A_38, %add3A_391 : i32
      %mul3A_393 = arith.constant 10 : i32
      %mul3A_394 = arith.muli %add3A_392, %mul3A_393 : i32
      %add3A_395 = arith.constant 7 : i32
      %add3A_396 = arith.addi %mul3A_394, %add3A_395 : i32
      %dma_start3A_397 = arith.constant 896 : i32
      %dma_start3A_398 = arith.constant 0 : i32
      %dma_start3A_399 = tpu.memref_slice %arg7[%dma_start3A_397, %dma_start3A_398] : memref<1280x16xf32, #tpu.memory_space<vmem>> -> memref<128x16xf32, #tpu.memory_space<vmem>>
      %dma_start3A_400 = arith.constant 0 : i32
      %dma_start3A_401 = tpu.memref_slice %arg5[%add3A_396, %dma_start3A_400] : memref<80x128xi32, #tpu.memory_space<vmem>> -> memref<1x128xi32, #tpu.memory_space<vmem>>
      %dma_start3A_402 = tpu.memref_squeeze %dma_start3A_401 : memref<1x128xi32, #tpu.memory_space<vmem>> -> memref<128xi32, #tpu.memory_space<vmem>>
      %dma_start3A_403 = arith.constant 0 : i32
      %dma_start3A_404 = arith.constant 0 : i32
      %dma_start3A_405 = tpu.memref_slice %arg9[%dma_start3A_403, %dma_start3A_404] : memref<10112x16xf32, #tpu.memory_space<vmem_shared>> -> memref<10112x16xf32, #tpu.memory_space<vmem_shared>>
      tpu.enqueue_indirect_dma source(%dma_start3A_399 : memref<128x16xf32, #tpu.memory_space<vmem>>) target(%dma_start3A_405 : memref<10112x16xf32, #tpu.memory_space<vmem_shared>>) offsets(%dma_start3A_402 : memref<128xi32, #tpu.memory_space<vmem>>) semaphore(%arg12 : memref<!tpu.dma_semaphore, #tpu.memory_space<semaphore_mem>>) {add = true}
      %add3A_406 = arith.constant 1 : i32
      %add3A_407 = arith.addi %mul3A_38, %add3A_406 : i32
      %mul3A_408 = arith.constant 10 : i32
      %mul3A_409 = arith.muli %add3A_407, %mul3A_408 : i32
      %add3A_410 = arith.constant 8 : i32
      %add3A_411 = arith.addi %mul3A_409, %add3A_410 : i32
      %dma_start3A_412 = arith.constant 1024 : i32
      %dma_start3A_413 = arith.constant 0 : i32
      %dma_start3A_414 = tpu.memref_slice %arg7[%dma_start3A_412, %dma_start3A_413] : memref<1280x16xf32, #tpu.memory_space<vmem>> -> memref<128x16xf32, #tpu.memory_space<vmem>>
      %dma_start3A_415 = arith.constant 0 : i32
      %dma_start3A_416 = tpu.memref_slice %arg5[%add3A_411, %dma_start3A_415] : memref<80x128xi32, #tpu.memory_space<vmem>> -> memref<1x128xi32, #tpu.memory_space<vmem>>
      %dma_start3A_417 = tpu.memref_squeeze %dma_start3A_416 : memref<1x128xi32, #tpu.memory_space<vmem>> -> memref<128xi32, #tpu.memory_space<vmem>>
      %dma_start3A_418 = arith.constant 0 : i32
      %dma_start3A_419 = arith.constant 0 : i32
      %dma_start3A_420 = tpu.memref_slice %arg9[%dma_start3A_418, %dma_start3A_419] : memref<10112x16xf32, #tpu.memory_space<vmem_shared>> -> memref<10112x16xf32, #tpu.memory_space<vmem_shared>>
      tpu.enqueue_indirect_dma source(%dma_start3A_414 : memref<128x16xf32, #tpu.memory_space<vmem>>) target(%dma_start3A_420 : memref<10112x16xf32, #tpu.memory_space<vmem_shared>>) offsets(%dma_start3A_417 : memref<128xi32, #tpu.memory_space<vmem>>) semaphore(%arg12 : memref<!tpu.dma_semaphore, #tpu.memory_space<semaphore_mem>>) {add = true}
      %add3A_421 = arith.constant 1 : i32
      %add3A_422 = arith.addi %mul3A_38, %add3A_421 : i32
      %mul3A_423 = arith.constant 10 : i32
      %mul3A_424 = arith.muli %add3A_422, %mul3A_423 : i32
      %add3A_425 = arith.constant 9 : i32
      %add3A_426 = arith.addi %mul3A_424, %add3A_425 : i32
      %dma_start3A_427 = arith.constant 1152 : i32
      %dma_start3A_428 = arith.constant 0 : i32
      %dma_start3A_429 = tpu.memref_slice %arg7[%dma_start3A_427, %dma_start3A_428] : memref<1280x16xf32, #tpu.memory_space<vmem>> -> memref<128x16xf32, #tpu.memory_space<vmem>>
      %dma_start3A_430 = arith.constant 0 : i32
      %dma_start3A_431 = tpu.memref_slice %arg5[%add3A_426, %dma_start3A_430] : memref<80x128xi32, #tpu.memory_space<vmem>> -> memref<1x128xi32, #tpu.memory_space<vmem>>
      %dma_start3A_432 = tpu.memref_squeeze %dma_start3A_431 : memref<1x128xi32, #tpu.memory_space<vmem>> -> memref<128xi32, #tpu.memory_space<vmem>>
      %dma_start3A_433 = arith.constant 0 : i32
      %dma_start3A_434 = arith.constant 0 : i32
      %dma_start3A_435 = tpu.memref_slice %arg9[%dma_start3A_433, %dma_start3A_434] : memref<10112x16xf32, #tpu.memory_space<vmem_shared>> -> memref<10112x16xf32, #tpu.memory_space<vmem_shared>>
      tpu.enqueue_indirect_dma source(%dma_start3A_429 : memref<128x16xf32, #tpu.memory_space<vmem>>) target(%dma_start3A_435 : memref<10112x16xf32, #tpu.memory_space<vmem_shared>>) offsets(%dma_start3A_432 : memref<128xi32, #tpu.memory_space<vmem>>) semaphore(%arg12 : memref<!tpu.dma_semaphore, #tpu.memory_space<semaphore_mem>>) {add = true}
      %dma_wait3A_436 = arith.constant 0 : i32
      %dma_wait3A_437 = arith.constant 0 : i32
      %dma_wait3A_438 = tpu.memref_slice %arg7[%dma_wait3A_436, %dma_wait3A_437] : memref<1280x16xf32, #tpu.memory_space<vmem>> -> memref<128x16xf32, #tpu.memory_space<vmem>>
      %dma_wait3A_439 = arith.constant 0 : i32
      %dma_wait3A_440 = tpu.memref_slice %arg5[%add3A_291, %dma_wait3A_439] : memref<80x128xi32, #tpu.memory_space<vmem>> -> memref<1x128xi32, #tpu.memory_space<vmem>>
      %dma_wait3A_441 = tpu.memref_squeeze %dma_wait3A_440 : memref<1x128xi32, #tpu.memory_space<vmem>> -> memref<128xi32, #tpu.memory_space<vmem>>
      %dma_wait3A_442 = arith.constant 0 : i32
      %dma_wait3A_443 = arith.constant 0 : i32
      %dma_wait3A_444 = tpu.memref_slice %arg9[%dma_wait3A_442, %dma_wait3A_443] : memref<10112x16xf32, #tpu.memory_space<vmem_shared>> -> memref<10112x16xf32, #tpu.memory_space<vmem_shared>>
      tpu.wait_indirect_dma semaphore(%arg12 : memref<!tpu.dma_semaphore, #tpu.memory_space<semaphore_mem>>) src(%dma_wait3A_438 : memref<128x16xf32, #tpu.memory_space<vmem>>) dst(%dma_wait3A_444 : memref<10112x16xf32, #tpu.memory_space<vmem_shared>>)
      %dma_wait3A_445 = arith.constant 128 : i32
      %dma_wait3A_446 = arith.constant 0 : i32
      %dma_wait3A_447 = tpu.memref_slice %arg7[%dma_wait3A_445, %dma_wait3A_446] : memref<1280x16xf32, #tpu.memory_space<vmem>> -> memref<128x16xf32, #tpu.memory_space<vmem>>
      %dma_wait3A_448 = arith.constant 0 : i32
      %dma_wait3A_449 = tpu.memref_slice %arg5[%add3A_306, %dma_wait3A_448] : memref<80x128xi32, #tpu.memory_space<vmem>> -> memref<1x128xi32, #tpu.memory_space<vmem>>
      %dma_wait3A_450 = tpu.memref_squeeze %dma_wait3A_449 : memref<1x128xi32, #tpu.memory_space<vmem>> -> memref<128xi32, #tpu.memory_space<vmem>>
      %dma_wait3A_451 = arith.constant 0 : i32
      %dma_wait3A_452 = arith.constant 0 : i32
      %dma_wait3A_453 = tpu.memref_slice %arg9[%dma_wait3A_451, %dma_wait3A_452] : memref<10112x16xf32, #tpu.memory_space<vmem_shared>> -> memref<10112x16xf32, #tpu.memory_space<vmem_shared>>
      tpu.wait_indirect_dma semaphore(%arg12 : memref<!tpu.dma_semaphore, #tpu.memory_space<semaphore_mem>>) src(%dma_wait3A_447 : memref<128x16xf32, #tpu.memory_space<vmem>>) dst(%dma_wait3A_453 : memref<10112x16xf32, #tpu.memory_space<vmem_shared>>)
      %dma_wait3A_454 = arith.constant 256 : i32
      %dma_wait3A_455 = arith.constant 0 : i32
      %dma_wait3A_456 = tpu.memref_slice %arg7[%dma_wait3A_454, %dma_wait3A_455] : memref<1280x16xf32, #tpu.memory_space<vmem>> -> memref<128x16xf32, #tpu.memory_space<vmem>>
      %dma_wait3A_457 = arith.constant 0 : i32
      %dma_wait3A_458 = tpu.memref_slice %arg5[%add3A_321, %dma_wait3A_457] : memref<80x128xi32, #tpu.memory_space<vmem>> -> memref<1x128xi32, #tpu.memory_space<vmem>>
      %dma_wait3A_459 = tpu.memref_squeeze %dma_wait3A_458 : memref<1x128xi32, #tpu.memory_space<vmem>> -> memref<128xi32, #tpu.memory_space<vmem>>
      %dma_wait3A_460 = arith.constant 0 : i32
      %dma_wait3A_461 = arith.constant 0 : i32
      %dma_wait3A_462 = tpu.memref_slice %arg9[%dma_wait3A_460, %dma_wait3A_461] : memref<10112x16xf32, #tpu.memory_space<vmem_shared>> -> memref<10112x16xf32, #tpu.memory_space<vmem_shared>>
      tpu.wait_indirect_dma semaphore(%arg12 : memref<!tpu.dma_semaphore, #tpu.memory_space<semaphore_mem>>) src(%dma_wait3A_456 : memref<128x16xf32, #tpu.memory_space<vmem>>) dst(%dma_wait3A_462 : memref<10112x16xf32, #tpu.memory_space<vmem_shared>>)
      %dma_wait3A_463 = arith.constant 384 : i32
      %dma_wait3A_464 = arith.constant 0 : i32
      %dma_wait3A_465 = tpu.memref_slice %arg7[%dma_wait3A_463, %dma_wait3A_464] : memref<1280x16xf32, #tpu.memory_space<vmem>> -> memref<128x16xf32, #tpu.memory_space<vmem>>
      %dma_wait3A_466 = arith.constant 0 : i32
      %dma_wait3A_467 = tpu.memref_slice %arg5[%add3A_336, %dma_wait3A_466] : memref<80x128xi32, #tpu.memory_space<vmem>> -> memref<1x128xi32, #tpu.memory_space<vmem>>
      %dma_wait3A_468 = tpu.memref_squeeze %dma_wait3A_467 : memref<1x128xi32, #tpu.memory_space<vmem>> -> memref<128xi32, #tpu.memory_space<vmem>>
      %dma_wait3A_469 = arith.constant 0 : i32
      %dma_wait3A_470 = arith.constant 0 : i32
      %dma_wait3A_471 = tpu.memref_slice %arg9[%dma_wait3A_469, %dma_wait3A_470] : memref<10112x16xf32, #tpu.memory_space<vmem_shared>> -> memref<10112x16xf32, #tpu.memory_space<vmem_shared>>
      tpu.wait_indirect_dma semaphore(%arg12 : memref<!tpu.dma_semaphore, #tpu.memory_space<semaphore_mem>>) src(%dma_wait3A_465 : memref<128x16xf32, #tpu.memory_space<vmem>>) dst(%dma_wait3A_471 : memref<10112x16xf32, #tpu.memory_space<vmem_shared>>)
      %dma_wait3A_472 = arith.constant 512 : i32
      %dma_wait3A_473 = arith.constant 0 : i32
      %dma_wait3A_474 = tpu.memref_slice %arg7[%dma_wait3A_472, %dma_wait3A_473] : memref<1280x16xf32, #tpu.memory_space<vmem>> -> memref<128x16xf32, #tpu.memory_space<vmem>>
      %dma_wait3A_475 = arith.constant 0 : i32
      %dma_wait3A_476 = tpu.memref_slice %arg5[%add3A_351, %dma_wait3A_475] : memref<80x128xi32, #tpu.memory_space<vmem>> -> memref<1x128xi32, #tpu.memory_space<vmem>>
      %dma_wait3A_477 = tpu.memref_squeeze %dma_wait3A_476 : memref<1x128xi32, #tpu.memory_space<vmem>> -> memref<128xi32, #tpu.memory_space<vmem>>
      %dma_wait3A_478 = arith.constant 0 : i32
      %dma_wait3A_479 = arith.constant 0 : i32
      %dma_wait3A_480 = tpu.memref_slice %arg9[%dma_wait3A_478, %dma_wait3A_479] : memref<10112x16xf32, #tpu.memory_space<vmem_shared>> -> memref<10112x16xf32, #tpu.memory_space<vmem_shared>>
      tpu.wait_indirect_dma semaphore(%arg12 : memref<!tpu.dma_semaphore, #tpu.memory_space<semaphore_mem>>) src(%dma_wait3A_474 : memref<128x16xf32, #tpu.memory_space<vmem>>) dst(%dma_wait3A_480 : memref<10112x16xf32, #tpu.memory_space<vmem_shared>>)
      %dma_wait3A_481 = arith.constant 640 : i32
      %dma_wait3A_482 = arith.constant 0 : i32
      %dma_wait3A_483 = tpu.memref_slice %arg7[%dma_wait3A_481, %dma_wait3A_482] : memref<1280x16xf32, #tpu.memory_space<vmem>> -> memref<128x16xf32, #tpu.memory_space<vmem>>
      %dma_wait3A_484 = arith.constant 0 : i32
      %dma_wait3A_485 = tpu.memref_slice %arg5[%add3A_366, %dma_wait3A_484] : memref<80x128xi32, #tpu.memory_space<vmem>> -> memref<1x128xi32, #tpu.memory_space<vmem>>
      %dma_wait3A_486 = tpu.memref_squeeze %dma_wait3A_485 : memref<1x128xi32, #tpu.memory_space<vmem>> -> memref<128xi32, #tpu.memory_space<vmem>>
      %dma_wait3A_487 = arith.constant 0 : i32
      %dma_wait3A_488 = arith.constant 0 : i32
      %dma_wait3A_489 = tpu.memref_slice %arg9[%dma_wait3A_487, %dma_wait3A_488] : memref<10112x16xf32, #tpu.memory_space<vmem_shared>> -> memref<10112x16xf32, #tpu.memory_space<vmem_shared>>
      tpu.wait_indirect_dma semaphore(%arg12 : memref<!tpu.dma_semaphore, #tpu.memory_space<semaphore_mem>>) src(%dma_wait3A_483 : memref<128x16xf32, #tpu.memory_space<vmem>>) dst(%dma_wait3A_489 : memref<10112x16xf32, #tpu.memory_space<vmem_shared>>)
      %dma_wait3A_490 = arith.constant 768 : i32
      %dma_wait3A_491 = arith.constant 0 : i32
      %dma_wait3A_492 = tpu.memref_slice %arg7[%dma_wait3A_490, %dma_wait3A_491] : memref<1280x16xf32, #tpu.memory_space<vmem>> -> memref<128x16xf32, #tpu.memory_space<vmem>>
      %dma_wait3A_493 = arith.constant 0 : i32
      %dma_wait3A_494 = tpu.memref_slice %arg5[%add3A_381, %dma_wait3A_493] : memref<80x128xi32, #tpu.memory_space<vmem>> -> memref<1x128xi32, #tpu.memory_space<vmem>>
      %dma_wait3A_495 = tpu.memref_squeeze %dma_wait3A_494 : memref<1x128xi32, #tpu.memory_space<vmem>> -> memref<128xi32, #tpu.memory_space<vmem>>
      %dma_wait3A_496 = arith.constant 0 : i32
      %dma_wait3A_497 = arith.constant 0 : i32
      %dma_wait3A_498 = tpu.memref_slice %arg9[%dma_wait3A_496, %dma_wait3A_497] : memref<10112x16xf32, #tpu.memory_space<vmem_shared>> -> memref<10112x16xf32, #tpu.memory_space<vmem_shared>>
      tpu.wait_indirect_dma semaphore(%arg12 : memref<!tpu.dma_semaphore, #tpu.memory_space<semaphore_mem>>) src(%dma_wait3A_492 : memref<128x16xf32, #tpu.memory_space<vmem>>) dst(%dma_wait3A_498 : memref<10112x16xf32, #tpu.memory_space<vmem_shared>>)
      %dma_wait3A_499 = arith.constant 896 : i32
      %dma_wait3A_500 = arith.constant 0 : i32
      %dma_wait3A_501 = tpu.memref_slice %arg7[%dma_wait3A_499, %dma_wait3A_500] : memref<1280x16xf32, #tpu.memory_space<vmem>> -> memref<128x16xf32, #tpu.memory_space<vmem>>
      %dma_wait3A_502 = arith.constant 0 : i32
      %dma_wait3A_503 = tpu.memref_slice %arg5[%add3A_396, %dma_wait3A_502] : memref<80x128xi32, #tpu.memory_space<vmem>> -> memref<1x128xi32, #tpu.memory_space<vmem>>
      %dma_wait3A_504 = tpu.memref_squeeze %dma_wait3A_503 : memref<1x128xi32, #tpu.memory_space<vmem>> -> memref<128xi32, #tpu.memory_space<vmem>>
      %dma_wait3A_505 = arith.constant 0 : i32
      %dma_wait3A_506 = arith.constant 0 : i32
      %dma_wait3A_507 = tpu.memref_slice %arg9[%dma_wait3A_505, %dma_wait3A_506] : memref<10112x16xf32, #tpu.memory_space<vmem_shared>> -> memref<10112x16xf32, #tpu.memory_space<vmem_shared>>
      tpu.wait_indirect_dma semaphore(%arg12 : memref<!tpu.dma_semaphore, #tpu.memory_space<semaphore_mem>>) src(%dma_wait3A_501 : memref<128x16xf32, #tpu.memory_space<vmem>>) dst(%dma_wait3A_507 : memref<10112x16xf32, #tpu.memory_space<vmem_shared>>)
      %dma_wait3A_508 = arith.constant 1024 : i32
      %dma_wait3A_509 = arith.constant 0 : i32
      %dma_wait3A_510 = tpu.memref_slice %arg7[%dma_wait3A_508, %dma_wait3A_509] : memref<1280x16xf32, #tpu.memory_space<vmem>> -> memref<128x16xf32, #tpu.memory_space<vmem>>
      %dma_wait3A_511 = arith.constant 0 : i32
      %dma_wait3A_512 = tpu.memref_slice %arg5[%add3A_411, %dma_wait3A_511] : memref<80x128xi32, #tpu.memory_space<vmem>> -> memref<1x128xi32, #tpu.memory_space<vmem>>
      %dma_wait3A_513 = tpu.memref_squeeze %dma_wait3A_512 : memref<1x128xi32, #tpu.memory_space<vmem>> -> memref<128xi32, #tpu.memory_space<vmem>>
      %dma_wait3A_514 = arith.constant 0 : i32
      %dma_wait3A_515 = arith.constant 0 : i32
      %dma_wait3A_516 = tpu.memref_slice %arg9[%dma_wait3A_514, %dma_wait3A_515] : memref<10112x16xf32, #tpu.memory_space<vmem_shared>> -> memref<10112x16xf32, #tpu.memory_space<vmem_shared>>
      tpu.wait_indirect_dma semaphore(%arg12 : memref<!tpu.dma_semaphore, #tpu.memory_space<semaphore_mem>>) src(%dma_wait3A_510 : memref<128x16xf32, #tpu.memory_space<vmem>>) dst(%dma_wait3A_516 : memref<10112x16xf32, #tpu.memory_space<vmem_shared>>)
      %dma_wait3A_517 = arith.constant 1152 : i32
      %dma_wait3A_518 = arith.constant 0 : i32
      %dma_wait3A_519 = tpu.memref_slice %arg7[%dma_wait3A_517, %dma_wait3A_518] : memref<1280x16xf32, #tpu.memory_space<vmem>> -> memref<128x16xf32, #tpu.memory_space<vmem>>
      %dma_wait3A_520 = arith.constant 0 : i32
      %dma_wait3A_521 = tpu.memref_slice %arg5[%add3A_426, %dma_wait3A_520] : memref<80x128xi32, #tpu.memory_space<vmem>> -> memref<1x128xi32, #tpu.memory_space<vmem>>
      %dma_wait3A_522 = tpu.memref_squeeze %dma_wait3A_521 : memref<1x128xi32, #tpu.memory_space<vmem>> -> memref<128xi32, #tpu.memory_space<vmem>>
      %dma_wait3A_523 = arith.constant 0 : i32
      %dma_wait3A_524 = arith.constant 0 : i32
      %dma_wait3A_525 = tpu.memref_slice %arg9[%dma_wait3A_523, %dma_wait3A_524] : memref<10112x16xf32, #tpu.memory_space<vmem_shared>> -> memref<10112x16xf32, #tpu.memory_space<vmem_shared>>
      tpu.wait_indirect_dma semaphore(%arg12 : memref<!tpu.dma_semaphore, #tpu.memory_space<semaphore_mem>>) src(%dma_wait3A_519 : memref<128x16xf32, #tpu.memory_space<vmem>>) dst(%dma_wait3A_525 : memref<10112x16xf32, #tpu.memory_space<vmem_shared>>)
    }
    %scan3A_27 = arith.constant 4 : i32
    %barrier3A_28 = arith.constant 0 : index
    tpu.barrier barrier_id(%barrier3A_28)
    %mul3A_29 = arith.constant 632 : i32
    %mul3A_30 = arith.muli %arg1, %mul3A_29 : i32
    "tpu.region"() ({
      %run_scoped3A = tpu.sem_alloc : memref<!tpu.dma_semaphore, #tpu.memory_space<semaphore_mem>>
      %dma_start3A_36 = arith.constant 0 : i32
      %dma_start3A_37 = tpu.memref_slice %arg9[%mul3A_30, %dma_start3A_36] : memref<10112x16xf32, #tpu.memory_space<vmem_shared>> -> memref<632x16xf32, #tpu.memory_space<vmem_shared>>
      %dma_start3A_38 = arith.constant 0 : i32
      %dma_start3A_39 = tpu.memref_slice %arg9[%mul3A_30, %dma_start3A_38] : memref<10112x16xf32, #tpu.memory_space<vmem_shared>> -> memref<632x16xf32, #tpu.memory_space<vmem_shared>>
      tpu.enqueue_dma source(%dma_start3A_39 : memref<632x16xf32, #tpu.memory_space<vmem_shared>>) target(%arg8 : memref<632x16xf32, #tpu.memory_space<vmem>>) target_semaphore(%run_scoped3A : memref<!tpu.dma_semaphore, #tpu.memory_space<semaphore_mem>>)
      %dma_wait3A_40 = arith.constant 0 : i32
      %dma_wait3A_41 = tpu.memref_slice %arg9[%mul3A_30, %dma_wait3A_40] : memref<10112x16xf32, #tpu.memory_space<vmem_shared>> -> memref<632x16xf32, #tpu.memory_space<vmem_shared>>
      %dma_wait3A_42 = arith.constant 0 : i32
      %dma_wait3A_43 = tpu.memref_slice %arg9[%mul3A_30, %dma_wait3A_42] : memref<10112x16xf32, #tpu.memory_space<vmem_shared>> -> memref<632x16xf32, #tpu.memory_space<vmem_shared>>
      tpu.wait_dma2 semaphore(%run_scoped3A : memref<!tpu.dma_semaphore, #tpu.memory_space<semaphore_mem>>) src(%dma_wait3A_43 : memref<632x16xf32, #tpu.memory_space<vmem_shared>>) dst(%arg8 : memref<632x16xf32, #tpu.memory_space<vmem>>)
      tpu.yield
    }) : () -> ()
    %mul3A_31 = arith.constant 10112 : i32
    %mul3A_32 = arith.muli %arg0, %mul3A_31 : i32
    %mul3A_33 = arith.constant 632 : i32
    %mul3A_34 = arith.muli %arg1, %mul3A_33 : i32
    %add3A_35 = arith.addi %mul3A_32, %mul3A_34 : i32
    "tpu.region"() ({
      %run_scoped3A = tpu.sem_alloc : memref<!tpu.dma_semaphore, #tpu.memory_space<semaphore_mem>>
      %dma_start3A_36 = arith.constant 0 : i32
      %dma_start3A_37 = tpu.memref_slice %arg4[%add3A_35, %dma_start3A_36] : memref<20224x16xf32, #tpu.memory_space<hbm>> -> memref<632x16xf32, #tpu.memory_space<hbm>>
      %dma_start3A_38 = arith.constant 0 : i32
      %dma_start3A_39 = tpu.memref_slice %arg4[%add3A_35, %dma_start3A_38] : memref<20224x16xf32, #tpu.memory_space<hbm>> -> memref<632x16xf32, #tpu.memory_space<hbm>>
      tpu.enqueue_dma source(%arg8 : memref<632x16xf32, #tpu.memory_space<vmem>>) target(%dma_start3A_39 : memref<632x16xf32, #tpu.memory_space<hbm>>) target_semaphore(%run_scoped3A : memref<!tpu.dma_semaphore, #tpu.memory_space<semaphore_mem>>)
      %dma_wait3A_40 = arith.constant 0 : i32
      %dma_wait3A_41 = tpu.memref_slice %arg4[%add3A_35, %dma_wait3A_40] : memref<20224x16xf32, #tpu.memory_space<hbm>> -> memref<632x16xf32, #tpu.memory_space<hbm>>
      %dma_wait3A_42 = arith.constant 0 : i32
      %dma_wait3A_43 = tpu.memref_slice %arg4[%add3A_35, %dma_wait3A_42] : memref<20224x16xf32, #tpu.memory_space<hbm>> -> memref<632x16xf32, #tpu.memory_space<hbm>>
      tpu.wait_dma2 semaphore(%run_scoped3A : memref<!tpu.dma_semaphore, #tpu.memory_space<semaphore_mem>>) src(%arg8 : memref<632x16xf32, #tpu.memory_space<vmem>>) dst(%dma_wait3A_43 : memref<632x16xf32, #tpu.memory_space<hbm>>)
      tpu.yield
    }) : () -> ()
    return
  }
}

#map = affine_map<(d0, d1) -> (0, 0)>
module attributes {stable_mosaic.version = 14 : i64} {
  func.func @_sc_gather(%arg0: i32, %arg1: i32, %arg2: memref<10000x16xf32, #tpu.memory_space<hbm>>, %arg3: memref<2560x128xi32, #tpu.memory_space<hbm>>, %arg4: memref<327680x16xf32, #tpu.memory_space<hbm>>, %arg5: memref<80x128xi32, #tpu.memory_space<vmem>>, %arg6: memref<1280x16xf32, #tpu.memory_space<vmem>>, %arg7: memref<1280x16xf32, #tpu.memory_space<vmem>>, %arg8: memref<10000x16xf32, #tpu.memory_space<vmem_shared>>, %arg9: memref<!tpu.dma_semaphore, #tpu.memory_space<semaphore_mem>>, %arg10: memref<!tpu.dma_semaphore, #tpu.memory_space<semaphore_mem>>, %arg11: memref<!tpu.dma_semaphore, #tpu.memory_space<semaphore_mem>>, %arg12: memref<!tpu.dma_semaphore, #tpu.memory_space<semaphore_mem>>) attributes {dimension_semantics = [#tpu.dimension_semantics<core_parallel>, #tpu.dimension_semantics<subcore_parallel>], iteration_bounds = array<i64: 2, 16>, scalar_prefetch = 0 : i64, scratch_operands = 8 : i64, tpu.core_type = #tpu.core_type<sc_vector_subcore>, window_params = [{transform_indices = #map}, {transform_indices = #map}, {transform_indices = #map}]} {
    %mul3A = arith.constant 2 : i32
    %mul3A_0 = arith.muli %arg1, %mul3A : i32
    %add3A = arith.addi %mul3A_0, %arg0 : i32
    %mul3A_1 = arith.constant 80 : i32
    %mul3A_2 = arith.muli %add3A, %mul3A_1 : i32
    %dma_start3A = arith.constant 0 : i32
    %dma_start3A_3 = tpu.memref_slice %arg3[%mul3A_2, %dma_start3A] : memref<2560x128xi32, #tpu.memory_space<hbm>> -> memref<80x128xi32, #tpu.memory_space<hbm>>
    %dma_start3A_4 = arith.constant 0 : i32
    %dma_start3A_5 = tpu.memref_slice %arg3[%mul3A_2, %dma_start3A_4] : memref<2560x128xi32, #tpu.memory_space<hbm>> -> memref<80x128xi32, #tpu.memory_space<hbm>>
    tpu.enqueue_dma source(%dma_start3A_5 : memref<80x128xi32, #tpu.memory_space<hbm>>) target(%arg5 : memref<80x128xi32, #tpu.memory_space<vmem>>) target_semaphore(%arg9 : memref<!tpu.dma_semaphore, #tpu.memory_space<semaphore_mem>>)
    %eq3A = arith.constant 0 : i32
    %eq3A_6 = arith.cmpi eq, %arg1, %eq3A : i32
    %convert_element_type3A = arith.extui %eq3A_6 : i1 to i32
    %cond3A = arith.constant 0 : i32
    %cond3A_7 = arith.cmpi ne, %convert_element_type3A, %cond3A : i32
    scf.if %cond3A_7 {
      "tpu.region"() ({
        %run_scoped3A = tpu.sem_alloc : memref<!tpu.dma_semaphore, #tpu.memory_space<semaphore_mem>>
        tpu.enqueue_dma source(%arg2 : memref<10000x16xf32, #tpu.memory_space<hbm>>) target(%arg8 : memref<10000x16xf32, #tpu.memory_space<vmem_shared>>) target_semaphore(%run_scoped3A : memref<!tpu.dma_semaphore, #tpu.memory_space<semaphore_mem>>)
        tpu.wait_dma2 semaphore(%run_scoped3A : memref<!tpu.dma_semaphore, #tpu.memory_space<semaphore_mem>>) src(%arg2 : memref<10000x16xf32, #tpu.memory_space<hbm>>) dst(%arg8 : memref<10000x16xf32, #tpu.memory_space<vmem_shared>>)
        tpu.yield
      }) : () -> ()
    } else {
    }
    %dma_wait3A = arith.constant 0 : i32
    %dma_wait3A_8 = tpu.memref_slice %arg3[%mul3A_2, %dma_wait3A] : memref<2560x128xi32, #tpu.memory_space<hbm>> -> memref<80x128xi32, #tpu.memory_space<hbm>>
    %dma_wait3A_9 = arith.constant 0 : i32
    %dma_wait3A_10 = tpu.memref_slice %arg3[%mul3A_2, %dma_wait3A_9] : memref<2560x128xi32, #tpu.memory_space<hbm>> -> memref<80x128xi32, #tpu.memory_space<hbm>>
    tpu.wait_dma2 semaphore(%arg9 : memref<!tpu.dma_semaphore, #tpu.memory_space<semaphore_mem>>) src(%dma_wait3A_10 : memref<80x128xi32, #tpu.memory_space<hbm>>) dst(%arg5 : memref<80x128xi32, #tpu.memory_space<vmem>>)
    %barrier3A = arith.constant 0 : index
    tpu.barrier barrier_id(%barrier3A)
    %scan3A = arith.constant 0 : i32
    %scan3A_11 = arith.constant 0 : i32
    %scan3A_12 = arith.constant 4 : i32
    %scan3A_13 = arith.addi %scan3A_11, %scan3A_12 : i32
    %scan3A_14 = arith.constant 1 : i32
    scf.for %scan3A_28 = %scan3A_11 to %scan3A_13 step %scan3A_14  : i32 {
      %mul3A_29 = arith.constant 2 : i32
      %mul3A_30 = arith.muli %scan3A_28, %mul3A_29 : i32
      %add3A_31 = arith.constant 0 : i32
      %add3A_32 = arith.addi %mul3A_30, %add3A_31 : i32
      %gt3A = arith.constant 0 : i32
      %gt3A_33 = arith.cmpi sgt, %scan3A_28, %gt3A : i32
      %convert_element_type3A_34 = arith.extui %gt3A_33 : i1 to i32
      %cond3A_35 = arith.constant 0 : i32
      %cond3A_36 = arith.cmpi ne, %convert_element_type3A_34, %cond3A_35 : i32
      scf.if %cond3A_36 {
        %dma_wait3A_504 = arith.constant 0 : i32
        %dma_wait3A_505 = arith.constant 0 : i32
        %dma_wait3A_506 = tpu.memref_slice %arg4[%dma_wait3A_504, %dma_wait3A_505] : memref<327680x16xf32, #tpu.memory_space<hbm>> -> memref<1280x16xf32, #tpu.memory_space<hbm>>
        %dma_wait3A_507 = arith.constant 0 : i32
        %dma_wait3A_508 = arith.constant 0 : i32
        %dma_wait3A_509 = tpu.memref_slice %arg4[%dma_wait3A_507, %dma_wait3A_508] : memref<327680x16xf32, #tpu.memory_space<hbm>> -> memref<1280x16xf32, #tpu.memory_space<hbm>>
        tpu.wait_dma2 semaphore(%arg11 : memref<!tpu.dma_semaphore, #tpu.memory_space<semaphore_mem>>) src(%arg6 : memref<1280x16xf32, #tpu.memory_space<vmem>>) dst(%dma_wait3A_509 : memref<1280x16xf32, #tpu.memory_space<hbm>>)
      } else {
      }
      %mul3A_37 = arith.constant 10 : i32
      %mul3A_38 = arith.muli %add3A_32, %mul3A_37 : i32
      %add3A_39 = arith.constant 0 : i32
      %add3A_40 = arith.addi %mul3A_38, %add3A_39 : i32
      %dma_start3A_41 = arith.constant 0 : i32
      %dma_start3A_42 = arith.constant 0 : i32
      %dma_start3A_43 = tpu.memref_slice %arg6[%dma_start3A_41, %dma_start3A_42] : memref<1280x16xf32, #tpu.memory_space<vmem>> -> memref<128x16xf32, #tpu.memory_space<vmem>>
      %dma_start3A_44 = arith.constant 0 : i32
      %dma_start3A_45 = tpu.memref_slice %arg5[%add3A_40, %dma_start3A_44] : memref<80x128xi32, #tpu.memory_space<vmem>> -> memref<1x128xi32, #tpu.memory_space<vmem>>
      %dma_start3A_46 = tpu.memref_squeeze %dma_start3A_45 : memref<1x128xi32, #tpu.memory_space<vmem>> -> memref<128xi32, #tpu.memory_space<vmem>>
      %dma_start3A_47 = arith.constant 0 : i32
      %dma_start3A_48 = arith.constant 0 : i32
      %dma_start3A_49 = tpu.memref_slice %arg8[%dma_start3A_47, %dma_start3A_48] : memref<10000x16xf32, #tpu.memory_space<vmem_shared>> -> memref<10000x16xf32, #tpu.memory_space<vmem_shared>>
      tpu.enqueue_indirect_dma source(%dma_start3A_49 : memref<10000x16xf32, #tpu.memory_space<vmem_shared>>) target(%dma_start3A_43 : memref<128x16xf32, #tpu.memory_space<vmem>>) offsets(%dma_start3A_46 : memref<128xi32, #tpu.memory_space<vmem>>) semaphore(%arg9 : memref<!tpu.dma_semaphore, #tpu.memory_space<semaphore_mem>>)
      %mul3A_50 = arith.constant 10 : i32
      %mul3A_51 = arith.muli %add3A_32, %mul3A_50 : i32
      %add3A_52 = arith.constant 1 : i32
      %add3A_53 = arith.addi %mul3A_51, %add3A_52 : i32
      %dma_start3A_54 = arith.constant 128 : i32
      %dma_start3A_55 = arith.constant 0 : i32
      %dma_start3A_56 = tpu.memref_slice %arg6[%dma_start3A_54, %dma_start3A_55] : memref<1280x16xf32, #tpu.memory_space<vmem>> -> memref<128x16xf32, #tpu.memory_space<vmem>>
      %dma_start3A_57 = arith.constant 0 : i32
      %dma_start3A_58 = tpu.memref_slice %arg5[%add3A_53, %dma_start3A_57] : memref<80x128xi32, #tpu.memory_space<vmem>> -> memref<1x128xi32, #tpu.memory_space<vmem>>
      %dma_start3A_59 = tpu.memref_squeeze %dma_start3A_58 : memref<1x128xi32, #tpu.memory_space<vmem>> -> memref<128xi32, #tpu.memory_space<vmem>>
      %dma_start3A_60 = arith.constant 0 : i32
      %dma_start3A_61 = arith.constant 0 : i32
      %dma_start3A_62 = tpu.memref_slice %arg8[%dma_start3A_60, %dma_start3A_61] : memref<10000x16xf32, #tpu.memory_space<vmem_shared>> -> memref<10000x16xf32, #tpu.memory_space<vmem_shared>>
      tpu.enqueue_indirect_dma source(%dma_start3A_62 : memref<10000x16xf32, #tpu.memory_space<vmem_shared>>) target(%dma_start3A_56 : memref<128x16xf32, #tpu.memory_space<vmem>>) offsets(%dma_start3A_59 : memref<128xi32, #tpu.memory_space<vmem>>) semaphore(%arg9 : memref<!tpu.dma_semaphore, #tpu.memory_space<semaphore_mem>>)
      %mul3A_63 = arith.constant 10 : i32
      %mul3A_64 = arith.muli %add3A_32, %mul3A_63 : i32
      %add3A_65 = arith.constant 2 : i32
      %add3A_66 = arith.addi %mul3A_64, %add3A_65 : i32
      %dma_start3A_67 = arith.constant 256 : i32
      %dma_start3A_68 = arith.constant 0 : i32
      %dma_start3A_69 = tpu.memref_slice %arg6[%dma_start3A_67, %dma_start3A_68] : memref<1280x16xf32, #tpu.memory_space<vmem>> -> memref<128x16xf32, #tpu.memory_space<vmem>>
      %dma_start3A_70 = arith.constant 0 : i32
      %dma_start3A_71 = tpu.memref_slice %arg5[%add3A_66, %dma_start3A_70] : memref<80x128xi32, #tpu.memory_space<vmem>> -> memref<1x128xi32, #tpu.memory_space<vmem>>
      %dma_start3A_72 = tpu.memref_squeeze %dma_start3A_71 : memref<1x128xi32, #tpu.memory_space<vmem>> -> memref<128xi32, #tpu.memory_space<vmem>>
      %dma_start3A_73 = arith.constant 0 : i32
      %dma_start3A_74 = arith.constant 0 : i32
      %dma_start3A_75 = tpu.memref_slice %arg8[%dma_start3A_73, %dma_start3A_74] : memref<10000x16xf32, #tpu.memory_space<vmem_shared>> -> memref<10000x16xf32, #tpu.memory_space<vmem_shared>>
      tpu.enqueue_indirect_dma source(%dma_start3A_75 : memref<10000x16xf32, #tpu.memory_space<vmem_shared>>) target(%dma_start3A_69 : memref<128x16xf32, #tpu.memory_space<vmem>>) offsets(%dma_start3A_72 : memref<128xi32, #tpu.memory_space<vmem>>) semaphore(%arg9 : memref<!tpu.dma_semaphore, #tpu.memory_space<semaphore_mem>>)
      %mul3A_76 = arith.constant 10 : i32
      %mul3A_77 = arith.muli %add3A_32, %mul3A_76 : i32
      %add3A_78 = arith.constant 3 : i32
      %add3A_79 = arith.addi %mul3A_77, %add3A_78 : i32
      %dma_start3A_80 = arith.constant 384 : i32
      %dma_start3A_81 = arith.constant 0 : i32
      %dma_start3A_82 = tpu.memref_slice %arg6[%dma_start3A_80, %dma_start3A_81] : memref<1280x16xf32, #tpu.memory_space<vmem>> -> memref<128x16xf32, #tpu.memory_space<vmem>>
      %dma_start3A_83 = arith.constant 0 : i32
      %dma_start3A_84 = tpu.memref_slice %arg5[%add3A_79, %dma_start3A_83] : memref<80x128xi32, #tpu.memory_space<vmem>> -> memref<1x128xi32, #tpu.memory_space<vmem>>
      %dma_start3A_85 = tpu.memref_squeeze %dma_start3A_84 : memref<1x128xi32, #tpu.memory_space<vmem>> -> memref<128xi32, #tpu.memory_space<vmem>>
      %dma_start3A_86 = arith.constant 0 : i32
      %dma_start3A_87 = arith.constant 0 : i32
      %dma_start3A_88 = tpu.memref_slice %arg8[%dma_start3A_86, %dma_start3A_87] : memref<10000x16xf32, #tpu.memory_space<vmem_shared>> -> memref<10000x16xf32, #tpu.memory_space<vmem_shared>>
      tpu.enqueue_indirect_dma source(%dma_start3A_88 : memref<10000x16xf32, #tpu.memory_space<vmem_shared>>) target(%dma_start3A_82 : memref<128x16xf32, #tpu.memory_space<vmem>>) offsets(%dma_start3A_85 : memref<128xi32, #tpu.memory_space<vmem>>) semaphore(%arg9 : memref<!tpu.dma_semaphore, #tpu.memory_space<semaphore_mem>>)
      %mul3A_89 = arith.constant 10 : i32
      %mul3A_90 = arith.muli %add3A_32, %mul3A_89 : i32
      %add3A_91 = arith.constant 4 : i32
      %add3A_92 = arith.addi %mul3A_90, %add3A_91 : i32
      %dma_start3A_93 = arith.constant 512 : i32
      %dma_start3A_94 = arith.constant 0 : i32
      %dma_start3A_95 = tpu.memref_slice %arg6[%dma_start3A_93, %dma_start3A_94] : memref<1280x16xf32, #tpu.memory_space<vmem>> -> memref<128x16xf32, #tpu.memory_space<vmem>>
      %dma_start3A_96 = arith.constant 0 : i32
      %dma_start3A_97 = tpu.memref_slice %arg5[%add3A_92, %dma_start3A_96] : memref<80x128xi32, #tpu.memory_space<vmem>> -> memref<1x128xi32, #tpu.memory_space<vmem>>
      %dma_start3A_98 = tpu.memref_squeeze %dma_start3A_97 : memref<1x128xi32, #tpu.memory_space<vmem>> -> memref<128xi32, #tpu.memory_space<vmem>>
      %dma_start3A_99 = arith.constant 0 : i32
      %dma_start3A_100 = arith.constant 0 : i32
      %dma_start3A_101 = tpu.memref_slice %arg8[%dma_start3A_99, %dma_start3A_100] : memref<10000x16xf32, #tpu.memory_space<vmem_shared>> -> memref<10000x16xf32, #tpu.memory_space<vmem_shared>>
      tpu.enqueue_indirect_dma source(%dma_start3A_101 : memref<10000x16xf32, #tpu.memory_space<vmem_shared>>) target(%dma_start3A_95 : memref<128x16xf32, #tpu.memory_space<vmem>>) offsets(%dma_start3A_98 : memref<128xi32, #tpu.memory_space<vmem>>) semaphore(%arg9 : memref<!tpu.dma_semaphore, #tpu.memory_space<semaphore_mem>>)
      %mul3A_102 = arith.constant 10 : i32
      %mul3A_103 = arith.muli %add3A_32, %mul3A_102 : i32
      %add3A_104 = arith.constant 5 : i32
      %add3A_105 = arith.addi %mul3A_103, %add3A_104 : i32
      %dma_start3A_106 = arith.constant 640 : i32
      %dma_start3A_107 = arith.constant 0 : i32
      %dma_start3A_108 = tpu.memref_slice %arg6[%dma_start3A_106, %dma_start3A_107] : memref<1280x16xf32, #tpu.memory_space<vmem>> -> memref<128x16xf32, #tpu.memory_space<vmem>>
      %dma_start3A_109 = arith.constant 0 : i32
      %dma_start3A_110 = tpu.memref_slice %arg5[%add3A_105, %dma_start3A_109] : memref<80x128xi32, #tpu.memory_space<vmem>> -> memref<1x128xi32, #tpu.memory_space<vmem>>
      %dma_start3A_111 = tpu.memref_squeeze %dma_start3A_110 : memref<1x128xi32, #tpu.memory_space<vmem>> -> memref<128xi32, #tpu.memory_space<vmem>>
      %dma_start3A_112 = arith.constant 0 : i32
      %dma_start3A_113 = arith.constant 0 : i32
      %dma_start3A_114 = tpu.memref_slice %arg8[%dma_start3A_112, %dma_start3A_113] : memref<10000x16xf32, #tpu.memory_space<vmem_shared>> -> memref<10000x16xf32, #tpu.memory_space<vmem_shared>>
      tpu.enqueue_indirect_dma source(%dma_start3A_114 : memref<10000x16xf32, #tpu.memory_space<vmem_shared>>) target(%dma_start3A_108 : memref<128x16xf32, #tpu.memory_space<vmem>>) offsets(%dma_start3A_111 : memref<128xi32, #tpu.memory_space<vmem>>) semaphore(%arg9 : memref<!tpu.dma_semaphore, #tpu.memory_space<semaphore_mem>>)
      %mul3A_115 = arith.constant 10 : i32
      %mul3A_116 = arith.muli %add3A_32, %mul3A_115 : i32
      %add3A_117 = arith.constant 6 : i32
      %add3A_118 = arith.addi %mul3A_116, %add3A_117 : i32
      %dma_start3A_119 = arith.constant 768 : i32
      %dma_start3A_120 = arith.constant 0 : i32
      %dma_start3A_121 = tpu.memref_slice %arg6[%dma_start3A_119, %dma_start3A_120] : memref<1280x16xf32, #tpu.memory_space<vmem>> -> memref<128x16xf32, #tpu.memory_space<vmem>>
      %dma_start3A_122 = arith.constant 0 : i32
      %dma_start3A_123 = tpu.memref_slice %arg5[%add3A_118, %dma_start3A_122] : memref<80x128xi32, #tpu.memory_space<vmem>> -> memref<1x128xi32, #tpu.memory_space<vmem>>
      %dma_start3A_124 = tpu.memref_squeeze %dma_start3A_123 : memref<1x128xi32, #tpu.memory_space<vmem>> -> memref<128xi32, #tpu.memory_space<vmem>>
      %dma_start3A_125 = arith.constant 0 : i32
      %dma_start3A_126 = arith.constant 0 : i32
      %dma_start3A_127 = tpu.memref_slice %arg8[%dma_start3A_125, %dma_start3A_126] : memref<10000x16xf32, #tpu.memory_space<vmem_shared>> -> memref<10000x16xf32, #tpu.memory_space<vmem_shared>>
      tpu.enqueue_indirect_dma source(%dma_start3A_127 : memref<10000x16xf32, #tpu.memory_space<vmem_shared>>) target(%dma_start3A_121 : memref<128x16xf32, #tpu.memory_space<vmem>>) offsets(%dma_start3A_124 : memref<128xi32, #tpu.memory_space<vmem>>) semaphore(%arg9 : memref<!tpu.dma_semaphore, #tpu.memory_space<semaphore_mem>>)
      %mul3A_128 = arith.constant 10 : i32
      %mul3A_129 = arith.muli %add3A_32, %mul3A_128 : i32
      %add3A_130 = arith.constant 7 : i32
      %add3A_131 = arith.addi %mul3A_129, %add3A_130 : i32
      %dma_start3A_132 = arith.constant 896 : i32
      %dma_start3A_133 = arith.constant 0 : i32
      %dma_start3A_134 = tpu.memref_slice %arg6[%dma_start3A_132, %dma_start3A_133] : memref<1280x16xf32, #tpu.memory_space<vmem>> -> memref<128x16xf32, #tpu.memory_space<vmem>>
      %dma_start3A_135 = arith.constant 0 : i32
      %dma_start3A_136 = tpu.memref_slice %arg5[%add3A_131, %dma_start3A_135] : memref<80x128xi32, #tpu.memory_space<vmem>> -> memref<1x128xi32, #tpu.memory_space<vmem>>
      %dma_start3A_137 = tpu.memref_squeeze %dma_start3A_136 : memref<1x128xi32, #tpu.memory_space<vmem>> -> memref<128xi32, #tpu.memory_space<vmem>>
      %dma_start3A_138 = arith.constant 0 : i32
      %dma_start3A_139 = arith.constant 0 : i32
      %dma_start3A_140 = tpu.memref_slice %arg8[%dma_start3A_138, %dma_start3A_139] : memref<10000x16xf32, #tpu.memory_space<vmem_shared>> -> memref<10000x16xf32, #tpu.memory_space<vmem_shared>>
      tpu.enqueue_indirect_dma source(%dma_start3A_140 : memref<10000x16xf32, #tpu.memory_space<vmem_shared>>) target(%dma_start3A_134 : memref<128x16xf32, #tpu.memory_space<vmem>>) offsets(%dma_start3A_137 : memref<128xi32, #tpu.memory_space<vmem>>) semaphore(%arg9 : memref<!tpu.dma_semaphore, #tpu.memory_space<semaphore_mem>>)
      %mul3A_141 = arith.constant 10 : i32
      %mul3A_142 = arith.muli %add3A_32, %mul3A_141 : i32
      %add3A_143 = arith.constant 8 : i32
      %add3A_144 = arith.addi %mul3A_142, %add3A_143 : i32
      %dma_start3A_145 = arith.constant 1024 : i32
      %dma_start3A_146 = arith.constant 0 : i32
      %dma_start3A_147 = tpu.memref_slice %arg6[%dma_start3A_145, %dma_start3A_146] : memref<1280x16xf32, #tpu.memory_space<vmem>> -> memref<128x16xf32, #tpu.memory_space<vmem>>
      %dma_start3A_148 = arith.constant 0 : i32
      %dma_start3A_149 = tpu.memref_slice %arg5[%add3A_144, %dma_start3A_148] : memref<80x128xi32, #tpu.memory_space<vmem>> -> memref<1x128xi32, #tpu.memory_space<vmem>>
      %dma_start3A_150 = tpu.memref_squeeze %dma_start3A_149 : memref<1x128xi32, #tpu.memory_space<vmem>> -> memref<128xi32, #tpu.memory_space<vmem>>
      %dma_start3A_151 = arith.constant 0 : i32
      %dma_start3A_152 = arith.constant 0 : i32
      %dma_start3A_153 = tpu.memref_slice %arg8[%dma_start3A_151, %dma_start3A_152] : memref<10000x16xf32, #tpu.memory_space<vmem_shared>> -> memref<10000x16xf32, #tpu.memory_space<vmem_shared>>
      tpu.enqueue_indirect_dma source(%dma_start3A_153 : memref<10000x16xf32, #tpu.memory_space<vmem_shared>>) target(%dma_start3A_147 : memref<128x16xf32, #tpu.memory_space<vmem>>) offsets(%dma_start3A_150 : memref<128xi32, #tpu.memory_space<vmem>>) semaphore(%arg9 : memref<!tpu.dma_semaphore, #tpu.memory_space<semaphore_mem>>)
      %mul3A_154 = arith.constant 10 : i32
      %mul3A_155 = arith.muli %add3A_32, %mul3A_154 : i32
      %add3A_156 = arith.constant 9 : i32
      %add3A_157 = arith.addi %mul3A_155, %add3A_156 : i32
      %dma_start3A_158 = arith.constant 1152 : i32
      %dma_start3A_159 = arith.constant 0 : i32
      %dma_start3A_160 = tpu.memref_slice %arg6[%dma_start3A_158, %dma_start3A_159] : memref<1280x16xf32, #tpu.memory_space<vmem>> -> memref<128x16xf32, #tpu.memory_space<vmem>>
      %dma_start3A_161 = arith.constant 0 : i32
      %dma_start3A_162 = tpu.memref_slice %arg5[%add3A_157, %dma_start3A_161] : memref<80x128xi32, #tpu.memory_space<vmem>> -> memref<1x128xi32, #tpu.memory_space<vmem>>
      %dma_start3A_163 = tpu.memref_squeeze %dma_start3A_162 : memref<1x128xi32, #tpu.memory_space<vmem>> -> memref<128xi32, #tpu.memory_space<vmem>>
      %dma_start3A_164 = arith.constant 0 : i32
      %dma_start3A_165 = arith.constant 0 : i32
      %dma_start3A_166 = tpu.memref_slice %arg8[%dma_start3A_164, %dma_start3A_165] : memref<10000x16xf32, #tpu.memory_space<vmem_shared>> -> memref<10000x16xf32, #tpu.memory_space<vmem_shared>>
      tpu.enqueue_indirect_dma source(%dma_start3A_166 : memref<10000x16xf32, #tpu.memory_space<vmem_shared>>) target(%dma_start3A_160 : memref<128x16xf32, #tpu.memory_space<vmem>>) offsets(%dma_start3A_163 : memref<128xi32, #tpu.memory_space<vmem>>) semaphore(%arg9 : memref<!tpu.dma_semaphore, #tpu.memory_space<semaphore_mem>>)
      %dma_wait3A_167 = arith.constant 0 : i32
      %dma_wait3A_168 = arith.constant 0 : i32
      %dma_wait3A_169 = tpu.memref_slice %arg6[%dma_wait3A_167, %dma_wait3A_168] : memref<1280x16xf32, #tpu.memory_space<vmem>> -> memref<128x16xf32, #tpu.memory_space<vmem>>
      %dma_wait3A_170 = arith.constant 0 : i32
      %dma_wait3A_171 = tpu.memref_slice %arg5[%add3A_40, %dma_wait3A_170] : memref<80x128xi32, #tpu.memory_space<vmem>> -> memref<1x128xi32, #tpu.memory_space<vmem>>
      %dma_wait3A_172 = tpu.memref_squeeze %dma_wait3A_171 : memref<1x128xi32, #tpu.memory_space<vmem>> -> memref<128xi32, #tpu.memory_space<vmem>>
      %dma_wait3A_173 = arith.constant 0 : i32
      %dma_wait3A_174 = arith.constant 0 : i32
      %dma_wait3A_175 = tpu.memref_slice %arg8[%dma_wait3A_173, %dma_wait3A_174] : memref<10000x16xf32, #tpu.memory_space<vmem_shared>> -> memref<10000x16xf32, #tpu.memory_space<vmem_shared>>
      tpu.wait_indirect_dma semaphore(%arg9 : memref<!tpu.dma_semaphore, #tpu.memory_space<semaphore_mem>>) src(%dma_wait3A_175 : memref<10000x16xf32, #tpu.memory_space<vmem_shared>>) dst(%dma_wait3A_169 : memref<128x16xf32, #tpu.memory_space<vmem>>)
      %dma_wait3A_176 = arith.constant 128 : i32
      %dma_wait3A_177 = arith.constant 0 : i32
      %dma_wait3A_178 = tpu.memref_slice %arg6[%dma_wait3A_176, %dma_wait3A_177] : memref<1280x16xf32, #tpu.memory_space<vmem>> -> memref<128x16xf32, #tpu.memory_space<vmem>>
      %dma_wait3A_179 = arith.constant 0 : i32
      %dma_wait3A_180 = tpu.memref_slice %arg5[%add3A_53, %dma_wait3A_179] : memref<80x128xi32, #tpu.memory_space<vmem>> -> memref<1x128xi32, #tpu.memory_space<vmem>>
      %dma_wait3A_181 = tpu.memref_squeeze %dma_wait3A_180 : memref<1x128xi32, #tpu.memory_space<vmem>> -> memref<128xi32, #tpu.memory_space<vmem>>
      %dma_wait3A_182 = arith.constant 0 : i32
      %dma_wait3A_183 = arith.constant 0 : i32
      %dma_wait3A_184 = tpu.memref_slice %arg8[%dma_wait3A_182, %dma_wait3A_183] : memref<10000x16xf32, #tpu.memory_space<vmem_shared>> -> memref<10000x16xf32, #tpu.memory_space<vmem_shared>>
      tpu.wait_indirect_dma semaphore(%arg9 : memref<!tpu.dma_semaphore, #tpu.memory_space<semaphore_mem>>) src(%dma_wait3A_184 : memref<10000x16xf32, #tpu.memory_space<vmem_shared>>) dst(%dma_wait3A_178 : memref<128x16xf32, #tpu.memory_space<vmem>>)
      %dma_wait3A_185 = arith.constant 256 : i32
      %dma_wait3A_186 = arith.constant 0 : i32
      %dma_wait3A_187 = tpu.memref_slice %arg6[%dma_wait3A_185, %dma_wait3A_186] : memref<1280x16xf32, #tpu.memory_space<vmem>> -> memref<128x16xf32, #tpu.memory_space<vmem>>
      %dma_wait3A_188 = arith.constant 0 : i32
      %dma_wait3A_189 = tpu.memref_slice %arg5[%add3A_66, %dma_wait3A_188] : memref<80x128xi32, #tpu.memory_space<vmem>> -> memref<1x128xi32, #tpu.memory_space<vmem>>
      %dma_wait3A_190 = tpu.memref_squeeze %dma_wait3A_189 : memref<1x128xi32, #tpu.memory_space<vmem>> -> memref<128xi32, #tpu.memory_space<vmem>>
      %dma_wait3A_191 = arith.constant 0 : i32
      %dma_wait3A_192 = arith.constant 0 : i32
      %dma_wait3A_193 = tpu.memref_slice %arg8[%dma_wait3A_191, %dma_wait3A_192] : memref<10000x16xf32, #tpu.memory_space<vmem_shared>> -> memref<10000x16xf32, #tpu.memory_space<vmem_shared>>
      tpu.wait_indirect_dma semaphore(%arg9 : memref<!tpu.dma_semaphore, #tpu.memory_space<semaphore_mem>>) src(%dma_wait3A_193 : memref<10000x16xf32, #tpu.memory_space<vmem_shared>>) dst(%dma_wait3A_187 : memref<128x16xf32, #tpu.memory_space<vmem>>)
      %dma_wait3A_194 = arith.constant 384 : i32
      %dma_wait3A_195 = arith.constant 0 : i32
      %dma_wait3A_196 = tpu.memref_slice %arg6[%dma_wait3A_194, %dma_wait3A_195] : memref<1280x16xf32, #tpu.memory_space<vmem>> -> memref<128x16xf32, #tpu.memory_space<vmem>>
      %dma_wait3A_197 = arith.constant 0 : i32
      %dma_wait3A_198 = tpu.memref_slice %arg5[%add3A_79, %dma_wait3A_197] : memref<80x128xi32, #tpu.memory_space<vmem>> -> memref<1x128xi32, #tpu.memory_space<vmem>>
      %dma_wait3A_199 = tpu.memref_squeeze %dma_wait3A_198 : memref<1x128xi32, #tpu.memory_space<vmem>> -> memref<128xi32, #tpu.memory_space<vmem>>
      %dma_wait3A_200 = arith.constant 0 : i32
      %dma_wait3A_201 = arith.constant 0 : i32
      %dma_wait3A_202 = tpu.memref_slice %arg8[%dma_wait3A_200, %dma_wait3A_201] : memref<10000x16xf32, #tpu.memory_space<vmem_shared>> -> memref<10000x16xf32, #tpu.memory_space<vmem_shared>>
      tpu.wait_indirect_dma semaphore(%arg9 : memref<!tpu.dma_semaphore, #tpu.memory_space<semaphore_mem>>) src(%dma_wait3A_202 : memref<10000x16xf32, #tpu.memory_space<vmem_shared>>) dst(%dma_wait3A_196 : memref<128x16xf32, #tpu.memory_space<vmem>>)
      %dma_wait3A_203 = arith.constant 512 : i32
      %dma_wait3A_204 = arith.constant 0 : i32
      %dma_wait3A_205 = tpu.memref_slice %arg6[%dma_wait3A_203, %dma_wait3A_204] : memref<1280x16xf32, #tpu.memory_space<vmem>> -> memref<128x16xf32, #tpu.memory_space<vmem>>
      %dma_wait3A_206 = arith.constant 0 : i32
      %dma_wait3A_207 = tpu.memref_slice %arg5[%add3A_92, %dma_wait3A_206] : memref<80x128xi32, #tpu.memory_space<vmem>> -> memref<1x128xi32, #tpu.memory_space<vmem>>
      %dma_wait3A_208 = tpu.memref_squeeze %dma_wait3A_207 : memref<1x128xi32, #tpu.memory_space<vmem>> -> memref<128xi32, #tpu.memory_space<vmem>>
      %dma_wait3A_209 = arith.constant 0 : i32
      %dma_wait3A_210 = arith.constant 0 : i32
      %dma_wait3A_211 = tpu.memref_slice %arg8[%dma_wait3A_209, %dma_wait3A_210] : memref<10000x16xf32, #tpu.memory_space<vmem_shared>> -> memref<10000x16xf32, #tpu.memory_space<vmem_shared>>
      tpu.wait_indirect_dma semaphore(%arg9 : memref<!tpu.dma_semaphore, #tpu.memory_space<semaphore_mem>>) src(%dma_wait3A_211 : memref<10000x16xf32, #tpu.memory_space<vmem_shared>>) dst(%dma_wait3A_205 : memref<128x16xf32, #tpu.memory_space<vmem>>)
      %dma_wait3A_212 = arith.constant 640 : i32
      %dma_wait3A_213 = arith.constant 0 : i32
      %dma_wait3A_214 = tpu.memref_slice %arg6[%dma_wait3A_212, %dma_wait3A_213] : memref<1280x16xf32, #tpu.memory_space<vmem>> -> memref<128x16xf32, #tpu.memory_space<vmem>>
      %dma_wait3A_215 = arith.constant 0 : i32
      %dma_wait3A_216 = tpu.memref_slice %arg5[%add3A_105, %dma_wait3A_215] : memref<80x128xi32, #tpu.memory_space<vmem>> -> memref<1x128xi32, #tpu.memory_space<vmem>>
      %dma_wait3A_217 = tpu.memref_squeeze %dma_wait3A_216 : memref<1x128xi32, #tpu.memory_space<vmem>> -> memref<128xi32, #tpu.memory_space<vmem>>
      %dma_wait3A_218 = arith.constant 0 : i32
      %dma_wait3A_219 = arith.constant 0 : i32
      %dma_wait3A_220 = tpu.memref_slice %arg8[%dma_wait3A_218, %dma_wait3A_219] : memref<10000x16xf32, #tpu.memory_space<vmem_shared>> -> memref<10000x16xf32, #tpu.memory_space<vmem_shared>>
      tpu.wait_indirect_dma semaphore(%arg9 : memref<!tpu.dma_semaphore, #tpu.memory_space<semaphore_mem>>) src(%dma_wait3A_220 : memref<10000x16xf32, #tpu.memory_space<vmem_shared>>) dst(%dma_wait3A_214 : memref<128x16xf32, #tpu.memory_space<vmem>>)
      %dma_wait3A_221 = arith.constant 768 : i32
      %dma_wait3A_222 = arith.constant 0 : i32
      %dma_wait3A_223 = tpu.memref_slice %arg6[%dma_wait3A_221, %dma_wait3A_222] : memref<1280x16xf32, #tpu.memory_space<vmem>> -> memref<128x16xf32, #tpu.memory_space<vmem>>
      %dma_wait3A_224 = arith.constant 0 : i32
      %dma_wait3A_225 = tpu.memref_slice %arg5[%add3A_118, %dma_wait3A_224] : memref<80x128xi32, #tpu.memory_space<vmem>> -> memref<1x128xi32, #tpu.memory_space<vmem>>
      %dma_wait3A_226 = tpu.memref_squeeze %dma_wait3A_225 : memref<1x128xi32, #tpu.memory_space<vmem>> -> memref<128xi32, #tpu.memory_space<vmem>>
      %dma_wait3A_227 = arith.constant 0 : i32
      %dma_wait3A_228 = arith.constant 0 : i32
      %dma_wait3A_229 = tpu.memref_slice %arg8[%dma_wait3A_227, %dma_wait3A_228] : memref<10000x16xf32, #tpu.memory_space<vmem_shared>> -> memref<10000x16xf32, #tpu.memory_space<vmem_shared>>
      tpu.wait_indirect_dma semaphore(%arg9 : memref<!tpu.dma_semaphore, #tpu.memory_space<semaphore_mem>>) src(%dma_wait3A_229 : memref<10000x16xf32, #tpu.memory_space<vmem_shared>>) dst(%dma_wait3A_223 : memref<128x16xf32, #tpu.memory_space<vmem>>)
      %dma_wait3A_230 = arith.constant 896 : i32
      %dma_wait3A_231 = arith.constant 0 : i32
      %dma_wait3A_232 = tpu.memref_slice %arg6[%dma_wait3A_230, %dma_wait3A_231] : memref<1280x16xf32, #tpu.memory_space<vmem>> -> memref<128x16xf32, #tpu.memory_space<vmem>>
      %dma_wait3A_233 = arith.constant 0 : i32
      %dma_wait3A_234 = tpu.memref_slice %arg5[%add3A_131, %dma_wait3A_233] : memref<80x128xi32, #tpu.memory_space<vmem>> -> memref<1x128xi32, #tpu.memory_space<vmem>>
      %dma_wait3A_235 = tpu.memref_squeeze %dma_wait3A_234 : memref<1x128xi32, #tpu.memory_space<vmem>> -> memref<128xi32, #tpu.memory_space<vmem>>
      %dma_wait3A_236 = arith.constant 0 : i32
      %dma_wait3A_237 = arith.constant 0 : i32
      %dma_wait3A_238 = tpu.memref_slice %arg8[%dma_wait3A_236, %dma_wait3A_237] : memref<10000x16xf32, #tpu.memory_space<vmem_shared>> -> memref<10000x16xf32, #tpu.memory_space<vmem_shared>>
      tpu.wait_indirect_dma semaphore(%arg9 : memref<!tpu.dma_semaphore, #tpu.memory_space<semaphore_mem>>) src(%dma_wait3A_238 : memref<10000x16xf32, #tpu.memory_space<vmem_shared>>) dst(%dma_wait3A_232 : memref<128x16xf32, #tpu.memory_space<vmem>>)
      %dma_wait3A_239 = arith.constant 1024 : i32
      %dma_wait3A_240 = arith.constant 0 : i32
      %dma_wait3A_241 = tpu.memref_slice %arg6[%dma_wait3A_239, %dma_wait3A_240] : memref<1280x16xf32, #tpu.memory_space<vmem>> -> memref<128x16xf32, #tpu.memory_space<vmem>>
      %dma_wait3A_242 = arith.constant 0 : i32
      %dma_wait3A_243 = tpu.memref_slice %arg5[%add3A_144, %dma_wait3A_242] : memref<80x128xi32, #tpu.memory_space<vmem>> -> memref<1x128xi32, #tpu.memory_space<vmem>>
      %dma_wait3A_244 = tpu.memref_squeeze %dma_wait3A_243 : memref<1x128xi32, #tpu.memory_space<vmem>> -> memref<128xi32, #tpu.memory_space<vmem>>
      %dma_wait3A_245 = arith.constant 0 : i32
      %dma_wait3A_246 = arith.constant 0 : i32
      %dma_wait3A_247 = tpu.memref_slice %arg8[%dma_wait3A_245, %dma_wait3A_246] : memref<10000x16xf32, #tpu.memory_space<vmem_shared>> -> memref<10000x16xf32, #tpu.memory_space<vmem_shared>>
      tpu.wait_indirect_dma semaphore(%arg9 : memref<!tpu.dma_semaphore, #tpu.memory_space<semaphore_mem>>) src(%dma_wait3A_247 : memref<10000x16xf32, #tpu.memory_space<vmem_shared>>) dst(%dma_wait3A_241 : memref<128x16xf32, #tpu.memory_space<vmem>>)
      %dma_wait3A_248 = arith.constant 1152 : i32
      %dma_wait3A_249 = arith.constant 0 : i32
      %dma_wait3A_250 = tpu.memref_slice %arg6[%dma_wait3A_248, %dma_wait3A_249] : memref<1280x16xf32, #tpu.memory_space<vmem>> -> memref<128x16xf32, #tpu.memory_space<vmem>>
      %dma_wait3A_251 = arith.constant 0 : i32
      %dma_wait3A_252 = tpu.memref_slice %arg5[%add3A_157, %dma_wait3A_251] : memref<80x128xi32, #tpu.memory_space<vmem>> -> memref<1x128xi32, #tpu.memory_space<vmem>>
      %dma_wait3A_253 = tpu.memref_squeeze %dma_wait3A_252 : memref<1x128xi32, #tpu.memory_space<vmem>> -> memref<128xi32, #tpu.memory_space<vmem>>
      %dma_wait3A_254 = arith.constant 0 : i32
      %dma_wait3A_255 = arith.constant 0 : i32
      %dma_wait3A_256 = tpu.memref_slice %arg8[%dma_wait3A_254, %dma_wait3A_255] : memref<10000x16xf32, #tpu.memory_space<vmem_shared>> -> memref<10000x16xf32, #tpu.memory_space<vmem_shared>>
      tpu.wait_indirect_dma semaphore(%arg9 : memref<!tpu.dma_semaphore, #tpu.memory_space<semaphore_mem>>) src(%dma_wait3A_256 : memref<10000x16xf32, #tpu.memory_space<vmem_shared>>) dst(%dma_wait3A_250 : memref<128x16xf32, #tpu.memory_space<vmem>>)
      %mul3A_257 = arith.constant 10240 : i32
      %mul3A_258 = arith.muli %add3A, %mul3A_257 : i32
      %mul3A_259 = arith.constant 1280 : i32
      %mul3A_260 = arith.muli %add3A_32, %mul3A_259 : i32
      %add3A_261 = arith.addi %mul3A_258, %mul3A_260 : i32
      %dma_start3A_262 = arith.constant 0 : i32
      %dma_start3A_263 = tpu.memref_slice %arg4[%add3A_261, %dma_start3A_262] : memref<327680x16xf32, #tpu.memory_space<hbm>> -> memref<1280x16xf32, #tpu.memory_space<hbm>>
      %dma_start3A_264 = arith.constant 0 : i32
      %dma_start3A_265 = tpu.memref_slice %arg4[%add3A_261, %dma_start3A_264] : memref<327680x16xf32, #tpu.memory_space<hbm>> -> memref<1280x16xf32, #tpu.memory_space<hbm>>
      tpu.enqueue_dma source(%arg6 : memref<1280x16xf32, #tpu.memory_space<vmem>>) target(%dma_start3A_265 : memref<1280x16xf32, #tpu.memory_space<hbm>>) target_semaphore(%arg11 : memref<!tpu.dma_semaphore, #tpu.memory_space<semaphore_mem>>)
      %mul3A_266 = arith.constant 2 : i32
      %mul3A_267 = arith.muli %scan3A_28, %mul3A_266 : i32
      %add3A_268 = arith.constant 1 : i32
      %add3A_269 = arith.addi %mul3A_267, %add3A_268 : i32
      %gt3A_270 = arith.constant 0 : i32
      %gt3A_271 = arith.cmpi sgt, %scan3A_28, %gt3A_270 : i32
      %convert_element_type3A_272 = arith.extui %gt3A_271 : i1 to i32
      %cond3A_273 = arith.constant 0 : i32
      %cond3A_274 = arith.cmpi ne, %convert_element_type3A_272, %cond3A_273 : i32
      scf.if %cond3A_274 {
        %dma_wait3A_504 = arith.constant 0 : i32
        %dma_wait3A_505 = arith.constant 0 : i32
        %dma_wait3A_506 = tpu.memref_slice %arg4[%dma_wait3A_504, %dma_wait3A_505] : memref<327680x16xf32, #tpu.memory_space<hbm>> -> memref<1280x16xf32, #tpu.memory_space<hbm>>
        %dma_wait3A_507 = arith.constant 0 : i32
        %dma_wait3A_508 = arith.constant 0 : i32
        %dma_wait3A_509 = tpu.memref_slice %arg4[%dma_wait3A_507, %dma_wait3A_508] : memref<327680x16xf32, #tpu.memory_space<hbm>> -> memref<1280x16xf32, #tpu.memory_space<hbm>>
        tpu.wait_dma2 semaphore(%arg12 : memref<!tpu.dma_semaphore, #tpu.memory_space<semaphore_mem>>) src(%arg7 : memref<1280x16xf32, #tpu.memory_space<vmem>>) dst(%dma_wait3A_509 : memref<1280x16xf32, #tpu.memory_space<hbm>>)
      } else {
      }
      %mul3A_275 = arith.constant 10 : i32
      %mul3A_276 = arith.muli %add3A_269, %mul3A_275 : i32
      %add3A_277 = arith.constant 0 : i32
      %add3A_278 = arith.addi %mul3A_276, %add3A_277 : i32
      %dma_start3A_279 = arith.constant 0 : i32
      %dma_start3A_280 = arith.constant 0 : i32
      %dma_start3A_281 = tpu.memref_slice %arg7[%dma_start3A_279, %dma_start3A_280] : memref<1280x16xf32, #tpu.memory_space<vmem>> -> memref<128x16xf32, #tpu.memory_space<vmem>>
      %dma_start3A_282 = arith.constant 0 : i32
      %dma_start3A_283 = tpu.memref_slice %arg5[%add3A_278, %dma_start3A_282] : memref<80x128xi32, #tpu.memory_space<vmem>> -> memref<1x128xi32, #tpu.memory_space<vmem>>
      %dma_start3A_284 = tpu.memref_squeeze %dma_start3A_283 : memref<1x128xi32, #tpu.memory_space<vmem>> -> memref<128xi32, #tpu.memory_space<vmem>>
      %dma_start3A_285 = arith.constant 0 : i32
      %dma_start3A_286 = arith.constant 0 : i32
      %dma_start3A_287 = tpu.memref_slice %arg8[%dma_start3A_285, %dma_start3A_286] : memref<10000x16xf32, #tpu.memory_space<vmem_shared>> -> memref<10000x16xf32, #tpu.memory_space<vmem_shared>>
      tpu.enqueue_indirect_dma source(%dma_start3A_287 : memref<10000x16xf32, #tpu.memory_space<vmem_shared>>) target(%dma_start3A_281 : memref<128x16xf32, #tpu.memory_space<vmem>>) offsets(%dma_start3A_284 : memref<128xi32, #tpu.memory_space<vmem>>) semaphore(%arg10 : memref<!tpu.dma_semaphore, #tpu.memory_space<semaphore_mem>>)
      %mul3A_288 = arith.constant 10 : i32
      %mul3A_289 = arith.muli %add3A_269, %mul3A_288 : i32
      %add3A_290 = arith.constant 1 : i32
      %add3A_291 = arith.addi %mul3A_289, %add3A_290 : i32
      %dma_start3A_292 = arith.constant 128 : i32
      %dma_start3A_293 = arith.constant 0 : i32
      %dma_start3A_294 = tpu.memref_slice %arg7[%dma_start3A_292, %dma_start3A_293] : memref<1280x16xf32, #tpu.memory_space<vmem>> -> memref<128x16xf32, #tpu.memory_space<vmem>>
      %dma_start3A_295 = arith.constant 0 : i32
      %dma_start3A_296 = tpu.memref_slice %arg5[%add3A_291, %dma_start3A_295] : memref<80x128xi32, #tpu.memory_space<vmem>> -> memref<1x128xi32, #tpu.memory_space<vmem>>
      %dma_start3A_297 = tpu.memref_squeeze %dma_start3A_296 : memref<1x128xi32, #tpu.memory_space<vmem>> -> memref<128xi32, #tpu.memory_space<vmem>>
      %dma_start3A_298 = arith.constant 0 : i32
      %dma_start3A_299 = arith.constant 0 : i32
      %dma_start3A_300 = tpu.memref_slice %arg8[%dma_start3A_298, %dma_start3A_299] : memref<10000x16xf32, #tpu.memory_space<vmem_shared>> -> memref<10000x16xf32, #tpu.memory_space<vmem_shared>>
      tpu.enqueue_indirect_dma source(%dma_start3A_300 : memref<10000x16xf32, #tpu.memory_space<vmem_shared>>) target(%dma_start3A_294 : memref<128x16xf32, #tpu.memory_space<vmem>>) offsets(%dma_start3A_297 : memref<128xi32, #tpu.memory_space<vmem>>) semaphore(%arg10 : memref<!tpu.dma_semaphore, #tpu.memory_space<semaphore_mem>>)
      %mul3A_301 = arith.constant 10 : i32
      %mul3A_302 = arith.muli %add3A_269, %mul3A_301 : i32
      %add3A_303 = arith.constant 2 : i32
      %add3A_304 = arith.addi %mul3A_302, %add3A_303 : i32
      %dma_start3A_305 = arith.constant 256 : i32
      %dma_start3A_306 = arith.constant 0 : i32
      %dma_start3A_307 = tpu.memref_slice %arg7[%dma_start3A_305, %dma_start3A_306] : memref<1280x16xf32, #tpu.memory_space<vmem>> -> memref<128x16xf32, #tpu.memory_space<vmem>>
      %dma_start3A_308 = arith.constant 0 : i32
      %dma_start3A_309 = tpu.memref_slice %arg5[%add3A_304, %dma_start3A_308] : memref<80x128xi32, #tpu.memory_space<vmem>> -> memref<1x128xi32, #tpu.memory_space<vmem>>
      %dma_start3A_310 = tpu.memref_squeeze %dma_start3A_309 : memref<1x128xi32, #tpu.memory_space<vmem>> -> memref<128xi32, #tpu.memory_space<vmem>>
      %dma_start3A_311 = arith.constant 0 : i32
      %dma_start3A_312 = arith.constant 0 : i32
      %dma_start3A_313 = tpu.memref_slice %arg8[%dma_start3A_311, %dma_start3A_312] : memref<10000x16xf32, #tpu.memory_space<vmem_shared>> -> memref<10000x16xf32, #tpu.memory_space<vmem_shared>>
      tpu.enqueue_indirect_dma source(%dma_start3A_313 : memref<10000x16xf32, #tpu.memory_space<vmem_shared>>) target(%dma_start3A_307 : memref<128x16xf32, #tpu.memory_space<vmem>>) offsets(%dma_start3A_310 : memref<128xi32, #tpu.memory_space<vmem>>) semaphore(%arg10 : memref<!tpu.dma_semaphore, #tpu.memory_space<semaphore_mem>>)
      %mul3A_314 = arith.constant 10 : i32
      %mul3A_315 = arith.muli %add3A_269, %mul3A_314 : i32
      %add3A_316 = arith.constant 3 : i32
      %add3A_317 = arith.addi %mul3A_315, %add3A_316 : i32
      %dma_start3A_318 = arith.constant 384 : i32
      %dma_start3A_319 = arith.constant 0 : i32
      %dma_start3A_320 = tpu.memref_slice %arg7[%dma_start3A_318, %dma_start3A_319] : memref<1280x16xf32, #tpu.memory_space<vmem>> -> memref<128x16xf32, #tpu.memory_space<vmem>>
      %dma_start3A_321 = arith.constant 0 : i32
      %dma_start3A_322 = tpu.memref_slice %arg5[%add3A_317, %dma_start3A_321] : memref<80x128xi32, #tpu.memory_space<vmem>> -> memref<1x128xi32, #tpu.memory_space<vmem>>
      %dma_start3A_323 = tpu.memref_squeeze %dma_start3A_322 : memref<1x128xi32, #tpu.memory_space<vmem>> -> memref<128xi32, #tpu.memory_space<vmem>>
      %dma_start3A_324 = arith.constant 0 : i32
      %dma_start3A_325 = arith.constant 0 : i32
      %dma_start3A_326 = tpu.memref_slice %arg8[%dma_start3A_324, %dma_start3A_325] : memref<10000x16xf32, #tpu.memory_space<vmem_shared>> -> memref<10000x16xf32, #tpu.memory_space<vmem_shared>>
      tpu.enqueue_indirect_dma source(%dma_start3A_326 : memref<10000x16xf32, #tpu.memory_space<vmem_shared>>) target(%dma_start3A_320 : memref<128x16xf32, #tpu.memory_space<vmem>>) offsets(%dma_start3A_323 : memref<128xi32, #tpu.memory_space<vmem>>) semaphore(%arg10 : memref<!tpu.dma_semaphore, #tpu.memory_space<semaphore_mem>>)
      %mul3A_327 = arith.constant 10 : i32
      %mul3A_328 = arith.muli %add3A_269, %mul3A_327 : i32
      %add3A_329 = arith.constant 4 : i32
      %add3A_330 = arith.addi %mul3A_328, %add3A_329 : i32
      %dma_start3A_331 = arith.constant 512 : i32
      %dma_start3A_332 = arith.constant 0 : i32
      %dma_start3A_333 = tpu.memref_slice %arg7[%dma_start3A_331, %dma_start3A_332] : memref<1280x16xf32, #tpu.memory_space<vmem>> -> memref<128x16xf32, #tpu.memory_space<vmem>>
      %dma_start3A_334 = arith.constant 0 : i32
      %dma_start3A_335 = tpu.memref_slice %arg5[%add3A_330, %dma_start3A_334] : memref<80x128xi32, #tpu.memory_space<vmem>> -> memref<1x128xi32, #tpu.memory_space<vmem>>
      %dma_start3A_336 = tpu.memref_squeeze %dma_start3A_335 : memref<1x128xi32, #tpu.memory_space<vmem>> -> memref<128xi32, #tpu.memory_space<vmem>>
      %dma_start3A_337 = arith.constant 0 : i32
      %dma_start3A_338 = arith.constant 0 : i32
      %dma_start3A_339 = tpu.memref_slice %arg8[%dma_start3A_337, %dma_start3A_338] : memref<10000x16xf32, #tpu.memory_space<vmem_shared>> -> memref<10000x16xf32, #tpu.memory_space<vmem_shared>>
      tpu.enqueue_indirect_dma source(%dma_start3A_339 : memref<10000x16xf32, #tpu.memory_space<vmem_shared>>) target(%dma_start3A_333 : memref<128x16xf32, #tpu.memory_space<vmem>>) offsets(%dma_start3A_336 : memref<128xi32, #tpu.memory_space<vmem>>) semaphore(%arg10 : memref<!tpu.dma_semaphore, #tpu.memory_space<semaphore_mem>>)
      %mul3A_340 = arith.constant 10 : i32
      %mul3A_341 = arith.muli %add3A_269, %mul3A_340 : i32
      %add3A_342 = arith.constant 5 : i32
      %add3A_343 = arith.addi %mul3A_341, %add3A_342 : i32
      %dma_start3A_344 = arith.constant 640 : i32
      %dma_start3A_345 = arith.constant 0 : i32
      %dma_start3A_346 = tpu.memref_slice %arg7[%dma_start3A_344, %dma_start3A_345] : memref<1280x16xf32, #tpu.memory_space<vmem>> -> memref<128x16xf32, #tpu.memory_space<vmem>>
      %dma_start3A_347 = arith.constant 0 : i32
      %dma_start3A_348 = tpu.memref_slice %arg5[%add3A_343, %dma_start3A_347] : memref<80x128xi32, #tpu.memory_space<vmem>> -> memref<1x128xi32, #tpu.memory_space<vmem>>
      %dma_start3A_349 = tpu.memref_squeeze %dma_start3A_348 : memref<1x128xi32, #tpu.memory_space<vmem>> -> memref<128xi32, #tpu.memory_space<vmem>>
      %dma_start3A_350 = arith.constant 0 : i32
      %dma_start3A_351 = arith.constant 0 : i32
      %dma_start3A_352 = tpu.memref_slice %arg8[%dma_start3A_350, %dma_start3A_351] : memref<10000x16xf32, #tpu.memory_space<vmem_shared>> -> memref<10000x16xf32, #tpu.memory_space<vmem_shared>>
      tpu.enqueue_indirect_dma source(%dma_start3A_352 : memref<10000x16xf32, #tpu.memory_space<vmem_shared>>) target(%dma_start3A_346 : memref<128x16xf32, #tpu.memory_space<vmem>>) offsets(%dma_start3A_349 : memref<128xi32, #tpu.memory_space<vmem>>) semaphore(%arg10 : memref<!tpu.dma_semaphore, #tpu.memory_space<semaphore_mem>>)
      %mul3A_353 = arith.constant 10 : i32
      %mul3A_354 = arith.muli %add3A_269, %mul3A_353 : i32
      %add3A_355 = arith.constant 6 : i32
      %add3A_356 = arith.addi %mul3A_354, %add3A_355 : i32
      %dma_start3A_357 = arith.constant 768 : i32
      %dma_start3A_358 = arith.constant 0 : i32
      %dma_start3A_359 = tpu.memref_slice %arg7[%dma_start3A_357, %dma_start3A_358] : memref<1280x16xf32, #tpu.memory_space<vmem>> -> memref<128x16xf32, #tpu.memory_space<vmem>>
      %dma_start3A_360 = arith.constant 0 : i32
      %dma_start3A_361 = tpu.memref_slice %arg5[%add3A_356, %dma_start3A_360] : memref<80x128xi32, #tpu.memory_space<vmem>> -> memref<1x128xi32, #tpu.memory_space<vmem>>
      %dma_start3A_362 = tpu.memref_squeeze %dma_start3A_361 : memref<1x128xi32, #tpu.memory_space<vmem>> -> memref<128xi32, #tpu.memory_space<vmem>>
      %dma_start3A_363 = arith.constant 0 : i32
      %dma_start3A_364 = arith.constant 0 : i32
      %dma_start3A_365 = tpu.memref_slice %arg8[%dma_start3A_363, %dma_start3A_364] : memref<10000x16xf32, #tpu.memory_space<vmem_shared>> -> memref<10000x16xf32, #tpu.memory_space<vmem_shared>>
      tpu.enqueue_indirect_dma source(%dma_start3A_365 : memref<10000x16xf32, #tpu.memory_space<vmem_shared>>) target(%dma_start3A_359 : memref<128x16xf32, #tpu.memory_space<vmem>>) offsets(%dma_start3A_362 : memref<128xi32, #tpu.memory_space<vmem>>) semaphore(%arg10 : memref<!tpu.dma_semaphore, #tpu.memory_space<semaphore_mem>>)
      %mul3A_366 = arith.constant 10 : i32
      %mul3A_367 = arith.muli %add3A_269, %mul3A_366 : i32
      %add3A_368 = arith.constant 7 : i32
      %add3A_369 = arith.addi %mul3A_367, %add3A_368 : i32
      %dma_start3A_370 = arith.constant 896 : i32
      %dma_start3A_371 = arith.constant 0 : i32
      %dma_start3A_372 = tpu.memref_slice %arg7[%dma_start3A_370, %dma_start3A_371] : memref<1280x16xf32, #tpu.memory_space<vmem>> -> memref<128x16xf32, #tpu.memory_space<vmem>>
      %dma_start3A_373 = arith.constant 0 : i32
      %dma_start3A_374 = tpu.memref_slice %arg5[%add3A_369, %dma_start3A_373] : memref<80x128xi32, #tpu.memory_space<vmem>> -> memref<1x128xi32, #tpu.memory_space<vmem>>
      %dma_start3A_375 = tpu.memref_squeeze %dma_start3A_374 : memref<1x128xi32, #tpu.memory_space<vmem>> -> memref<128xi32, #tpu.memory_space<vmem>>
      %dma_start3A_376 = arith.constant 0 : i32
      %dma_start3A_377 = arith.constant 0 : i32
      %dma_start3A_378 = tpu.memref_slice %arg8[%dma_start3A_376, %dma_start3A_377] : memref<10000x16xf32, #tpu.memory_space<vmem_shared>> -> memref<10000x16xf32, #tpu.memory_space<vmem_shared>>
      tpu.enqueue_indirect_dma source(%dma_start3A_378 : memref<10000x16xf32, #tpu.memory_space<vmem_shared>>) target(%dma_start3A_372 : memref<128x16xf32, #tpu.memory_space<vmem>>) offsets(%dma_start3A_375 : memref<128xi32, #tpu.memory_space<vmem>>) semaphore(%arg10 : memref<!tpu.dma_semaphore, #tpu.memory_space<semaphore_mem>>)
      %mul3A_379 = arith.constant 10 : i32
      %mul3A_380 = arith.muli %add3A_269, %mul3A_379 : i32
      %add3A_381 = arith.constant 8 : i32
      %add3A_382 = arith.addi %mul3A_380, %add3A_381 : i32
      %dma_start3A_383 = arith.constant 1024 : i32
      %dma_start3A_384 = arith.constant 0 : i32
      %dma_start3A_385 = tpu.memref_slice %arg7[%dma_start3A_383, %dma_start3A_384] : memref<1280x16xf32, #tpu.memory_space<vmem>> -> memref<128x16xf32, #tpu.memory_space<vmem>>
      %dma_start3A_386 = arith.constant 0 : i32
      %dma_start3A_387 = tpu.memref_slice %arg5[%add3A_382, %dma_start3A_386] : memref<80x128xi32, #tpu.memory_space<vmem>> -> memref<1x128xi32, #tpu.memory_space<vmem>>
      %dma_start3A_388 = tpu.memref_squeeze %dma_start3A_387 : memref<1x128xi32, #tpu.memory_space<vmem>> -> memref<128xi32, #tpu.memory_space<vmem>>
      %dma_start3A_389 = arith.constant 0 : i32
      %dma_start3A_390 = arith.constant 0 : i32
      %dma_start3A_391 = tpu.memref_slice %arg8[%dma_start3A_389, %dma_start3A_390] : memref<10000x16xf32, #tpu.memory_space<vmem_shared>> -> memref<10000x16xf32, #tpu.memory_space<vmem_shared>>
      tpu.enqueue_indirect_dma source(%dma_start3A_391 : memref<10000x16xf32, #tpu.memory_space<vmem_shared>>) target(%dma_start3A_385 : memref<128x16xf32, #tpu.memory_space<vmem>>) offsets(%dma_start3A_388 : memref<128xi32, #tpu.memory_space<vmem>>) semaphore(%arg10 : memref<!tpu.dma_semaphore, #tpu.memory_space<semaphore_mem>>)
      %mul3A_392 = arith.constant 10 : i32
      %mul3A_393 = arith.muli %add3A_269, %mul3A_392 : i32
      %add3A_394 = arith.constant 9 : i32
      %add3A_395 = arith.addi %mul3A_393, %add3A_394 : i32
      %dma_start3A_396 = arith.constant 1152 : i32
      %dma_start3A_397 = arith.constant 0 : i32
      %dma_start3A_398 = tpu.memref_slice %arg7[%dma_start3A_396, %dma_start3A_397] : memref<1280x16xf32, #tpu.memory_space<vmem>> -> memref<128x16xf32, #tpu.memory_space<vmem>>
      %dma_start3A_399 = arith.constant 0 : i32
      %dma_start3A_400 = tpu.memref_slice %arg5[%add3A_395, %dma_start3A_399] : memref<80x128xi32, #tpu.memory_space<vmem>> -> memref<1x128xi32, #tpu.memory_space<vmem>>
      %dma_start3A_401 = tpu.memref_squeeze %dma_start3A_400 : memref<1x128xi32, #tpu.memory_space<vmem>> -> memref<128xi32, #tpu.memory_space<vmem>>
      %dma_start3A_402 = arith.constant 0 : i32
      %dma_start3A_403 = arith.constant 0 : i32
      %dma_start3A_404 = tpu.memref_slice %arg8[%dma_start3A_402, %dma_start3A_403] : memref<10000x16xf32, #tpu.memory_space<vmem_shared>> -> memref<10000x16xf32, #tpu.memory_space<vmem_shared>>
      tpu.enqueue_indirect_dma source(%dma_start3A_404 : memref<10000x16xf32, #tpu.memory_space<vmem_shared>>) target(%dma_start3A_398 : memref<128x16xf32, #tpu.memory_space<vmem>>) offsets(%dma_start3A_401 : memref<128xi32, #tpu.memory_space<vmem>>) semaphore(%arg10 : memref<!tpu.dma_semaphore, #tpu.memory_space<semaphore_mem>>)
      %dma_wait3A_405 = arith.constant 0 : i32
      %dma_wait3A_406 = arith.constant 0 : i32
      %dma_wait3A_407 = tpu.memref_slice %arg7[%dma_wait3A_405, %dma_wait3A_406] : memref<1280x16xf32, #tpu.memory_space<vmem>> -> memref<128x16xf32, #tpu.memory_space<vmem>>
      %dma_wait3A_408 = arith.constant 0 : i32
      %dma_wait3A_409 = tpu.memref_slice %arg5[%add3A_278, %dma_wait3A_408] : memref<80x128xi32, #tpu.memory_space<vmem>> -> memref<1x128xi32, #tpu.memory_space<vmem>>
      %dma_wait3A_410 = tpu.memref_squeeze %dma_wait3A_409 : memref<1x128xi32, #tpu.memory_space<vmem>> -> memref<128xi32, #tpu.memory_space<vmem>>
      %dma_wait3A_411 = arith.constant 0 : i32
      %dma_wait3A_412 = arith.constant 0 : i32
      %dma_wait3A_413 = tpu.memref_slice %arg8[%dma_wait3A_411, %dma_wait3A_412] : memref<10000x16xf32, #tpu.memory_space<vmem_shared>> -> memref<10000x16xf32, #tpu.memory_space<vmem_shared>>
      tpu.wait_indirect_dma semaphore(%arg10 : memref<!tpu.dma_semaphore, #tpu.memory_space<semaphore_mem>>) src(%dma_wait3A_413 : memref<10000x16xf32, #tpu.memory_space<vmem_shared>>) dst(%dma_wait3A_407 : memref<128x16xf32, #tpu.memory_space<vmem>>)
      %dma_wait3A_414 = arith.constant 128 : i32
      %dma_wait3A_415 = arith.constant 0 : i32
      %dma_wait3A_416 = tpu.memref_slice %arg7[%dma_wait3A_414, %dma_wait3A_415] : memref<1280x16xf32, #tpu.memory_space<vmem>> -> memref<128x16xf32, #tpu.memory_space<vmem>>
      %dma_wait3A_417 = arith.constant 0 : i32
      %dma_wait3A_418 = tpu.memref_slice %arg5[%add3A_291, %dma_wait3A_417] : memref<80x128xi32, #tpu.memory_space<vmem>> -> memref<1x128xi32, #tpu.memory_space<vmem>>
      %dma_wait3A_419 = tpu.memref_squeeze %dma_wait3A_418 : memref<1x128xi32, #tpu.memory_space<vmem>> -> memref<128xi32, #tpu.memory_space<vmem>>
      %dma_wait3A_420 = arith.constant 0 : i32
      %dma_wait3A_421 = arith.constant 0 : i32
      %dma_wait3A_422 = tpu.memref_slice %arg8[%dma_wait3A_420, %dma_wait3A_421] : memref<10000x16xf32, #tpu.memory_space<vmem_shared>> -> memref<10000x16xf32, #tpu.memory_space<vmem_shared>>
      tpu.wait_indirect_dma semaphore(%arg10 : memref<!tpu.dma_semaphore, #tpu.memory_space<semaphore_mem>>) src(%dma_wait3A_422 : memref<10000x16xf32, #tpu.memory_space<vmem_shared>>) dst(%dma_wait3A_416 : memref<128x16xf32, #tpu.memory_space<vmem>>)
      %dma_wait3A_423 = arith.constant 256 : i32
      %dma_wait3A_424 = arith.constant 0 : i32
      %dma_wait3A_425 = tpu.memref_slice %arg7[%dma_wait3A_423, %dma_wait3A_424] : memref<1280x16xf32, #tpu.memory_space<vmem>> -> memref<128x16xf32, #tpu.memory_space<vmem>>
      %dma_wait3A_426 = arith.constant 0 : i32
      %dma_wait3A_427 = tpu.memref_slice %arg5[%add3A_304, %dma_wait3A_426] : memref<80x128xi32, #tpu.memory_space<vmem>> -> memref<1x128xi32, #tpu.memory_space<vmem>>
      %dma_wait3A_428 = tpu.memref_squeeze %dma_wait3A_427 : memref<1x128xi32, #tpu.memory_space<vmem>> -> memref<128xi32, #tpu.memory_space<vmem>>
      %dma_wait3A_429 = arith.constant 0 : i32
      %dma_wait3A_430 = arith.constant 0 : i32
      %dma_wait3A_431 = tpu.memref_slice %arg8[%dma_wait3A_429, %dma_wait3A_430] : memref<10000x16xf32, #tpu.memory_space<vmem_shared>> -> memref<10000x16xf32, #tpu.memory_space<vmem_shared>>
      tpu.wait_indirect_dma semaphore(%arg10 : memref<!tpu.dma_semaphore, #tpu.memory_space<semaphore_mem>>) src(%dma_wait3A_431 : memref<10000x16xf32, #tpu.memory_space<vmem_shared>>) dst(%dma_wait3A_425 : memref<128x16xf32, #tpu.memory_space<vmem>>)
      %dma_wait3A_432 = arith.constant 384 : i32
      %dma_wait3A_433 = arith.constant 0 : i32
      %dma_wait3A_434 = tpu.memref_slice %arg7[%dma_wait3A_432, %dma_wait3A_433] : memref<1280x16xf32, #tpu.memory_space<vmem>> -> memref<128x16xf32, #tpu.memory_space<vmem>>
      %dma_wait3A_435 = arith.constant 0 : i32
      %dma_wait3A_436 = tpu.memref_slice %arg5[%add3A_317, %dma_wait3A_435] : memref<80x128xi32, #tpu.memory_space<vmem>> -> memref<1x128xi32, #tpu.memory_space<vmem>>
      %dma_wait3A_437 = tpu.memref_squeeze %dma_wait3A_436 : memref<1x128xi32, #tpu.memory_space<vmem>> -> memref<128xi32, #tpu.memory_space<vmem>>
      %dma_wait3A_438 = arith.constant 0 : i32
      %dma_wait3A_439 = arith.constant 0 : i32
      %dma_wait3A_440 = tpu.memref_slice %arg8[%dma_wait3A_438, %dma_wait3A_439] : memref<10000x16xf32, #tpu.memory_space<vmem_shared>> -> memref<10000x16xf32, #tpu.memory_space<vmem_shared>>
      tpu.wait_indirect_dma semaphore(%arg10 : memref<!tpu.dma_semaphore, #tpu.memory_space<semaphore_mem>>) src(%dma_wait3A_440 : memref<10000x16xf32, #tpu.memory_space<vmem_shared>>) dst(%dma_wait3A_434 : memref<128x16xf32, #tpu.memory_space<vmem>>)
      %dma_wait3A_441 = arith.constant 512 : i32
      %dma_wait3A_442 = arith.constant 0 : i32
      %dma_wait3A_443 = tpu.memref_slice %arg7[%dma_wait3A_441, %dma_wait3A_442] : memref<1280x16xf32, #tpu.memory_space<vmem>> -> memref<128x16xf32, #tpu.memory_space<vmem>>
      %dma_wait3A_444 = arith.constant 0 : i32
      %dma_wait3A_445 = tpu.memref_slice %arg5[%add3A_330, %dma_wait3A_444] : memref<80x128xi32, #tpu.memory_space<vmem>> -> memref<1x128xi32, #tpu.memory_space<vmem>>
      %dma_wait3A_446 = tpu.memref_squeeze %dma_wait3A_445 : memref<1x128xi32, #tpu.memory_space<vmem>> -> memref<128xi32, #tpu.memory_space<vmem>>
      %dma_wait3A_447 = arith.constant 0 : i32
      %dma_wait3A_448 = arith.constant 0 : i32
      %dma_wait3A_449 = tpu.memref_slice %arg8[%dma_wait3A_447, %dma_wait3A_448] : memref<10000x16xf32, #tpu.memory_space<vmem_shared>> -> memref<10000x16xf32, #tpu.memory_space<vmem_shared>>
      tpu.wait_indirect_dma semaphore(%arg10 : memref<!tpu.dma_semaphore, #tpu.memory_space<semaphore_mem>>) src(%dma_wait3A_449 : memref<10000x16xf32, #tpu.memory_space<vmem_shared>>) dst(%dma_wait3A_443 : memref<128x16xf32, #tpu.memory_space<vmem>>)
      %dma_wait3A_450 = arith.constant 640 : i32
      %dma_wait3A_451 = arith.constant 0 : i32
      %dma_wait3A_452 = tpu.memref_slice %arg7[%dma_wait3A_450, %dma_wait3A_451] : memref<1280x16xf32, #tpu.memory_space<vmem>> -> memref<128x16xf32, #tpu.memory_space<vmem>>
      %dma_wait3A_453 = arith.constant 0 : i32
      %dma_wait3A_454 = tpu.memref_slice %arg5[%add3A_343, %dma_wait3A_453] : memref<80x128xi32, #tpu.memory_space<vmem>> -> memref<1x128xi32, #tpu.memory_space<vmem>>
      %dma_wait3A_455 = tpu.memref_squeeze %dma_wait3A_454 : memref<1x128xi32, #tpu.memory_space<vmem>> -> memref<128xi32, #tpu.memory_space<vmem>>
      %dma_wait3A_456 = arith.constant 0 : i32
      %dma_wait3A_457 = arith.constant 0 : i32
      %dma_wait3A_458 = tpu.memref_slice %arg8[%dma_wait3A_456, %dma_wait3A_457] : memref<10000x16xf32, #tpu.memory_space<vmem_shared>> -> memref<10000x16xf32, #tpu.memory_space<vmem_shared>>
      tpu.wait_indirect_dma semaphore(%arg10 : memref<!tpu.dma_semaphore, #tpu.memory_space<semaphore_mem>>) src(%dma_wait3A_458 : memref<10000x16xf32, #tpu.memory_space<vmem_shared>>) dst(%dma_wait3A_452 : memref<128x16xf32, #tpu.memory_space<vmem>>)
      %dma_wait3A_459 = arith.constant 768 : i32
      %dma_wait3A_460 = arith.constant 0 : i32
      %dma_wait3A_461 = tpu.memref_slice %arg7[%dma_wait3A_459, %dma_wait3A_460] : memref<1280x16xf32, #tpu.memory_space<vmem>> -> memref<128x16xf32, #tpu.memory_space<vmem>>
      %dma_wait3A_462 = arith.constant 0 : i32
      %dma_wait3A_463 = tpu.memref_slice %arg5[%add3A_356, %dma_wait3A_462] : memref<80x128xi32, #tpu.memory_space<vmem>> -> memref<1x128xi32, #tpu.memory_space<vmem>>
      %dma_wait3A_464 = tpu.memref_squeeze %dma_wait3A_463 : memref<1x128xi32, #tpu.memory_space<vmem>> -> memref<128xi32, #tpu.memory_space<vmem>>
      %dma_wait3A_465 = arith.constant 0 : i32
      %dma_wait3A_466 = arith.constant 0 : i32
      %dma_wait3A_467 = tpu.memref_slice %arg8[%dma_wait3A_465, %dma_wait3A_466] : memref<10000x16xf32, #tpu.memory_space<vmem_shared>> -> memref<10000x16xf32, #tpu.memory_space<vmem_shared>>
      tpu.wait_indirect_dma semaphore(%arg10 : memref<!tpu.dma_semaphore, #tpu.memory_space<semaphore_mem>>) src(%dma_wait3A_467 : memref<10000x16xf32, #tpu.memory_space<vmem_shared>>) dst(%dma_wait3A_461 : memref<128x16xf32, #tpu.memory_space<vmem>>)
      %dma_wait3A_468 = arith.constant 896 : i32
      %dma_wait3A_469 = arith.constant 0 : i32
      %dma_wait3A_470 = tpu.memref_slice %arg7[%dma_wait3A_468, %dma_wait3A_469] : memref<1280x16xf32, #tpu.memory_space<vmem>> -> memref<128x16xf32, #tpu.memory_space<vmem>>
      %dma_wait3A_471 = arith.constant 0 : i32
      %dma_wait3A_472 = tpu.memref_slice %arg5[%add3A_369, %dma_wait3A_471] : memref<80x128xi32, #tpu.memory_space<vmem>> -> memref<1x128xi32, #tpu.memory_space<vmem>>
      %dma_wait3A_473 = tpu.memref_squeeze %dma_wait3A_472 : memref<1x128xi32, #tpu.memory_space<vmem>> -> memref<128xi32, #tpu.memory_space<vmem>>
      %dma_wait3A_474 = arith.constant 0 : i32
      %dma_wait3A_475 = arith.constant 0 : i32
      %dma_wait3A_476 = tpu.memref_slice %arg8[%dma_wait3A_474, %dma_wait3A_475] : memref<10000x16xf32, #tpu.memory_space<vmem_shared>> -> memref<10000x16xf32, #tpu.memory_space<vmem_shared>>
      tpu.wait_indirect_dma semaphore(%arg10 : memref<!tpu.dma_semaphore, #tpu.memory_space<semaphore_mem>>) src(%dma_wait3A_476 : memref<10000x16xf32, #tpu.memory_space<vmem_shared>>) dst(%dma_wait3A_470 : memref<128x16xf32, #tpu.memory_space<vmem>>)
      %dma_wait3A_477 = arith.constant 1024 : i32
      %dma_wait3A_478 = arith.constant 0 : i32
      %dma_wait3A_479 = tpu.memref_slice %arg7[%dma_wait3A_477, %dma_wait3A_478] : memref<1280x16xf32, #tpu.memory_space<vmem>> -> memref<128x16xf32, #tpu.memory_space<vmem>>
      %dma_wait3A_480 = arith.constant 0 : i32
      %dma_wait3A_481 = tpu.memref_slice %arg5[%add3A_382, %dma_wait3A_480] : memref<80x128xi32, #tpu.memory_space<vmem>> -> memref<1x128xi32, #tpu.memory_space<vmem>>
      %dma_wait3A_482 = tpu.memref_squeeze %dma_wait3A_481 : memref<1x128xi32, #tpu.memory_space<vmem>> -> memref<128xi32, #tpu.memory_space<vmem>>
      %dma_wait3A_483 = arith.constant 0 : i32
      %dma_wait3A_484 = arith.constant 0 : i32
      %dma_wait3A_485 = tpu.memref_slice %arg8[%dma_wait3A_483, %dma_wait3A_484] : memref<10000x16xf32, #tpu.memory_space<vmem_shared>> -> memref<10000x16xf32, #tpu.memory_space<vmem_shared>>
      tpu.wait_indirect_dma semaphore(%arg10 : memref<!tpu.dma_semaphore, #tpu.memory_space<semaphore_mem>>) src(%dma_wait3A_485 : memref<10000x16xf32, #tpu.memory_space<vmem_shared>>) dst(%dma_wait3A_479 : memref<128x16xf32, #tpu.memory_space<vmem>>)
      %dma_wait3A_486 = arith.constant 1152 : i32
      %dma_wait3A_487 = arith.constant 0 : i32
      %dma_wait3A_488 = tpu.memref_slice %arg7[%dma_wait3A_486, %dma_wait3A_487] : memref<1280x16xf32, #tpu.memory_space<vmem>> -> memref<128x16xf32, #tpu.memory_space<vmem>>
      %dma_wait3A_489 = arith.constant 0 : i32
      %dma_wait3A_490 = tpu.memref_slice %arg5[%add3A_395, %dma_wait3A_489] : memref<80x128xi32, #tpu.memory_space<vmem>> -> memref<1x128xi32, #tpu.memory_space<vmem>>
      %dma_wait3A_491 = tpu.memref_squeeze %dma_wait3A_490 : memref<1x128xi32, #tpu.memory_space<vmem>> -> memref<128xi32, #tpu.memory_space<vmem>>
      %dma_wait3A_492 = arith.constant 0 : i32
      %dma_wait3A_493 = arith.constant 0 : i32
      %dma_wait3A_494 = tpu.memref_slice %arg8[%dma_wait3A_492, %dma_wait3A_493] : memref<10000x16xf32, #tpu.memory_space<vmem_shared>> -> memref<10000x16xf32, #tpu.memory_space<vmem_shared>>
      tpu.wait_indirect_dma semaphore(%arg10 : memref<!tpu.dma_semaphore, #tpu.memory_space<semaphore_mem>>) src(%dma_wait3A_494 : memref<10000x16xf32, #tpu.memory_space<vmem_shared>>) dst(%dma_wait3A_488 : memref<128x16xf32, #tpu.memory_space<vmem>>)
      %mul3A_495 = arith.constant 10240 : i32
      %mul3A_496 = arith.muli %add3A, %mul3A_495 : i32
      %mul3A_497 = arith.constant 1280 : i32
      %mul3A_498 = arith.muli %add3A_269, %mul3A_497 : i32
      %add3A_499 = arith.addi %mul3A_496, %mul3A_498 : i32
      %dma_start3A_500 = arith.constant 0 : i32
      %dma_start3A_501 = tpu.memref_slice %arg4[%add3A_499, %dma_start3A_500] : memref<327680x16xf32, #tpu.memory_space<hbm>> -> memref<1280x16xf32, #tpu.memory_space<hbm>>
      %dma_start3A_502 = arith.constant 0 : i32
      %dma_start3A_503 = tpu.memref_slice %arg4[%add3A_499, %dma_start3A_502] : memref<327680x16xf32, #tpu.memory_space<hbm>> -> memref<1280x16xf32, #tpu.memory_space<hbm>>
      tpu.enqueue_dma source(%arg7 : memref<1280x16xf32, #tpu.memory_space<vmem>>) target(%dma_start3A_503 : memref<1280x16xf32, #tpu.memory_space<hbm>>) target_semaphore(%arg12 : memref<!tpu.dma_semaphore, #tpu.memory_space<semaphore_mem>>)
    }
    %scan3A_15 = arith.constant 4 : i32
    %dma_wait3A_16 = arith.constant 0 : i32
    %dma_wait3A_17 = arith.constant 0 : i32
    %dma_wait3A_18 = tpu.memref_slice %arg4[%dma_wait3A_16, %dma_wait3A_17] : memref<327680x16xf32, #tpu.memory_space<hbm>> -> memref<1280x16xf32, #tpu.memory_space<hbm>>
    %dma_wait3A_19 = arith.constant 0 : i32
    %dma_wait3A_20 = arith.constant 0 : i32
    %dma_wait3A_21 = tpu.memref_slice %arg4[%dma_wait3A_19, %dma_wait3A_20] : memref<327680x16xf32, #tpu.memory_space<hbm>> -> memref<1280x16xf32, #tpu.memory_space<hbm>>
    tpu.wait_dma2 semaphore(%arg11 : memref<!tpu.dma_semaphore, #tpu.memory_space<semaphore_mem>>) src(%arg6 : memref<1280x16xf32, #tpu.memory_space<vmem>>) dst(%dma_wait3A_21 : memref<1280x16xf32, #tpu.memory_space<hbm>>)
    %dma_wait3A_22 = arith.constant 0 : i32
    %dma_wait3A_23 = arith.constant 0 : i32
    %dma_wait3A_24 = tpu.memref_slice %arg4[%dma_wait3A_22, %dma_wait3A_23] : memref<327680x16xf32, #tpu.memory_space<hbm>> -> memref<1280x16xf32, #tpu.memory_space<hbm>>
    %dma_wait3A_25 = arith.constant 0 : i32
    %dma_wait3A_26 = arith.constant 0 : i32
    %dma_wait3A_27 = tpu.memref_slice %arg4[%dma_wait3A_25, %dma_wait3A_26] : memref<327680x16xf32, #tpu.memory_space<hbm>> -> memref<1280x16xf32, #tpu.memory_space<hbm>>
    tpu.wait_dma2 semaphore(%arg12 : memref<!tpu.dma_semaphore, #tpu.memory_space<semaphore_mem>>) src(%arg7 : memref<1280x16xf32, #tpu.memory_space<vmem>>) dst(%dma_wait3A_27 : memref<1280x16xf32, #tpu.memory_space<hbm>>)
    return
  }
}

#map = affine_map<(d0, d1) -> (0, 0)>
module attributes {stable_mosaic.version = 14 : i64} {
  func.func @_sc_scatter(%arg0: i32, %arg1: i32, %arg2: memref<327680x16xf32, #tpu.memory_space<hbm>>, %arg3: memref<2560x128xi32, #tpu.memory_space<hbm>>, %arg4: memref<20224x16xf32, #tpu.memory_space<hbm>>, %arg5: memref<80x128xi32, #tpu.memory_space<vmem>>, %arg6: memref<1280x16xf32, #tpu.memory_space<vmem>>, %arg7: memref<1280x16xf32, #tpu.memory_space<vmem>>, %arg8: memref<632x16xf32, #tpu.memory_space<vmem>>, %arg9: memref<10112x16xf32, #tpu.memory_space<vmem_shared>>, %arg10: memref<!tpu.dma_semaphore, #tpu.memory_space<semaphore_mem>>, %arg11: memref<!tpu.dma_semaphore, #tpu.memory_space<semaphore_mem>>, %arg12: memref<!tpu.dma_semaphore, #tpu.memory_space<semaphore_mem>>) attributes {dimension_semantics = [#tpu.dimension_semantics<core_parallel>, #tpu.dimension_semantics<subcore_parallel>], iteration_bounds = array<i64: 2, 16>, scalar_prefetch = 0 : i64, scratch_operands = 8 : i64, tpu.core_type = #tpu.core_type<sc_vector_subcore>, window_params = [{transform_indices = #map}, {transform_indices = #map}, {transform_indices = #map}]} {
    %mul3A = arith.constant 2 : i32
    %mul3A_0 = arith.muli %arg1, %mul3A : i32
    %add3A = arith.addi %mul3A_0, %arg0 : i32
    %mul3A_1 = arith.constant 80 : i32
    %mul3A_2 = arith.muli %add3A, %mul3A_1 : i32
    %dma_start3A = arith.constant 0 : i32
    %dma_start3A_3 = tpu.memref_slice %arg3[%mul3A_2, %dma_start3A] : memref<2560x128xi32, #tpu.memory_space<hbm>> -> memref<80x128xi32, #tpu.memory_space<hbm>>
    %dma_start3A_4 = arith.constant 0 : i32
    %dma_start3A_5 = tpu.memref_slice %arg3[%mul3A_2, %dma_start3A_4] : memref<2560x128xi32, #tpu.memory_space<hbm>> -> memref<80x128xi32, #tpu.memory_space<hbm>>
    tpu.enqueue_dma source(%dma_start3A_5 : memref<80x128xi32, #tpu.memory_space<hbm>>) target(%arg5 : memref<80x128xi32, #tpu.memory_space<vmem>>) target_semaphore(%arg12 : memref<!tpu.dma_semaphore, #tpu.memory_space<semaphore_mem>>)
    %scan3A = arith.constant 0 : i32
    %scan3A_6 = arith.constant 0 : i32
    %scan3A_7 = arith.constant 632 : i32
    %scan3A_8 = arith.addi %scan3A_6, %scan3A_7 : i32
    %scan3A_9 = arith.constant 1 : i32
    scf.for %scan3A_36 = %scan3A_6 to %scan3A_8 step %scan3A_9  : i32 {
      %broadcast_in_dim3A = arith.constant 0.000000e+00 : f32
      %broadcast_in_dim3A_37 = vector.broadcast %broadcast_in_dim3A : f32 to vector<16xf32>
      %swap3A = arith.index_cast %scan3A_36 : i32 to index
      %swap3A_38 = arith.constant 0 : index
      %swap3A_39 = tpu.vector_load %arg8[%swap3A, %swap3A_38] {strides = array<i32>} : memref<632x16xf32, #tpu.memory_space<vmem>>, vector<1x16xf32>,
      %swap3A_40 = vector.shape_cast %swap3A_39 : vector<1x16xf32> to vector<16xf32>
      %swap3A_41 = vector.shape_cast %broadcast_in_dim3A_37 : vector<16xf32> to vector<1x16xf32>
      tpu.vector_store %arg8[%swap3A, %swap3A_38], %swap3A_41 {strides = array<i32>} : memref<632x16xf32, #tpu.memory_space<vmem>>, vector<1x16xf32>,
    }
    %scan3A_10 = arith.constant 632 : i32
    %mul3A_11 = arith.constant 632 : i32
    %mul3A_12 = arith.muli %arg1, %mul3A_11 : i32
    "tpu.region"() ({
      %run_scoped3A = tpu.sem_alloc : memref<!tpu.dma_semaphore, #tpu.memory_space<semaphore_mem>>
      %dma_start3A_36 = arith.constant 0 : i32
      %dma_start3A_37 = tpu.memref_slice %arg9[%mul3A_12, %dma_start3A_36] : memref<10112x16xf32, #tpu.memory_space<vmem_shared>> -> memref<632x16xf32, #tpu.memory_space<vmem_shared>>
      %dma_start3A_38 = arith.constant 0 : i32
      %dma_start3A_39 = tpu.memref_slice %arg9[%mul3A_12, %dma_start3A_38] : memref<10112x16xf32, #tpu.memory_space<vmem_shared>> -> memref<632x16xf32, #tpu.memory_space<vmem_shared>>
      tpu.enqueue_dma source(%arg8 : memref<632x16xf32, #tpu.memory_space<vmem>>) target(%dma_start3A_39 : memref<632x16xf32, #tpu.memory_space<vmem_shared>>) target_semaphore(%run_scoped3A : memref<!tpu.dma_semaphore, #tpu.memory_space<semaphore_mem>>)
      %dma_wait3A_40 = arith.constant 0 : i32
      %dma_wait3A_41 = tpu.memref_slice %arg9[%mul3A_12, %dma_wait3A_40] : memref<10112x16xf32, #tpu.memory_space<vmem_shared>> -> memref<632x16xf32, #tpu.memory_space<vmem_shared>>
      %dma_wait3A_42 = arith.constant 0 : i32
      %dma_wait3A_43 = tpu.memref_slice %arg9[%mul3A_12, %dma_wait3A_42] : memref<10112x16xf32, #tpu.memory_space<vmem_shared>> -> memref<632x16xf32, #tpu.memory_space<vmem_shared>>
      tpu.wait_dma2 semaphore(%run_scoped3A : memref<!tpu.dma_semaphore, #tpu.memory_space<semaphore_mem>>) src(%arg8 : memref<632x16xf32, #tpu.memory_space<vmem>>) dst(%dma_wait3A_43 : memref<632x16xf32, #tpu.memory_space<vmem_shared>>)
      tpu.yield
    }) : () -> ()
    %dma_wait3A = arith.constant 0 : i32
    %dma_wait3A_13 = tpu.memref_slice %arg3[%mul3A_2, %dma_wait3A] : memref<2560x128xi32, #tpu.memory_space<hbm>> -> memref<80x128xi32, #tpu.memory_space<hbm>>
    %dma_wait3A_14 = arith.constant 0 : i32
    %dma_wait3A_15 = tpu.memref_slice %arg3[%mul3A_2, %dma_wait3A_14] : memref<2560x128xi32, #tpu.memory_space<hbm>> -> memref<80x128xi32, #tpu.memory_space<hbm>>
    tpu.wait_dma2 semaphore(%arg12 : memref<!tpu.dma_semaphore, #tpu.memory_space<semaphore_mem>>) src(%dma_wait3A_15 : memref<80x128xi32, #tpu.memory_space<hbm>>) dst(%arg5 : memref<80x128xi32, #tpu.memory_space<vmem>>)
    %barrier3A = arith.constant 0 : index
    tpu.barrier barrier_id(%barrier3A)
    %mul3A_16 = arith.constant 10240 : i32
    %mul3A_17 = arith.muli %add3A, %mul3A_16 : i32
    %dma_start3A_18 = arith.constant 0 : i32
    %dma_start3A_19 = tpu.memref_slice %arg2[%mul3A_17, %dma_start3A_18] : memref<327680x16xf32, #tpu.memory_space<hbm>> -> memref<1280x16xf32, #tpu.memory_space<hbm>>
    %dma_start3A_20 = arith.constant 0 : i32
    %dma_start3A_21 = tpu.memref_slice %arg2[%mul3A_17, %dma_start3A_20] : memref<327680x16xf32, #tpu.memory_space<hbm>> -> memref<1280x16xf32, #tpu.memory_space<hbm>>
    tpu.enqueue_dma source(%dma_start3A_21 : memref<1280x16xf32, #tpu.memory_space<hbm>>) target(%arg6 : memref<1280x16xf32, #tpu.memory_space<vmem>>) target_semaphore(%arg10 : memref<!tpu.dma_semaphore, #tpu.memory_space<semaphore_mem>>)
    %scan3A_22 = arith.constant 0 : i32
    %scan3A_23 = arith.constant 0 : i32
    %scan3A_24 = arith.constant 4 : i32
    %scan3A_25 = arith.addi %scan3A_23, %scan3A_24 : i32
    %scan3A_26 = arith.constant 1 : i32
    scf.for %scan3A_36 = %scan3A_23 to %scan3A_25 step %scan3A_26  : i32 {
      %mul3A_37 = arith.constant 2 : i32
      %mul3A_38 = arith.muli %scan3A_36, %mul3A_37 : i32
      %dma_wait3A_39 = arith.constant 0 : i32
      %dma_wait3A_40 = arith.constant 0 : i32
      %dma_wait3A_41 = tpu.memref_slice %arg2[%dma_wait3A_39, %dma_wait3A_40] : memref<327680x16xf32, #tpu.memory_space<hbm>> -> memref<1280x16xf32, #tpu.memory_space<hbm>>
      %dma_wait3A_42 = arith.constant 0 : i32
      %dma_wait3A_43 = arith.constant 0 : i32
      %dma_wait3A_44 = tpu.memref_slice %arg2[%dma_wait3A_42, %dma_wait3A_43] : memref<327680x16xf32, #tpu.memory_space<hbm>> -> memref<1280x16xf32, #tpu.memory_space<hbm>>
      tpu.wait_dma2 semaphore(%arg10 : memref<!tpu.dma_semaphore, #tpu.memory_space<semaphore_mem>>) src(%dma_wait3A_44 : memref<1280x16xf32, #tpu.memory_space<hbm>>) dst(%arg6 : memref<1280x16xf32, #tpu.memory_space<vmem>>)
      %mul3A_45 = arith.constant 10240 : i32
      %mul3A_46 = arith.muli %add3A, %mul3A_45 : i32
      %add3A_47 = arith.constant 1 : i32
      %add3A_48 = arith.addi %mul3A_38, %add3A_47 : i32
      %mul3A_49 = arith.constant 1280 : i32
      %mul3A_50 = arith.muli %add3A_48, %mul3A_49 : i32
      %add3A_51 = arith.addi %mul3A_46, %mul3A_50 : i32
      %dma_start3A_52 = arith.constant 0 : i32
      %dma_start3A_53 = tpu.memref_slice %arg2[%add3A_51, %dma_start3A_52] : memref<327680x16xf32, #tpu.memory_space<hbm>> -> memref<1280x16xf32, #tpu.memory_space<hbm>>
      %dma_start3A_54 = arith.constant 0 : i32
      %dma_start3A_55 = tpu.memref_slice %arg2[%add3A_51, %dma_start3A_54] : memref<327680x16xf32, #tpu.memory_space<hbm>> -> memref<1280x16xf32, #tpu.memory_space<hbm>>
      tpu.enqueue_dma source(%dma_start3A_55 : memref<1280x16xf32, #tpu.memory_space<hbm>>) target(%arg7 : memref<1280x16xf32, #tpu.memory_space<vmem>>) target_semaphore(%arg11 : memref<!tpu.dma_semaphore, #tpu.memory_space<semaphore_mem>>)
      %mul3A_56 = arith.constant 10 : i32
      %mul3A_57 = arith.muli %mul3A_38, %mul3A_56 : i32
      %add3A_58 = arith.constant 0 : i32
      %add3A_59 = arith.addi %mul3A_57, %add3A_58 : i32
      %dma_start3A_60 = arith.constant 0 : i32
      %dma_start3A_61 = arith.constant 0 : i32
      %dma_start3A_62 = tpu.memref_slice %arg6[%dma_start3A_60, %dma_start3A_61] : memref<1280x16xf32, #tpu.memory_space<vmem>> -> memref<128x16xf32, #tpu.memory_space<vmem>>
      %dma_start3A_63 = arith.constant 0 : i32
      %dma_start3A_64 = tpu.memref_slice %arg5[%add3A_59, %dma_start3A_63] : memref<80x128xi32, #tpu.memory_space<vmem>> -> memref<1x128xi32, #tpu.memory_space<vmem>>
      %dma_start3A_65 = tpu.memref_squeeze %dma_start3A_64 : memref<1x128xi32, #tpu.memory_space<vmem>> -> memref<128xi32, #tpu.memory_space<vmem>>
      %dma_start3A_66 = arith.constant 0 : i32
      %dma_start3A_67 = arith.constant 0 : i32
      %dma_start3A_68 = tpu.memref_slice %arg9[%dma_start3A_66, %dma_start3A_67] : memref<10112x16xf32, #tpu.memory_space<vmem_shared>> -> memref<10112x16xf32, #tpu.memory_space<vmem_shared>>
      tpu.enqueue_indirect_dma source(%dma_start3A_62 : memref<128x16xf32, #tpu.memory_space<vmem>>) target(%dma_start3A_68 : memref<10112x16xf32, #tpu.memory_space<vmem_shared>>) offsets(%dma_start3A_65 : memref<128xi32, #tpu.memory_space<vmem>>) semaphore(%arg12 : memref<!tpu.dma_semaphore, #tpu.memory_space<semaphore_mem>>) {add = true}
      %mul3A_69 = arith.constant 10 : i32
      %mul3A_70 = arith.muli %mul3A_38, %mul3A_69 : i32
      %add3A_71 = arith.constant 1 : i32
      %add3A_72 = arith.addi %mul3A_70, %add3A_71 : i32
      %dma_start3A_73 = arith.constant 128 : i32
      %dma_start3A_74 = arith.constant 0 : i32
      %dma_start3A_75 = tpu.memref_slice %arg6[%dma_start3A_73, %dma_start3A_74] : memref<1280x16xf32, #tpu.memory_space<vmem>> -> memref<128x16xf32, #tpu.memory_space<vmem>>
      %dma_start3A_76 = arith.constant 0 : i32
      %dma_start3A_77 = tpu.memref_slice %arg5[%add3A_72, %dma_start3A_76] : memref<80x128xi32, #tpu.memory_space<vmem>> -> memref<1x128xi32, #tpu.memory_space<vmem>>
      %dma_start3A_78 = tpu.memref_squeeze %dma_start3A_77 : memref<1x128xi32, #tpu.memory_space<vmem>> -> memref<128xi32, #tpu.memory_space<vmem>>
      %dma_start3A_79 = arith.constant 0 : i32
      %dma_start3A_80 = arith.constant 0 : i32
      %dma_start3A_81 = tpu.memref_slice %arg9[%dma_start3A_79, %dma_start3A_80] : memref<10112x16xf32, #tpu.memory_space<vmem_shared>> -> memref<10112x16xf32, #tpu.memory_space<vmem_shared>>
      tpu.enqueue_indirect_dma source(%dma_start3A_75 : memref<128x16xf32, #tpu.memory_space<vmem>>) target(%dma_start3A_81 : memref<10112x16xf32, #tpu.memory_space<vmem_shared>>) offsets(%dma_start3A_78 : memref<128xi32, #tpu.memory_space<vmem>>) semaphore(%arg12 : memref<!tpu.dma_semaphore, #tpu.memory_space<semaphore_mem>>) {add = true}
      %mul3A_82 = arith.constant 10 : i32
      %mul3A_83 = arith.muli %mul3A_38, %mul3A_82 : i32
      %add3A_84 = arith.constant 2 : i32
      %add3A_85 = arith.addi %mul3A_83, %add3A_84 : i32
      %dma_start3A_86 = arith.constant 256 : i32
      %dma_start3A_87 = arith.constant 0 : i32
      %dma_start3A_88 = tpu.memref_slice %arg6[%dma_start3A_86, %dma_start3A_87] : memref<1280x16xf32, #tpu.memory_space<vmem>> -> memref<128x16xf32, #tpu.memory_space<vmem>>
      %dma_start3A_89 = arith.constant 0 : i32
      %dma_start3A_90 = tpu.memref_slice %arg5[%add3A_85, %dma_start3A_89] : memref<80x128xi32, #tpu.memory_space<vmem>> -> memref<1x128xi32, #tpu.memory_space<vmem>>
      %dma_start3A_91 = tpu.memref_squeeze %dma_start3A_90 : memref<1x128xi32, #tpu.memory_space<vmem>> -> memref<128xi32, #tpu.memory_space<vmem>>
      %dma_start3A_92 = arith.constant 0 : i32
      %dma_start3A_93 = arith.constant 0 : i32
      %dma_start3A_94 = tpu.memref_slice %arg9[%dma_start3A_92, %dma_start3A_93] : memref<10112x16xf32, #tpu.memory_space<vmem_shared>> -> memref<10112x16xf32, #tpu.memory_space<vmem_shared>>
      tpu.enqueue_indirect_dma source(%dma_start3A_88 : memref<128x16xf32, #tpu.memory_space<vmem>>) target(%dma_start3A_94 : memref<10112x16xf32, #tpu.memory_space<vmem_shared>>) offsets(%dma_start3A_91 : memref<128xi32, #tpu.memory_space<vmem>>) semaphore(%arg12 : memref<!tpu.dma_semaphore, #tpu.memory_space<semaphore_mem>>) {add = true}
      %mul3A_95 = arith.constant 10 : i32
      %mul3A_96 = arith.muli %mul3A_38, %mul3A_95 : i32
      %add3A_97 = arith.constant 3 : i32
      %add3A_98 = arith.addi %mul3A_96, %add3A_97 : i32
      %dma_start3A_99 = arith.constant 384 : i32
      %dma_start3A_100 = arith.constant 0 : i32
      %dma_start3A_101 = tpu.memref_slice %arg6[%dma_start3A_99, %dma_start3A_100] : memref<1280x16xf32, #tpu.memory_space<vmem>> -> memref<128x16xf32, #tpu.memory_space<vmem>>
      %dma_start3A_102 = arith.constant 0 : i32
      %dma_start3A_103 = tpu.memref_slice %arg5[%add3A_98, %dma_start3A_102] : memref<80x128xi32, #tpu.memory_space<vmem>> -> memref<1x128xi32, #tpu.memory_space<vmem>>
      %dma_start3A_104 = tpu.memref_squeeze %dma_start3A_103 : memref<1x128xi32, #tpu.memory_space<vmem>> -> memref<128xi32, #tpu.memory_space<vmem>>
      %dma_start3A_105 = arith.constant 0 : i32
      %dma_start3A_106 = arith.constant 0 : i32
      %dma_start3A_107 = tpu.memref_slice %arg9[%dma_start3A_105, %dma_start3A_106] : memref<10112x16xf32, #tpu.memory_space<vmem_shared>> -> memref<10112x16xf32, #tpu.memory_space<vmem_shared>>
      tpu.enqueue_indirect_dma source(%dma_start3A_101 : memref<128x16xf32, #tpu.memory_space<vmem>>) target(%dma_start3A_107 : memref<10112x16xf32, #tpu.memory_space<vmem_shared>>) offsets(%dma_start3A_104 : memref<128xi32, #tpu.memory_space<vmem>>) semaphore(%arg12 : memref<!tpu.dma_semaphore, #tpu.memory_space<semaphore_mem>>) {add = true}
      %mul3A_108 = arith.constant 10 : i32
      %mul3A_109 = arith.muli %mul3A_38, %mul3A_108 : i32
      %add3A_110 = arith.constant 4 : i32
      %add3A_111 = arith.addi %mul3A_109, %add3A_110 : i32
      %dma_start3A_112 = arith.constant 512 : i32
      %dma_start3A_113 = arith.constant 0 : i32
      %dma_start3A_114 = tpu.memref_slice %arg6[%dma_start3A_112, %dma_start3A_113] : memref<1280x16xf32, #tpu.memory_space<vmem>> -> memref<128x16xf32, #tpu.memory_space<vmem>>
      %dma_start3A_115 = arith.constant 0 : i32
      %dma_start3A_116 = tpu.memref_slice %arg5[%add3A_111, %dma_start3A_115] : memref<80x128xi32, #tpu.memory_space<vmem>> -> memref<1x128xi32, #tpu.memory_space<vmem>>
      %dma_start3A_117 = tpu.memref_squeeze %dma_start3A_116 : memref<1x128xi32, #tpu.memory_space<vmem>> -> memref<128xi32, #tpu.memory_space<vmem>>
      %dma_start3A_118 = arith.constant 0 : i32
      %dma_start3A_119 = arith.constant 0 : i32
      %dma_start3A_120 = tpu.memref_slice %arg9[%dma_start3A_118, %dma_start3A_119] : memref<10112x16xf32, #tpu.memory_space<vmem_shared>> -> memref<10112x16xf32, #tpu.memory_space<vmem_shared>>
      tpu.enqueue_indirect_dma source(%dma_start3A_114 : memref<128x16xf32, #tpu.memory_space<vmem>>) target(%dma_start3A_120 : memref<10112x16xf32, #tpu.memory_space<vmem_shared>>) offsets(%dma_start3A_117 : memref<128xi32, #tpu.memory_space<vmem>>) semaphore(%arg12 : memref<!tpu.dma_semaphore, #tpu.memory_space<semaphore_mem>>) {add = true}
      %mul3A_121 = arith.constant 10 : i32
      %mul3A_122 = arith.muli %mul3A_38, %mul3A_121 : i32
      %add3A_123 = arith.constant 5 : i32
      %add3A_124 = arith.addi %mul3A_122, %add3A_123 : i32
      %dma_start3A_125 = arith.constant 640 : i32
      %dma_start3A_126 = arith.constant 0 : i32
      %dma_start3A_127 = tpu.memref_slice %arg6[%dma_start3A_125, %dma_start3A_126] : memref<1280x16xf32, #tpu.memory_space<vmem>> -> memref<128x16xf32, #tpu.memory_space<vmem>>
      %dma_start3A_128 = arith.constant 0 : i32
      %dma_start3A_129 = tpu.memref_slice %arg5[%add3A_124, %dma_start3A_128] : memref<80x128xi32, #tpu.memory_space<vmem>> -> memref<1x128xi32, #tpu.memory_space<vmem>>
      %dma_start3A_130 = tpu.memref_squeeze %dma_start3A_129 : memref<1x128xi32, #tpu.memory_space<vmem>> -> memref<128xi32, #tpu.memory_space<vmem>>
      %dma_start3A_131 = arith.constant 0 : i32
      %dma_start3A_132 = arith.constant 0 : i32
      %dma_start3A_133 = tpu.memref_slice %arg9[%dma_start3A_131, %dma_start3A_132] : memref<10112x16xf32, #tpu.memory_space<vmem_shared>> -> memref<10112x16xf32, #tpu.memory_space<vmem_shared>>
      tpu.enqueue_indirect_dma source(%dma_start3A_127 : memref<128x16xf32, #tpu.memory_space<vmem>>) target(%dma_start3A_133 : memref<10112x16xf32, #tpu.memory_space<vmem_shared>>) offsets(%dma_start3A_130 : memref<128xi32, #tpu.memory_space<vmem>>) semaphore(%arg12 : memref<!tpu.dma_semaphore, #tpu.memory_space<semaphore_mem>>) {add = true}
      %mul3A_134 = arith.constant 10 : i32
      %mul3A_135 = arith.muli %mul3A_38, %mul3A_134 : i32
      %add3A_136 = arith.constant 6 : i32
      %add3A_137 = arith.addi %mul3A_135, %add3A_136 : i32
      %dma_start3A_138 = arith.constant 768 : i32
      %dma_start3A_139 = arith.constant 0 : i32
      %dma_start3A_140 = tpu.memref_slice %arg6[%dma_start3A_138, %dma_start3A_139] : memref<1280x16xf32, #tpu.memory_space<vmem>> -> memref<128x16xf32, #tpu.memory_space<vmem>>
      %dma_start3A_141 = arith.constant 0 : i32
      %dma_start3A_142 = tpu.memref_slice %arg5[%add3A_137, %dma_start3A_141] : memref<80x128xi32, #tpu.memory_space<vmem>> -> memref<1x128xi32, #tpu.memory_space<vmem>>
      %dma_start3A_143 = tpu.memref_squeeze %dma_start3A_142 : memref<1x128xi32, #tpu.memory_space<vmem>> -> memref<128xi32, #tpu.memory_space<vmem>>
      %dma_start3A_144 = arith.constant 0 : i32
      %dma_start3A_145 = arith.constant 0 : i32
      %dma_start3A_146 = tpu.memref_slice %arg9[%dma_start3A_144, %dma_start3A_145] : memref<10112x16xf32, #tpu.memory_space<vmem_shared>> -> memref<10112x16xf32, #tpu.memory_space<vmem_shared>>
      tpu.enqueue_indirect_dma source(%dma_start3A_140 : memref<128x16xf32, #tpu.memory_space<vmem>>) target(%dma_start3A_146 : memref<10112x16xf32, #tpu.memory_space<vmem_shared>>) offsets(%dma_start3A_143 : memref<128xi32, #tpu.memory_space<vmem>>) semaphore(%arg12 : memref<!tpu.dma_semaphore, #tpu.memory_space<semaphore_mem>>) {add = true}
      %mul3A_147 = arith.constant 10 : i32
      %mul3A_148 = arith.muli %mul3A_38, %mul3A_147 : i32
      %add3A_149 = arith.constant 7 : i32
      %add3A_150 = arith.addi %mul3A_148, %add3A_149 : i32
      %dma_start3A_151 = arith.constant 896 : i32
      %dma_start3A_152 = arith.constant 0 : i32
      %dma_start3A_153 = tpu.memref_slice %arg6[%dma_start3A_151, %dma_start3A_152] : memref<1280x16xf32, #tpu.memory_space<vmem>> -> memref<128x16xf32, #tpu.memory_space<vmem>>
      %dma_start3A_154 = arith.constant 0 : i32
      %dma_start3A_155 = tpu.memref_slice %arg5[%add3A_150, %dma_start3A_154] : memref<80x128xi32, #tpu.memory_space<vmem>> -> memref<1x128xi32, #tpu.memory_space<vmem>>
      %dma_start3A_156 = tpu.memref_squeeze %dma_start3A_155 : memref<1x128xi32, #tpu.memory_space<vmem>> -> memref<128xi32, #tpu.memory_space<vmem>>
      %dma_start3A_157 = arith.constant 0 : i32
      %dma_start3A_158 = arith.constant 0 : i32
      %dma_start3A_159 = tpu.memref_slice %arg9[%dma_start3A_157, %dma_start3A_158] : memref<10112x16xf32, #tpu.memory_space<vmem_shared>> -> memref<10112x16xf32, #tpu.memory_space<vmem_shared>>
      tpu.enqueue_indirect_dma source(%dma_start3A_153 : memref<128x16xf32, #tpu.memory_space<vmem>>) target(%dma_start3A_159 : memref<10112x16xf32, #tpu.memory_space<vmem_shared>>) offsets(%dma_start3A_156 : memref<128xi32, #tpu.memory_space<vmem>>) semaphore(%arg12 : memref<!tpu.dma_semaphore, #tpu.memory_space<semaphore_mem>>) {add = true}
      %mul3A_160 = arith.constant 10 : i32
      %mul3A_161 = arith.muli %mul3A_38, %mul3A_160 : i32
      %add3A_162 = arith.constant 8 : i32
      %add3A_163 = arith.addi %mul3A_161, %add3A_162 : i32
      %dma_start3A_164 = arith.constant 1024 : i32
      %dma_start3A_165 = arith.constant 0 : i32
      %dma_start3A_166 = tpu.memref_slice %arg6[%dma_start3A_164, %dma_start3A_165] : memref<1280x16xf32, #tpu.memory_space<vmem>> -> memref<128x16xf32, #tpu.memory_space<vmem>>
      %dma_start3A_167 = arith.constant 0 : i32
      %dma_start3A_168 = tpu.memref_slice %arg5[%add3A_163, %dma_start3A_167] : memref<80x128xi32, #tpu.memory_space<vmem>> -> memref<1x128xi32, #tpu.memory_space<vmem>>
      %dma_start3A_169 = tpu.memref_squeeze %dma_start3A_168 : memref<1x128xi32, #tpu.memory_space<vmem>> -> memref<128xi32, #tpu.memory_space<vmem>>
      %dma_start3A_170 = arith.constant 0 : i32
      %dma_start3A_171 = arith.constant 0 : i32
      %dma_start3A_172 = tpu.memref_slice %arg9[%dma_start3A_170, %dma_start3A_171] : memref<10112x16xf32, #tpu.memory_space<vmem_shared>> -> memref<10112x16xf32, #tpu.memory_space<vmem_shared>>
      tpu.enqueue_indirect_dma source(%dma_start3A_166 : memref<128x16xf32, #tpu.memory_space<vmem>>) target(%dma_start3A_172 : memref<10112x16xf32, #tpu.memory_space<vmem_shared>>) offsets(%dma_start3A_169 : memref<128xi32, #tpu.memory_space<vmem>>) semaphore(%arg12 : memref<!tpu.dma_semaphore, #tpu.memory_space<semaphore_mem>>) {add = true}
      %mul3A_173 = arith.constant 10 : i32
      %mul3A_174 = arith.muli %mul3A_38, %mul3A_173 : i32
      %add3A_175 = arith.constant 9 : i32
      %add3A_176 = arith.addi %mul3A_174, %add3A_175 : i32
      %dma_start3A_177 = arith.constant 1152 : i32
      %dma_start3A_178 = arith.constant 0 : i32
      %dma_start3A_179 = tpu.memref_slice %arg6[%dma_start3A_177, %dma_start3A_178] : memref<1280x16xf32, #tpu.memory_space<vmem>> -> memref<128x16xf32, #tpu.memory_space<vmem>>
      %dma_start3A_180 = arith.constant 0 : i32
      %dma_start3A_181 = tpu.memref_slice %arg5[%add3A_176, %dma_start3A_180] : memref<80x128xi32, #tpu.memory_space<vmem>> -> memref<1x128xi32, #tpu.memory_space<vmem>>
      %dma_start3A_182 = tpu.memref_squeeze %dma_start3A_181 : memref<1x128xi32, #tpu.memory_space<vmem>> -> memref<128xi32, #tpu.memory_space<vmem>>
      %dma_start3A_183 = arith.constant 0 : i32
      %dma_start3A_184 = arith.constant 0 : i32
      %dma_start3A_185 = tpu.memref_slice %arg9[%dma_start3A_183, %dma_start3A_184] : memref<10112x16xf32, #tpu.memory_space<vmem_shared>> -> memref<10112x16xf32, #tpu.memory_space<vmem_shared>>
      tpu.enqueue_indirect_dma source(%dma_start3A_179 : memref<128x16xf32, #tpu.memory_space<vmem>>) target(%dma_start3A_185 : memref<10112x16xf32, #tpu.memory_space<vmem_shared>>) offsets(%dma_start3A_182 : memref<128xi32, #tpu.memory_space<vmem>>) semaphore(%arg12 : memref<!tpu.dma_semaphore, #tpu.memory_space<semaphore_mem>>) {add = true}
      %dma_wait3A_186 = arith.constant 0 : i32
      %dma_wait3A_187 = arith.constant 0 : i32
      %dma_wait3A_188 = tpu.memref_slice %arg2[%dma_wait3A_186, %dma_wait3A_187] : memref<327680x16xf32, #tpu.memory_space<hbm>> -> memref<1280x16xf32, #tpu.memory_space<hbm>>
      %dma_wait3A_189 = arith.constant 0 : i32
      %dma_wait3A_190 = arith.constant 0 : i32
      %dma_wait3A_191 = tpu.memref_slice %arg2[%dma_wait3A_189, %dma_wait3A_190] : memref<327680x16xf32, #tpu.memory_space<hbm>> -> memref<1280x16xf32, #tpu.memory_space<hbm>>
      tpu.wait_dma2 semaphore(%arg11 : memref<!tpu.dma_semaphore, #tpu.memory_space<semaphore_mem>>) src(%dma_wait3A_191 : memref<1280x16xf32, #tpu.memory_space<hbm>>) dst(%arg7 : memref<1280x16xf32, #tpu.memory_space<vmem>>)
      %dma_wait3A_192 = arith.constant 0 : i32
      %dma_wait3A_193 = arith.constant 0 : i32
      %dma_wait3A_194 = tpu.memref_slice %arg6[%dma_wait3A_192, %dma_wait3A_193] : memref<1280x16xf32, #tpu.memory_space<vmem>> -> memref<128x16xf32, #tpu.memory_space<vmem>>
      %dma_wait3A_195 = arith.constant 0 : i32
      %dma_wait3A_196 = tpu.memref_slice %arg5[%add3A_59, %dma_wait3A_195] : memref<80x128xi32, #tpu.memory_space<vmem>> -> memref<1x128xi32, #tpu.memory_space<vmem>>
      %dma_wait3A_197 = tpu.memref_squeeze %dma_wait3A_196 : memref<1x128xi32, #tpu.memory_space<vmem>> -> memref<128xi32, #tpu.memory_space<vmem>>
      %dma_wait3A_198 = arith.constant 0 : i32
      %dma_wait3A_199 = arith.constant 0 : i32
      %dma_wait3A_200 = tpu.memref_slice %arg9[%dma_wait3A_198, %dma_wait3A_199] : memref<10112x16xf32, #tpu.memory_space<vmem_shared>> -> memref<10112x16xf32, #tpu.memory_space<vmem_shared>>
      tpu.wait_indirect_dma semaphore(%arg12 : memref<!tpu.dma_semaphore, #tpu.memory_space<semaphore_mem>>) src(%dma_wait3A_194 : memref<128x16xf32, #tpu.memory_space<vmem>>) dst(%dma_wait3A_200 : memref<10112x16xf32, #tpu.memory_space<vmem_shared>>)
      %dma_wait3A_201 = arith.constant 128 : i32
      %dma_wait3A_202 = arith.constant 0 : i32
      %dma_wait3A_203 = tpu.memref_slice %arg6[%dma_wait3A_201, %dma_wait3A_202] : memref<1280x16xf32, #tpu.memory_space<vmem>> -> memref<128x16xf32, #tpu.memory_space<vmem>>
      %dma_wait3A_204 = arith.constant 0 : i32
      %dma_wait3A_205 = tpu.memref_slice %arg5[%add3A_72, %dma_wait3A_204] : memref<80x128xi32, #tpu.memory_space<vmem>> -> memref<1x128xi32, #tpu.memory_space<vmem>>
      %dma_wait3A_206 = tpu.memref_squeeze %dma_wait3A_205 : memref<1x128xi32, #tpu.memory_space<vmem>> -> memref<128xi32, #tpu.memory_space<vmem>>
      %dma_wait3A_207 = arith.constant 0 : i32
      %dma_wait3A_208 = arith.constant 0 : i32
      %dma_wait3A_209 = tpu.memref_slice %arg9[%dma_wait3A_207, %dma_wait3A_208] : memref<10112x16xf32, #tpu.memory_space<vmem_shared>> -> memref<10112x16xf32, #tpu.memory_space<vmem_shared>>
      tpu.wait_indirect_dma semaphore(%arg12 : memref<!tpu.dma_semaphore, #tpu.memory_space<semaphore_mem>>) src(%dma_wait3A_203 : memref<128x16xf32, #tpu.memory_space<vmem>>) dst(%dma_wait3A_209 : memref<10112x16xf32, #tpu.memory_space<vmem_shared>>)
      %dma_wait3A_210 = arith.constant 256 : i32
      %dma_wait3A_211 = arith.constant 0 : i32
      %dma_wait3A_212 = tpu.memref_slice %arg6[%dma_wait3A_210, %dma_wait3A_211] : memref<1280x16xf32, #tpu.memory_space<vmem>> -> memref<128x16xf32, #tpu.memory_space<vmem>>
      %dma_wait3A_213 = arith.constant 0 : i32
      %dma_wait3A_214 = tpu.memref_slice %arg5[%add3A_85, %dma_wait3A_213] : memref<80x128xi32, #tpu.memory_space<vmem>> -> memref<1x128xi32, #tpu.memory_space<vmem>>
      %dma_wait3A_215 = tpu.memref_squeeze %dma_wait3A_214 : memref<1x128xi32, #tpu.memory_space<vmem>> -> memref<128xi32, #tpu.memory_space<vmem>>
      %dma_wait3A_216 = arith.constant 0 : i32
      %dma_wait3A_217 = arith.constant 0 : i32
      %dma_wait3A_218 = tpu.memref_slice %arg9[%dma_wait3A_216, %dma_wait3A_217] : memref<10112x16xf32, #tpu.memory_space<vmem_shared>> -> memref<10112x16xf32, #tpu.memory_space<vmem_shared>>
      tpu.wait_indirect_dma semaphore(%arg12 : memref<!tpu.dma_semaphore, #tpu.memory_space<semaphore_mem>>) src(%dma_wait3A_212 : memref<128x16xf32, #tpu.memory_space<vmem>>) dst(%dma_wait3A_218 : memref<10112x16xf32, #tpu.memory_space<vmem_shared>>)
      %dma_wait3A_219 = arith.constant 384 : i32
      %dma_wait3A_220 = arith.constant 0 : i32
      %dma_wait3A_221 = tpu.memref_slice %arg6[%dma_wait3A_219, %dma_wait3A_220] : memref<1280x16xf32, #tpu.memory_space<vmem>> -> memref<128x16xf32, #tpu.memory_space<vmem>>
      %dma_wait3A_222 = arith.constant 0 : i32
      %dma_wait3A_223 = tpu.memref_slice %arg5[%add3A_98, %dma_wait3A_222] : memref<80x128xi32, #tpu.memory_space<vmem>> -> memref<1x128xi32, #tpu.memory_space<vmem>>
      %dma_wait3A_224 = tpu.memref_squeeze %dma_wait3A_223 : memref<1x128xi32, #tpu.memory_space<vmem>> -> memref<128xi32, #tpu.memory_space<vmem>>
      %dma_wait3A_225 = arith.constant 0 : i32
      %dma_wait3A_226 = arith.constant 0 : i32
      %dma_wait3A_227 = tpu.memref_slice %arg9[%dma_wait3A_225, %dma_wait3A_226] : memref<10112x16xf32, #tpu.memory_space<vmem_shared>> -> memref<10112x16xf32, #tpu.memory_space<vmem_shared>>
      tpu.wait_indirect_dma semaphore(%arg12 : memref<!tpu.dma_semaphore, #tpu.memory_space<semaphore_mem>>) src(%dma_wait3A_221 : memref<128x16xf32, #tpu.memory_space<vmem>>) dst(%dma_wait3A_227 : memref<10112x16xf32, #tpu.memory_space<vmem_shared>>)
      %dma_wait3A_228 = arith.constant 512 : i32
      %dma_wait3A_229 = arith.constant 0 : i32
      %dma_wait3A_230 = tpu.memref_slice %arg6[%dma_wait3A_228, %dma_wait3A_229] : memref<1280x16xf32, #tpu.memory_space<vmem>> -> memref<128x16xf32, #tpu.memory_space<vmem>>
      %dma_wait3A_231 = arith.constant 0 : i32
      %dma_wait3A_232 = tpu.memref_slice %arg5[%add3A_111, %dma_wait3A_231] : memref<80x128xi32, #tpu.memory_space<vmem>> -> memref<1x128xi32, #tpu.memory_space<vmem>>
      %dma_wait3A_233 = tpu.memref_squeeze %dma_wait3A_232 : memref<1x128xi32, #tpu.memory_space<vmem>> -> memref<128xi32, #tpu.memory_space<vmem>>
      %dma_wait3A_234 = arith.constant 0 : i32
      %dma_wait3A_235 = arith.constant 0 : i32
      %dma_wait3A_236 = tpu.memref_slice %arg9[%dma_wait3A_234, %dma_wait3A_235] : memref<10112x16xf32, #tpu.memory_space<vmem_shared>> -> memref<10112x16xf32, #tpu.memory_space<vmem_shared>>
      tpu.wait_indirect_dma semaphore(%arg12 : memref<!tpu.dma_semaphore, #tpu.memory_space<semaphore_mem>>) src(%dma_wait3A_230 : memref<128x16xf32, #tpu.memory_space<vmem>>) dst(%dma_wait3A_236 : memref<10112x16xf32, #tpu.memory_space<vmem_shared>>)
      %dma_wait3A_237 = arith.constant 640 : i32
      %dma_wait3A_238 = arith.constant 0 : i32
      %dma_wait3A_239 = tpu.memref_slice %arg6[%dma_wait3A_237, %dma_wait3A_238] : memref<1280x16xf32, #tpu.memory_space<vmem>> -> memref<128x16xf32, #tpu.memory_space<vmem>>
      %dma_wait3A_240 = arith.constant 0 : i32
      %dma_wait3A_241 = tpu.memref_slice %arg5[%add3A_124, %dma_wait3A_240] : memref<80x128xi32, #tpu.memory_space<vmem>> -> memref<1x128xi32, #tpu.memory_space<vmem>>
      %dma_wait3A_242 = tpu.memref_squeeze %dma_wait3A_241 : memref<1x128xi32, #tpu.memory_space<vmem>> -> memref<128xi32, #tpu.memory_space<vmem>>
      %dma_wait3A_243 = arith.constant 0 : i32
      %dma_wait3A_244 = arith.constant 0 : i32
      %dma_wait3A_245 = tpu.memref_slice %arg9[%dma_wait3A_243, %dma_wait3A_244] : memref<10112x16xf32, #tpu.memory_space<vmem_shared>> -> memref<10112x16xf32, #tpu.memory_space<vmem_shared>>
      tpu.wait_indirect_dma semaphore(%arg12 : memref<!tpu.dma_semaphore, #tpu.memory_space<semaphore_mem>>) src(%dma_wait3A_239 : memref<128x16xf32, #tpu.memory_space<vmem>>) dst(%dma_wait3A_245 : memref<10112x16xf32, #tpu.memory_space<vmem_shared>>)
      %dma_wait3A_246 = arith.constant 768 : i32
      %dma_wait3A_247 = arith.constant 0 : i32
      %dma_wait3A_248 = tpu.memref_slice %arg6[%dma_wait3A_246, %dma_wait3A_247] : memref<1280x16xf32, #tpu.memory_space<vmem>> -> memref<128x16xf32, #tpu.memory_space<vmem>>
      %dma_wait3A_249 = arith.constant 0 : i32
      %dma_wait3A_250 = tpu.memref_slice %arg5[%add3A_137, %dma_wait3A_249] : memref<80x128xi32, #tpu.memory_space<vmem>> -> memref<1x128xi32, #tpu.memory_space<vmem>>
      %dma_wait3A_251 = tpu.memref_squeeze %dma_wait3A_250 : memref<1x128xi32, #tpu.memory_space<vmem>> -> memref<128xi32, #tpu.memory_space<vmem>>
      %dma_wait3A_252 = arith.constant 0 : i32
      %dma_wait3A_253 = arith.constant 0 : i32
      %dma_wait3A_254 = tpu.memref_slice %arg9[%dma_wait3A_252, %dma_wait3A_253] : memref<10112x16xf32, #tpu.memory_space<vmem_shared>> -> memref<10112x16xf32, #tpu.memory_space<vmem_shared>>
      tpu.wait_indirect_dma semaphore(%arg12 : memref<!tpu.dma_semaphore, #tpu.memory_space<semaphore_mem>>) src(%dma_wait3A_248 : memref<128x16xf32, #tpu.memory_space<vmem>>) dst(%dma_wait3A_254 : memref<10112x16xf32, #tpu.memory_space<vmem_shared>>)
      %dma_wait3A_255 = arith.constant 896 : i32
      %dma_wait3A_256 = arith.constant 0 : i32
      %dma_wait3A_257 = tpu.memref_slice %arg6[%dma_wait3A_255, %dma_wait3A_256] : memref<1280x16xf32, #tpu.memory_space<vmem>> -> memref<128x16xf32, #tpu.memory_space<vmem>>
      %dma_wait3A_258 = arith.constant 0 : i32
      %dma_wait3A_259 = tpu.memref_slice %arg5[%add3A_150, %dma_wait3A_258] : memref<80x128xi32, #tpu.memory_space<vmem>> -> memref<1x128xi32, #tpu.memory_space<vmem>>
      %dma_wait3A_260 = tpu.memref_squeeze %dma_wait3A_259 : memref<1x128xi32, #tpu.memory_space<vmem>> -> memref<128xi32, #tpu.memory_space<vmem>>
      %dma_wait3A_261 = arith.constant 0 : i32
      %dma_wait3A_262 = arith.constant 0 : i32
      %dma_wait3A_263 = tpu.memref_slice %arg9[%dma_wait3A_261, %dma_wait3A_262] : memref<10112x16xf32, #tpu.memory_space<vmem_shared>> -> memref<10112x16xf32, #tpu.memory_space<vmem_shared>>
      tpu.wait_indirect_dma semaphore(%arg12 : memref<!tpu.dma_semaphore, #tpu.memory_space<semaphore_mem>>) src(%dma_wait3A_257 : memref<128x16xf32, #tpu.memory_space<vmem>>) dst(%dma_wait3A_263 : memref<10112x16xf32, #tpu.memory_space<vmem_shared>>)
      %dma_wait3A_264 = arith.constant 1024 : i32
      %dma_wait3A_265 = arith.constant 0 : i32
      %dma_wait3A_266 = tpu.memref_slice %arg6[%dma_wait3A_264, %dma_wait3A_265] : memref<1280x16xf32, #tpu.memory_space<vmem>> -> memref<128x16xf32, #tpu.memory_space<vmem>>
      %dma_wait3A_267 = arith.constant 0 : i32
      %dma_wait3A_268 = tpu.memref_slice %arg5[%add3A_163, %dma_wait3A_267] : memref<80x128xi32, #tpu.memory_space<vmem>> -> memref<1x128xi32, #tpu.memory_space<vmem>>
      %dma_wait3A_269 = tpu.memref_squeeze %dma_wait3A_268 : memref<1x128xi32, #tpu.memory_space<vmem>> -> memref<128xi32, #tpu.memory_space<vmem>>
      %dma_wait3A_270 = arith.constant 0 : i32
      %dma_wait3A_271 = arith.constant 0 : i32
      %dma_wait3A_272 = tpu.memref_slice %arg9[%dma_wait3A_270, %dma_wait3A_271] : memref<10112x16xf32, #tpu.memory_space<vmem_shared>> -> memref<10112x16xf32, #tpu.memory_space<vmem_shared>>
      tpu.wait_indirect_dma semaphore(%arg12 : memref<!tpu.dma_semaphore, #tpu.memory_space<semaphore_mem>>) src(%dma_wait3A_266 : memref<128x16xf32, #tpu.memory_space<vmem>>) dst(%dma_wait3A_272 : memref<10112x16xf32, #tpu.memory_space<vmem_shared>>)
      %dma_wait3A_273 = arith.constant 1152 : i32
      %dma_wait3A_274 = arith.constant 0 : i32
      %dma_wait3A_275 = tpu.memref_slice %arg6[%dma_wait3A_273, %dma_wait3A_274] : memref<1280x16xf32, #tpu.memory_space<vmem>> -> memref<128x16xf32, #tpu.memory_space<vmem>>
      %dma_wait3A_276 = arith.constant 0 : i32
      %dma_wait3A_277 = tpu.memref_slice %arg5[%add3A_176, %dma_wait3A_276] : memref<80x128xi32, #tpu.memory_space<vmem>> -> memref<1x128xi32, #tpu.memory_space<vmem>>
      %dma_wait3A_278 = tpu.memref_squeeze %dma_wait3A_277 : memref<1x128xi32, #tpu.memory_space<vmem>> -> memref<128xi32, #tpu.memory_space<vmem>>
      %dma_wait3A_279 = arith.constant 0 : i32
      %dma_wait3A_280 = arith.constant 0 : i32
      %dma_wait3A_281 = tpu.memref_slice %arg9[%dma_wait3A_279, %dma_wait3A_280] : memref<10112x16xf32, #tpu.memory_space<vmem_shared>> -> memref<10112x16xf32, #tpu.memory_space<vmem_shared>>
      tpu.wait_indirect_dma semaphore(%arg12 : memref<!tpu.dma_semaphore, #tpu.memory_space<semaphore_mem>>) src(%dma_wait3A_275 : memref<128x16xf32, #tpu.memory_space<vmem>>) dst(%dma_wait3A_281 : memref<10112x16xf32, #tpu.memory_space<vmem_shared>>)
      %add3A_282 = arith.constant 2 : i32
      %add3A_283 = arith.addi %mul3A_38, %add3A_282 : i32
      %lt3A = arith.constant 8 : i32
      %lt3A_284 = arith.cmpi slt, %add3A_283, %lt3A : i32
      %convert_element_type3A = arith.extui %lt3A_284 : i1 to i32
      %cond3A = arith.constant 0 : i32
      %cond3A_285 = arith.cmpi ne, %convert_element_type3A, %cond3A : i32
      scf.if %cond3A_285 {
        %mul3A_526 = arith.constant 10240 : i32
        %mul3A_527 = arith.muli %add3A, %mul3A_526 : i32
        %add3A_528 = arith.constant 2 : i32
        %add3A_529 = arith.addi %mul3A_38, %add3A_528 : i32
        %mul3A_530 = arith.constant 1280 : i32
        %mul3A_531 = arith.muli %add3A_529, %mul3A_530 : i32
        %add3A_532 = arith.addi %mul3A_527, %mul3A_531 : i32
        %dma_start3A_533 = arith.constant 0 : i32
        %dma_start3A_534 = tpu.memref_slice %arg2[%add3A_532, %dma_start3A_533] : memref<327680x16xf32, #tpu.memory_space<hbm>> -> memref<1280x16xf32, #tpu.memory_space<hbm>>
        %dma_start3A_535 = arith.constant 0 : i32
        %dma_start3A_536 = tpu.memref_slice %arg2[%add3A_532, %dma_start3A_535] : memref<327680x16xf32, #tpu.memory_space<hbm>> -> memref<1280x16xf32, #tpu.memory_space<hbm>>
        tpu.enqueue_dma source(%dma_start3A_536 : memref<1280x16xf32, #tpu.memory_space<hbm>>) target(%arg6 : memref<1280x16xf32, #tpu.memory_space<vmem>>) target_semaphore(%arg10 : memref<!tpu.dma_semaphore, #tpu.memory_space<semaphore_mem>>)
      } else {
      }
      %add3A_286 = arith.constant 1 : i32
      %add3A_287 = arith.addi %mul3A_38, %add3A_286 : i32
      %mul3A_288 = arith.constant 10 : i32
      %mul3A_289 = arith.muli %add3A_287, %mul3A_288 : i32
      %add3A_290 = arith.constant 0 : i32
      %add3A_291 = arith.addi %mul3A_289, %add3A_290 : i32
      %dma_start3A_292 = arith.constant 0 : i32
      %dma_start3A_293 = arith.constant 0 : i32
      %dma_start3A_294 = tpu.memref_slice %arg7[%dma_start3A_292, %dma_start3A_293] : memref<1280x16xf32, #tpu.memory_space<vmem>> -> memref<128x16xf32, #tpu.memory_space<vmem>>
      %dma_start3A_295 = arith.constant 0 : i32
      %dma_start3A_296 = tpu.memref_slice %arg5[%add3A_291, %dma_start3A_295] : memref<80x128xi32, #tpu.memory_space<vmem>> -> memref<1x128xi32, #tpu.memory_space<vmem>>
      %dma_start3A_297 = tpu.memref_squeeze %dma_start3A_296 : memref<1x128xi32, #tpu.memory_space<vmem>> -> memref<128xi32, #tpu.memory_space<vmem>>
      %dma_start3A_298 = arith.constant 0 : i32
      %dma_start3A_299 = arith.constant 0 : i32
      %dma_start3A_300 = tpu.memref_slice %arg9[%dma_start3A_298, %dma_start3A_299] : memref<10112x16xf32, #tpu.memory_space<vmem_shared>> -> memref<10112x16xf32, #tpu.memory_space<vmem_shared>>
      tpu.enqueue_indirect_dma source(%dma_start3A_294 : memref<128x16xf32, #tpu.memory_space<vmem>>) target(%dma_start3A_300 : memref<10112x16xf32, #tpu.memory_space<vmem_shared>>) offsets(%dma_start3A_297 : memref<128xi32, #tpu.memory_space<vmem>>) semaphore(%arg12 : memref<!tpu.dma_semaphore, #tpu.memory_space<semaphore_mem>>) {add = true}
      %add3A_301 = arith.constant 1 : i32
      %add3A_302 = arith.addi %mul3A_38, %add3A_301 : i32
      %mul3A_303 = arith.constant 10 : i32
      %mul3A_304 = arith.muli %add3A_302, %mul3A_303 : i32
      %add3A_305 = arith.constant 1 : i32
      %add3A_306 = arith.addi %mul3A_304, %add3A_305 : i32
      %dma_start3A_307 = arith.constant 128 : i32
      %dma_start3A_308 = arith.constant 0 : i32
      %dma_start3A_309 = tpu.memref_slice %arg7[%dma_start3A_307, %dma_start3A_308] : memref<1280x16xf32, #tpu.memory_space<vmem>> -> memref<128x16xf32, #tpu.memory_space<vmem>>
      %dma_start3A_310 = arith.constant 0 : i32
      %dma_start3A_311 = tpu.memref_slice %arg5[%add3A_306, %dma_start3A_310] : memref<80x128xi32, #tpu.memory_space<vmem>> -> memref<1x128xi32, #tpu.memory_space<vmem>>
      %dma_start3A_312 = tpu.memref_squeeze %dma_start3A_311 : memref<1x128xi32, #tpu.memory_space<vmem>> -> memref<128xi32, #tpu.memory_space<vmem>>
      %dma_start3A_313 = arith.constant 0 : i32
      %dma_start3A_314 = arith.constant 0 : i32
      %dma_start3A_315 = tpu.memref_slice %arg9[%dma_start3A_313, %dma_start3A_314] : memref<10112x16xf32, #tpu.memory_space<vmem_shared>> -> memref<10112x16xf32, #tpu.memory_space<vmem_shared>>
      tpu.enqueue_indirect_dma source(%dma_start3A_309 : memref<128x16xf32, #tpu.memory_space<vmem>>) target(%dma_start3A_315 : memref<10112x16xf32, #tpu.memory_space<vmem_shared>>) offsets(%dma_start3A_312 : memref<128xi32, #tpu.memory_space<vmem>>) semaphore(%arg12 : memref<!tpu.dma_semaphore, #tpu.memory_space<semaphore_mem>>) {add = true}
      %add3A_316 = arith.constant 1 : i32
      %add3A_317 = arith.addi %mul3A_38, %add3A_316 : i32
      %mul3A_318 = arith.constant 10 : i32
      %mul3A_319 = arith.muli %add3A_317, %mul3A_318 : i32
      %add3A_320 = arith.constant 2 : i32
      %add3A_321 = arith.addi %mul3A_319, %add3A_320 : i32
      %dma_start3A_322 = arith.constant 256 : i32
      %dma_start3A_323 = arith.constant 0 : i32
      %dma_start3A_324 = tpu.memref_slice %arg7[%dma_start3A_322, %dma_start3A_323] : memref<1280x16xf32, #tpu.memory_space<vmem>> -> memref<128x16xf32, #tpu.memory_space<vmem>>
      %dma_start3A_325 = arith.constant 0 : i32
      %dma_start3A_326 = tpu.memref_slice %arg5[%add3A_321, %dma_start3A_325] : memref<80x128xi32, #tpu.memory_space<vmem>> -> memref<1x128xi32, #tpu.memory_space<vmem>>
      %dma_start3A_327 = tpu.memref_squeeze %dma_start3A_326 : memref<1x128xi32, #tpu.memory_space<vmem>> -> memref<128xi32, #tpu.memory_space<vmem>>
      %dma_start3A_328 = arith.constant 0 : i32
      %dma_start3A_329 = arith.constant 0 : i32
      %dma_start3A_330 = tpu.memref_slice %arg9[%dma_start3A_328, %dma_start3A_329] : memref<10112x16xf32, #tpu.memory_space<vmem_shared>> -> memref<10112x16xf32, #tpu.memory_space<vmem_shared>>
      tpu.enqueue_indirect_dma source(%dma_start3A_324 : memref<128x16xf32, #tpu.memory_space<vmem>>) target(%dma_start3A_330 : memref<10112x16xf32, #tpu.memory_space<vmem_shared>>) offsets(%dma_start3A_327 : memref<128xi32, #tpu.memory_space<vmem>>) semaphore(%arg12 : memref<!tpu.dma_semaphore, #tpu.memory_space<semaphore_mem>>) {add = true}
      %add3A_331 = arith.constant 1 : i32
      %add3A_332 = arith.addi %mul3A_38, %add3A_331 : i32
      %mul3A_333 = arith.constant 10 : i32
      %mul3A_334 = arith.muli %add3A_332, %mul3A_333 : i32
      %add3A_335 = arith.constant 3 : i32
      %add3A_336 = arith.addi %mul3A_334, %add3A_335 : i32
      %dma_start3A_337 = arith.constant 384 : i32
      %dma_start3A_338 = arith.constant 0 : i32
      %dma_start3A_339 = tpu.memref_slice %arg7[%dma_start3A_337, %dma_start3A_338] : memref<1280x16xf32, #tpu.memory_space<vmem>> -> memref<128x16xf32, #tpu.memory_space<vmem>>
      %dma_start3A_340 = arith.constant 0 : i32
      %dma_start3A_341 = tpu.memref_slice %arg5[%add3A_336, %dma_start3A_340] : memref<80x128xi32, #tpu.memory_space<vmem>> -> memref<1x128xi32, #tpu.memory_space<vmem>>
      %dma_start3A_342 = tpu.memref_squeeze %dma_start3A_341 : memref<1x128xi32, #tpu.memory_space<vmem>> -> memref<128xi32, #tpu.memory_space<vmem>>
      %dma_start3A_343 = arith.constant 0 : i32
      %dma_start3A_344 = arith.constant 0 : i32
      %dma_start3A_345 = tpu.memref_slice %arg9[%dma_start3A_343, %dma_start3A_344] : memref<10112x16xf32, #tpu.memory_space<vmem_shared>> -> memref<10112x16xf32, #tpu.memory_space<vmem_shared>>
      tpu.enqueue_indirect_dma source(%dma_start3A_339 : memref<128x16xf32, #tpu.memory_space<vmem>>) target(%dma_start3A_345 : memref<10112x16xf32, #tpu.memory_space<vmem_shared>>) offsets(%dma_start3A_342 : memref<128xi32, #tpu.memory_space<vmem>>) semaphore(%arg12 : memref<!tpu.dma_semaphore, #tpu.memory_space<semaphore_mem>>) {add = true}
      %add3A_346 = arith.constant 1 : i32
      %add3A_347 = arith.addi %mul3A_38, %add3A_346 : i32
      %mul3A_348 = arith.constant 10 : i32
      %mul3A_349 = arith.muli %add3A_347, %mul3A_348 : i32
      %add3A_350 = arith.constant 4 : i32
      %add3A_351 = arith.addi %mul3A_349, %add3A_350 : i32
      %dma_start3A_352 = arith.constant 512 : i32
      %dma_start3A_353 = arith.constant 0 : i32
      %dma_start3A_354 = tpu.memref_slice %arg7[%dma_start3A_352, %dma_start3A_353] : memref<1280x16xf32, #tpu.memory_space<vmem>> -> memref<128x16xf32, #tpu.memory_space<vmem>>
      %dma_start3A_355 = arith.constant 0 : i32
      %dma_start3A_356 = tpu.memref_slice %arg5[%add3A_351, %dma_start3A_355] : memref<80x128xi32, #tpu.memory_space<vmem>> -> memref<1x128xi32, #tpu.memory_space<vmem>>
      %dma_start3A_357 = tpu.memref_squeeze %dma_start3A_356 : memref<1x128xi32, #tpu.memory_space<vmem>> -> memref<128xi32, #tpu.memory_space<vmem>>
      %dma_start3A_358 = arith.constant 0 : i32
      %dma_start3A_359 = arith.constant 0 : i32
      %dma_start3A_360 = tpu.memref_slice %arg9[%dma_start3A_358, %dma_start3A_359] : memref<10112x16xf32, #tpu.memory_space<vmem_shared>> -> memref<10112x16xf32, #tpu.memory_space<vmem_shared>>
      tpu.enqueue_indirect_dma source(%dma_start3A_354 : memref<128x16xf32, #tpu.memory_space<vmem>>) target(%dma_start3A_360 : memref<10112x16xf32, #tpu.memory_space<vmem_shared>>) offsets(%dma_start3A_357 : memref<128xi32, #tpu.memory_space<vmem>>) semaphore(%arg12 : memref<!tpu.dma_semaphore, #tpu.memory_space<semaphore_mem>>) {add = true}
      %add3A_361 = arith.constant 1 : i32
      %add3A_362 = arith.addi %mul3A_38, %add3A_361 : i32
      %mul3A_363 = arith.constant 10 : i32
      %mul3A_364 = arith.muli %add3A_362, %mul3A_363 : i32
      %add3A_365 = arith.constant 5 : i32
      %add3A_366 = arith.addi %mul3A_364, %add3A_365 : i32
      %dma_start3A_367 = arith.constant 640 : i32
      %dma_start3A_368 = arith.constant 0 : i32
      %dma_start3A_369 = tpu.memref_slice %arg7[%dma_start3A_367, %dma_start3A_368] : memref<1280x16xf32, #tpu.memory_space<vmem>> -> memref<128x16xf32, #tpu.memory_space<vmem>>
      %dma_start3A_370 = arith.constant 0 : i32
      %dma_start3A_371 = tpu.memref_slice %arg5[%add3A_366, %dma_start3A_370] : memref<80x128xi32, #tpu.memory_space<vmem>> -> memref<1x128xi32, #tpu.memory_space<vmem>>
      %dma_start3A_372 = tpu.memref_squeeze %dma_start3A_371 : memref<1x128xi32, #tpu.memory_space<vmem>> -> memref<128xi32, #tpu.memory_space<vmem>>
      %dma_start3A_373 = arith.constant 0 : i32
      %dma_start3A_374 = arith.constant 0 : i32
      %dma_start3A_375 = tpu.memref_slice %arg9[%dma_start3A_373, %dma_start3A_374] : memref<10112x16xf32, #tpu.memory_space<vmem_shared>> -> memref<10112x16xf32, #tpu.memory_space<vmem_shared>>
      tpu.enqueue_indirect_dma source(%dma_start3A_369 : memref<128x16xf32, #tpu.memory_space<vmem>>) target(%dma_start3A_375 : memref<10112x16xf32, #tpu.memory_space<vmem_shared>>) offsets(%dma_start3A_372 : memref<128xi32, #tpu.memory_space<vmem>>) semaphore(%arg12 : memref<!tpu.dma_semaphore, #tpu.memory_space<semaphore_mem>>) {add = true}
      %add3A_376 = arith.constant 1 : i32
      %add3A_377 = arith.addi %mul3A_38, %add3A_376 : i32
      %mul3A_378 = arith.constant 10 : i32
      %mul3A_379 = arith.muli %add3A_377, %mul3A_378 : i32
      %add3A_380 = arith.constant 6 : i32
      %add3A_381 = arith.addi %mul3A_379, %add3A_380 : i32
      %dma_start3A_382 = arith.constant 768 : i32
      %dma_start3A_383 = arith.constant 0 : i32
      %dma_start3A_384 = tpu.memref_slice %arg7[%dma_start3A_382, %dma_start3A_383] : memref<1280x16xf32, #tpu.memory_space<vmem>> -> memref<128x16xf32, #tpu.memory_space<vmem>>
      %dma_start3A_385 = arith.constant 0 : i32
      %dma_start3A_386 = tpu.memref_slice %arg5[%add3A_381, %dma_start3A_385] : memref<80x128xi32, #tpu.memory_space<vmem>> -> memref<1x128xi32, #tpu.memory_space<vmem>>
      %dma_start3A_387 = tpu.memref_squeeze %dma_start3A_386 : memref<1x128xi32, #tpu.memory_space<vmem>> -> memref<128xi32, #tpu.memory_space<vmem>>
      %dma_start3A_388 = arith.constant 0 : i32
      %dma_start3A_389 = arith.constant 0 : i32
      %dma_start3A_390 = tpu.memref_slice %arg9[%dma_start3A_388, %dma_start3A_389] : memref<10112x16xf32, #tpu.memory_space<vmem_shared>> -> memref<10112x16xf32, #tpu.memory_space<vmem_shared>>
      tpu.enqueue_indirect_dma source(%dma_start3A_384 : memref<128x16xf32, #tpu.memory_space<vmem>>) target(%dma_start3A_390 : memref<10112x16xf32, #tpu.memory_space<vmem_shared>>) offsets(%dma_start3A_387 : memref<128xi32, #tpu.memory_space<vmem>>) semaphore(%arg12 : memref<!tpu.dma_semaphore, #tpu.memory_space<semaphore_mem>>) {add = true}
      %add3A_391 = arith.constant 1 : i32
      %add3A_392 = arith.addi %mul3A_38, %add3A_391 : i32
      %mul3A_393 = arith.constant 10 : i32
      %mul3A_394 = arith.muli %add3A_392, %mul3A_393 : i32
      %add3A_395 = arith.constant 7 : i32
      %add3A_396 = arith.addi %mul3A_394, %add3A_395 : i32
      %dma_start3A_397 = arith.constant 896 : i32
      %dma_start3A_398 = arith.constant 0 : i32
      %dma_start3A_399 = tpu.memref_slice %arg7[%dma_start3A_397, %dma_start3A_398] : memref<1280x16xf32, #tpu.memory_space<vmem>> -> memref<128x16xf32, #tpu.memory_space<vmem>>
      %dma_start3A_400 = arith.constant 0 : i32
      %dma_start3A_401 = tpu.memref_slice %arg5[%add3A_396, %dma_start3A_400] : memref<80x128xi32, #tpu.memory_space<vmem>> -> memref<1x128xi32, #tpu.memory_space<vmem>>
      %dma_start3A_402 = tpu.memref_squeeze %dma_start3A_401 : memref<1x128xi32, #tpu.memory_space<vmem>> -> memref<128xi32, #tpu.memory_space<vmem>>
      %dma_start3A_403 = arith.constant 0 : i32
      %dma_start3A_404 = arith.constant 0 : i32
      %dma_start3A_405 = tpu.memref_slice %arg9[%dma_start3A_403, %dma_start3A_404] : memref<10112x16xf32, #tpu.memory_space<vmem_shared>> -> memref<10112x16xf32, #tpu.memory_space<vmem_shared>>
      tpu.enqueue_indirect_dma source(%dma_start3A_399 : memref<128x16xf32, #tpu.memory_space<vmem>>) target(%dma_start3A_405 : memref<10112x16xf32, #tpu.memory_space<vmem_shared>>) offsets(%dma_start3A_402 : memref<128xi32, #tpu.memory_space<vmem>>) semaphore(%arg12 : memref<!tpu.dma_semaphore, #tpu.memory_space<semaphore_mem>>) {add = true}
      %add3A_406 = arith.constant 1 : i32
      %add3A_407 = arith.addi %mul3A_38, %add3A_406 : i32
      %mul3A_408 = arith.constant 10 : i32
      %mul3A_409 = arith.muli %add3A_407, %mul3A_408 : i32
      %add3A_410 = arith.constant 8 : i32
      %add3A_411 = arith.addi %mul3A_409, %add3A_410 : i32
      %dma_start3A_412 = arith.constant 1024 : i32
      %dma_start3A_413 = arith.constant 0 : i32
      %dma_start3A_414 = tpu.memref_slice %arg7[%dma_start3A_412, %dma_start3A_413] : memref<1280x16xf32, #tpu.memory_space<vmem>> -> memref<128x16xf32, #tpu.memory_space<vmem>>
      %dma_start3A_415 = arith.constant 0 : i32
      %dma_start3A_416 = tpu.memref_slice %arg5[%add3A_411, %dma_start3A_415] : memref<80x128xi32, #tpu.memory_space<vmem>> -> memref<1x128xi32, #tpu.memory_space<vmem>>
      %dma_start3A_417 = tpu.memref_squeeze %dma_start3A_416 : memref<1x128xi32, #tpu.memory_space<vmem>> -> memref<128xi32, #tpu.memory_space<vmem>>
      %dma_start3A_418 = arith.constant 0 : i32
      %dma_start3A_419 = arith.constant 0 : i32
      %dma_start3A_420 = tpu.memref_slice %arg9[%dma_start3A_418, %dma_start3A_419] : memref<10112x16xf32, #tpu.memory_space<vmem_shared>> -> memref<10112x16xf32, #tpu.memory_space<vmem_shared>>
      tpu.enqueue_indirect_dma source(%dma_start3A_414 : memref<128x16xf32, #tpu.memory_space<vmem>>) target(%dma_start3A_420 : memref<10112x16xf32, #tpu.memory_space<vmem_shared>>) offsets(%dma_start3A_417 : memref<128xi32, #tpu.memory_space<vmem>>) semaphore(%arg12 : memref<!tpu.dma_semaphore, #tpu.memory_space<semaphore_mem>>) {add = true}
      %add3A_421 = arith.constant 1 : i32
      %add3A_422 = arith.addi %mul3A_38, %add3A_421 : i32
      %mul3A_423 = arith.constant 10 : i32
      %mul3A_424 = arith.muli %add3A_422, %mul3A_423 : i32
      %add3A_425 = arith.constant 9 : i32
      %add3A_426 = arith.addi %mul3A_424, %add3A_425 : i32
      %dma_start3A_427 = arith.constant 1152 : i32
      %dma_start3A_428 = arith.constant 0 : i32
      %dma_start3A_429 = tpu.memref_slice %arg7[%dma_start3A_427, %dma_start3A_428] : memref<1280x16xf32, #tpu.memory_space<vmem>> -> memref<128x16xf32, #tpu.memory_space<vmem>>
      %dma_start3A_430 = arith.constant 0 : i32
      %dma_start3A_431 = tpu.memref_slice %arg5[%add3A_426, %dma_start3A_430] : memref<80x128xi32, #tpu.memory_space<vmem>> -> memref<1x128xi32, #tpu.memory_space<vmem>>
      %dma_start3A_432 = tpu.memref_squeeze %dma_start3A_431 : memref<1x128xi32, #tpu.memory_space<vmem>> -> memref<128xi32, #tpu.memory_space<vmem>>
      %dma_start3A_433 = arith.constant 0 : i32
      %dma_start3A_434 = arith.constant 0 : i32
      %dma_start3A_435 = tpu.memref_slice %arg9[%dma_start3A_433, %dma_start3A_434] : memref<10112x16xf32, #tpu.memory_space<vmem_shared>> -> memref<10112x16xf32, #tpu.memory_space<vmem_shared>>
      tpu.enqueue_indirect_dma source(%dma_start3A_429 : memref<128x16xf32, #tpu.memory_space<vmem>>) target(%dma_start3A_435 : memref<10112x16xf32, #tpu.memory_space<vmem_shared>>) offsets(%dma_start3A_432 : memref<128xi32, #tpu.memory_space<vmem>>) semaphore(%arg12 : memref<!tpu.dma_semaphore, #tpu.memory_space<semaphore_mem>>) {add = true}
      %dma_wait3A_436 = arith.constant 0 : i32
      %dma_wait3A_437 = arith.constant 0 : i32
      %dma_wait3A_438 = tpu.memref_slice %arg7[%dma_wait3A_436, %dma_wait3A_437] : memref<1280x16xf32, #tpu.memory_space<vmem>> -> memref<128x16xf32, #tpu.memory_space<vmem>>
      %dma_wait3A_439 = arith.constant 0 : i32
      %dma_wait3A_440 = tpu.memref_slice %arg5[%add3A_291, %dma_wait3A_439] : memref<80x128xi32, #tpu.memory_space<vmem>> -> memref<1x128xi32, #tpu.memory_space<vmem>>
      %dma_wait3A_441 = tpu.memref_squeeze %dma_wait3A_440 : memref<1x128xi32, #tpu.memory_space<vmem>> -> memref<128xi32, #tpu.memory_space<vmem>>
      %dma_wait3A_442 = arith.constant 0 : i32
      %dma_wait3A_443 = arith.constant 0 : i32
      %dma_wait3A_444 = tpu.memref_slice %arg9[%dma_wait3A_442, %dma_wait3A_443] : memref<10112x16xf32, #tpu.memory_space<vmem_shared>> -> memref<10112x16xf32, #tpu.memory_space<vmem_shared>>
      tpu.wait_indirect_dma semaphore(%arg12 : memref<!tpu.dma_semaphore, #tpu.memory_space<semaphore_mem>>) src(%dma_wait3A_438 : memref<128x16xf32, #tpu.memory_space<vmem>>) dst(%dma_wait3A_444 : memref<10112x16xf32, #tpu.memory_space<vmem_shared>>)
      %dma_wait3A_445 = arith.constant 128 : i32
      %dma_wait3A_446 = arith.constant 0 : i32
      %dma_wait3A_447 = tpu.memref_slice %arg7[%dma_wait3A_445, %dma_wait3A_446] : memref<1280x16xf32, #tpu.memory_space<vmem>> -> memref<128x16xf32, #tpu.memory_space<vmem>>
      %dma_wait3A_448 = arith.constant 0 : i32
      %dma_wait3A_449 = tpu.memref_slice %arg5[%add3A_306, %dma_wait3A_448] : memref<80x128xi32, #tpu.memory_space<vmem>> -> memref<1x128xi32, #tpu.memory_space<vmem>>
      %dma_wait3A_450 = tpu.memref_squeeze %dma_wait3A_449 : memref<1x128xi32, #tpu.memory_space<vmem>> -> memref<128xi32, #tpu.memory_space<vmem>>
      %dma_wait3A_451 = arith.constant 0 : i32
      %dma_wait3A_452 = arith.constant 0 : i32
      %dma_wait3A_453 = tpu.memref_slice %arg9[%dma_wait3A_451, %dma_wait3A_452] : memref<10112x16xf32, #tpu.memory_space<vmem_shared>> -> memref<10112x16xf32, #tpu.memory_space<vmem_shared>>
      tpu.wait_indirect_dma semaphore(%arg12 : memref<!tpu.dma_semaphore, #tpu.memory_space<semaphore_mem>>) src(%dma_wait3A_447 : memref<128x16xf32, #tpu.memory_space<vmem>>) dst(%dma_wait3A_453 : memref<10112x16xf32, #tpu.memory_space<vmem_shared>>)
      %dma_wait3A_454 = arith.constant 256 : i32
      %dma_wait3A_455 = arith.constant 0 : i32
      %dma_wait3A_456 = tpu.memref_slice %arg7[%dma_wait3A_454, %dma_wait3A_455] : memref<1280x16xf32, #tpu.memory_space<vmem>> -> memref<128x16xf32, #tpu.memory_space<vmem>>
      %dma_wait3A_457 = arith.constant 0 : i32
      %dma_wait3A_458 = tpu.memref_slice %arg5[%add3A_321, %dma_wait3A_457] : memref<80x128xi32, #tpu.memory_space<vmem>> -> memref<1x128xi32, #tpu.memory_space<vmem>>
      %dma_wait3A_459 = tpu.memref_squeeze %dma_wait3A_458 : memref<1x128xi32, #tpu.memory_space<vmem>> -> memref<128xi32, #tpu.memory_space<vmem>>
      %dma_wait3A_460 = arith.constant 0 : i32
      %dma_wait3A_461 = arith.constant 0 : i32
      %dma_wait3A_462 = tpu.memref_slice %arg9[%dma_wait3A_460, %dma_wait3A_461] : memref<10112x16xf32, #tpu.memory_space<vmem_shared>> -> memref<10112x16xf32, #tpu.memory_space<vmem_shared>>
      tpu.wait_indirect_dma semaphore(%arg12 : memref<!tpu.dma_semaphore, #tpu.memory_space<semaphore_mem>>) src(%dma_wait3A_456 : memref<128x16xf32, #tpu.memory_space<vmem>>) dst(%dma_wait3A_462 : memref<10112x16xf32, #tpu.memory_space<vmem_shared>>)
      %dma_wait3A_463 = arith.constant 384 : i32
      %dma_wait3A_464 = arith.constant 0 : i32
      %dma_wait3A_465 = tpu.memref_slice %arg7[%dma_wait3A_463, %dma_wait3A_464] : memref<1280x16xf32, #tpu.memory_space<vmem>> -> memref<128x16xf32, #tpu.memory_space<vmem>>
      %dma_wait3A_466 = arith.constant 0 : i32
      %dma_wait3A_467 = tpu.memref_slice %arg5[%add3A_336, %dma_wait3A_466] : memref<80x128xi32, #tpu.memory_space<vmem>> -> memref<1x128xi32, #tpu.memory_space<vmem>>
      %dma_wait3A_468 = tpu.memref_squeeze %dma_wait3A_467 : memref<1x128xi32, #tpu.memory_space<vmem>> -> memref<128xi32, #tpu.memory_space<vmem>>
      %dma_wait3A_469 = arith.constant 0 : i32
      %dma_wait3A_470 = arith.constant 0 : i32
      %dma_wait3A_471 = tpu.memref_slice %arg9[%dma_wait3A_469, %dma_wait3A_470] : memref<10112x16xf32, #tpu.memory_space<vmem_shared>> -> memref<10112x16xf32, #tpu.memory_space<vmem_shared>>
      tpu.wait_indirect_dma semaphore(%arg12 : memref<!tpu.dma_semaphore, #tpu.memory_space<semaphore_mem>>) src(%dma_wait3A_465 : memref<128x16xf32, #tpu.memory_space<vmem>>) dst(%dma_wait3A_471 : memref<10112x16xf32, #tpu.memory_space<vmem_shared>>)
      %dma_wait3A_472 = arith.constant 512 : i32
      %dma_wait3A_473 = arith.constant 0 : i32
      %dma_wait3A_474 = tpu.memref_slice %arg7[%dma_wait3A_472, %dma_wait3A_473] : memref<1280x16xf32, #tpu.memory_space<vmem>> -> memref<128x16xf32, #tpu.memory_space<vmem>>
      %dma_wait3A_475 = arith.constant 0 : i32
      %dma_wait3A_476 = tpu.memref_slice %arg5[%add3A_351, %dma_wait3A_475] : memref<80x128xi32, #tpu.memory_space<vmem>> -> memref<1x128xi32, #tpu.memory_space<vmem>>
      %dma_wait3A_477 = tpu.memref_squeeze %dma_wait3A_476 : memref<1x128xi32, #tpu.memory_space<vmem>> -> memref<128xi32, #tpu.memory_space<vmem>>
      %dma_wait3A_478 = arith.constant 0 : i32
      %dma_wait3A_479 = arith.constant 0 : i32
      %dma_wait3A_480 = tpu.memref_slice %arg9[%dma_wait3A_478, %dma_wait3A_479] : memref<10112x16xf32, #tpu.memory_space<vmem_shared>> -> memref<10112x16xf32, #tpu.memory_space<vmem_shared>>
      tpu.wait_indirect_dma semaphore(%arg12 : memref<!tpu.dma_semaphore, #tpu.memory_space<semaphore_mem>>) src(%dma_wait3A_474 : memref<128x16xf32, #tpu.memory_space<vmem>>) dst(%dma_wait3A_480 : memref<10112x16xf32, #tpu.memory_space<vmem_shared>>)
      %dma_wait3A_481 = arith.constant 640 : i32
      %dma_wait3A_482 = arith.constant 0 : i32
      %dma_wait3A_483 = tpu.memref_slice %arg7[%dma_wait3A_481, %dma_wait3A_482] : memref<1280x16xf32, #tpu.memory_space<vmem>> -> memref<128x16xf32, #tpu.memory_space<vmem>>
      %dma_wait3A_484 = arith.constant 0 : i32
      %dma_wait3A_485 = tpu.memref_slice %arg5[%add3A_366, %dma_wait3A_484] : memref<80x128xi32, #tpu.memory_space<vmem>> -> memref<1x128xi32, #tpu.memory_space<vmem>>
      %dma_wait3A_486 = tpu.memref_squeeze %dma_wait3A_485 : memref<1x128xi32, #tpu.memory_space<vmem>> -> memref<128xi32, #tpu.memory_space<vmem>>
      %dma_wait3A_487 = arith.constant 0 : i32
      %dma_wait3A_488 = arith.constant 0 : i32
      %dma_wait3A_489 = tpu.memref_slice %arg9[%dma_wait3A_487, %dma_wait3A_488] : memref<10112x16xf32, #tpu.memory_space<vmem_shared>> -> memref<10112x16xf32, #tpu.memory_space<vmem_shared>>
      tpu.wait_indirect_dma semaphore(%arg12 : memref<!tpu.dma_semaphore, #tpu.memory_space<semaphore_mem>>) src(%dma_wait3A_483 : memref<128x16xf32, #tpu.memory_space<vmem>>) dst(%dma_wait3A_489 : memref<10112x16xf32, #tpu.memory_space<vmem_shared>>)
      %dma_wait3A_490 = arith.constant 768 : i32
      %dma_wait3A_491 = arith.constant 0 : i32
      %dma_wait3A_492 = tpu.memref_slice %arg7[%dma_wait3A_490, %dma_wait3A_491] : memref<1280x16xf32, #tpu.memory_space<vmem>> -> memref<128x16xf32, #tpu.memory_space<vmem>>
      %dma_wait3A_493 = arith.constant 0 : i32
      %dma_wait3A_494 = tpu.memref_slice %arg5[%add3A_381, %dma_wait3A_493] : memref<80x128xi32, #tpu.memory_space<vmem>> -> memref<1x128xi32, #tpu.memory_space<vmem>>
      %dma_wait3A_495 = tpu.memref_squeeze %dma_wait3A_494 : memref<1x128xi32, #tpu.memory_space<vmem>> -> memref<128xi32, #tpu.memory_space<vmem>>
      %dma_wait3A_496 = arith.constant 0 : i32
      %dma_wait3A_497 = arith.constant 0 : i32
      %dma_wait3A_498 = tpu.memref_slice %arg9[%dma_wait3A_496, %dma_wait3A_497] : memref<10112x16xf32, #tpu.memory_space<vmem_shared>> -> memref<10112x16xf32, #tpu.memory_space<vmem_shared>>
      tpu.wait_indirect_dma semaphore(%arg12 : memref<!tpu.dma_semaphore, #tpu.memory_space<semaphore_mem>>) src(%dma_wait3A_492 : memref<128x16xf32, #tpu.memory_space<vmem>>) dst(%dma_wait3A_498 : memref<10112x16xf32, #tpu.memory_space<vmem_shared>>)
      %dma_wait3A_499 = arith.constant 896 : i32
      %dma_wait3A_500 = arith.constant 0 : i32
      %dma_wait3A_501 = tpu.memref_slice %arg7[%dma_wait3A_499, %dma_wait3A_500] : memref<1280x16xf32, #tpu.memory_space<vmem>> -> memref<128x16xf32, #tpu.memory_space<vmem>>
      %dma_wait3A_502 = arith.constant 0 : i32
      %dma_wait3A_503 = tpu.memref_slice %arg5[%add3A_396, %dma_wait3A_502] : memref<80x128xi32, #tpu.memory_space<vmem>> -> memref<1x128xi32, #tpu.memory_space<vmem>>
      %dma_wait3A_504 = tpu.memref_squeeze %dma_wait3A_503 : memref<1x128xi32, #tpu.memory_space<vmem>> -> memref<128xi32, #tpu.memory_space<vmem>>
      %dma_wait3A_505 = arith.constant 0 : i32
      %dma_wait3A_506 = arith.constant 0 : i32
      %dma_wait3A_507 = tpu.memref_slice %arg9[%dma_wait3A_505, %dma_wait3A_506] : memref<10112x16xf32, #tpu.memory_space<vmem_shared>> -> memref<10112x16xf32, #tpu.memory_space<vmem_shared>>
      tpu.wait_indirect_dma semaphore(%arg12 : memref<!tpu.dma_semaphore, #tpu.memory_space<semaphore_mem>>) src(%dma_wait3A_501 : memref<128x16xf32, #tpu.memory_space<vmem>>) dst(%dma_wait3A_507 : memref<10112x16xf32, #tpu.memory_space<vmem_shared>>)
      %dma_wait3A_508 = arith.constant 1024 : i32
      %dma_wait3A_509 = arith.constant 0 : i32
      %dma_wait3A_510 = tpu.memref_slice %arg7[%dma_wait3A_508, %dma_wait3A_509] : memref<1280x16xf32, #tpu.memory_space<vmem>> -> memref<128x16xf32, #tpu.memory_space<vmem>>
      %dma_wait3A_511 = arith.constant 0 : i32
      %dma_wait3A_512 = tpu.memref_slice %arg5[%add3A_411, %dma_wait3A_511] : memref<80x128xi32, #tpu.memory_space<vmem>> -> memref<1x128xi32, #tpu.memory_space<vmem>>
      %dma_wait3A_513 = tpu.memref_squeeze %dma_wait3A_512 : memref<1x128xi32, #tpu.memory_space<vmem>> -> memref<128xi32, #tpu.memory_space<vmem>>
      %dma_wait3A_514 = arith.constant 0 : i32
      %dma_wait3A_515 = arith.constant 0 : i32
      %dma_wait3A_516 = tpu.memref_slice %arg9[%dma_wait3A_514, %dma_wait3A_515] : memref<10112x16xf32, #tpu.memory_space<vmem_shared>> -> memref<10112x16xf32, #tpu.memory_space<vmem_shared>>
      tpu.wait_indirect_dma semaphore(%arg12 : memref<!tpu.dma_semaphore, #tpu.memory_space<semaphore_mem>>) src(%dma_wait3A_510 : memref<128x16xf32, #tpu.memory_space<vmem>>) dst(%dma_wait3A_516 : memref<10112x16xf32, #tpu.memory_space<vmem_shared>>)
      %dma_wait3A_517 = arith.constant 1152 : i32
      %dma_wait3A_518 = arith.constant 0 : i32
      %dma_wait3A_519 = tpu.memref_slice %arg7[%dma_wait3A_517, %dma_wait3A_518] : memref<1280x16xf32, #tpu.memory_space<vmem>> -> memref<128x16xf32, #tpu.memory_space<vmem>>
      %dma_wait3A_520 = arith.constant 0 : i32
      %dma_wait3A_521 = tpu.memref_slice %arg5[%add3A_426, %dma_wait3A_520] : memref<80x128xi32, #tpu.memory_space<vmem>> -> memref<1x128xi32, #tpu.memory_space<vmem>>
      %dma_wait3A_522 = tpu.memref_squeeze %dma_wait3A_521 : memref<1x128xi32, #tpu.memory_space<vmem>> -> memref<128xi32, #tpu.memory_space<vmem>>
      %dma_wait3A_523 = arith.constant 0 : i32
      %dma_wait3A_524 = arith.constant 0 : i32
      %dma_wait3A_525 = tpu.memref_slice %arg9[%dma_wait3A_523, %dma_wait3A_524] : memref<10112x16xf32, #tpu.memory_space<vmem_shared>> -> memref<10112x16xf32, #tpu.memory_space<vmem_shared>>
      tpu.wait_indirect_dma semaphore(%arg12 : memref<!tpu.dma_semaphore, #tpu.memory_space<semaphore_mem>>) src(%dma_wait3A_519 : memref<128x16xf32, #tpu.memory_space<vmem>>) dst(%dma_wait3A_525 : memref<10112x16xf32, #tpu.memory_space<vmem_shared>>)
    }
    %scan3A_27 = arith.constant 4 : i32
    %barrier3A_28 = arith.constant 0 : index
    tpu.barrier barrier_id(%barrier3A_28)
    %mul3A_29 = arith.constant 632 : i32
    %mul3A_30 = arith.muli %arg1, %mul3A_29 : i32
    "tpu.region"() ({
      %run_scoped3A = tpu.sem_alloc : memref<!tpu.dma_semaphore, #tpu.memory_space<semaphore_mem>>
      %dma_start3A_36 = arith.constant 0 : i32
      %dma_start3A_37 = tpu.memref_slice %arg9[%mul3A_30, %dma_start3A_36] : memref<10112x16xf32, #tpu.memory_space<vmem_shared>> -> memref<632x16xf32, #tpu.memory_space<vmem_shared>>
      %dma_start3A_38 = arith.constant 0 : i32
      %dma_start3A_39 = tpu.memref_slice %arg9[%mul3A_30, %dma_start3A_38] : memref<10112x16xf32, #tpu.memory_space<vmem_shared>> -> memref<632x16xf32, #tpu.memory_space<vmem_shared>>
      tpu.enqueue_dma source(%dma_start3A_39 : memref<632x16xf32, #tpu.memory_space<vmem_shared>>) target(%arg8 : memref<632x16xf32, #tpu.memory_space<vmem>>) target_semaphore(%run_scoped3A : memref<!tpu.dma_semaphore, #tpu.memory_space<semaphore_mem>>)
      %dma_wait3A_40 = arith.constant 0 : i32
      %dma_wait3A_41 = tpu.memref_slice %arg9[%mul3A_30, %dma_wait3A_40] : memref<10112x16xf32, #tpu.memory_space<vmem_shared>> -> memref<632x16xf32, #tpu.memory_space<vmem_shared>>
      %dma_wait3A_42 = arith.constant 0 : i32
      %dma_wait3A_43 = tpu.memref_slice %arg9[%mul3A_30, %dma_wait3A_42] : memref<10112x16xf32, #tpu.memory_space<vmem_shared>> -> memref<632x16xf32, #tpu.memory_space<vmem_shared>>
      tpu.wait_dma2 semaphore(%run_scoped3A : memref<!tpu.dma_semaphore, #tpu.memory_space<semaphore_mem>>) src(%dma_wait3A_43 : memref<632x16xf32, #tpu.memory_space<vmem_shared>>) dst(%arg8 : memref<632x16xf32, #tpu.memory_space<vmem>>)
      tpu.yield
    }) : () -> ()
    %mul3A_31 = arith.constant 10112 : i32
    %mul3A_32 = arith.muli %arg0, %mul3A_31 : i32
    %mul3A_33 = arith.constant 632 : i32
    %mul3A_34 = arith.muli %arg1, %mul3A_33 : i32
    %add3A_35 = arith.addi %mul3A_32, %mul3A_34 : i32
    "tpu.region"() ({
      %run_scoped3A = tpu.sem_alloc : memref<!tpu.dma_semaphore, #tpu.memory_space<semaphore_mem>>
      %dma_start3A_36 = arith.constant 0 : i32
      %dma_start3A_37 = tpu.memref_slice %arg4[%add3A_35, %dma_start3A_36] : memref<20224x16xf32, #tpu.memory_space<hbm>> -> memref<632x16xf32, #tpu.memory_space<hbm>>
      %dma_start3A_38 = arith.constant 0 : i32
      %dma_start3A_39 = tpu.memref_slice %arg4[%add3A_35, %dma_start3A_38] : memref<20224x16xf32, #tpu.memory_space<hbm>> -> memref<632x16xf32, #tpu.memory_space<hbm>>
      tpu.enqueue_dma source(%arg8 : memref<632x16xf32, #tpu.memory_space<vmem>>) target(%dma_start3A_39 : memref<632x16xf32, #tpu.memory_space<hbm>>) target_semaphore(%run_scoped3A : memref<!tpu.dma_semaphore, #tpu.memory_space<semaphore_mem>>)
      %dma_wait3A_40 = arith.constant 0 : i32
      %dma_wait3A_41 = tpu.memref_slice %arg4[%add3A_35, %dma_wait3A_40] : memref<20224x16xf32, #tpu.memory_space<hbm>> -> memref<632x16xf32, #tpu.memory_space<hbm>>
      %dma_wait3A_42 = arith.constant 0 : i32
      %dma_wait3A_43 = tpu.memref_slice %arg4[%add3A_35, %dma_wait3A_42] : memref<20224x16xf32, #tpu.memory_space<hbm>> -> memref<632x16xf32, #tpu.memory_space<hbm>>
      tpu.wait_dma2 semaphore(%run_scoped3A : memref<!tpu.dma_semaphore, #tpu.memory_space<semaphore_mem>>) src(%arg8 : memref<632x16xf32, #tpu.memory_space<vmem>>) dst(%dma_wait3A_43 : memref<632x16xf32, #tpu.memory_space<hbm>>)
      tpu.yield
    }) : () -> ()
    return
  }
}

#map = affine_map<(d0, d1) -> (0, 0)>
module attributes {stable_mosaic.version = 14 : i64} {
  func.func @_sc_gather(%arg0: i32, %arg1: i32, %arg2: memref<10000x16xf32, #tpu.memory_space<hbm>>, %arg3: memref<2560x128xi32, #tpu.memory_space<hbm>>, %arg4: memref<327680x16xf32, #tpu.memory_space<hbm>>, %arg5: memref<80x128xi32, #tpu.memory_space<vmem>>, %arg6: memref<1280x16xf32, #tpu.memory_space<vmem>>, %arg7: memref<1280x16xf32, #tpu.memory_space<vmem>>, %arg8: memref<10000x16xf32, #tpu.memory_space<vmem_shared>>, %arg9: memref<!tpu.dma_semaphore, #tpu.memory_space<semaphore_mem>>, %arg10: memref<!tpu.dma_semaphore, #tpu.memory_space<semaphore_mem>>, %arg11: memref<!tpu.dma_semaphore, #tpu.memory_space<semaphore_mem>>, %arg12: memref<!tpu.dma_semaphore, #tpu.memory_space<semaphore_mem>>) attributes {dimension_semantics = [#tpu.dimension_semantics<core_parallel>, #tpu.dimension_semantics<subcore_parallel>], iteration_bounds = array<i64: 2, 16>, scalar_prefetch = 0 : i64, scratch_operands = 8 : i64, tpu.core_type = #tpu.core_type<sc_vector_subcore>, window_params = [{transform_indices = #map}, {transform_indices = #map}, {transform_indices = #map}]} {
    %mul3A = arith.constant 2 : i32
    %mul3A_0 = arith.muli %arg1, %mul3A : i32
    %add3A = arith.addi %mul3A_0, %arg0 : i32
    %mul3A_1 = arith.constant 80 : i32
    %mul3A_2 = arith.muli %add3A, %mul3A_1 : i32
    %dma_start3A = arith.constant 0 : i32
    %dma_start3A_3 = tpu.memref_slice %arg3[%mul3A_2, %dma_start3A] : memref<2560x128xi32, #tpu.memory_space<hbm>> -> memref<80x128xi32, #tpu.memory_space<hbm>>
    %dma_start3A_4 = arith.constant 0 : i32
    %dma_start3A_5 = tpu.memref_slice %arg3[%mul3A_2, %dma_start3A_4] : memref<2560x128xi32, #tpu.memory_space<hbm>> -> memref<80x128xi32, #tpu.memory_space<hbm>>
    tpu.enqueue_dma source(%dma_start3A_5 : memref<80x128xi32, #tpu.memory_space<hbm>>) target(%arg5 : memref<80x128xi32, #tpu.memory_space<vmem>>) target_semaphore(%arg9 : memref<!tpu.dma_semaphore, #tpu.memory_space<semaphore_mem>>)
    %eq3A = arith.constant 0 : i32
    %eq3A_6 = arith.cmpi eq, %arg1, %eq3A : i32
    %convert_element_type3A = arith.extui %eq3A_6 : i1 to i32
    %cond3A = arith.constant 0 : i32
    %cond3A_7 = arith.cmpi ne, %convert_element_type3A, %cond3A : i32
    scf.if %cond3A_7 {
      "tpu.region"() ({
        %run_scoped3A = tpu.sem_alloc : memref<!tpu.dma_semaphore, #tpu.memory_space<semaphore_mem>>
        tpu.enqueue_dma source(%arg2 : memref<10000x16xf32, #tpu.memory_space<hbm>>) target(%arg8 : memref<10000x16xf32, #tpu.memory_space<vmem_shared>>) target_semaphore(%run_scoped3A : memref<!tpu.dma_semaphore, #tpu.memory_space<semaphore_mem>>)
        tpu.wait_dma2 semaphore(%run_scoped3A : memref<!tpu.dma_semaphore, #tpu.memory_space<semaphore_mem>>) src(%arg2 : memref<10000x16xf32, #tpu.memory_space<hbm>>) dst(%arg8 : memref<10000x16xf32, #tpu.memory_space<vmem_shared>>)
        tpu.yield
      }) : () -> ()
    } else {
    }
    %dma_wait3A = arith.constant 0 : i32
    %dma_wait3A_8 = tpu.memref_slice %arg3[%mul3A_2, %dma_wait3A] : memref<2560x128xi32, #tpu.memory_space<hbm>> -> memref<80x128xi32, #tpu.memory_space<hbm>>
    %dma_wait3A_9 = arith.constant 0 : i32
    %dma_wait3A_10 = tpu.memref_slice %arg3[%mul3A_2, %dma_wait3A_9] : memref<2560x128xi32, #tpu.memory_space<hbm>> -> memref<80x128xi32, #tpu.memory_space<hbm>>
    tpu.wait_dma2 semaphore(%arg9 : memref<!tpu.dma_semaphore, #tpu.memory_space<semaphore_mem>>) src(%dma_wait3A_10 : memref<80x128xi32, #tpu.memory_space<hbm>>) dst(%arg5 : memref<80x128xi32, #tpu.memory_space<vmem>>)
    %barrier3A = arith.constant 0 : index
    tpu.barrier barrier_id(%barrier3A)
    %scan3A = arith.constant 0 : i32
    %scan3A_11 = arith.constant 0 : i32
    %scan3A_12 = arith.constant 4 : i32
    %scan3A_13 = arith.addi %scan3A_11, %scan3A_12 : i32
    %scan3A_14 = arith.constant 1 : i32
    scf.for %scan3A_28 = %scan3A_11 to %scan3A_13 step %scan3A_14  : i32 {
      %mul3A_29 = arith.constant 2 : i32
      %mul3A_30 = arith.muli %scan3A_28, %mul3A_29 : i32
      %add3A_31 = arith.constant 0 : i32
      %add3A_32 = arith.addi %mul3A_30, %add3A_31 : i32
      %gt3A = arith.constant 0 : i32
      %gt3A_33 = arith.cmpi sgt, %scan3A_28, %gt3A : i32
      %convert_element_type3A_34 = arith.extui %gt3A_33 : i1 to i32
      %cond3A_35 = arith.constant 0 : i32
      %cond3A_36 = arith.cmpi ne, %convert_element_type3A_34, %cond3A_35 : i32
      scf.if %cond3A_36 {
        %dma_wait3A_504 = arith.constant 0 : i32
        %dma_wait3A_505 = arith.constant 0 : i32
        %dma_wait3A_506 = tpu.memref_slice %arg4[%dma_wait3A_504, %dma_wait3A_505] : memref<327680x16xf32, #tpu.memory_space<hbm>> -> memref<1280x16xf32, #tpu.memory_space<hbm>>
        %dma_wait3A_507 = arith.constant 0 : i32
        %dma_wait3A_508 = arith.constant 0 : i32
        %dma_wait3A_509 = tpu.memref_slice %arg4[%dma_wait3A_507, %dma_wait3A_508] : memref<327680x16xf32, #tpu.memory_space<hbm>> -> memref<1280x16xf32, #tpu.memory_space<hbm>>
        tpu.wait_dma2 semaphore(%arg11 : memref<!tpu.dma_semaphore, #tpu.memory_space<semaphore_mem>>) src(%arg6 : memref<1280x16xf32, #tpu.memory_space<vmem>>) dst(%dma_wait3A_509 : memref<1280x16xf32, #tpu.memory_space<hbm>>)
      } else {
      }
      %mul3A_37 = arith.constant 10 : i32
      %mul3A_38 = arith.muli %add3A_32, %mul3A_37 : i32
      %add3A_39 = arith.constant 0 : i32
      %add3A_40 = arith.addi %mul3A_38, %add3A_39 : i32
      %dma_start3A_41 = arith.constant 0 : i32
      %dma_start3A_42 = arith.constant 0 : i32
      %dma_start3A_43 = tpu.memref_slice %arg6[%dma_start3A_41, %dma_start3A_42] : memref<1280x16xf32, #tpu.memory_space<vmem>> -> memref<128x16xf32, #tpu.memory_space<vmem>>
      %dma_start3A_44 = arith.constant 0 : i32
      %dma_start3A_45 = tpu.memref_slice %arg5[%add3A_40, %dma_start3A_44] : memref<80x128xi32, #tpu.memory_space<vmem>> -> memref<1x128xi32, #tpu.memory_space<vmem>>
      %dma_start3A_46 = tpu.memref_squeeze %dma_start3A_45 : memref<1x128xi32, #tpu.memory_space<vmem>> -> memref<128xi32, #tpu.memory_space<vmem>>
      %dma_start3A_47 = arith.constant 0 : i32
      %dma_start3A_48 = arith.constant 0 : i32
      %dma_start3A_49 = tpu.memref_slice %arg8[%dma_start3A_47, %dma_start3A_48] : memref<10000x16xf32, #tpu.memory_space<vmem_shared>> -> memref<10000x16xf32, #tpu.memory_space<vmem_shared>>
      tpu.enqueue_indirect_dma source(%dma_start3A_49 : memref<10000x16xf32, #tpu.memory_space<vmem_shared>>) target(%dma_start3A_43 : memref<128x16xf32, #tpu.memory_space<vmem>>) offsets(%dma_start3A_46 : memref<128xi32, #tpu.memory_space<vmem>>) semaphore(%arg9 : memref<!tpu.dma_semaphore, #tpu.memory_space<semaphore_mem>>)
      %mul3A_50 = arith.constant 10 : i32
      %mul3A_51 = arith.muli %add3A_32, %mul3A_50 : i32
      %add3A_52 = arith.constant 1 : i32
      %add3A_53 = arith.addi %mul3A_51, %add3A_52 : i32
      %dma_start3A_54 = arith.constant 128 : i32
      %dma_start3A_55 = arith.constant 0 : i32
      %dma_start3A_56 = tpu.memref_slice %arg6[%dma_start3A_54, %dma_start3A_55] : memref<1280x16xf32, #tpu.memory_space<vmem>> -> memref<128x16xf32, #tpu.memory_space<vmem>>
      %dma_start3A_57 = arith.constant 0 : i32
      %dma_start3A_58 = tpu.memref_slice %arg5[%add3A_53, %dma_start3A_57] : memref<80x128xi32, #tpu.memory_space<vmem>> -> memref<1x128xi32, #tpu.memory_space<vmem>>
      %dma_start3A_59 = tpu.memref_squeeze %dma_start3A_58 : memref<1x128xi32, #tpu.memory_space<vmem>> -> memref<128xi32, #tpu.memory_space<vmem>>
      %dma_start3A_60 = arith.constant 0 : i32
      %dma_start3A_61 = arith.constant 0 : i32
      %dma_start3A_62 = tpu.memref_slice %arg8[%dma_start3A_60, %dma_start3A_61] : memref<10000x16xf32, #tpu.memory_space<vmem_shared>> -> memref<10000x16xf32, #tpu.memory_space<vmem_shared>>
      tpu.enqueue_indirect_dma source(%dma_start3A_62 : memref<10000x16xf32, #tpu.memory_space<vmem_shared>>) target(%dma_start3A_56 : memref<128x16xf32, #tpu.memory_space<vmem>>) offsets(%dma_start3A_59 : memref<128xi32, #tpu.memory_space<vmem>>) semaphore(%arg9 : memref<!tpu.dma_semaphore, #tpu.memory_space<semaphore_mem>>)
      %mul3A_63 = arith.constant 10 : i32
      %mul3A_64 = arith.muli %add3A_32, %mul3A_63 : i32
      %add3A_65 = arith.constant 2 : i32
      %add3A_66 = arith.addi %mul3A_64, %add3A_65 : i32
      %dma_start3A_67 = arith.constant 256 : i32
      %dma_start3A_68 = arith.constant 0 : i32
      %dma_start3A_69 = tpu.memref_slice %arg6[%dma_start3A_67, %dma_start3A_68] : memref<1280x16xf32, #tpu.memory_space<vmem>> -> memref<128x16xf32, #tpu.memory_space<vmem>>
      %dma_start3A_70 = arith.constant 0 : i32
      %dma_start3A_71 = tpu.memref_slice %arg5[%add3A_66, %dma_start3A_70] : memref<80x128xi32, #tpu.memory_space<vmem>> -> memref<1x128xi32, #tpu.memory_space<vmem>>
      %dma_start3A_72 = tpu.memref_squeeze %dma_start3A_71 : memref<1x128xi32, #tpu.memory_space<vmem>> -> memref<128xi32, #tpu.memory_space<vmem>>
      %dma_start3A_73 = arith.constant 0 : i32
      %dma_start3A_74 = arith.constant 0 : i32
      %dma_start3A_75 = tpu.memref_slice %arg8[%dma_start3A_73, %dma_start3A_74] : memref<10000x16xf32, #tpu.memory_space<vmem_shared>> -> memref<10000x16xf32, #tpu.memory_space<vmem_shared>>
      tpu.enqueue_indirect_dma source(%dma_start3A_75 : memref<10000x16xf32, #tpu.memory_space<vmem_shared>>) target(%dma_start3A_69 : memref<128x16xf32, #tpu.memory_space<vmem>>) offsets(%dma_start3A_72 : memref<128xi32, #tpu.memory_space<vmem>>) semaphore(%arg9 : memref<!tpu.dma_semaphore, #tpu.memory_space<semaphore_mem>>)
      %mul3A_76 = arith.constant 10 : i32
      %mul3A_77 = arith.muli %add3A_32, %mul3A_76 : i32
      %add3A_78 = arith.constant 3 : i32
      %add3A_79 = arith.addi %mul3A_77, %add3A_78 : i32
      %dma_start3A_80 = arith.constant 384 : i32
      %dma_start3A_81 = arith.constant 0 : i32
      %dma_start3A_82 = tpu.memref_slice %arg6[%dma_start3A_80, %dma_start3A_81] : memref<1280x16xf32, #tpu.memory_space<vmem>> -> memref<128x16xf32, #tpu.memory_space<vmem>>
      %dma_start3A_83 = arith.constant 0 : i32
      %dma_start3A_84 = tpu.memref_slice %arg5[%add3A_79, %dma_start3A_83] : memref<80x128xi32, #tpu.memory_space<vmem>> -> memref<1x128xi32, #tpu.memory_space<vmem>>
      %dma_start3A_85 = tpu.memref_squeeze %dma_start3A_84 : memref<1x128xi32, #tpu.memory_space<vmem>> -> memref<128xi32, #tpu.memory_space<vmem>>
      %dma_start3A_86 = arith.constant 0 : i32
      %dma_start3A_87 = arith.constant 0 : i32
      %dma_start3A_88 = tpu.memref_slice %arg8[%dma_start3A_86, %dma_start3A_87] : memref<10000x16xf32, #tpu.memory_space<vmem_shared>> -> memref<10000x16xf32, #tpu.memory_space<vmem_shared>>
      tpu.enqueue_indirect_dma source(%dma_start3A_88 : memref<10000x16xf32, #tpu.memory_space<vmem_shared>>) target(%dma_start3A_82 : memref<128x16xf32, #tpu.memory_space<vmem>>) offsets(%dma_start3A_85 : memref<128xi32, #tpu.memory_space<vmem>>) semaphore(%arg9 : memref<!tpu.dma_semaphore, #tpu.memory_space<semaphore_mem>>)
      %mul3A_89 = arith.constant 10 : i32
      %mul3A_90 = arith.muli %add3A_32, %mul3A_89 : i32
      %add3A_91 = arith.constant 4 : i32
      %add3A_92 = arith.addi %mul3A_90, %add3A_91 : i32
      %dma_start3A_93 = arith.constant 512 : i32
      %dma_start3A_94 = arith.constant 0 : i32
      %dma_start3A_95 = tpu.memref_slice %arg6[%dma_start3A_93, %dma_start3A_94] : memref<1280x16xf32, #tpu.memory_space<vmem>> -> memref<128x16xf32, #tpu.memory_space<vmem>>
      %dma_start3A_96 = arith.constant 0 : i32
      %dma_start3A_97 = tpu.memref_slice %arg5[%add3A_92, %dma_start3A_96] : memref<80x128xi32, #tpu.memory_space<vmem>> -> memref<1x128xi32, #tpu.memory_space<vmem>>
      %dma_start3A_98 = tpu.memref_squeeze %dma_start3A_97 : memref<1x128xi32, #tpu.memory_space<vmem>> -> memref<128xi32, #tpu.memory_space<vmem>>
      %dma_start3A_99 = arith.constant 0 : i32
      %dma_start3A_100 = arith.constant 0 : i32
      %dma_start3A_101 = tpu.memref_slice %arg8[%dma_start3A_99, %dma_start3A_100] : memref<10000x16xf32, #tpu.memory_space<vmem_shared>> -> memref<10000x16xf32, #tpu.memory_space<vmem_shared>>
      tpu.enqueue_indirect_dma source(%dma_start3A_101 : memref<10000x16xf32, #tpu.memory_space<vmem_shared>>) target(%dma_start3A_95 : memref<128x16xf32, #tpu.memory_space<vmem>>) offsets(%dma_start3A_98 : memref<128xi32, #tpu.memory_space<vmem>>) semaphore(%arg9 : memref<!tpu.dma_semaphore, #tpu.memory_space<semaphore_mem>>)
      %mul3A_102 = arith.constant 10 : i32
      %mul3A_103 = arith.muli %add3A_32, %mul3A_102 : i32
      %add3A_104 = arith.constant 5 : i32
      %add3A_105 = arith.addi %mul3A_103, %add3A_104 : i32
      %dma_start3A_106 = arith.constant 640 : i32
      %dma_start3A_107 = arith.constant 0 : i32
      %dma_start3A_108 = tpu.memref_slice %arg6[%dma_start3A_106, %dma_start3A_107] : memref<1280x16xf32, #tpu.memory_space<vmem>> -> memref<128x16xf32, #tpu.memory_space<vmem>>
      %dma_start3A_109 = arith.constant 0 : i32
      %dma_start3A_110 = tpu.memref_slice %arg5[%add3A_105, %dma_start3A_109] : memref<80x128xi32, #tpu.memory_space<vmem>> -> memref<1x128xi32, #tpu.memory_space<vmem>>
      %dma_start3A_111 = tpu.memref_squeeze %dma_start3A_110 : memref<1x128xi32, #tpu.memory_space<vmem>> -> memref<128xi32, #tpu.memory_space<vmem>>
      %dma_start3A_112 = arith.constant 0 : i32
      %dma_start3A_113 = arith.constant 0 : i32
      %dma_start3A_114 = tpu.memref_slice %arg8[%dma_start3A_112, %dma_start3A_113] : memref<10000x16xf32, #tpu.memory_space<vmem_shared>> -> memref<10000x16xf32, #tpu.memory_space<vmem_shared>>
      tpu.enqueue_indirect_dma source(%dma_start3A_114 : memref<10000x16xf32, #tpu.memory_space<vmem_shared>>) target(%dma_start3A_108 : memref<128x16xf32, #tpu.memory_space<vmem>>) offsets(%dma_start3A_111 : memref<128xi32, #tpu.memory_space<vmem>>) semaphore(%arg9 : memref<!tpu.dma_semaphore, #tpu.memory_space<semaphore_mem>>)
      %mul3A_115 = arith.constant 10 : i32
      %mul3A_116 = arith.muli %add3A_32, %mul3A_115 : i32
      %add3A_117 = arith.constant 6 : i32
      %add3A_118 = arith.addi %mul3A_116, %add3A_117 : i32
      %dma_start3A_119 = arith.constant 768 : i32
      %dma_start3A_120 = arith.constant 0 : i32
      %dma_start3A_121 = tpu.memref_slice %arg6[%dma_start3A_119, %dma_start3A_120] : memref<1280x16xf32, #tpu.memory_space<vmem>> -> memref<128x16xf32, #tpu.memory_space<vmem>>
      %dma_start3A_122 = arith.constant 0 : i32
      %dma_start3A_123 = tpu.memref_slice %arg5[%add3A_118, %dma_start3A_122] : memref<80x128xi32, #tpu.memory_space<vmem>> -> memref<1x128xi32, #tpu.memory_space<vmem>>
      %dma_start3A_124 = tpu.memref_squeeze %dma_start3A_123 : memref<1x128xi32, #tpu.memory_space<vmem>> -> memref<128xi32, #tpu.memory_space<vmem>>
      %dma_start3A_125 = arith.constant 0 : i32
      %dma_start3A_126 = arith.constant 0 : i32
      %dma_start3A_127 = tpu.memref_slice %arg8[%dma_start3A_125, %dma_start3A_126] : memref<10000x16xf32, #tpu.memory_space<vmem_shared>> -> memref<10000x16xf32, #tpu.memory_space<vmem_shared>>
      tpu.enqueue_indirect_dma source(%dma_start3A_127 : memref<10000x16xf32, #tpu.memory_space<vmem_shared>>) target(%dma_start3A_121 : memref<128x16xf32, #tpu.memory_space<vmem>>) offsets(%dma_start3A_124 : memref<128xi32, #tpu.memory_space<vmem>>) semaphore(%arg9 : memref<!tpu.dma_semaphore, #tpu.memory_space<semaphore_mem>>)
      %mul3A_128 = arith.constant 10 : i32
      %mul3A_129 = arith.muli %add3A_32, %mul3A_128 : i32
      %add3A_130 = arith.constant 7 : i32
      %add3A_131 = arith.addi %mul3A_129, %add3A_130 : i32
      %dma_start3A_132 = arith.constant 896 : i32
      %dma_start3A_133 = arith.constant 0 : i32
      %dma_start3A_134 = tpu.memref_slice %arg6[%dma_start3A_132, %dma_start3A_133] : memref<1280x16xf32, #tpu.memory_space<vmem>> -> memref<128x16xf32, #tpu.memory_space<vmem>>
      %dma_start3A_135 = arith.constant 0 : i32
      %dma_start3A_136 = tpu.memref_slice %arg5[%add3A_131, %dma_start3A_135] : memref<80x128xi32, #tpu.memory_space<vmem>> -> memref<1x128xi32, #tpu.memory_space<vmem>>
      %dma_start3A_137 = tpu.memref_squeeze %dma_start3A_136 : memref<1x128xi32, #tpu.memory_space<vmem>> -> memref<128xi32, #tpu.memory_space<vmem>>
      %dma_start3A_138 = arith.constant 0 : i32
      %dma_start3A_139 = arith.constant 0 : i32
      %dma_start3A_140 = tpu.memref_slice %arg8[%dma_start3A_138, %dma_start3A_139] : memref<10000x16xf32, #tpu.memory_space<vmem_shared>> -> memref<10000x16xf32, #tpu.memory_space<vmem_shared>>
      tpu.enqueue_indirect_dma source(%dma_start3A_140 : memref<10000x16xf32, #tpu.memory_space<vmem_shared>>) target(%dma_start3A_134 : memref<128x16xf32, #tpu.memory_space<vmem>>) offsets(%dma_start3A_137 : memref<128xi32, #tpu.memory_space<vmem>>) semaphore(%arg9 : memref<!tpu.dma_semaphore, #tpu.memory_space<semaphore_mem>>)
      %mul3A_141 = arith.constant 10 : i32
      %mul3A_142 = arith.muli %add3A_32, %mul3A_141 : i32
      %add3A_143 = arith.constant 8 : i32
      %add3A_144 = arith.addi %mul3A_142, %add3A_143 : i32
      %dma_start3A_145 = arith.constant 1024 : i32
      %dma_start3A_146 = arith.constant 0 : i32
      %dma_start3A_147 = tpu.memref_slice %arg6[%dma_start3A_145, %dma_start3A_146] : memref<1280x16xf32, #tpu.memory_space<vmem>> -> memref<128x16xf32, #tpu.memory_space<vmem>>
      %dma_start3A_148 = arith.constant 0 : i32
      %dma_start3A_149 = tpu.memref_slice %arg5[%add3A_144, %dma_start3A_148] : memref<80x128xi32, #tpu.memory_space<vmem>> -> memref<1x128xi32, #tpu.memory_space<vmem>>
      %dma_start3A_150 = tpu.memref_squeeze %dma_start3A_149 : memref<1x128xi32, #tpu.memory_space<vmem>> -> memref<128xi32, #tpu.memory_space<vmem>>
      %dma_start3A_151 = arith.constant 0 : i32
      %dma_start3A_152 = arith.constant 0 : i32
      %dma_start3A_153 = tpu.memref_slice %arg8[%dma_start3A_151, %dma_start3A_152] : memref<10000x16xf32, #tpu.memory_space<vmem_shared>> -> memref<10000x16xf32, #tpu.memory_space<vmem_shared>>
      tpu.enqueue_indirect_dma source(%dma_start3A_153 : memref<10000x16xf32, #tpu.memory_space<vmem_shared>>) target(%dma_start3A_147 : memref<128x16xf32, #tpu.memory_space<vmem>>) offsets(%dma_start3A_150 : memref<128xi32, #tpu.memory_space<vmem>>) semaphore(%arg9 : memref<!tpu.dma_semaphore, #tpu.memory_space<semaphore_mem>>)
      %mul3A_154 = arith.constant 10 : i32
      %mul3A_155 = arith.muli %add3A_32, %mul3A_154 : i32
      %add3A_156 = arith.constant 9 : i32
      %add3A_157 = arith.addi %mul3A_155, %add3A_156 : i32
      %dma_start3A_158 = arith.constant 1152 : i32
      %dma_start3A_159 = arith.constant 0 : i32
      %dma_start3A_160 = tpu.memref_slice %arg6[%dma_start3A_158, %dma_start3A_159] : memref<1280x16xf32, #tpu.memory_space<vmem>> -> memref<128x16xf32, #tpu.memory_space<vmem>>
      %dma_start3A_161 = arith.constant 0 : i32
      %dma_start3A_162 = tpu.memref_slice %arg5[%add3A_157, %dma_start3A_161] : memref<80x128xi32, #tpu.memory_space<vmem>> -> memref<1x128xi32, #tpu.memory_space<vmem>>
      %dma_start3A_163 = tpu.memref_squeeze %dma_start3A_162 : memref<1x128xi32, #tpu.memory_space<vmem>> -> memref<128xi32, #tpu.memory_space<vmem>>
      %dma_start3A_164 = arith.constant 0 : i32
      %dma_start3A_165 = arith.constant 0 : i32
      %dma_start3A_166 = tpu.memref_slice %arg8[%dma_start3A_164, %dma_start3A_165] : memref<10000x16xf32, #tpu.memory_space<vmem_shared>> -> memref<10000x16xf32, #tpu.memory_space<vmem_shared>>
      tpu.enqueue_indirect_dma source(%dma_start3A_166 : memref<10000x16xf32, #tpu.memory_space<vmem_shared>>) target(%dma_start3A_160 : memref<128x16xf32, #tpu.memory_space<vmem>>) offsets(%dma_start3A_163 : memref<128xi32, #tpu.memory_space<vmem>>) semaphore(%arg9 : memref<!tpu.dma_semaphore, #tpu.memory_space<semaphore_mem>>)
      %dma_wait3A_167 = arith.constant 0 : i32
      %dma_wait3A_168 = arith.constant 0 : i32
      %dma_wait3A_169 = tpu.memref_slice %arg6[%dma_wait3A_167, %dma_wait3A_168] : memref<1280x16xf32, #tpu.memory_space<vmem>> -> memref<128x16xf32, #tpu.memory_space<vmem>>
      %dma_wait3A_170 = arith.constant 0 : i32
      %dma_wait3A_171 = tpu.memref_slice %arg5[%add3A_40, %dma_wait3A_170] : memref<80x128xi32, #tpu.memory_space<vmem>> -> memref<1x128xi32, #tpu.memory_space<vmem>>
      %dma_wait3A_172 = tpu.memref_squeeze %dma_wait3A_171 : memref<1x128xi32, #tpu.memory_space<vmem>> -> memref<128xi32, #tpu.memory_space<vmem>>
      %dma_wait3A_173 = arith.constant 0 : i32
      %dma_wait3A_174 = arith.constant 0 : i32
      %dma_wait3A_175 = tpu.memref_slice %arg8[%dma_wait3A_173, %dma_wait3A_174] : memref<10000x16xf32, #tpu.memory_space<vmem_shared>> -> memref<10000x16xf32, #tpu.memory_space<vmem_shared>>
      tpu.wait_indirect_dma semaphore(%arg9 : memref<!tpu.dma_semaphore, #tpu.memory_space<semaphore_mem>>) src(%dma_wait3A_175 : memref<10000x16xf32, #tpu.memory_space<vmem_shared>>) dst(%dma_wait3A_169 : memref<128x16xf32, #tpu.memory_space<vmem>>)
      %dma_wait3A_176 = arith.constant 128 : i32
      %dma_wait3A_177 = arith.constant 0 : i32
      %dma_wait3A_178 = tpu.memref_slice %arg6[%dma_wait3A_176, %dma_wait3A_177] : memref<1280x16xf32, #tpu.memory_space<vmem>> -> memref<128x16xf32, #tpu.memory_space<vmem>>
      %dma_wait3A_179 = arith.constant 0 : i32
      %dma_wait3A_180 = tpu.memref_slice %arg5[%add3A_53, %dma_wait3A_179] : memref<80x128xi32, #tpu.memory_space<vmem>> -> memref<1x128xi32, #tpu.memory_space<vmem>>
      %dma_wait3A_181 = tpu.memref_squeeze %dma_wait3A_180 : memref<1x128xi32, #tpu.memory_space<vmem>> -> memref<128xi32, #tpu.memory_space<vmem>>
      %dma_wait3A_182 = arith.constant 0 : i32
      %dma_wait3A_183 = arith.constant 0 : i32
      %dma_wait3A_184 = tpu.memref_slice %arg8[%dma_wait3A_182, %dma_wait3A_183] : memref<10000x16xf32, #tpu.memory_space<vmem_shared>> -> memref<10000x16xf32, #tpu.memory_space<vmem_shared>>
      tpu.wait_indirect_dma semaphore(%arg9 : memref<!tpu.dma_semaphore, #tpu.memory_space<semaphore_mem>>) src(%dma_wait3A_184 : memref<10000x16xf32, #tpu.memory_space<vmem_shared>>) dst(%dma_wait3A_178 : memref<128x16xf32, #tpu.memory_space<vmem>>)
      %dma_wait3A_185 = arith.constant 256 : i32
      %dma_wait3A_186 = arith.constant 0 : i32
      %dma_wait3A_187 = tpu.memref_slice %arg6[%dma_wait3A_185, %dma_wait3A_186] : memref<1280x16xf32, #tpu.memory_space<vmem>> -> memref<128x16xf32, #tpu.memory_space<vmem>>
      %dma_wait3A_188 = arith.constant 0 : i32
      %dma_wait3A_189 = tpu.memref_slice %arg5[%add3A_66, %dma_wait3A_188] : memref<80x128xi32, #tpu.memory_space<vmem>> -> memref<1x128xi32, #tpu.memory_space<vmem>>
      %dma_wait3A_190 = tpu.memref_squeeze %dma_wait3A_189 : memref<1x128xi32, #tpu.memory_space<vmem>> -> memref<128xi32, #tpu.memory_space<vmem>>
      %dma_wait3A_191 = arith.constant 0 : i32
      %dma_wait3A_192 = arith.constant 0 : i32
      %dma_wait3A_193 = tpu.memref_slice %arg8[%dma_wait3A_191, %dma_wait3A_192] : memref<10000x16xf32, #tpu.memory_space<vmem_shared>> -> memref<10000x16xf32, #tpu.memory_space<vmem_shared>>
      tpu.wait_indirect_dma semaphore(%arg9 : memref<!tpu.dma_semaphore, #tpu.memory_space<semaphore_mem>>) src(%dma_wait3A_193 : memref<10000x16xf32, #tpu.memory_space<vmem_shared>>) dst(%dma_wait3A_187 : memref<128x16xf32, #tpu.memory_space<vmem>>)
      %dma_wait3A_194 = arith.constant 384 : i32
      %dma_wait3A_195 = arith.constant 0 : i32
      %dma_wait3A_196 = tpu.memref_slice %arg6[%dma_wait3A_194, %dma_wait3A_195] : memref<1280x16xf32, #tpu.memory_space<vmem>> -> memref<128x16xf32, #tpu.memory_space<vmem>>
      %dma_wait3A_197 = arith.constant 0 : i32
      %dma_wait3A_198 = tpu.memref_slice %arg5[%add3A_79, %dma_wait3A_197] : memref<80x128xi32, #tpu.memory_space<vmem>> -> memref<1x128xi32, #tpu.memory_space<vmem>>
      %dma_wait3A_199 = tpu.memref_squeeze %dma_wait3A_198 : memref<1x128xi32, #tpu.memory_space<vmem>> -> memref<128xi32, #tpu.memory_space<vmem>>
      %dma_wait3A_200 = arith.constant 0 : i32
      %dma_wait3A_201 = arith.constant 0 : i32
      %dma_wait3A_202 = tpu.memref_slice %arg8[%dma_wait3A_200, %dma_wait3A_201] : memref<10000x16xf32, #tpu.memory_space<vmem_shared>> -> memref<10000x16xf32, #tpu.memory_space<vmem_shared>>
      tpu.wait_indirect_dma semaphore(%arg9 : memref<!tpu.dma_semaphore, #tpu.memory_space<semaphore_mem>>) src(%dma_wait3A_202 : memref<10000x16xf32, #tpu.memory_space<vmem_shared>>) dst(%dma_wait3A_196 : memref<128x16xf32, #tpu.memory_space<vmem>>)
      %dma_wait3A_203 = arith.constant 512 : i32
      %dma_wait3A_204 = arith.constant 0 : i32
      %dma_wait3A_205 = tpu.memref_slice %arg6[%dma_wait3A_203, %dma_wait3A_204] : memref<1280x16xf32, #tpu.memory_space<vmem>> -> memref<128x16xf32, #tpu.memory_space<vmem>>
      %dma_wait3A_206 = arith.constant 0 : i32
      %dma_wait3A_207 = tpu.memref_slice %arg5[%add3A_92, %dma_wait3A_206] : memref<80x128xi32, #tpu.memory_space<vmem>> -> memref<1x128xi32, #tpu.memory_space<vmem>>
      %dma_wait3A_208 = tpu.memref_squeeze %dma_wait3A_207 : memref<1x128xi32, #tpu.memory_space<vmem>> -> memref<128xi32, #tpu.memory_space<vmem>>
      %dma_wait3A_209 = arith.constant 0 : i32
      %dma_wait3A_210 = arith.constant 0 : i32
      %dma_wait3A_211 = tpu.memref_slice %arg8[%dma_wait3A_209, %dma_wait3A_210] : memref<10000x16xf32, #tpu.memory_space<vmem_shared>> -> memref<10000x16xf32, #tpu.memory_space<vmem_shared>>
      tpu.wait_indirect_dma semaphore(%arg9 : memref<!tpu.dma_semaphore, #tpu.memory_space<semaphore_mem>>) src(%dma_wait3A_211 : memref<10000x16xf32, #tpu.memory_space<vmem_shared>>) dst(%dma_wait3A_205 : memref<128x16xf32, #tpu.memory_space<vmem>>)
      %dma_wait3A_212 = arith.constant 640 : i32
      %dma_wait3A_213 = arith.constant 0 : i32
      %dma_wait3A_214 = tpu.memref_slice %arg6[%dma_wait3A_212, %dma_wait3A_213] : memref<1280x16xf32, #tpu.memory_space<vmem>> -> memref<128x16xf32, #tpu.memory_space<vmem>>
      %dma_wait3A_215 = arith.constant 0 : i32
      %dma_wait3A_216 = tpu.memref_slice %arg5[%add3A_105, %dma_wait3A_215] : memref<80x128xi32, #tpu.memory_space<vmem>> -> memref<1x128xi32, #tpu.memory_space<vmem>>
      %dma_wait3A_217 = tpu.memref_squeeze %dma_wait3A_216 : memref<1x128xi32, #tpu.memory_space<vmem>> -> memref<128xi32, #tpu.memory_space<vmem>>
      %dma_wait3A_218 = arith.constant 0 : i32
      %dma_wait3A_219 = arith.constant 0 : i32
      %dma_wait3A_220 = tpu.memref_slice %arg8[%dma_wait3A_218, %dma_wait3A_219] : memref<10000x16xf32, #tpu.memory_space<vmem_shared>> -> memref<10000x16xf32, #tpu.memory_space<vmem_shared>>
      tpu.wait_indirect_dma semaphore(%arg9 : memref<!tpu.dma_semaphore, #tpu.memory_space<semaphore_mem>>) src(%dma_wait3A_220 : memref<10000x16xf32, #tpu.memory_space<vmem_shared>>) dst(%dma_wait3A_214 : memref<128x16xf32, #tpu.memory_space<vmem>>)
      %dma_wait3A_221 = arith.constant 768 : i32
      %dma_wait3A_222 = arith.constant 0 : i32
      %dma_wait3A_223 = tpu.memref_slice %arg6[%dma_wait3A_221, %dma_wait3A_222] : memref<1280x16xf32, #tpu.memory_space<vmem>> -> memref<128x16xf32, #tpu.memory_space<vmem>>
      %dma_wait3A_224 = arith.constant 0 : i32
      %dma_wait3A_225 = tpu.memref_slice %arg5[%add3A_118, %dma_wait3A_224] : memref<80x128xi32, #tpu.memory_space<vmem>> -> memref<1x128xi32, #tpu.memory_space<vmem>>
      %dma_wait3A_226 = tpu.memref_squeeze %dma_wait3A_225 : memref<1x128xi32, #tpu.memory_space<vmem>> -> memref<128xi32, #tpu.memory_space<vmem>>
      %dma_wait3A_227 = arith.constant 0 : i32
      %dma_wait3A_228 = arith.constant 0 : i32
      %dma_wait3A_229 = tpu.memref_slice %arg8[%dma_wait3A_227, %dma_wait3A_228] : memref<10000x16xf32, #tpu.memory_space<vmem_shared>> -> memref<10000x16xf32, #tpu.memory_space<vmem_shared>>
      tpu.wait_indirect_dma semaphore(%arg9 : memref<!tpu.dma_semaphore, #tpu.memory_space<semaphore_mem>>) src(%dma_wait3A_229 : memref<10000x16xf32, #tpu.memory_space<vmem_shared>>) dst(%dma_wait3A_223 : memref<128x16xf32, #tpu.memory_space<vmem>>)
      %dma_wait3A_230 = arith.constant 896 : i32
      %dma_wait3A_231 = arith.constant 0 : i32
      %dma_wait3A_232 = tpu.memref_slice %arg6[%dma_wait3A_230, %dma_wait3A_231] : memref<1280x16xf32, #tpu.memory_space<vmem>> -> memref<128x16xf32, #tpu.memory_space<vmem>>
      %dma_wait3A_233 = arith.constant 0 : i32
      %dma_wait3A_234 = tpu.memref_slice %arg5[%add3A_131, %dma_wait3A_233] : memref<80x128xi32, #tpu.memory_space<vmem>> -> memref<1x128xi32, #tpu.memory_space<vmem>>
      %dma_wait3A_235 = tpu.memref_squeeze %dma_wait3A_234 : memref<1x128xi32, #tpu.memory_space<vmem>> -> memref<128xi32, #tpu.memory_space<vmem>>
      %dma_wait3A_236 = arith.constant 0 : i32
      %dma_wait3A_237 = arith.constant 0 : i32
      %dma_wait3A_238 = tpu.memref_slice %arg8[%dma_wait3A_236, %dma_wait3A_237] : memref<10000x16xf32, #tpu.memory_space<vmem_shared>> -> memref<10000x16xf32, #tpu.memory_space<vmem_shared>>
      tpu.wait_indirect_dma semaphore(%arg9 : memref<!tpu.dma_semaphore, #tpu.memory_space<semaphore_mem>>) src(%dma_wait3A_238 : memref<10000x16xf32, #tpu.memory_space<vmem_shared>>) dst(%dma_wait3A_232 : memref<128x16xf32, #tpu.memory_space<vmem>>)
      %dma_wait3A_239 = arith.constant 1024 : i32
      %dma_wait3A_240 = arith.constant 0 : i32
      %dma_wait3A_241 = tpu.memref_slice %arg6[%dma_wait3A_239, %dma_wait3A_240] : memref<1280x16xf32, #tpu.memory_space<vmem>> -> memref<128x16xf32, #tpu.memory_space<vmem>>
      %dma_wait3A_242 = arith.constant 0 : i32
      %dma_wait3A_243 = tpu.memref_slice %arg5[%add3A_144, %dma_wait3A_242] : memref<80x128xi32, #tpu.memory_space<vmem>> -> memref<1x128xi32, #tpu.memory_space<vmem>>
      %dma_wait3A_244 = tpu.memref_squeeze %dma_wait3A_243 : memref<1x128xi32, #tpu.memory_space<vmem>> -> memref<128xi32, #tpu.memory_space<vmem>>
      %dma_wait3A_245 = arith.constant 0 : i32
      %dma_wait3A_246 = arith.constant 0 : i32
      %dma_wait3A_247 = tpu.memref_slice %arg8[%dma_wait3A_245, %dma_wait3A_246] : memref<10000x16xf32, #tpu.memory_space<vmem_shared>> -> memref<10000x16xf32, #tpu.memory_space<vmem_shared>>
      tpu.wait_indirect_dma semaphore(%arg9 : memref<!tpu.dma_semaphore, #tpu.memory_space<semaphore_mem>>) src(%dma_wait3A_247 : memref<10000x16xf32, #tpu.memory_space<vmem_shared>>) dst(%dma_wait3A_241 : memref<128x16xf32, #tpu.memory_space<vmem>>)
      %dma_wait3A_248 = arith.constant 1152 : i32
      %dma_wait3A_249 = arith.constant 0 : i32
      %dma_wait3A_250 = tpu.memref_slice %arg6[%dma_wait3A_248, %dma_wait3A_249] : memref<1280x16xf32, #tpu.memory_space<vmem>> -> memref<128x16xf32, #tpu.memory_space<vmem>>
      %dma_wait3A_251 = arith.constant 0 : i32
      %dma_wait3A_252 = tpu.memref_slice %arg5[%add3A_157, %dma_wait3A_251] : memref<80x128xi32, #tpu.memory_space<vmem>> -> memref<1x128xi32, #tpu.memory_space<vmem>>
      %dma_wait3A_253 = tpu.memref_squeeze %dma_wait3A_252 : memref<1x128xi32, #tpu.memory_space<vmem>> -> memref<128xi32, #tpu.memory_space<vmem>>
      %dma_wait3A_254 = arith.constant 0 : i32
      %dma_wait3A_255 = arith.constant 0 : i32
      %dma_wait3A_256 = tpu.memref_slice %arg8[%dma_wait3A_254, %dma_wait3A_255] : memref<10000x16xf32, #tpu.memory_space<vmem_shared>> -> memref<10000x16xf32, #tpu.memory_space<vmem_shared>>
      tpu.wait_indirect_dma semaphore(%arg9 : memref<!tpu.dma_semaphore, #tpu.memory_space<semaphore_mem>>) src(%dma_wait3A_256 : memref<10000x16xf32, #tpu.memory_space<vmem_shared>>) dst(%dma_wait3A_250 : memref<128x16xf32, #tpu.memory_space<vmem>>)
      %mul3A_257 = arith.constant 10240 : i32
      %mul3A_258 = arith.muli %add3A, %mul3A_257 : i32
      %mul3A_259 = arith.constant 1280 : i32
      %mul3A_260 = arith.muli %add3A_32, %mul3A_259 : i32
      %add3A_261 = arith.addi %mul3A_258, %mul3A_260 : i32
      %dma_start3A_262 = arith.constant 0 : i32
      %dma_start3A_263 = tpu.memref_slice %arg4[%add3A_261, %dma_start3A_262] : memref<327680x16xf32, #tpu.memory_space<hbm>> -> memref<1280x16xf32, #tpu.memory_space<hbm>>
      %dma_start3A_264 = arith.constant 0 : i32
      %dma_start3A_265 = tpu.memref_slice %arg4[%add3A_261, %dma_start3A_264] : memref<327680x16xf32, #tpu.memory_space<hbm>> -> memref<1280x16xf32, #tpu.memory_space<hbm>>
      tpu.enqueue_dma source(%arg6 : memref<1280x16xf32, #tpu.memory_space<vmem>>) target(%dma_start3A_265 : memref<1280x16xf32, #tpu.memory_space<hbm>>) target_semaphore(%arg11 : memref<!tpu.dma_semaphore, #tpu.memory_space<semaphore_mem>>)
      %mul3A_266 = arith.constant 2 : i32
      %mul3A_267 = arith.muli %scan3A_28, %mul3A_266 : i32
      %add3A_268 = arith.constant 1 : i32
      %add3A_269 = arith.addi %mul3A_267, %add3A_268 : i32
      %gt3A_270 = arith.constant 0 : i32
      %gt3A_271 = arith.cmpi sgt, %scan3A_28, %gt3A_270 : i32
      %convert_element_type3A_272 = arith.extui %gt3A_271 : i1 to i32
      %cond3A_273 = arith.constant 0 : i32
      %cond3A_274 = arith.cmpi ne, %convert_element_type3A_272, %cond3A_273 : i32
      scf.if %cond3A_274 {
        %dma_wait3A_504 = arith.constant 0 : i32
        %dma_wait3A_505 = arith.constant 0 : i32
        %dma_wait3A_506 = tpu.memref_slice %arg4[%dma_wait3A_504, %dma_wait3A_505] : memref<327680x16xf32, #tpu.memory_space<hbm>> -> memref<1280x16xf32, #tpu.memory_space<hbm>>
        %dma_wait3A_507 = arith.constant 0 : i32
        %dma_wait3A_508 = arith.constant 0 : i32
        %dma_wait3A_509 = tpu.memref_slice %arg4[%dma_wait3A_507, %dma_wait3A_508] : memref<327680x16xf32, #tpu.memory_space<hbm>> -> memref<1280x16xf32, #tpu.memory_space<hbm>>
        tpu.wait_dma2 semaphore(%arg12 : memref<!tpu.dma_semaphore, #tpu.memory_space<semaphore_mem>>) src(%arg7 : memref<1280x16xf32, #tpu.memory_space<vmem>>) dst(%dma_wait3A_509 : memref<1280x16xf32, #tpu.memory_space<hbm>>)
      } else {
      }
      %mul3A_275 = arith.constant 10 : i32
      %mul3A_276 = arith.muli %add3A_269, %mul3A_275 : i32
      %add3A_277 = arith.constant 0 : i32
      %add3A_278 = arith.addi %mul3A_276, %add3A_277 : i32
      %dma_start3A_279 = arith.constant 0 : i32
      %dma_start3A_280 = arith.constant 0 : i32
      %dma_start3A_281 = tpu.memref_slice %arg7[%dma_start3A_279, %dma_start3A_280] : memref<1280x16xf32, #tpu.memory_space<vmem>> -> memref<128x16xf32, #tpu.memory_space<vmem>>
      %dma_start3A_282 = arith.constant 0 : i32
      %dma_start3A_283 = tpu.memref_slice %arg5[%add3A_278, %dma_start3A_282] : memref<80x128xi32, #tpu.memory_space<vmem>> -> memref<1x128xi32, #tpu.memory_space<vmem>>
      %dma_start3A_284 = tpu.memref_squeeze %dma_start3A_283 : memref<1x128xi32, #tpu.memory_space<vmem>> -> memref<128xi32, #tpu.memory_space<vmem>>
      %dma_start3A_285 = arith.constant 0 : i32
      %dma_start3A_286 = arith.constant 0 : i32
      %dma_start3A_287 = tpu.memref_slice %arg8[%dma_start3A_285, %dma_start3A_286] : memref<10000x16xf32, #tpu.memory_space<vmem_shared>> -> memref<10000x16xf32, #tpu.memory_space<vmem_shared>>
      tpu.enqueue_indirect_dma source(%dma_start3A_287 : memref<10000x16xf32, #tpu.memory_space<vmem_shared>>) target(%dma_start3A_281 : memref<128x16xf32, #tpu.memory_space<vmem>>) offsets(%dma_start3A_284 : memref<128xi32, #tpu.memory_space<vmem>>) semaphore(%arg10 : memref<!tpu.dma_semaphore, #tpu.memory_space<semaphore_mem>>)
      %mul3A_288 = arith.constant 10 : i32
      %mul3A_289 = arith.muli %add3A_269, %mul3A_288 : i32
      %add3A_290 = arith.constant 1 : i32
      %add3A_291 = arith.addi %mul3A_289, %add3A_290 : i32
      %dma_start3A_292 = arith.constant 128 : i32
      %dma_start3A_293 = arith.constant 0 : i32
      %dma_start3A_294 = tpu.memref_slice %arg7[%dma_start3A_292, %dma_start3A_293] : memref<1280x16xf32, #tpu.memory_space<vmem>> -> memref<128x16xf32, #tpu.memory_space<vmem>>
      %dma_start3A_295 = arith.constant 0 : i32
      %dma_start3A_296 = tpu.memref_slice %arg5[%add3A_291, %dma_start3A_295] : memref<80x128xi32, #tpu.memory_space<vmem>> -> memref<1x128xi32, #tpu.memory_space<vmem>>
      %dma_start3A_297 = tpu.memref_squeeze %dma_start3A_296 : memref<1x128xi32, #tpu.memory_space<vmem>> -> memref<128xi32, #tpu.memory_space<vmem>>
      %dma_start3A_298 = arith.constant 0 : i32
      %dma_start3A_299 = arith.constant 0 : i32
      %dma_start3A_300 = tpu.memref_slice %arg8[%dma_start3A_298, %dma_start3A_299] : memref<10000x16xf32, #tpu.memory_space<vmem_shared>> -> memref<10000x16xf32, #tpu.memory_space<vmem_shared>>
      tpu.enqueue_indirect_dma source(%dma_start3A_300 : memref<10000x16xf32, #tpu.memory_space<vmem_shared>>) target(%dma_start3A_294 : memref<128x16xf32, #tpu.memory_space<vmem>>) offsets(%dma_start3A_297 : memref<128xi32, #tpu.memory_space<vmem>>) semaphore(%arg10 : memref<!tpu.dma_semaphore, #tpu.memory_space<semaphore_mem>>)
      %mul3A_301 = arith.constant 10 : i32
      %mul3A_302 = arith.muli %add3A_269, %mul3A_301 : i32
      %add3A_303 = arith.constant 2 : i32
      %add3A_304 = arith.addi %mul3A_302, %add3A_303 : i32
      %dma_start3A_305 = arith.constant 256 : i32
      %dma_start3A_306 = arith.constant 0 : i32
      %dma_start3A_307 = tpu.memref_slice %arg7[%dma_start3A_305, %dma_start3A_306] : memref<1280x16xf32, #tpu.memory_space<vmem>> -> memref<128x16xf32, #tpu.memory_space<vmem>>
      %dma_start3A_308 = arith.constant 0 : i32
      %dma_start3A_309 = tpu.memref_slice %arg5[%add3A_304, %dma_start3A_308] : memref<80x128xi32, #tpu.memory_space<vmem>> -> memref<1x128xi32, #tpu.memory_space<vmem>>
      %dma_start3A_310 = tpu.memref_squeeze %dma_start3A_309 : memref<1x128xi32, #tpu.memory_space<vmem>> -> memref<128xi32, #tpu.memory_space<vmem>>
      %dma_start3A_311 = arith.constant 0 : i32
      %dma_start3A_312 = arith.constant 0 : i32
      %dma_start3A_313 = tpu.memref_slice %arg8[%dma_start3A_311, %dma_start3A_312] : memref<10000x16xf32, #tpu.memory_space<vmem_shared>> -> memref<10000x16xf32, #tpu.memory_space<vmem_shared>>
      tpu.enqueue_indirect_dma source(%dma_start3A_313 : memref<10000x16xf32, #tpu.memory_space<vmem_shared>>) target(%dma_start3A_307 : memref<128x16xf32, #tpu.memory_space<vmem>>) offsets(%dma_start3A_310 : memref<128xi32, #tpu.memory_space<vmem>>) semaphore(%arg10 : memref<!tpu.dma_semaphore, #tpu.memory_space<semaphore_mem>>)
      %mul3A_314 = arith.constant 10 : i32
      %mul3A_315 = arith.muli %add3A_269, %mul3A_314 : i32
      %add3A_316 = arith.constant 3 : i32
      %add3A_317 = arith.addi %mul3A_315, %add3A_316 : i32
      %dma_start3A_318 = arith.constant 384 : i32
      %dma_start3A_319 = arith.constant 0 : i32
      %dma_start3A_320 = tpu.memref_slice %arg7[%dma_start3A_318, %dma_start3A_319] : memref<1280x16xf32, #tpu.memory_space<vmem>> -> memref<128x16xf32, #tpu.memory_space<vmem>>
      %dma_start3A_321 = arith.constant 0 : i32
      %dma_start3A_322 = tpu.memref_slice %arg5[%add3A_317, %dma_start3A_321] : memref<80x128xi32, #tpu.memory_space<vmem>> -> memref<1x128xi32, #tpu.memory_space<vmem>>
      %dma_start3A_323 = tpu.memref_squeeze %dma_start3A_322 : memref<1x128xi32, #tpu.memory_space<vmem>> -> memref<128xi32, #tpu.memory_space<vmem>>
      %dma_start3A_324 = arith.constant 0 : i32
      %dma_start3A_325 = arith.constant 0 : i32
      %dma_start3A_326 = tpu.memref_slice %arg8[%dma_start3A_324, %dma_start3A_325] : memref<10000x16xf32, #tpu.memory_space<vmem_shared>> -> memref<10000x16xf32, #tpu.memory_space<vmem_shared>>
      tpu.enqueue_indirect_dma source(%dma_start3A_326 : memref<10000x16xf32, #tpu.memory_space<vmem_shared>>) target(%dma_start3A_320 : memref<128x16xf32, #tpu.memory_space<vmem>>) offsets(%dma_start3A_323 : memref<128xi32, #tpu.memory_space<vmem>>) semaphore(%arg10 : memref<!tpu.dma_semaphore, #tpu.memory_space<semaphore_mem>>)
      %mul3A_327 = arith.constant 10 : i32
      %mul3A_328 = arith.muli %add3A_269, %mul3A_327 : i32
      %add3A_329 = arith.constant 4 : i32
      %add3A_330 = arith.addi %mul3A_328, %add3A_329 : i32
      %dma_start3A_331 = arith.constant 512 : i32
      %dma_start3A_332 = arith.constant 0 : i32
      %dma_start3A_333 = tpu.memref_slice %arg7[%dma_start3A_331, %dma_start3A_332] : memref<1280x16xf32, #tpu.memory_space<vmem>> -> memref<128x16xf32, #tpu.memory_space<vmem>>
      %dma_start3A_334 = arith.constant 0 : i32
      %dma_start3A_335 = tpu.memref_slice %arg5[%add3A_330, %dma_start3A_334] : memref<80x128xi32, #tpu.memory_space<vmem>> -> memref<1x128xi32, #tpu.memory_space<vmem>>
      %dma_start3A_336 = tpu.memref_squeeze %dma_start3A_335 : memref<1x128xi32, #tpu.memory_space<vmem>> -> memref<128xi32, #tpu.memory_space<vmem>>
      %dma_start3A_337 = arith.constant 0 : i32
      %dma_start3A_338 = arith.constant 0 : i32
      %dma_start3A_339 = tpu.memref_slice %arg8[%dma_start3A_337, %dma_start3A_338] : memref<10000x16xf32, #tpu.memory_space<vmem_shared>> -> memref<10000x16xf32, #tpu.memory_space<vmem_shared>>
      tpu.enqueue_indirect_dma source(%dma_start3A_339 : memref<10000x16xf32, #tpu.memory_space<vmem_shared>>) target(%dma_start3A_333 : memref<128x16xf32, #tpu.memory_space<vmem>>) offsets(%dma_start3A_336 : memref<128xi32, #tpu.memory_space<vmem>>) semaphore(%arg10 : memref<!tpu.dma_semaphore, #tpu.memory_space<semaphore_mem>>)
      %mul3A_340 = arith.constant 10 : i32
      %mul3A_341 = arith.muli %add3A_269, %mul3A_340 : i32
      %add3A_342 = arith.constant 5 : i32
      %add3A_343 = arith.addi %mul3A_341, %add3A_342 : i32
      %dma_start3A_344 = arith.constant 640 : i32
      %dma_start3A_345 = arith.constant 0 : i32
      %dma_start3A_346 = tpu.memref_slice %arg7[%dma_start3A_344, %dma_start3A_345] : memref<1280x16xf32, #tpu.memory_space<vmem>> -> memref<128x16xf32, #tpu.memory_space<vmem>>
      %dma_start3A_347 = arith.constant 0 : i32
      %dma_start3A_348 = tpu.memref_slice %arg5[%add3A_343, %dma_start3A_347] : memref<80x128xi32, #tpu.memory_space<vmem>> -> memref<1x128xi32, #tpu.memory_space<vmem>>
      %dma_start3A_349 = tpu.memref_squeeze %dma_start3A_348 : memref<1x128xi32, #tpu.memory_space<vmem>> -> memref<128xi32, #tpu.memory_space<vmem>>
      %dma_start3A_350 = arith.constant 0 : i32
      %dma_start3A_351 = arith.constant 0 : i32
      %dma_start3A_352 = tpu.memref_slice %arg8[%dma_start3A_350, %dma_start3A_351] : memref<10000x16xf32, #tpu.memory_space<vmem_shared>> -> memref<10000x16xf32, #tpu.memory_space<vmem_shared>>
      tpu.enqueue_indirect_dma source(%dma_start3A_352 : memref<10000x16xf32, #tpu.memory_space<vmem_shared>>) target(%dma_start3A_346 : memref<128x16xf32, #tpu.memory_space<vmem>>) offsets(%dma_start3A_349 : memref<128xi32, #tpu.memory_space<vmem>>) semaphore(%arg10 : memref<!tpu.dma_semaphore, #tpu.memory_space<semaphore_mem>>)
      %mul3A_353 = arith.constant 10 : i32
      %mul3A_354 = arith.muli %add3A_269, %mul3A_353 : i32
      %add3A_355 = arith.constant 6 : i32
      %add3A_356 = arith.addi %mul3A_354, %add3A_355 : i32
      %dma_start3A_357 = arith.constant 768 : i32
      %dma_start3A_358 = arith.constant 0 : i32
      %dma_start3A_359 = tpu.memref_slice %arg7[%dma_start3A_357, %dma_start3A_358] : memref<1280x16xf32, #tpu.memory_space<vmem>> -> memref<128x16xf32, #tpu.memory_space<vmem>>
      %dma_start3A_360 = arith.constant 0 : i32
      %dma_start3A_361 = tpu.memref_slice %arg5[%add3A_356, %dma_start3A_360] : memref<80x128xi32, #tpu.memory_space<vmem>> -> memref<1x128xi32, #tpu.memory_space<vmem>>
      %dma_start3A_362 = tpu.memref_squeeze %dma_start3A_361 : memref<1x128xi32, #tpu.memory_space<vmem>> -> memref<128xi32, #tpu.memory_space<vmem>>
      %dma_start3A_363 = arith.constant 0 : i32
      %dma_start3A_364 = arith.constant 0 : i32
      %dma_start3A_365 = tpu.memref_slice %arg8[%dma_start3A_363, %dma_start3A_364] : memref<10000x16xf32, #tpu.memory_space<vmem_shared>> -> memref<10000x16xf32, #tpu.memory_space<vmem_shared>>
      tpu.enqueue_indirect_dma source(%dma_start3A_365 : memref<10000x16xf32, #tpu.memory_space<vmem_shared>>) target(%dma_start3A_359 : memref<128x16xf32, #tpu.memory_space<vmem>>) offsets(%dma_start3A_362 : memref<128xi32, #tpu.memory_space<vmem>>) semaphore(%arg10 : memref<!tpu.dma_semaphore, #tpu.memory_space<semaphore_mem>>)
      %mul3A_366 = arith.constant 10 : i32
      %mul3A_367 = arith.muli %add3A_269, %mul3A_366 : i32
      %add3A_368 = arith.constant 7 : i32
      %add3A_369 = arith.addi %mul3A_367, %add3A_368 : i32
      %dma_start3A_370 = arith.constant 896 : i32
      %dma_start3A_371 = arith.constant 0 : i32
      %dma_start3A_372 = tpu.memref_slice %arg7[%dma_start3A_370, %dma_start3A_371] : memref<1280x16xf32, #tpu.memory_space<vmem>> -> memref<128x16xf32, #tpu.memory_space<vmem>>
      %dma_start3A_373 = arith.constant 0 : i32
      %dma_start3A_374 = tpu.memref_slice %arg5[%add3A_369, %dma_start3A_373] : memref<80x128xi32, #tpu.memory_space<vmem>> -> memref<1x128xi32, #tpu.memory_space<vmem>>
      %dma_start3A_375 = tpu.memref_squeeze %dma_start3A_374 : memref<1x128xi32, #tpu.memory_space<vmem>> -> memref<128xi32, #tpu.memory_space<vmem>>
      %dma_start3A_376 = arith.constant 0 : i32
      %dma_start3A_377 = arith.constant 0 : i32
      %dma_start3A_378 = tpu.memref_slice %arg8[%dma_start3A_376, %dma_start3A_377] : memref<10000x16xf32, #tpu.memory_space<vmem_shared>> -> memref<10000x16xf32, #tpu.memory_space<vmem_shared>>
      tpu.enqueue_indirect_dma source(%dma_start3A_378 : memref<10000x16xf32, #tpu.memory_space<vmem_shared>>) target(%dma_start3A_372 : memref<128x16xf32, #tpu.memory_space<vmem>>) offsets(%dma_start3A_375 : memref<128xi32, #tpu.memory_space<vmem>>) semaphore(%arg10 : memref<!tpu.dma_semaphore, #tpu.memory_space<semaphore_mem>>)
      %mul3A_379 = arith.constant 10 : i32
      %mul3A_380 = arith.muli %add3A_269, %mul3A_379 : i32
      %add3A_381 = arith.constant 8 : i32
      %add3A_382 = arith.addi %mul3A_380, %add3A_381 : i32
      %dma_start3A_383 = arith.constant 1024 : i32
      %dma_start3A_384 = arith.constant 0 : i32
      %dma_start3A_385 = tpu.memref_slice %arg7[%dma_start3A_383, %dma_start3A_384] : memref<1280x16xf32, #tpu.memory_space<vmem>> -> memref<128x16xf32, #tpu.memory_space<vmem>>
      %dma_start3A_386 = arith.constant 0 : i32
      %dma_start3A_387 = tpu.memref_slice %arg5[%add3A_382, %dma_start3A_386] : memref<80x128xi32, #tpu.memory_space<vmem>> -> memref<1x128xi32, #tpu.memory_space<vmem>>
      %dma_start3A_388 = tpu.memref_squeeze %dma_start3A_387 : memref<1x128xi32, #tpu.memory_space<vmem>> -> memref<128xi32, #tpu.memory_space<vmem>>
      %dma_start3A_389 = arith.constant 0 : i32
      %dma_start3A_390 = arith.constant 0 : i32
      %dma_start3A_391 = tpu.memref_slice %arg8[%dma_start3A_389, %dma_start3A_390] : memref<10000x16xf32, #tpu.memory_space<vmem_shared>> -> memref<10000x16xf32, #tpu.memory_space<vmem_shared>>
      tpu.enqueue_indirect_dma source(%dma_start3A_391 : memref<10000x16xf32, #tpu.memory_space<vmem_shared>>) target(%dma_start3A_385 : memref<128x16xf32, #tpu.memory_space<vmem>>) offsets(%dma_start3A_388 : memref<128xi32, #tpu.memory_space<vmem>>) semaphore(%arg10 : memref<!tpu.dma_semaphore, #tpu.memory_space<semaphore_mem>>)
      %mul3A_392 = arith.constant 10 : i32
      %mul3A_393 = arith.muli %add3A_269, %mul3A_392 : i32
      %add3A_394 = arith.constant 9 : i32
      %add3A_395 = arith.addi %mul3A_393, %add3A_394 : i32
      %dma_start3A_396 = arith.constant 1152 : i32
      %dma_start3A_397 = arith.constant 0 : i32
      %dma_start3A_398 = tpu.memref_slice %arg7[%dma_start3A_396, %dma_start3A_397] : memref<1280x16xf32, #tpu.memory_space<vmem>> -> memref<128x16xf32, #tpu.memory_space<vmem>>
      %dma_start3A_399 = arith.constant 0 : i32
      %dma_start3A_400 = tpu.memref_slice %arg5[%add3A_395, %dma_start3A_399] : memref<80x128xi32, #tpu.memory_space<vmem>> -> memref<1x128xi32, #tpu.memory_space<vmem>>
      %dma_start3A_401 = tpu.memref_squeeze %dma_start3A_400 : memref<1x128xi32, #tpu.memory_space<vmem>> -> memref<128xi32, #tpu.memory_space<vmem>>
      %dma_start3A_402 = arith.constant 0 : i32
      %dma_start3A_403 = arith.constant 0 : i32
      %dma_start3A_404 = tpu.memref_slice %arg8[%dma_start3A_402, %dma_start3A_403] : memref<10000x16xf32, #tpu.memory_space<vmem_shared>> -> memref<10000x16xf32, #tpu.memory_space<vmem_shared>>
      tpu.enqueue_indirect_dma source(%dma_start3A_404 : memref<10000x16xf32, #tpu.memory_space<vmem_shared>>) target(%dma_start3A_398 : memref<128x16xf32, #tpu.memory_space<vmem>>) offsets(%dma_start3A_401 : memref<128xi32, #tpu.memory_space<vmem>>) semaphore(%arg10 : memref<!tpu.dma_semaphore, #tpu.memory_space<semaphore_mem>>)
      %dma_wait3A_405 = arith.constant 0 : i32
      %dma_wait3A_406 = arith.constant 0 : i32
      %dma_wait3A_407 = tpu.memref_slice %arg7[%dma_wait3A_405, %dma_wait3A_406] : memref<1280x16xf32, #tpu.memory_space<vmem>> -> memref<128x16xf32, #tpu.memory_space<vmem>>
      %dma_wait3A_408 = arith.constant 0 : i32
      %dma_wait3A_409 = tpu.memref_slice %arg5[%add3A_278, %dma_wait3A_408] : memref<80x128xi32, #tpu.memory_space<vmem>> -> memref<1x128xi32, #tpu.memory_space<vmem>>
      %dma_wait3A_410 = tpu.memref_squeeze %dma_wait3A_409 : memref<1x128xi32, #tpu.memory_space<vmem>> -> memref<128xi32, #tpu.memory_space<vmem>>
      %dma_wait3A_411 = arith.constant 0 : i32
      %dma_wait3A_412 = arith.constant 0 : i32
      %dma_wait3A_413 = tpu.memref_slice %arg8[%dma_wait3A_411, %dma_wait3A_412] : memref<10000x16xf32, #tpu.memory_space<vmem_shared>> -> memref<10000x16xf32, #tpu.memory_space<vmem_shared>>
      tpu.wait_indirect_dma semaphore(%arg10 : memref<!tpu.dma_semaphore, #tpu.memory_space<semaphore_mem>>) src(%dma_wait3A_413 : memref<10000x16xf32, #tpu.memory_space<vmem_shared>>) dst(%dma_wait3A_407 : memref<128x16xf32, #tpu.memory_space<vmem>>)
      %dma_wait3A_414 = arith.constant 128 : i32
      %dma_wait3A_415 = arith.constant 0 : i32
      %dma_wait3A_416 = tpu.memref_slice %arg7[%dma_wait3A_414, %dma_wait3A_415] : memref<1280x16xf32, #tpu.memory_space<vmem>> -> memref<128x16xf32, #tpu.memory_space<vmem>>
      %dma_wait3A_417 = arith.constant 0 : i32
      %dma_wait3A_418 = tpu.memref_slice %arg5[%add3A_291, %dma_wait3A_417] : memref<80x128xi32, #tpu.memory_space<vmem>> -> memref<1x128xi32, #tpu.memory_space<vmem>>
      %dma_wait3A_419 = tpu.memref_squeeze %dma_wait3A_418 : memref<1x128xi32, #tpu.memory_space<vmem>> -> memref<128xi32, #tpu.memory_space<vmem>>
      %dma_wait3A_420 = arith.constant 0 : i32
      %dma_wait3A_421 = arith.constant 0 : i32
      %dma_wait3A_422 = tpu.memref_slice %arg8[%dma_wait3A_420, %dma_wait3A_421] : memref<10000x16xf32, #tpu.memory_space<vmem_shared>> -> memref<10000x16xf32, #tpu.memory_space<vmem_shared>>
      tpu.wait_indirect_dma semaphore(%arg10 : memref<!tpu.dma_semaphore, #tpu.memory_space<semaphore_mem>>) src(%dma_wait3A_422 : memref<10000x16xf32, #tpu.memory_space<vmem_shared>>) dst(%dma_wait3A_416 : memref<128x16xf32, #tpu.memory_space<vmem>>)
      %dma_wait3A_423 = arith.constant 256 : i32
      %dma_wait3A_424 = arith.constant 0 : i32
      %dma_wait3A_425 = tpu.memref_slice %arg7[%dma_wait3A_423, %dma_wait3A_424] : memref<1280x16xf32, #tpu.memory_space<vmem>> -> memref<128x16xf32, #tpu.memory_space<vmem>>
      %dma_wait3A_426 = arith.constant 0 : i32
      %dma_wait3A_427 = tpu.memref_slice %arg5[%add3A_304, %dma_wait3A_426] : memref<80x128xi32, #tpu.memory_space<vmem>> -> memref<1x128xi32, #tpu.memory_space<vmem>>
      %dma_wait3A_428 = tpu.memref_squeeze %dma_wait3A_427 : memref<1x128xi32, #tpu.memory_space<vmem>> -> memref<128xi32, #tpu.memory_space<vmem>>
      %dma_wait3A_429 = arith.constant 0 : i32
      %dma_wait3A_430 = arith.constant 0 : i32
      %dma_wait3A_431 = tpu.memref_slice %arg8[%dma_wait3A_429, %dma_wait3A_430] : memref<10000x16xf32, #tpu.memory_space<vmem_shared>> -> memref<10000x16xf32, #tpu.memory_space<vmem_shared>>
      tpu.wait_indirect_dma semaphore(%arg10 : memref<!tpu.dma_semaphore, #tpu.memory_space<semaphore_mem>>) src(%dma_wait3A_431 : memref<10000x16xf32, #tpu.memory_space<vmem_shared>>) dst(%dma_wait3A_425 : memref<128x16xf32, #tpu.memory_space<vmem>>)
      %dma_wait3A_432 = arith.constant 384 : i32
      %dma_wait3A_433 = arith.constant 0 : i32
      %dma_wait3A_434 = tpu.memref_slice %arg7[%dma_wait3A_432, %dma_wait3A_433] : memref<1280x16xf32, #tpu.memory_space<vmem>> -> memref<128x16xf32, #tpu.memory_space<vmem>>
      %dma_wait3A_435 = arith.constant 0 : i32
      %dma_wait3A_436 = tpu.memref_slice %arg5[%add3A_317, %dma_wait3A_435] : memref<80x128xi32, #tpu.memory_space<vmem>> -> memref<1x128xi32, #tpu.memory_space<vmem>>
      %dma_wait3A_437 = tpu.memref_squeeze %dma_wait3A_436 : memref<1x128xi32, #tpu.memory_space<vmem>> -> memref<128xi32, #tpu.memory_space<vmem>>
      %dma_wait3A_438 = arith.constant 0 : i32
      %dma_wait3A_439 = arith.constant 0 : i32
      %dma_wait3A_440 = tpu.memref_slice %arg8[%dma_wait3A_438, %dma_wait3A_439] : memref<10000x16xf32, #tpu.memory_space<vmem_shared>> -> memref<10000x16xf32, #tpu.memory_space<vmem_shared>>
      tpu.wait_indirect_dma semaphore(%arg10 : memref<!tpu.dma_semaphore, #tpu.memory_space<semaphore_mem>>) src(%dma_wait3A_440 : memref<10000x16xf32, #tpu.memory_space<vmem_shared>>) dst(%dma_wait3A_434 : memref<128x16xf32, #tpu.memory_space<vmem>>)
      %dma_wait3A_441 = arith.constant 512 : i32
      %dma_wait3A_442 = arith.constant 0 : i32
      %dma_wait3A_443 = tpu.memref_slice %arg7[%dma_wait3A_441, %dma_wait3A_442] : memref<1280x16xf32, #tpu.memory_space<vmem>> -> memref<128x16xf32, #tpu.memory_space<vmem>>
      %dma_wait3A_444 = arith.constant 0 : i32
      %dma_wait3A_445 = tpu.memref_slice %arg5[%add3A_330, %dma_wait3A_444] : memref<80x128xi32, #tpu.memory_space<vmem>> -> memref<1x128xi32, #tpu.memory_space<vmem>>
      %dma_wait3A_446 = tpu.memref_squeeze %dma_wait3A_445 : memref<1x128xi32, #tpu.memory_space<vmem>> -> memref<128xi32, #tpu.memory_space<vmem>>
      %dma_wait3A_447 = arith.constant 0 : i32
      %dma_wait3A_448 = arith.constant 0 : i32
      %dma_wait3A_449 = tpu.memref_slice %arg8[%dma_wait3A_447, %dma_wait3A_448] : memref<10000x16xf32, #tpu.memory_space<vmem_shared>> -> memref<10000x16xf32, #tpu.memory_space<vmem_shared>>
      tpu.wait_indirect_dma semaphore(%arg10 : memref<!tpu.dma_semaphore, #tpu.memory_space<semaphore_mem>>) src(%dma_wait3A_449 : memref<10000x16xf32, #tpu.memory_space<vmem_shared>>) dst(%dma_wait3A_443 : memref<128x16xf32, #tpu.memory_space<vmem>>)
      %dma_wait3A_450 = arith.constant 640 : i32
      %dma_wait3A_451 = arith.constant 0 : i32
      %dma_wait3A_452 = tpu.memref_slice %arg7[%dma_wait3A_450, %dma_wait3A_451] : memref<1280x16xf32, #tpu.memory_space<vmem>> -> memref<128x16xf32, #tpu.memory_space<vmem>>
      %dma_wait3A_453 = arith.constant 0 : i32
      %dma_wait3A_454 = tpu.memref_slice %arg5[%add3A_343, %dma_wait3A_453] : memref<80x128xi32, #tpu.memory_space<vmem>> -> memref<1x128xi32, #tpu.memory_space<vmem>>
      %dma_wait3A_455 = tpu.memref_squeeze %dma_wait3A_454 : memref<1x128xi32, #tpu.memory_space<vmem>> -> memref<128xi32, #tpu.memory_space<vmem>>
      %dma_wait3A_456 = arith.constant 0 : i32
      %dma_wait3A_457 = arith.constant 0 : i32
      %dma_wait3A_458 = tpu.memref_slice %arg8[%dma_wait3A_456, %dma_wait3A_457] : memref<10000x16xf32, #tpu.memory_space<vmem_shared>> -> memref<10000x16xf32, #tpu.memory_space<vmem_shared>>
      tpu.wait_indirect_dma semaphore(%arg10 : memref<!tpu.dma_semaphore, #tpu.memory_space<semaphore_mem>>) src(%dma_wait3A_458 : memref<10000x16xf32, #tpu.memory_space<vmem_shared>>) dst(%dma_wait3A_452 : memref<128x16xf32, #tpu.memory_space<vmem>>)
      %dma_wait3A_459 = arith.constant 768 : i32
      %dma_wait3A_460 = arith.constant 0 : i32
      %dma_wait3A_461 = tpu.memref_slice %arg7[%dma_wait3A_459, %dma_wait3A_460] : memref<1280x16xf32, #tpu.memory_space<vmem>> -> memref<128x16xf32, #tpu.memory_space<vmem>>
      %dma_wait3A_462 = arith.constant 0 : i32
      %dma_wait3A_463 = tpu.memref_slice %arg5[%add3A_356, %dma_wait3A_462] : memref<80x128xi32, #tpu.memory_space<vmem>> -> memref<1x128xi32, #tpu.memory_space<vmem>>
      %dma_wait3A_464 = tpu.memref_squeeze %dma_wait3A_463 : memref<1x128xi32, #tpu.memory_space<vmem>> -> memref<128xi32, #tpu.memory_space<vmem>>
      %dma_wait3A_465 = arith.constant 0 : i32
      %dma_wait3A_466 = arith.constant 0 : i32
      %dma_wait3A_467 = tpu.memref_slice %arg8[%dma_wait3A_465, %dma_wait3A_466] : memref<10000x16xf32, #tpu.memory_space<vmem_shared>> -> memref<10000x16xf32, #tpu.memory_space<vmem_shared>>
      tpu.wait_indirect_dma semaphore(%arg10 : memref<!tpu.dma_semaphore, #tpu.memory_space<semaphore_mem>>) src(%dma_wait3A_467 : memref<10000x16xf32, #tpu.memory_space<vmem_shared>>) dst(%dma_wait3A_461 : memref<128x16xf32, #tpu.memory_space<vmem>>)
      %dma_wait3A_468 = arith.constant 896 : i32
      %dma_wait3A_469 = arith.constant 0 : i32
      %dma_wait3A_470 = tpu.memref_slice %arg7[%dma_wait3A_468, %dma_wait3A_469] : memref<1280x16xf32, #tpu.memory_space<vmem>> -> memref<128x16xf32, #tpu.memory_space<vmem>>
      %dma_wait3A_471 = arith.constant 0 : i32
      %dma_wait3A_472 = tpu.memref_slice %arg5[%add3A_369, %dma_wait3A_471] : memref<80x128xi32, #tpu.memory_space<vmem>> -> memref<1x128xi32, #tpu.memory_space<vmem>>
      %dma_wait3A_473 = tpu.memref_squeeze %dma_wait3A_472 : memref<1x128xi32, #tpu.memory_space<vmem>> -> memref<128xi32, #tpu.memory_space<vmem>>
      %dma_wait3A_474 = arith.constant 0 : i32
      %dma_wait3A_475 = arith.constant 0 : i32
      %dma_wait3A_476 = tpu.memref_slice %arg8[%dma_wait3A_474, %dma_wait3A_475] : memref<10000x16xf32, #tpu.memory_space<vmem_shared>> -> memref<10000x16xf32, #tpu.memory_space<vmem_shared>>
      tpu.wait_indirect_dma semaphore(%arg10 : memref<!tpu.dma_semaphore, #tpu.memory_space<semaphore_mem>>) src(%dma_wait3A_476 : memref<10000x16xf32, #tpu.memory_space<vmem_shared>>) dst(%dma_wait3A_470 : memref<128x16xf32, #tpu.memory_space<vmem>>)
      %dma_wait3A_477 = arith.constant 1024 : i32
      %dma_wait3A_478 = arith.constant 0 : i32
      %dma_wait3A_479 = tpu.memref_slice %arg7[%dma_wait3A_477, %dma_wait3A_478] : memref<1280x16xf32, #tpu.memory_space<vmem>> -> memref<128x16xf32, #tpu.memory_space<vmem>>
      %dma_wait3A_480 = arith.constant 0 : i32
      %dma_wait3A_481 = tpu.memref_slice %arg5[%add3A_382, %dma_wait3A_480] : memref<80x128xi32, #tpu.memory_space<vmem>> -> memref<1x128xi32, #tpu.memory_space<vmem>>
      %dma_wait3A_482 = tpu.memref_squeeze %dma_wait3A_481 : memref<1x128xi32, #tpu.memory_space<vmem>> -> memref<128xi32, #tpu.memory_space<vmem>>
      %dma_wait3A_483 = arith.constant 0 : i32
      %dma_wait3A_484 = arith.constant 0 : i32
      %dma_wait3A_485 = tpu.memref_slice %arg8[%dma_wait3A_483, %dma_wait3A_484] : memref<10000x16xf32, #tpu.memory_space<vmem_shared>> -> memref<10000x16xf32, #tpu.memory_space<vmem_shared>>
      tpu.wait_indirect_dma semaphore(%arg10 : memref<!tpu.dma_semaphore, #tpu.memory_space<semaphore_mem>>) src(%dma_wait3A_485 : memref<10000x16xf32, #tpu.memory_space<vmem_shared>>) dst(%dma_wait3A_479 : memref<128x16xf32, #tpu.memory_space<vmem>>)
      %dma_wait3A_486 = arith.constant 1152 : i32
      %dma_wait3A_487 = arith.constant 0 : i32
      %dma_wait3A_488 = tpu.memref_slice %arg7[%dma_wait3A_486, %dma_wait3A_487] : memref<1280x16xf32, #tpu.memory_space<vmem>> -> memref<128x16xf32, #tpu.memory_space<vmem>>
      %dma_wait3A_489 = arith.constant 0 : i32
      %dma_wait3A_490 = tpu.memref_slice %arg5[%add3A_395, %dma_wait3A_489] : memref<80x128xi32, #tpu.memory_space<vmem>> -> memref<1x128xi32, #tpu.memory_space<vmem>>
      %dma_wait3A_491 = tpu.memref_squeeze %dma_wait3A_490 : memref<1x128xi32, #tpu.memory_space<vmem>> -> memref<128xi32, #tpu.memory_space<vmem>>
      %dma_wait3A_492 = arith.constant 0 : i32
      %dma_wait3A_493 = arith.constant 0 : i32
      %dma_wait3A_494 = tpu.memref_slice %arg8[%dma_wait3A_492, %dma_wait3A_493] : memref<10000x16xf32, #tpu.memory_space<vmem_shared>> -> memref<10000x16xf32, #tpu.memory_space<vmem_shared>>
      tpu.wait_indirect_dma semaphore(%arg10 : memref<!tpu.dma_semaphore, #tpu.memory_space<semaphore_mem>>) src(%dma_wait3A_494 : memref<10000x16xf32, #tpu.memory_space<vmem_shared>>) dst(%dma_wait3A_488 : memref<128x16xf32, #tpu.memory_space<vmem>>)
      %mul3A_495 = arith.constant 10240 : i32
      %mul3A_496 = arith.muli %add3A, %mul3A_495 : i32
      %mul3A_497 = arith.constant 1280 : i32
      %mul3A_498 = arith.muli %add3A_269, %mul3A_497 : i32
      %add3A_499 = arith.addi %mul3A_496, %mul3A_498 : i32
      %dma_start3A_500 = arith.constant 0 : i32
      %dma_start3A_501 = tpu.memref_slice %arg4[%add3A_499, %dma_start3A_500] : memref<327680x16xf32, #tpu.memory_space<hbm>> -> memref<1280x16xf32, #tpu.memory_space<hbm>>
      %dma_start3A_502 = arith.constant 0 : i32
      %dma_start3A_503 = tpu.memref_slice %arg4[%add3A_499, %dma_start3A_502] : memref<327680x16xf32, #tpu.memory_space<hbm>> -> memref<1280x16xf32, #tpu.memory_space<hbm>>
      tpu.enqueue_dma source(%arg7 : memref<1280x16xf32, #tpu.memory_space<vmem>>) target(%dma_start3A_503 : memref<1280x16xf32, #tpu.memory_space<hbm>>) target_semaphore(%arg12 : memref<!tpu.dma_semaphore, #tpu.memory_space<semaphore_mem>>)
    }
    %scan3A_15 = arith.constant 4 : i32
    %dma_wait3A_16 = arith.constant 0 : i32
    %dma_wait3A_17 = arith.constant 0 : i32
    %dma_wait3A_18 = tpu.memref_slice %arg4[%dma_wait3A_16, %dma_wait3A_17] : memref<327680x16xf32, #tpu.memory_space<hbm>> -> memref<1280x16xf32, #tpu.memory_space<hbm>>
    %dma_wait3A_19 = arith.constant 0 : i32
    %dma_wait3A_20 = arith.constant 0 : i32
    %dma_wait3A_21 = tpu.memref_slice %arg4[%dma_wait3A_19, %dma_wait3A_20] : memref<327680x16xf32, #tpu.memory_space<hbm>> -> memref<1280x16xf32, #tpu.memory_space<hbm>>
    tpu.wait_dma2 semaphore(%arg11 : memref<!tpu.dma_semaphore, #tpu.memory_space<semaphore_mem>>) src(%arg6 : memref<1280x16xf32, #tpu.memory_space<vmem>>) dst(%dma_wait3A_21 : memref<1280x16xf32, #tpu.memory_space<hbm>>)
    %dma_wait3A_22 = arith.constant 0 : i32
    %dma_wait3A_23 = arith.constant 0 : i32
    %dma_wait3A_24 = tpu.memref_slice %arg4[%dma_wait3A_22, %dma_wait3A_23] : memref<327680x16xf32, #tpu.memory_space<hbm>> -> memref<1280x16xf32, #tpu.memory_space<hbm>>
    %dma_wait3A_25 = arith.constant 0 : i32
    %dma_wait3A_26 = arith.constant 0 : i32
    %dma_wait3A_27 = tpu.memref_slice %arg4[%dma_wait3A_25, %dma_wait3A_26] : memref<327680x16xf32, #tpu.memory_space<hbm>> -> memref<1280x16xf32, #tpu.memory_space<hbm>>
    tpu.wait_dma2 semaphore(%arg12 : memref<!tpu.dma_semaphore, #tpu.memory_space<semaphore_mem>>) src(%arg7 : memref<1280x16xf32, #tpu.memory_space<vmem>>) dst(%dma_wait3A_27 : memref<1280x16xf32, #tpu.memory_space<hbm>>)
    return
  }
}

module attributes {stable_mosaic.version = 14 : i64} {
  func.func @_p_body(%arg0: memref<10000x128xf32, #tpu.memory_space<vmem>>, %arg1: memref<128x16xf32, #tpu.memory_space<vmem>>, %arg2: memref<10000x16xf32, #tpu.memory_space<vmem>>) attributes {dimension_semantics = [], scalar_prefetch = 0 : i64, scratch_operands = 0 : i64, tpu.core_type = #tpu.core_type<tc>} {
    %get3A = arith.constant 0 : index
    %get3A_0 = arith.constant 0 : index
    %get3A_1 = vector.load %arg0[%get3A, %get3A_0] : memref<10000x128xf32, #tpu.memory_space<vmem>>, vector<10000x128xf32>
    %get3A_2 = arith.constant 0 : index
    %get3A_3 = arith.constant 0 : index
    %get3A_4 = vector.load %arg1[%get3A_2, %get3A_3] : memref<128x16xf32, #tpu.memory_space<vmem>>, vector<128x16xf32>
    %dot_general3A = arith.constant dense<0.000000e+00> : vector<10000x16xf32>
    %dot_general3A_5 = tpu.matmul %get3A_1, %get3A_4, %dot_general3A {dimension_numbers = #tpu.dot_dimension_numbers<[1], [0], [0], [1], [0, 0, 1, 1], [], []>, transpose_lhs_hint = false} : vector<10000x128xf32>, vector<128x16xf32>, vector<10000x16xf32> -> vector<10000x16xf32>
    %swap3A = arith.constant 0 : index
    %swap3A_6 = arith.constant 0 : index
    %swap3A_7 = vector.load %arg2[%swap3A, %swap3A_6] : memref<10000x16xf32, #tpu.memory_space<vmem>>, vector<10000x16xf32>
    tpu.vector_store %arg2[%swap3A, %swap3A_6], %dot_general3A_5 {strides = array<i32>} : memref<10000x16xf32, #tpu.memory_space<vmem>>, vector<10000x16xf32>,
    return
  }
}

module attributes {stable_mosaic.version = 14 : i64} {
  func.func @_edge0_body(%arg0: i32, %arg1: memref<2000x128xf32, #tpu.memory_space<vmem>>, %arg2: memref<16x16000xf32, #tpu.memory_space<vmem>>, %arg3: memref<128x128xf32, #tpu.memory_space<vmem>>, %arg4: memref<1x128xf32, #tpu.memory_space<vmem>>, %arg5: memref<16x16xf32, #tpu.memory_space<vmem>>, %arg6: memref<2000x128xf32, #tpu.memory_space<vmem>>, %arg7: memref<2000x128xf32, #tpu.memory_space<vmem>>) attributes {dimension_semantics = [#tpu.dimension_semantics<arbitrary>], iteration_bounds = array<i64: 20>, scalar_prefetch = 0 : i64, scratch_operands = 0 : i64, tpu.core_type = #tpu.core_type<tc>, window_params = [{transform_indices = @transform_0, window_bounds = array<i64: 2000, 128>}, {transform_indices = @transform_1, window_bounds = array<i64: 16, 16000>}, {pipeline_mode = #tpu.pipeline_mode<synchronous>, transform_indices = @transform_2, window_bounds = array<i64: 128, 128>}, {pipeline_mode = #tpu.pipeline_mode<synchronous>, transform_indices = @transform_3, window_bounds = array<i64: 1, 128>}, {pipeline_mode = #tpu.pipeline_mode<synchronous>, transform_indices = @transform_4, window_bounds = array<i64: 16, 16>}, {transform_indices = @transform_5, window_bounds = array<i64: 2000, 128>}, {transform_indices = @transform_6, window_bounds = array<i64: 2000, 128>}]} {
    %get3A = arith.constant 0 : index
    %get3A_0 = arith.constant 0 : index
    %get3A_1 = vector.load %arg2[%get3A, %get3A_0] : memref<16x16000xf32, #tpu.memory_space<vmem>>, vector<16x16000xf32>
    %get3A_2 = arith.constant 0 : index
    %get3A_3 = arith.constant 0 : index
    %get3A_4 = vector.load %arg5[%get3A_2, %get3A_3] : memref<16x16xf32, #tpu.memory_space<vmem>>, vector<16x16xf32>
    %slice3A = vector.extract_strided_slice %get3A_1 {offsets = [0, 0], sizes = [16, 2000], strides = [1, 1]} : vector<16x16000xf32> to vector<16x2000xf32>
    %dot_general3A = arith.constant dense<0.000000e+00> : vector<2000x16xf32>
    %dot_general3A_5 = tpu.matmul %slice3A, %get3A_4, %dot_general3A {dimension_numbers = #tpu.dot_dimension_numbers<[0], [0], [1], [1], [0, 1, 1, 1], [], []>, transpose_lhs_hint = false} : vector<16x2000xf32>, vector<16x16xf32>, vector<2000x16xf32> -> vector<2000x16xf32>
    %slice3A_6 = vector.extract_strided_slice %get3A_1 {offsets = [0, 2000], sizes = [16, 2000], strides = [1, 1]} : vector<16x16000xf32> to vector<16x2000xf32>
    %dot_general3A_7 = arith.constant dense<0.000000e+00> : vector<2000x16xf32>
    %dot_general3A_8 = tpu.matmul %slice3A_6, %get3A_4, %dot_general3A_7 {dimension_numbers = #tpu.dot_dimension_numbers<[0], [0], [1], [1], [0, 1, 1, 1], [], []>, transpose_lhs_hint = false} : vector<16x2000xf32>, vector<16x16xf32>, vector<2000x16xf32> -> vector<2000x16xf32>
    %slice3A_9 = vector.extract_strided_slice %get3A_1 {offsets = [0, 4000], sizes = [16, 2000], strides = [1, 1]} : vector<16x16000xf32> to vector<16x2000xf32>
    %dot_general3A_10 = arith.constant dense<0.000000e+00> : vector<2000x16xf32>
    %dot_general3A_11 = tpu.matmul %slice3A_9, %get3A_4, %dot_general3A_10 {dimension_numbers = #tpu.dot_dimension_numbers<[0], [0], [1], [1], [0, 1, 1, 1], [], []>, transpose_lhs_hint = false} : vector<16x2000xf32>, vector<16x16xf32>, vector<2000x16xf32> -> vector<2000x16xf32>
    %slice3A_12 = vector.extract_strided_slice %get3A_1 {offsets = [0, 6000], sizes = [16, 2000], strides = [1, 1]} : vector<16x16000xf32> to vector<16x2000xf32>
    %dot_general3A_13 = arith.constant dense<0.000000e+00> : vector<2000x16xf32>
    %dot_general3A_14 = tpu.matmul %slice3A_12, %get3A_4, %dot_general3A_13 {dimension_numbers = #tpu.dot_dimension_numbers<[0], [0], [1], [1], [0, 1, 1, 1], [], []>, transpose_lhs_hint = false} : vector<16x2000xf32>, vector<16x16xf32>, vector<2000x16xf32> -> vector<2000x16xf32>
    %slice3A_15 = vector.extract_strided_slice %get3A_1 {offsets = [0, 8000], sizes = [16, 2000], strides = [1, 1]} : vector<16x16000xf32> to vector<16x2000xf32>
    %dot_general3A_16 = arith.constant dense<0.000000e+00> : vector<2000x16xf32>
    %dot_general3A_17 = tpu.matmul %slice3A_15, %get3A_4, %dot_general3A_16 {dimension_numbers = #tpu.dot_dimension_numbers<[0], [0], [1], [1], [0, 1, 1, 1], [], []>, transpose_lhs_hint = false} : vector<16x2000xf32>, vector<16x16xf32>, vector<2000x16xf32> -> vector<2000x16xf32>
    %slice3A_18 = vector.extract_strided_slice %get3A_1 {offsets = [0, 10000], sizes = [16, 2000], strides = [1, 1]} : vector<16x16000xf32> to vector<16x2000xf32>
    %dot_general3A_19 = arith.constant dense<0.000000e+00> : vector<2000x16xf32>
    %dot_general3A_20 = tpu.matmul %slice3A_18, %get3A_4, %dot_general3A_19 {dimension_numbers = #tpu.dot_dimension_numbers<[0], [0], [1], [1], [0, 1, 1, 1], [], []>, transpose_lhs_hint = false} : vector<16x2000xf32>, vector<16x16xf32>, vector<2000x16xf32> -> vector<2000x16xf32>
    %slice3A_21 = vector.extract_strided_slice %get3A_1 {offsets = [0, 12000], sizes = [16, 2000], strides = [1, 1]} : vector<16x16000xf32> to vector<16x2000xf32>
    %dot_general3A_22 = arith.constant dense<0.000000e+00> : vector<2000x16xf32>
    %dot_general3A_23 = tpu.matmul %slice3A_21, %get3A_4, %dot_general3A_22 {dimension_numbers = #tpu.dot_dimension_numbers<[0], [0], [1], [1], [0, 1, 1, 1], [], []>, transpose_lhs_hint = false} : vector<16x2000xf32>, vector<16x16xf32>, vector<2000x16xf32> -> vector<2000x16xf32>
    %slice3A_24 = vector.extract_strided_slice %get3A_1 {offsets = [0, 14000], sizes = [16, 2000], strides = [1, 1]} : vector<16x16000xf32> to vector<16x2000xf32>
    %dot_general3A_25 = arith.constant dense<0.000000e+00> : vector<2000x16xf32>
    %dot_general3A_26 = tpu.matmul %slice3A_24, %get3A_4, %dot_general3A_25 {dimension_numbers = #tpu.dot_dimension_numbers<[0], [0], [1], [1], [0, 1, 1, 1], [], []>, transpose_lhs_hint = false} : vector<16x2000xf32>, vector<16x16xf32>, vector<2000x16xf32> -> vector<2000x16xf32>
    %concatenate3A = tpu.concatenate %dot_general3A_5, %dot_general3A_8, %dot_general3A_11, %dot_general3A_14, %dot_general3A_17, %dot_general3A_20, %dot_general3A_23, %dot_general3A_26 in 1 : vector<2000x16xf32>, vector<2000x16xf32>, vector<2000x16xf32>, vector<2000x16xf32>, vector<2000x16xf32>, vector<2000x16xf32>, vector<2000x16xf32>, vector<2000x16xf32> -> vector<2000x128xf32>
    %get3A_27 = arith.constant 0 : index
    %get3A_28 = arith.constant 0 : index
    %get3A_29 = vector.load %arg3[%get3A_27, %get3A_28] : memref<128x128xf32, #tpu.memory_space<vmem>>, vector<128x128xf32>
    %dot_general3A_30 = arith.constant dense<0.000000e+00> : vector<2000x128xf32>
    %dot_general3A_31 = tpu.matmul %concatenate3A, %get3A_29, %dot_general3A_30 {dimension_numbers = #tpu.dot_dimension_numbers<[1], [0], [0], [1], [0, 0, 1, 1], [], []>, transpose_lhs_hint = false} : vector<2000x128xf32>, vector<128x128xf32>, vector<2000x128xf32> -> vector<2000x128xf32>
    %get3A_32 = arith.constant 0 : index
    %get3A_33 = arith.constant 0 : index
    %get3A_34 = vector.load %arg4[%get3A_32, %get3A_33] : memref<1x128xf32, #tpu.memory_space<vmem>>, vector<1x128xf32>
    %add3A = vector.broadcast %get3A_34 : vector<1x128xf32> to vector<2000x128xf32>
    %add3A_35 = arith.addf %dot_general3A_31, %add3A : vector<2000x128xf32>
    %get3A_36 = arith.constant 0 : index
    %get3A_37 = arith.constant 0 : index
    %get3A_38 = vector.load %arg1[%get3A_36, %get3A_37] : memref<2000x128xf32, #tpu.memory_space<vmem>>, vector<2000x128xf32>
    %add3A_39 = arith.addf %get3A_38, %add3A_35 : vector<2000x128xf32>
    %max3A = arith.constant 0.000000e+00 : f32
    %max3A_40 = vector.broadcast %max3A : f32 to vector<2000x128xf32>
    %max3A_41 = arith.maximumf %add3A_39, %max3A_40 : vector<2000x128xf32>
    %swap3A = arith.constant 0 : index
    %swap3A_42 = arith.constant 0 : index
    %swap3A_43 = vector.load %arg6[%swap3A, %swap3A_42] : memref<2000x128xf32, #tpu.memory_space<vmem>>, vector<2000x128xf32>
    tpu.vector_store %arg6[%swap3A, %swap3A_42], %max3A_41 {strides = array<i32>} : memref<2000x128xf32, #tpu.memory_space<vmem>>, vector<2000x128xf32>,
    %add3A_44 = arith.addf %concatenate3A, %max3A_41 : vector<2000x128xf32>
    %swap3A_45 = arith.constant 0 : index
    %swap3A_46 = arith.constant 0 : index
    %swap3A_47 = vector.load %arg7[%swap3A_45, %swap3A_46] : memref<2000x128xf32, #tpu.memory_space<vmem>>, vector<2000x128xf32>
    tpu.vector_store %arg7[%swap3A_45, %swap3A_46], %add3A_44 {strides = array<i32>} : memref<2000x128xf32, #tpu.memory_space<vmem>>, vector<2000x128xf32>,
    return
  }
  func.func @transform_0(%arg0: i32) -> (i32, i32) {
    %c0_i32 = arith.constant 0 : i32
    %c0_i32_0 = arith.constant 0 : i32
    return %arg0, %c0_i32 : i32, i32
  }
  func.func @transform_1(%arg0: i32) -> (i32, i32) {
    %c0_i32 = arith.constant 0 : i32
    %c0_i32_0 = arith.constant 0 : i32
    return %c0_i32, %arg0 : i32, i32
  }
  func.func @transform_2(%arg0: i32) -> (i32, i32) {
    %c0_i32 = arith.constant 0 : i32
    %c0_i32_0 = arith.constant 0 : i32
    %c0_i32_1 = arith.constant 0 : i32
    return %c0_i32, %c0_i32_0 : i32, i32
  }
  func.func @transform_3(%arg0: i32) -> (i32, i32) {
    %c0_i32 = arith.constant 0 : i32
    %c0_i32_0 = arith.constant 0 : i32
    %c0_i32_1 = arith.constant 0 : i32
    return %c0_i32, %c0_i32_0 : i32, i32
  }
  func.func @transform_4(%arg0: i32) -> (i32, i32) {
    %c0_i32 = arith.constant 0 : i32
    %c0_i32_0 = arith.constant 0 : i32
    %c0_i32_1 = arith.constant 0 : i32
    return %c0_i32, %c0_i32_0 : i32, i32
  }
  func.func @transform_5(%arg0: i32) -> (i32, i32) {
    %c0_i32 = arith.constant 0 : i32
    %c0_i32_0 = arith.constant 0 : i32
    return %arg0, %c0_i32 : i32, i32
  }
  func.func @transform_6(%arg0: i32) -> (i32, i32) {
    %c0_i32 = arith.constant 0 : i32
    %c0_i32_0 = arith.constant 0 : i32
    return %arg0, %c0_i32 : i32, i32
  }
}

module attributes {stable_mosaic.version = 14 : i64} {
  func.func @_node_body(%arg0: i32, %arg1: memref<2000x128xf32, #tpu.memory_space<vmem>>, %arg2: memref<2000x16xf32, #tpu.memory_space<vmem>>, %arg3: memref<2000x16xf32, #tpu.memory_space<vmem>>, %arg4: memref<128x128xf32, #tpu.memory_space<vmem>>, %arg5: memref<16x128xf32, #tpu.memory_space<vmem>>, %arg6: memref<1x128xf32, #tpu.memory_space<vmem>>, %arg7: memref<128x16xf32, #tpu.memory_space<vmem>>, %arg8: memref<2000x128xf32, #tpu.memory_space<vmem>>, %arg9: memref<2000x16xf32, #tpu.memory_space<vmem>>) attributes {dimension_semantics = [#tpu.dimension_semantics<arbitrary>], iteration_bounds = array<i64: 5>, scalar_prefetch = 0 : i64, scratch_operands = 0 : i64, tpu.core_type = #tpu.core_type<tc>, window_params = [{transform_indices = @transform_0, window_bounds = array<i64: 2000, 128>}, {transform_indices = @transform_1, window_bounds = array<i64: 2000, 16>}, {transform_indices = @transform_2, window_bounds = array<i64: 2000, 16>}, {pipeline_mode = #tpu.pipeline_mode<synchronous>, transform_indices = @transform_3, window_bounds = array<i64: 128, 128>}, {pipeline_mode = #tpu.pipeline_mode<synchronous>, transform_indices = @transform_4, window_bounds = array<i64: 16, 128>}, {pipeline_mode = #tpu.pipeline_mode<synchronous>, transform_indices = @transform_5, window_bounds = array<i64: 1, 128>}, {pipeline_mode = #tpu.pipeline_mode<synchronous>, transform_indices = @transform_6, window_bounds = array<i64: 128, 16>}, {transform_indices = @transform_7, window_bounds = array<i64: 2000, 128>}, {transform_indices = @transform_8, window_bounds = array<i64: 2000, 16>}]} {
    %get3A = arith.constant 0 : index
    %get3A_0 = arith.constant 0 : index
    %get3A_1 = vector.load %arg2[%get3A, %get3A_0] : memref<2000x16xf32, #tpu.memory_space<vmem>>, vector<2000x16xf32>
    %get3A_2 = arith.constant 0 : index
    %get3A_3 = arith.constant 0 : index
    %get3A_4 = vector.load %arg3[%get3A_2, %get3A_3] : memref<2000x16xf32, #tpu.memory_space<vmem>>, vector<2000x16xf32>
    %add3A = arith.addf %get3A_1, %get3A_4 : vector<2000x16xf32>
    %get3A_5 = arith.constant 0 : index
    %get3A_6 = arith.constant 0 : index
    %get3A_7 = vector.load %arg1[%get3A_5, %get3A_6] : memref<2000x128xf32, #tpu.memory_space<vmem>>, vector<2000x128xf32>
    %get3A_8 = arith.constant 0 : index
    %get3A_9 = arith.constant 0 : index
    %get3A_10 = vector.load %arg4[%get3A_8, %get3A_9] : memref<128x128xf32, #tpu.memory_space<vmem>>, vector<128x128xf32>
    %dot_general3A = arith.constant dense<0.000000e+00> : vector<2000x128xf32>
    %dot_general3A_11 = tpu.matmul %get3A_7, %get3A_10, %dot_general3A {dimension_numbers = #tpu.dot_dimension_numbers<[1], [0], [0], [1], [0, 0, 1, 1], [], []>, transpose_lhs_hint = false} : vector<2000x128xf32>, vector<128x128xf32>, vector<2000x128xf32> -> vector<2000x128xf32>
    %get3A_12 = arith.constant 0 : index
    %get3A_13 = arith.constant 0 : index
    %get3A_14 = vector.load %arg5[%get3A_12, %get3A_13] : memref<16x128xf32, #tpu.memory_space<vmem>>, vector<16x128xf32>
    %dot_general3A_15 = arith.constant dense<0.000000e+00> : vector<2000x128xf32>
    %dot_general3A_16 = tpu.matmul %add3A, %get3A_14, %dot_general3A_15 {dimension_numbers = #tpu.dot_dimension_numbers<[1], [0], [0], [1], [0, 0, 1, 1], [], []>, transpose_lhs_hint = false} : vector<2000x16xf32>, vector<16x128xf32>, vector<2000x128xf32> -> vector<2000x128xf32>
    %add3A_17 = arith.addf %dot_general3A_11, %dot_general3A_16 : vector<2000x128xf32>
    %get3A_18 = arith.constant 0 : index
    %get3A_19 = arith.constant 0 : index
    %get3A_20 = vector.load %arg6[%get3A_18, %get3A_19] : memref<1x128xf32, #tpu.memory_space<vmem>>, vector<1x128xf32>
    %add3A_21 = vector.broadcast %get3A_20 : vector<1x128xf32> to vector<2000x128xf32>
    %add3A_22 = arith.addf %add3A_17, %add3A_21 : vector<2000x128xf32>
    %get3A_23 = arith.constant 0 : index
    %get3A_24 = arith.constant 0 : index
    %get3A_25 = vector.load %arg1[%get3A_23, %get3A_24] : memref<2000x128xf32, #tpu.memory_space<vmem>>, vector<2000x128xf32>
    %max3A = arith.constant 0.000000e+00 : f32
    %max3A_26 = vector.broadcast %max3A : f32 to vector<2000x128xf32>
    %max3A_27 = arith.maximumf %add3A_22, %max3A_26 : vector<2000x128xf32>
    %add3A_28 = arith.addf %get3A_25, %max3A_27 : vector<2000x128xf32>
    %swap3A = arith.constant 0 : index
    %swap3A_29 = arith.constant 0 : index
    %swap3A_30 = vector.load %arg8[%swap3A, %swap3A_29] : memref<2000x128xf32, #tpu.memory_space<vmem>>, vector<2000x128xf32>
    tpu.vector_store %arg8[%swap3A, %swap3A_29], %add3A_28 {strides = array<i32>} : memref<2000x128xf32, #tpu.memory_space<vmem>>, vector<2000x128xf32>,
    %get3A_31 = arith.constant 0 : index
    %get3A_32 = arith.constant 0 : index
    %get3A_33 = vector.load %arg7[%get3A_31, %get3A_32] : memref<128x16xf32, #tpu.memory_space<vmem>>, vector<128x16xf32>
    %dot_general3A_34 = arith.constant dense<0.000000e+00> : vector<2000x16xf32>
    %dot_general3A_35 = tpu.matmul %add3A_28, %get3A_33, %dot_general3A_34 {dimension_numbers = #tpu.dot_dimension_numbers<[1], [0], [0], [1], [0, 0, 1, 1], [], []>, transpose_lhs_hint = false} : vector<2000x128xf32>, vector<128x16xf32>, vector<2000x16xf32> -> vector<2000x16xf32>
    %swap3A_36 = arith.constant 0 : index
    %swap3A_37 = arith.constant 0 : index
    %swap3A_38 = vector.load %arg9[%swap3A_36, %swap3A_37] : memref<2000x16xf32, #tpu.memory_space<vmem>>, vector<2000x16xf32>
    tpu.vector_store %arg9[%swap3A_36, %swap3A_37], %dot_general3A_35 {strides = array<i32>} : memref<2000x16xf32, #tpu.memory_space<vmem>>, vector<2000x16xf32>,
    return
  }
  func.func @transform_0(%arg0: i32) -> (i32, i32) {
    %c0_i32 = arith.constant 0 : i32
    %c0_i32_0 = arith.constant 0 : i32
    return %arg0, %c0_i32 : i32, i32
  }
  func.func @transform_1(%arg0: i32) -> (i32, i32) {
    %c0_i32 = arith.constant 0 : i32
    %c0_i32_0 = arith.constant 0 : i32
    return %arg0, %c0_i32 : i32, i32
  }
  func.func @transform_2(%arg0: i32) -> (i32, i32) {
    %c0_i32 = arith.constant 0 : i32
    %c0_i32_0 = arith.constant 0 : i32
    return %arg0, %c0_i32 : i32, i32
  }
  func.func @transform_3(%arg0: i32) -> (i32, i32) {
    %c0_i32 = arith.constant 0 : i32
    %c0_i32_0 = arith.constant 0 : i32
    %c0_i32_1 = arith.constant 0 : i32
    return %c0_i32, %c0_i32_0 : i32, i32
  }
  func.func @transform_4(%arg0: i32) -> (i32, i32) {
    %c0_i32 = arith.constant 0 : i32
    %c0_i32_0 = arith.constant 0 : i32
    %c0_i32_1 = arith.constant 0 : i32
    return %c0_i32, %c0_i32_0 : i32, i32
  }
  func.func @transform_5(%arg0: i32) -> (i32, i32) {
    %c0_i32 = arith.constant 0 : i32
    %c0_i32_0 = arith.constant 0 : i32
    %c0_i32_1 = arith.constant 0 : i32
    return %c0_i32, %c0_i32_0 : i32, i32
  }
  func.func @transform_6(%arg0: i32) -> (i32, i32) {
    %c0_i32 = arith.constant 0 : i32
    %c0_i32_0 = arith.constant 0 : i32
    %c0_i32_1 = arith.constant 0 : i32
    return %c0_i32, %c0_i32_0 : i32, i32
  }
  func.func @transform_7(%arg0: i32) -> (i32, i32) {
    %c0_i32 = arith.constant 0 : i32
    %c0_i32_0 = arith.constant 0 : i32
    return %arg0, %c0_i32 : i32, i32
  }
  func.func @transform_8(%arg0: i32) -> (i32, i32) {
    %c0_i32 = arith.constant 0 : i32
    %c0_i32_0 = arith.constant 0 : i32
    return %arg0, %c0_i32 : i32, i32
  }
}

module attributes {stable_mosaic.version = 14 : i64} {
  func.func @_edge1_body(%arg0: i32, %arg1: memref<2000x128xf32, #tpu.memory_space<vmem>>, %arg2: memref<2000x128xf32, #tpu.memory_space<vmem>>, %arg3: memref<128x128xf32, #tpu.memory_space<vmem>>, %arg4: memref<1x128xf32, #tpu.memory_space<vmem>>, %arg5: memref<16x16xf32, #tpu.memory_space<vmem>>, %arg6: memref<2000x128xf32, #tpu.memory_space<vmem>>, %arg7: memref<16x16000xf32, #tpu.memory_space<vmem>>) attributes {dimension_semantics = [#tpu.dimension_semantics<arbitrary>], iteration_bounds = array<i64: 20>, scalar_prefetch = 0 : i64, scratch_operands = 0 : i64, tpu.core_type = #tpu.core_type<tc>, window_params = [{transform_indices = @transform_0, window_bounds = array<i64: 2000, 128>}, {transform_indices = @transform_1, window_bounds = array<i64: 2000, 128>}, {pipeline_mode = #tpu.pipeline_mode<synchronous>, transform_indices = @transform_2, window_bounds = array<i64: 128, 128>}, {pipeline_mode = #tpu.pipeline_mode<synchronous>, transform_indices = @transform_3, window_bounds = array<i64: 1, 128>}, {pipeline_mode = #tpu.pipeline_mode<synchronous>, transform_indices = @transform_4, window_bounds = array<i64: 16, 16>}, {transform_indices = @transform_5, window_bounds = array<i64: 2000, 128>}, {transform_indices = @transform_6, window_bounds = array<i64: 16, 16000>}]} {
    %get3A = arith.constant 0 : index
    %get3A_0 = arith.constant 0 : index
    %get3A_1 = vector.load %arg2[%get3A, %get3A_0] : memref<2000x128xf32, #tpu.memory_space<vmem>>, vector<2000x128xf32>
    %get3A_2 = arith.constant 0 : index
    %get3A_3 = arith.constant 0 : index
    %get3A_4 = vector.load %arg3[%get3A_2, %get3A_3] : memref<128x128xf32, #tpu.memory_space<vmem>>, vector<128x128xf32>
    %dot_general3A = arith.constant dense<0.000000e+00> : vector<2000x128xf32>
    %dot_general3A_5 = tpu.matmul %get3A_1, %get3A_4, %dot_general3A {dimension_numbers = #tpu.dot_dimension_numbers<[1], [0], [0], [1], [0, 0, 1, 1], [], []>, transpose_lhs_hint = false} : vector<2000x128xf32>, vector<128x128xf32>, vector<2000x128xf32> -> vector<2000x128xf32>
    %get3A_6 = arith.constant 0 : index
    %get3A_7 = arith.constant 0 : index
    %get3A_8 = vector.load %arg4[%get3A_6, %get3A_7] : memref<1x128xf32, #tpu.memory_space<vmem>>, vector<1x128xf32>
    %add3A = vector.broadcast %get3A_8 : vector<1x128xf32> to vector<2000x128xf32>
    %add3A_9 = arith.addf %dot_general3A_5, %add3A : vector<2000x128xf32>
    %get3A_10 = arith.constant 0 : index
    %get3A_11 = arith.constant 0 : index
    %get3A_12 = vector.load %arg1[%get3A_10, %get3A_11] : memref<2000x128xf32, #tpu.memory_space<vmem>>, vector<2000x128xf32>
    %add3A_13 = arith.addf %get3A_12, %add3A_9 : vector<2000x128xf32>
    %max3A = arith.constant 0.000000e+00 : f32
    %max3A_14 = vector.broadcast %max3A : f32 to vector<2000x128xf32>
    %max3A_15 = arith.maximumf %add3A_13, %max3A_14 : vector<2000x128xf32>
    %swap3A = arith.constant 0 : index
    %swap3A_16 = arith.constant 0 : index
    %swap3A_17 = vector.load %arg6[%swap3A, %swap3A_16] : memref<2000x128xf32, #tpu.memory_space<vmem>>, vector<2000x128xf32>
    tpu.vector_store %arg6[%swap3A, %swap3A_16], %max3A_15 {strides = array<i32>} : memref<2000x128xf32, #tpu.memory_space<vmem>>, vector<2000x128xf32>,
    %get3A_18 = arith.constant 0 : index
    %get3A_19 = arith.constant 0 : index
    %get3A_20 = vector.load %arg2[%get3A_18, %get3A_19] : memref<2000x128xf32, #tpu.memory_space<vmem>>, vector<2000x128xf32>
    %add3A_21 = arith.addf %get3A_20, %max3A_15 : vector<2000x128xf32>
    %get3A_22 = arith.constant 0 : index
    %get3A_23 = arith.constant 0 : index
    %get3A_24 = vector.load %arg5[%get3A_22, %get3A_23] : memref<16x16xf32, #tpu.memory_space<vmem>>, vector<16x16xf32>
    %slice3A = vector.extract_strided_slice %add3A_21 {offsets = [0, 0], sizes = [2000, 16], strides = [1, 1]} : vector<2000x128xf32> to vector<2000x16xf32>
    %dot_general3A_25 = arith.constant dense<0.000000e+00> : vector<16x2000xf32>
    %dot_general3A_26 = tpu.matmul %get3A_24, %slice3A, %dot_general3A_25 {dimension_numbers = #tpu.dot_dimension_numbers<[1], [1], [0], [0], [0, 0, 1, 0], [], []>, transpose_lhs_hint = false} : vector<16x16xf32>, vector<2000x16xf32>, vector<16x2000xf32> -> vector<16x2000xf32>
    %slice3A_27 = vector.extract_strided_slice %add3A_21 {offsets = [0, 16], sizes = [2000, 16], strides = [1, 1]} : vector<2000x128xf32> to vector<2000x16xf32>
    %dot_general3A_28 = arith.constant dense<0.000000e+00> : vector<16x2000xf32>
    %dot_general3A_29 = tpu.matmul %get3A_24, %slice3A_27, %dot_general3A_28 {dimension_numbers = #tpu.dot_dimension_numbers<[1], [1], [0], [0], [0, 0, 1, 0], [], []>, transpose_lhs_hint = false} : vector<16x16xf32>, vector<2000x16xf32>, vector<16x2000xf32> -> vector<16x2000xf32>
    %slice3A_30 = vector.extract_strided_slice %add3A_21 {offsets = [0, 32], sizes = [2000, 16], strides = [1, 1]} : vector<2000x128xf32> to vector<2000x16xf32>
    %dot_general3A_31 = arith.constant dense<0.000000e+00> : vector<16x2000xf32>
    %dot_general3A_32 = tpu.matmul %get3A_24, %slice3A_30, %dot_general3A_31 {dimension_numbers = #tpu.dot_dimension_numbers<[1], [1], [0], [0], [0, 0, 1, 0], [], []>, transpose_lhs_hint = false} : vector<16x16xf32>, vector<2000x16xf32>, vector<16x2000xf32> -> vector<16x2000xf32>
    %slice3A_33 = vector.extract_strided_slice %add3A_21 {offsets = [0, 48], sizes = [2000, 16], strides = [1, 1]} : vector<2000x128xf32> to vector<2000x16xf32>
    %dot_general3A_34 = arith.constant dense<0.000000e+00> : vector<16x2000xf32>
    %dot_general3A_35 = tpu.matmul %get3A_24, %slice3A_33, %dot_general3A_34 {dimension_numbers = #tpu.dot_dimension_numbers<[1], [1], [0], [0], [0, 0, 1, 0], [], []>, transpose_lhs_hint = false} : vector<16x16xf32>, vector<2000x16xf32>, vector<16x2000xf32> -> vector<16x2000xf32>
    %slice3A_36 = vector.extract_strided_slice %add3A_21 {offsets = [0, 64], sizes = [2000, 16], strides = [1, 1]} : vector<2000x128xf32> to vector<2000x16xf32>
    %dot_general3A_37 = arith.constant dense<0.000000e+00> : vector<16x2000xf32>
    %dot_general3A_38 = tpu.matmul %get3A_24, %slice3A_36, %dot_general3A_37 {dimension_numbers = #tpu.dot_dimension_numbers<[1], [1], [0], [0], [0, 0, 1, 0], [], []>, transpose_lhs_hint = false} : vector<16x16xf32>, vector<2000x16xf32>, vector<16x2000xf32> -> vector<16x2000xf32>
    %slice3A_39 = vector.extract_strided_slice %add3A_21 {offsets = [0, 80], sizes = [2000, 16], strides = [1, 1]} : vector<2000x128xf32> to vector<2000x16xf32>
    %dot_general3A_40 = arith.constant dense<0.000000e+00> : vector<16x2000xf32>
    %dot_general3A_41 = tpu.matmul %get3A_24, %slice3A_39, %dot_general3A_40 {dimension_numbers = #tpu.dot_dimension_numbers<[1], [1], [0], [0], [0, 0, 1, 0], [], []>, transpose_lhs_hint = false} : vector<16x16xf32>, vector<2000x16xf32>, vector<16x2000xf32> -> vector<16x2000xf32>
    %slice3A_42 = vector.extract_strided_slice %add3A_21 {offsets = [0, 96], sizes = [2000, 16], strides = [1, 1]} : vector<2000x128xf32> to vector<2000x16xf32>
    %dot_general3A_43 = arith.constant dense<0.000000e+00> : vector<16x2000xf32>
    %dot_general3A_44 = tpu.matmul %get3A_24, %slice3A_42, %dot_general3A_43 {dimension_numbers = #tpu.dot_dimension_numbers<[1], [1], [0], [0], [0, 0, 1, 0], [], []>, transpose_lhs_hint = false} : vector<16x16xf32>, vector<2000x16xf32>, vector<16x2000xf32> -> vector<16x2000xf32>
    %slice3A_45 = vector.extract_strided_slice %add3A_21 {offsets = [0, 112], sizes = [2000, 16], strides = [1, 1]} : vector<2000x128xf32> to vector<2000x16xf32>
    %dot_general3A_46 = arith.constant dense<0.000000e+00> : vector<16x2000xf32>
    %dot_general3A_47 = tpu.matmul %get3A_24, %slice3A_45, %dot_general3A_46 {dimension_numbers = #tpu.dot_dimension_numbers<[1], [1], [0], [0], [0, 0, 1, 0], [], []>, transpose_lhs_hint = false} : vector<16x16xf32>, vector<2000x16xf32>, vector<16x2000xf32> -> vector<16x2000xf32>
    %concatenate3A = tpu.concatenate %dot_general3A_26, %dot_general3A_29, %dot_general3A_32, %dot_general3A_35, %dot_general3A_38, %dot_general3A_41, %dot_general3A_44, %dot_general3A_47 in 1 : vector<16x2000xf32>, vector<16x2000xf32>, vector<16x2000xf32>, vector<16x2000xf32>, vector<16x2000xf32>, vector<16x2000xf32>, vector<16x2000xf32>, vector<16x2000xf32> -> vector<16x16000xf32>
    %swap3A_48 = arith.constant 0 : index
    %swap3A_49 = arith.constant 0 : index
    %swap3A_50 = vector.load %arg7[%swap3A_48, %swap3A_49] : memref<16x16000xf32, #tpu.memory_space<vmem>>, vector<16x16000xf32>
    tpu.vector_store %arg7[%swap3A_48, %swap3A_49], %concatenate3A {strides = array<i32>} : memref<16x16000xf32, #tpu.memory_space<vmem>>, vector<16x16000xf32>,
    return
  }
  func.func @transform_0(%arg0: i32) -> (i32, i32) {
    %c0_i32 = arith.constant 0 : i32
    %c0_i32_0 = arith.constant 0 : i32
    return %arg0, %c0_i32 : i32, i32
  }
  func.func @transform_1(%arg0: i32) -> (i32, i32) {
    %c0_i32 = arith.constant 0 : i32
    %c0_i32_0 = arith.constant 0 : i32
    return %arg0, %c0_i32 : i32, i32
  }
  func.func @transform_2(%arg0: i32) -> (i32, i32) {
    %c0_i32 = arith.constant 0 : i32
    %c0_i32_0 = arith.constant 0 : i32
    %c0_i32_1 = arith.constant 0 : i32
    return %c0_i32, %c0_i32_0 : i32, i32
  }
  func.func @transform_3(%arg0: i32) -> (i32, i32) {
    %c0_i32 = arith.constant 0 : i32
    %c0_i32_0 = arith.constant 0 : i32
    %c0_i32_1 = arith.constant 0 : i32
    return %c0_i32, %c0_i32_0 : i32, i32
  }
  func.func @transform_4(%arg0: i32) -> (i32, i32) {
    %c0_i32 = arith.constant 0 : i32
    %c0_i32_0 = arith.constant 0 : i32
    %c0_i32_1 = arith.constant 0 : i32
    return %c0_i32, %c0_i32_0 : i32, i32
  }
  func.func @transform_5(%arg0: i32) -> (i32, i32) {
    %c0_i32 = arith.constant 0 : i32
    %c0_i32_0 = arith.constant 0 : i32
    return %arg0, %c0_i32 : i32, i32
  }
  func.func @transform_6(%arg0: i32) -> (i32, i32) {
    %c0_i32 = arith.constant 0 : i32
    %c0_i32_0 = arith.constant 0 : i32
    return %c0_i32, %arg0 : i32, i32
  }
}

module attributes {stable_mosaic.version = 14 : i64} {
  func.func @_node_body(%arg0: i32, %arg1: memref<2000x128xf32, #tpu.memory_space<vmem>>, %arg2: memref<2000x16xf32, #tpu.memory_space<vmem>>, %arg3: memref<2000x16xf32, #tpu.memory_space<vmem>>, %arg4: memref<128x128xf32, #tpu.memory_space<vmem>>, %arg5: memref<16x128xf32, #tpu.memory_space<vmem>>, %arg6: memref<1x128xf32, #tpu.memory_space<vmem>>, %arg7: memref<128x16xf32, #tpu.memory_space<vmem>>, %arg8: memref<2000x128xf32, #tpu.memory_space<vmem>>, %arg9: memref<2000x16xf32, #tpu.memory_space<vmem>>) attributes {dimension_semantics = [#tpu.dimension_semantics<arbitrary>], iteration_bounds = array<i64: 5>, scalar_prefetch = 0 : i64, scratch_operands = 0 : i64, tpu.core_type = #tpu.core_type<tc>, window_params = [{transform_indices = @transform_0, window_bounds = array<i64: 2000, 128>}, {transform_indices = @transform_1, window_bounds = array<i64: 2000, 16>}, {transform_indices = @transform_2, window_bounds = array<i64: 2000, 16>}, {pipeline_mode = #tpu.pipeline_mode<synchronous>, transform_indices = @transform_3, window_bounds = array<i64: 128, 128>}, {pipeline_mode = #tpu.pipeline_mode<synchronous>, transform_indices = @transform_4, window_bounds = array<i64: 16, 128>}, {pipeline_mode = #tpu.pipeline_mode<synchronous>, transform_indices = @transform_5, window_bounds = array<i64: 1, 128>}, {pipeline_mode = #tpu.pipeline_mode<synchronous>, transform_indices = @transform_6, window_bounds = array<i64: 128, 16>}, {transform_indices = @transform_7, window_bounds = array<i64: 2000, 128>}, {transform_indices = @transform_8, window_bounds = array<i64: 2000, 16>}]} {
    %get3A = arith.constant 0 : index
    %get3A_0 = arith.constant 0 : index
    %get3A_1 = vector.load %arg2[%get3A, %get3A_0] : memref<2000x16xf32, #tpu.memory_space<vmem>>, vector<2000x16xf32>
    %get3A_2 = arith.constant 0 : index
    %get3A_3 = arith.constant 0 : index
    %get3A_4 = vector.load %arg3[%get3A_2, %get3A_3] : memref<2000x16xf32, #tpu.memory_space<vmem>>, vector<2000x16xf32>
    %add3A = arith.addf %get3A_1, %get3A_4 : vector<2000x16xf32>
    %get3A_5 = arith.constant 0 : index
    %get3A_6 = arith.constant 0 : index
    %get3A_7 = vector.load %arg1[%get3A_5, %get3A_6] : memref<2000x128xf32, #tpu.memory_space<vmem>>, vector<2000x128xf32>
    %get3A_8 = arith.constant 0 : index
    %get3A_9 = arith.constant 0 : index
    %get3A_10 = vector.load %arg4[%get3A_8, %get3A_9] : memref<128x128xf32, #tpu.memory_space<vmem>>, vector<128x128xf32>
    %dot_general3A = arith.constant dense<0.000000e+00> : vector<2000x128xf32>
    %dot_general3A_11 = tpu.matmul %get3A_7, %get3A_10, %dot_general3A {dimension_numbers = #tpu.dot_dimension_numbers<[1], [0], [0], [1], [0, 0, 1, 1], [], []>, transpose_lhs_hint = false} : vector<2000x128xf32>, vector<128x128xf32>, vector<2000x128xf32> -> vector<2000x128xf32>
    %get3A_12 = arith.constant 0 : index
    %get3A_13 = arith.constant 0 : index
    %get3A_14 = vector.load %arg5[%get3A_12, %get3A_13] : memref<16x128xf32, #tpu.memory_space<vmem>>, vector<16x128xf32>
    %dot_general3A_15 = arith.constant dense<0.000000e+00> : vector<2000x128xf32>
    %dot_general3A_16 = tpu.matmul %add3A, %get3A_14, %dot_general3A_15 {dimension_numbers = #tpu.dot_dimension_numbers<[1], [0], [0], [1], [0, 0, 1, 1], [], []>, transpose_lhs_hint = false} : vector<2000x16xf32>, vector<16x128xf32>, vector<2000x128xf32> -> vector<2000x128xf32>
    %add3A_17 = arith.addf %dot_general3A_11, %dot_general3A_16 : vector<2000x128xf32>
    %get3A_18 = arith.constant 0 : index
    %get3A_19 = arith.constant 0 : index
    %get3A_20 = vector.load %arg6[%get3A_18, %get3A_19] : memref<1x128xf32, #tpu.memory_space<vmem>>, vector<1x128xf32>
    %add3A_21 = vector.broadcast %get3A_20 : vector<1x128xf32> to vector<2000x128xf32>
    %add3A_22 = arith.addf %add3A_17, %add3A_21 : vector<2000x128xf32>
    %get3A_23 = arith.constant 0 : index
    %get3A_24 = arith.constant 0 : index
    %get3A_25 = vector.load %arg1[%get3A_23, %get3A_24] : memref<2000x128xf32, #tpu.memory_space<vmem>>, vector<2000x128xf32>
    %max3A = arith.constant 0.000000e+00 : f32
    %max3A_26 = vector.broadcast %max3A : f32 to vector<2000x128xf32>
    %max3A_27 = arith.maximumf %add3A_22, %max3A_26 : vector<2000x128xf32>
    %add3A_28 = arith.addf %get3A_25, %max3A_27 : vector<2000x128xf32>
    %swap3A = arith.constant 0 : index
    %swap3A_29 = arith.constant 0 : index
    %swap3A_30 = vector.load %arg8[%swap3A, %swap3A_29] : memref<2000x128xf32, #tpu.memory_space<vmem>>, vector<2000x128xf32>
    tpu.vector_store %arg8[%swap3A, %swap3A_29], %add3A_28 {strides = array<i32>} : memref<2000x128xf32, #tpu.memory_space<vmem>>, vector<2000x128xf32>,
    %get3A_31 = arith.constant 0 : index
    %get3A_32 = arith.constant 0 : index
    %get3A_33 = vector.load %arg7[%get3A_31, %get3A_32] : memref<128x16xf32, #tpu.memory_space<vmem>>, vector<128x16xf32>
    %dot_general3A_34 = arith.constant dense<0.000000e+00> : vector<2000x16xf32>
    %dot_general3A_35 = tpu.matmul %add3A_28, %get3A_33, %dot_general3A_34 {dimension_numbers = #tpu.dot_dimension_numbers<[1], [0], [0], [1], [0, 0, 1, 1], [], []>, transpose_lhs_hint = false} : vector<2000x128xf32>, vector<128x16xf32>, vector<2000x16xf32> -> vector<2000x16xf32>
    %swap3A_36 = arith.constant 0 : index
    %swap3A_37 = arith.constant 0 : index
    %swap3A_38 = vector.load %arg9[%swap3A_36, %swap3A_37] : memref<2000x16xf32, #tpu.memory_space<vmem>>, vector<2000x16xf32>
    tpu.vector_store %arg9[%swap3A_36, %swap3A_37], %dot_general3A_35 {strides = array<i32>} : memref<2000x16xf32, #tpu.memory_space<vmem>>, vector<2000x16xf32>,
    return
  }
  func.func @transform_0(%arg0: i32) -> (i32, i32) {
    %c0_i32 = arith.constant 0 : i32
    %c0_i32_0 = arith.constant 0 : i32
    return %arg0, %c0_i32 : i32, i32
  }
  func.func @transform_1(%arg0: i32) -> (i32, i32) {
    %c0_i32 = arith.constant 0 : i32
    %c0_i32_0 = arith.constant 0 : i32
    return %arg0, %c0_i32 : i32, i32
  }
  func.func @transform_2(%arg0: i32) -> (i32, i32) {
    %c0_i32 = arith.constant 0 : i32
    %c0_i32_0 = arith.constant 0 : i32
    return %arg0, %c0_i32 : i32, i32
  }
  func.func @transform_3(%arg0: i32) -> (i32, i32) {
    %c0_i32 = arith.constant 0 : i32
    %c0_i32_0 = arith.constant 0 : i32
    %c0_i32_1 = arith.constant 0 : i32
    return %c0_i32, %c0_i32_0 : i32, i32
  }
  func.func @transform_4(%arg0: i32) -> (i32, i32) {
    %c0_i32 = arith.constant 0 : i32
    %c0_i32_0 = arith.constant 0 : i32
    %c0_i32_1 = arith.constant 0 : i32
    return %c0_i32, %c0_i32_0 : i32, i32
  }
  func.func @transform_5(%arg0: i32) -> (i32, i32) {
    %c0_i32 = arith.constant 0 : i32
    %c0_i32_0 = arith.constant 0 : i32
    %c0_i32_1 = arith.constant 0 : i32
    return %c0_i32, %c0_i32_0 : i32, i32
  }
  func.func @transform_6(%arg0: i32) -> (i32, i32) {
    %c0_i32 = arith.constant 0 : i32
    %c0_i32_0 = arith.constant 0 : i32
    %c0_i32_1 = arith.constant 0 : i32
    return %c0_i32, %c0_i32_0 : i32, i32
  }
  func.func @transform_7(%arg0: i32) -> (i32, i32) {
    %c0_i32 = arith.constant 0 : i32
    %c0_i32_0 = arith.constant 0 : i32
    return %arg0, %c0_i32 : i32, i32
  }
  func.func @transform_8(%arg0: i32) -> (i32, i32) {
    %c0_i32 = arith.constant 0 : i32
    %c0_i32_0 = arith.constant 0 : i32
    return %arg0, %c0_i32 : i32, i32
  }
}

</mosaic_0001>

<sc_bundles>
// kernel: kernel.11.cloned.1.call-start
scs
__scs_entry_jumppad:
0x0: {  	(pc) =	sbr.rel $0x88, $3  }
0x1: {  	(tag) =	ssettag $0x0;
	lr =	simm.s32 $0x1  }
0x2: {  	[smem:$0x3F9A] =	sst lr;
	_ =	strace $0xD0000000  }
0x3: {  	_ = 	snop  }
0x4: {  	_ = 	snop  }
0x5: {  	_ = 	snop  }
0x6: {  	_ = 	snop  }
0x7: {  	_ = 	snop  }
__scs_overlays_trampoline_lowered:
0x8: {  	[smem:$0x3FA9] =	sst s0  }
0x9: {  	[smem:$0x3FAA] =	sst s1  }
0xa: {  	[smem:$0x3FAB] =	sst s2  }
0xb: {  	[smem:$0x3FAC] =	sst s3  }
0xc: {  	[smem:$0x3FAD] =	sst s4  }
0xd: {  	[smem:$0x3FAE] =	sst s5  }
0xe: {  	[smem:$0x3FAF] =	sst s6  }
0xf: {  	[smem:$0x3FB0] =	sst s7  }
0x10: {  	[smem:$0x3FB1] =	sst s8  }
0x11: {  	[smem:$0x3FB2] =	sst s9;
	s0 =	simm.s32 @!p0 $0x0  }
0x12: {  	s1 =	sld [smem:$0x3F98];
	s0 =	simm.s32 @p0 $0x1  }
0x13: {  	[smem:$0x3FB3] =	sst s0;
	s0 =	simm.s32 @!p1 $0x0  }
0x14: {  	s2 =	sld [smem:$0x3F97];
	s0 =	simm.s32 @p1 $0x1  }
0x15: {  	[smem:$0x3FB4] =	sst s0;
	s0 =	simm.s32 @!p2 $0x0  }
0x16: {  	s3 =	sld [smem:$0x3FDB];
	s0 =	simm.s32 @p2 $0x1  }
0x17: {  	s4 =	simm.s32 $0x1BF5;
	[smem:$0x3FB6] =	sst s0  }
0x18: {  	s0 =	sld [smem:$0x3F99];
	_ =	swait.ge [sflag:s4], $0x0  }
0x19: {  	s7 =	sld [smem:$0x3F9A]  }
0x1a: {  	s8 =	sadd.s32 $0xFFFFE003, lr  }
0x1b: {  	s9 =	sadd.s32 $0xFFFFFEF7, lr;
	s5 =	simm.s32 $0xFFFFFFFF;
	p2 =	slt.u32 s8, $0xFFFFF086  }
0x1c: {  	p1 =	slt.u32 s9, $0xF7A;
	s5 =	simm.s32 @!p2 $0x0  }
0x1d: {  	s5 =	simm.s32 @p1 $0x1;
	p0 =	seq.s32 s7, s2  }
0x1e: {  	s7 =	smul.u32 @!p0 $0xF7A, s2;
	p2 =	seq.s32 @!p0 s5, $0x0  }
0x1f: {  	s9 =	smul.u32 $0xF7A, s1;
	s8 =	simm.s32 @!p0 $0x1BF5;
	p2 =	por !p2, p0  }
0x20: {  	[sflag:s8] =	ssyncset.s32 @!p0 $0xFFFFF086;
	s6 =	sadd.s32 @!p0 s3, s7;
	s7 =	simm.s32 @!p0 $0x108  }
0x21: {  	s3 =	sadd.s32 s3, s9;
	s6 =	sadd.s32 @!p0 $0x88, s6;
	s7 =	simm.s32 @p2 $0x1082  }
0x22: {  	[simem:s7], [sflag:s8] =	dma.local @!p0 [hbm:s6], $0xF7A  }
0x23: {  	s9 =	sor.u32 $0xD0000000, s2;
	s6 =	simm.s32 $0x108;
	_ =	swait.ge @!p0 [sflag:s8], $0x0  }
0x24: {  	s3 =	sadd.s32 $0x88, s3;
	s6 =	simm.s32 @!p1 $0x1082;
	[sflag:s4] =	ssyncset.s32 $0xFFFFF086  }
0x25: {  	[simem:s6], [sflag:s4] =	dma.local [hbm:s3], $0xF7A  }
0x26: {  	[smem:$0x3F9A] =	sst s1;
	(tag) =	ssettag s2;
	_ =	strace s9  }
0x27: {  	s1 =	sld [smem:$0x3FAA]  }
0x28: {  	s2 =	sld [smem:$0x3FAB]  }
0x29: {  	s4 =	sld [smem:$0x3FAD]  }
0x2a: {  	p0 =	seq.s32 s5, $0x0;
	s5 =	sld [smem:$0x3FAE]  }
0x2b: {  	s6 =	sld [smem:$0x3FAF]  }
0x2c: {  	s7 =	sld [smem:$0x3FB0]  }
0x2d: {  	s3 =	simm.s32 $0x108;
	s8 =	sld [smem:$0x3FB1]  }
0x2e: {  	s3 =	simm.s32 @!p0 $0x1082;
	s9 =	sld [smem:$0x3FB2]  }
0x2f: {  	lr =	sadd.s32 s0, s3;
	s0 =	sld [smem:$0x3FA9]  }
0x30: {  	s3 =	sld [smem:$0x3FAC]  }
0x31: {  	[smem:$0x3FB5] =	sst s10  }
0x32: {  	s10 =	sld [smem:$0x3FB3];
	_ =	sdelay $0x3  }
0x33: {  	p0 =	seq.s32 s10, $0x1;
	s10 =	sld [smem:$0x3FB5];
	_ =	sdelay $0x3  }
0x34: {  	[smem:$0x3FB5] =	sst s10  }
0x35: {  	s10 =	sld [smem:$0x3FB4];
	_ =	sdelay $0x3  }
0x36: {  	p1 =	seq.s32 s10, $0x1;
	s10 =	sld [smem:$0x3FB5];
	_ =	sdelay $0x3  }
0x37: {  	[smem:$0x3FB5] =	sst s10  }
0x38: {  	s10 =	sld [smem:$0x3FB6]  }
0x39: {  	_ = 	snop;
	(pc) =	sbr.ind lr, $3  }
0x3a: {  	_ = 	snop  }
0x3b: {  	_ = 	snop  }
0x3c: {  	p2 =	seq.s32 s10, $0x1;
	s10 =	sld [smem:$0x3FB5]  }
0x3d: {  	_ =	shalt  }
0x3e: {  	_ =	shalt  }
0x3f: {  	_ =	shalt  }
0x40: {  	_ =	shalt  }
0x41: {  	_ =	shalt  }
0x42: {  	_ =	shalt  }
0x43: {  	_ =	shalt  }
0x44: {  	_ =	shalt  }
0x45: {  	_ =	shalt  }
0x46: {  	_ =	shalt  }
0x47: {  	_ =	shalt  }
0x48: {  	_ =	shalt  }
0x49: {  	_ =	shalt  }
0x4a: {  	_ =	shalt  }
0x4b: {  	_ =	shalt  }
0x4c: {  	_ =	shalt  }
0x4d: {  	_ =	shalt  }
0x4e: {  	_ =	shalt  }
0x4f: {  	_ =	shalt  }
0x50: {  	_ =	shalt  }
0x51: {  	_ =	shalt  }
0x52: {  	_ =	shalt  }
0x53: {  	_ =	shalt  }
0x54: {  	_ =	shalt  }
0x55: {  	_ =	shalt  }
0x56: {  	_ =	shalt  }
0x57: {  	_ =	shalt  }
0x58: {  	_ =	shalt  }
0x59: {  	_ =	shalt  }
0x5a: {  	_ =	shalt  }
0x5b: {  	_ =	shalt  }
0x5c: {  	_ =	shalt  }
0x5d: {  	_ =	shalt  }
0x5e: {  	_ =	shalt  }
0x5f: {  	_ =	shalt  }
0x60: {  	_ =	shalt  }
0x61: {  	_ =	shalt  }
0x62: {  	_ =	shalt  }
0x63: {  	_ =	shalt  }
0x64: {  	_ =	shalt  }
0x65: {  	_ =	shalt  }
0x66: {  	_ =	shalt  }
0x67: {  	_ =	shalt  }
0x68: {  	_ =	shalt  }
0x69: {  	_ =	shalt  }
0x6a: {  	_ =	shalt  }
0x6b: {  	_ =	shalt  }
0x6c: {  	_ =	shalt  }
0x6d: {  	_ =	shalt  }
0x6e: {  	_ =	shalt  }
0x6f: {  	_ =	shalt  }
0x70: {  	_ =	shalt  }
0x71: {  	_ =	shalt  }
0x72: {  	_ =	shalt  }
0x73: {  	_ =	shalt  }
0x74: {  	_ =	shalt  }
0x75: {  	_ =	shalt  }
0x76: {  	_ =	shalt  }
0x77: {  	_ =	shalt  }
0x78: {  	_ =	shalt  }
0x79: {  	_ =	shalt  }
0x7a: {  	_ =	shalt  }
0x7b: {  	_ =	shalt  }
0x7c: {  	_ =	shalt  }
0x7d: {  	_ =	shalt  }
0x7e: {  	_ =	shalt  }
0x7f: {  	_ =	shalt  }
0x80: {  	_ =	shalt  }
0x81: {  	_ =	shalt  }
0x82: {  	_ =	shalt  }
0x83: {  	_ =	shalt  }
0x84: {  	_ =	shalt  }
0x85: {  	_ =	shalt  }
0x86: {  	_ =	shalt  }
0x87: {  	_ =	shalt  }
.Lfunc_end0:
.L_simem_size_0:
called_computation_lowered:
.L_overlay_start_0:
0x88: {  	s2 =	sld [smem:$0x3FD9]  }
0x89: {  	s3 =	sld [smem:$0x3FFE];
	_ =	sdelay $0x1  }
0x8a: {  	s1 =	srdreg.scid  }
0x8b: {  	s0 =	sand.u32 $0x1, s1  }
0x8c: {  	s14 =	sshll.u32 s0, $0xA;
	s2 =	sadd.s32 s3, s2  }
0x8d: {  	s2 =	sadd.s32 s2, s14  }
0x8e: {  	[smem:$0x3FC1] =	sst s2  }
0x8f: {  	_ = 	snop  }
0x90: {  	s2 =	sld [smem:$0x3FD0];
	_ =	sdelay $0x2  }
0x91: {  	s15 =	simm.s32 $0xA;
	s4 =	simm.s32 $0x10  }
0x92: {  	[smem:s4], [sflag:s15] =	dma.local [hbm:s2], $0x1  }
0x93: {  	_ =	swait.eq [sflag:s15], $0x1  }
0x94: {  	[sflag:s15] =	ssyncset.done $0x0  }
0x95: {  	s16 =	sld [smem:$0x10];
	[sflag:s15] =	ssyncadd.s32 $0xFFFFFFFF  }
0x96: {  	s17 =	sld [smem:$0x11];
	(tm) =	ssettm $0x1  }
0x97: {  	s18 =	sld [smem:$0x3FFB];
	_ =	sdelay $0x3  }
0x98: {  	_ =	strace s18  }
0x99: {  	s4 =	sld [smem:$0x3FFC];
	_ =	sdelay $0x3  }
0x9a: {  	_ =	strace s4  }
0x9b: {  	s4 =	sld [smem:$0x3FFD];
	_ =	sdelay $0x3  }
0x9c: {  	_ =	strace s4  }
0x9d: {  	_ =	strace $0x8FFFFFFF  }
0x9e: {  	s19 =	sld [smem:$0x3FDB];
	_ =	sdelay $0x1  }
0x9f: {  	s5 =	simm.s32 $_scs_section_size  }
0xa0: {  	s6 =	simm.s32 $_size__tile_overlayer_lowered;
	s7 =	simm.s32 $_tile_overlayer_lowered  }
0xa1: {  	s22 =	simm.s32 $0x1BFF;
	s21 =	sshll.u32 s7, $0x1;
	s4 =	sadd.s32 s5, s19  }
0xa2: {  	s8 =	simm.s32 $0x0;
	s20 =	sshll.u32 s6, $0x1;
	s6 =	sadd.s32 s21, s4  }
0xa3: {  	[timem:s8], [sflag:s22] =	dma.local [hbm:s6], s20  }
0xa4: {  	_ =	swait.ge [sflag:s22], s20  }
0xa5: {  	s5 =	ssub.s32 $0x0, s20;
	[sflag:s22] =	ssyncset.done $0x0  }
0xa6: {  	[sflag:s22] =	ssyncadd.s32 s5;
	_ =	sdelay $0x1  }
0xa7: {  	s23 =	simm.s32 $0x1B8B  }
0xa8: {  	_ =	swait.ge [sflag:s23], $0x1  }
0xa9: {  	[sflag:s23] =	ssyncset.done $0x0  }
0xaa: {  	s25 =	simm.s32 $0x1B8E;
	s24 =	sld [smem:$0x3FFE];
	[sflag:s23] =	ssyncadd.s32 $0xFFFFFFFF  }
0xab: {  	s26 =	simm.s32 $execute0_lowered;
	[smem:$0x3FD2] =	sst s25  }
0xac: {  	s6 =	sshll.u32 s26, $0x1;
	_ =	strace $0x80000046;
	[dreg:$0x1] =	wrdreg $0xFFFFFFFF  }
0xad: {  	s28 =	simm.s32 $_size_execute0_lowered;
	s4 =	sadd.s32 s4, s6;
	[dreg:$0x0] =	wrdreg $0x0  }
0xae: {  	s6 =	sshll.u32 s28, $0x1;
	[dreg:$0x2] =	wrdreg s4  }
0xaf: {  	[dreg:$0x3] =	wrdreg s6  }
0xb0: {  	[dreg:$0x4] =	wrdreg $0xC0  }
0xb1: {  	_ =	task [dreg:s8], $0x5FFFF  }
0xb2: {  	[dreg:$0x1] =	wrdreg $0xFFFFFFFF  }
0xb3: {  	[dreg:$0x0] =	wrdreg $0x60  }
0xb4: {  	[dreg:$0x2] =	wrdreg s17  }
0xb5: {  	[dreg:$0x3] =	wrdreg s16  }
0xb6: {  	[dreg:$0x4] =	wrdreg s24  }
0xb7: {  	[dreg:$0x5] =	wrdreg $0xC8000  }
0xb8: {  	[dreg:$0x6] =	wrdreg $0x9  }
0xb9: {  	_ =	task.clear_ibuf [dreg:s8], $0x7FFFF;
	_ =	strace $0x90000046  }
0xba: {  	s29 =	simm.s32 $0x9;
	_ =	strace $0x80000048  }
0xbb: {  	_ =	swait.ge [sflag:s29], $0x1  }
0xbc: {  	[sflag:s29] =	ssyncadd.s32 $0xFFFFFFFF  }
0xbd: {  	_ =	strace $0x90000048  }
0xbe: {  	_ =	sfence  }
0xbf: {  	s30 =	sld [smem:$0x0];
	_ =	sdelay $0x2  }
0xc0: {  	s31 =	sshll.u32 s1, $0xD;
	s1 =	sshrl.u32 s1, $0x2  }
0xc1: {  	s3 =	sand.u32 $0x4000, s31;
	s1 =	sadd.s32 s1, s30  }
0xc2: {  	s0 =	sor.u32 s3, s0;
	s1 =	sshll.u32 s1, $0x11  }
0xc3: {  	s0 =	sor.u32 s1, s0  }
0xc4: {  	s0 =	sadd.s32 $0x8F2B, s0  }
0xc5: {  	[sflag:s0] =	ssyncadd.remote.s32 $0x1  }
0xc6: {  	_ =	sfence.sel $0xFFFF  }
0xc7: {  	[dreg:$0x0] =	wrdreg $0xFFFFFFFF;
	(pc) =	sbr.abs _section_cstart, $3  }
0xc8: {  	[dreg:$0x1] =	wrdreg $0xFFFFFFFF  }
0xc9: {  	_ =	task.clear_ibuf [dreg:s8], $0x2FFFF;
	_ =	strace $0x9FFFFFFF  }
0xca: {  	(tm) =	ssettm $0x7FFFFFFF  }
0xcb: {  	_ =	shalt  }
tec
execute0_lowered:
.L_overlay_start_1:
0x0: {  	(tag) =	ssettag $0x1  }
0x1: {  	s1 =	rddreg [dreg:$0x0]  }
0x2: {  	s4 =	rddreg [dreg:$0x1]  }
0x3: {  	s5 =	rddreg [dreg:$0x2]  }
0x4: {  	s2 =	rddreg [dreg:$0x3]  }
0x5: {  	s0 =	rddreg [dreg:$0x4];
	s3 =	simm.s32 $0x0  }
0x6: {  	s12 =	simm.s32 $0x3000;
	[smem:$0x7FF] =	sst s3  }
0x7: {  	s13 =	simm.s32 $0x3800;
	_ =	strace $0x80000047;
	[dreg:$0x5] =	wrdreg s12  }
0x8: {  	s15 =	simm.s32 $0x4000;
	[dreg:$0x6] =	wrdreg s13  }
0x9: {  	s6 =	srdreg.scid;
	s17 =	simm.s32 $0x4800;
	[dreg:$0x7] =	wrdreg s15  }
0xa: {  	s8 =	stileid.u32;
	s18 =	simm.s32 $0x5000;
	[dreg:$0x8] =	wrdreg s17  }
0xb: {  	s19 =	simm.s32 $0x5800;
	s20 =	simm.s32 $0x6000;
	[dreg:$0x9] =	wrdreg s18  }
0xc: {  	s21 =	simm.s32 $0x6800;
	s22 =	simm.s32 $0x7000;
	[dreg:$0xa] =	wrdreg s19  }
0xd: {  	s24 =	simm.s32 $0x8000;
	s25 =	simm.s32 $0x8800;
	[dreg:$0xb] =	wrdreg s20  }
0xe: {  	s26 =	simm.s32 $0x9000;
	s28 =	simm.s32 $0x9800;
	[dreg:$0xc] =	wrdreg s21  }
0xf: {  	s29 =	simm.s32 $0xA000;
	s30 =	simm.s32 $0xA800;
	[dreg:$0xd] =	wrdreg s22  }
0x10: {  	s7 =	sand.u32 $0x1, s6;
	s31 =	sshll.u32 s8, $0x1;
	[dreg:$0xe] =	wrdreg s24  }
0x11: {  	s11 =	sadd.s32 $0x3800, s5;
	s14 =	smul.u32 $0x5000, s8;
	[dreg:$0xf] =	wrdreg s25  }
0x12: {  	s23 =	smul.u32 $0xA000, s8;
	p0 =	sne.s32 s8, $0x0;
	[dreg:$0x10] =	wrdreg s26  }
0x13: {  	s9 =	ssub.s32 $0x2, s7;
	s16 =	smul.u32 $0x2800, s7;
	[dreg:$0x11] =	wrdreg s28  }
0x14: {  	s6 =	sor.u32 s7, s31;
	s7 =	smul.u32 $0x5000, s7;
	[dreg:$0x12] =	wrdreg s29  }
0x15: {  	s8 =	sshrl.u32 @!p0 s2, $0x3;
	[dreg:$0x13] =	wrdreg s30;
	s31 =	simm.s32 $0xB000  }
0x16: {  	s12 =	simm.s32 $0xB800;
	s13 =	simm.s32 $0xC000;
	[dreg:$0x14] =	wrdreg s31  }
0x17: {  	s15 =	simm.s32 $0x4;
	s10 =	sshrl.u32 s9, $0x1;
	[dreg:$0x15] =	wrdreg s12  }
0x18: {  	s6 =	smul.u32 $0x500, s6;
	s12 =	simm.s32 $0x7800;
	[dreg:$0x16] =	wrdreg s13  }
0x19: {  	s13 =	simm.s32 $0x2;
	s10 =	ssub.s32 s9, s10;
	s9 =	sadd.s32 s16, s14  }
0x1a: {  	s14 =	simm.s32 $0x3;
	s16 =	simm.s32 $0x0;
	s4 =	sadd.s32 s4, s6  }
0x1b: {  	s5 =	smax.u32 s10, $0x1;
	s9 =	sshll.u32 s9, $0x1;
	s10 =	sadd.s32 s23, s11  }
0x1c: {  	s9 =	sadd.s32 s9, s11;
	s7 =	sadd.s32 s7, s10;
	s10 =	simm.s32 $0x80  }
0x1d: {  	s11 =	simm.s32 $0x2800;
	s6 =	sadd.s32 $0xA00, s9;
	s9 =	simm.s32 $0x1  }
.LBB2_1:
0x1e: {  	[tilespmem:s3], [sflag:$0x1] =	stream.linear.gather [hbm4b:s4+s3], $0x2800, $0x38;
	[tilespmem:$0xEF10] =	vst v63  }
0x1f: {  	s17 =	simm.s32 @!p0 $0x1C05  }
0x20: {  	[spmem:s8], [sflag:s17] =	dma.local @!p0 [hbm:s1], $0x4E20  }
0x21: {  	s17 =	simm.s32 @!p0 $0x5  }
0x22: {  	_ =	swait.ge @!p0 [sflag:s17], $0x4E20  }
0x23: {  	[sflag:s17] =	ssyncset.done @!p0 $0x0  }
0x24: {  	[sflag:s17] =	ssyncadd.s32 @!p0 $0xFFFFB1E0  }
0x25: {  	_ =	swait.ge [sflag:s9], $0x2800  }
0x26: {  	[sflag:s9] =	ssyncset.done $0x0  }
0x27: {  	p1 =	por $0x1, $0x1;
	[sflag:s9] =	ssyncadd.s32 $0xFFFFD800  }
0x28: {  	s17 =	simm.s32 @!p1 $0x3;
	[bflag:$0x0] =	sbarrier.arrive $0xFFFF  }
0x29: {  	_ =	swait.ge @!p1 [sflag:s17], $0x5000  }
0x2a: {  	[sflag:s17] =	ssyncset.done @!p1 $0x0  }
0x2b: {  	s30 =	simm.s32 $0x0;
	[sflag:s17] =	ssyncadd.s32 @!p1 $0xFFFFB000  }
0x2c: {  	[tilespmem:s11], [sflag:$0x1] =	stream.indirect.gather [spmem:s2], $0x10, s30, s10, $0xb8;
	[tilespmem:$0xEF10] =	vst v63  }
0x2d: {  	s31 =	simm.s32 $0x80;
	s18 =	rddreg [dreg:$0x5]  }
0x2e: {  	[tilespmem:s18], [sflag:$0x1] =	stream.indirect.gather [spmem:s2], $0x10, s31, s10, $0xb8;
	[tilespmem:$0xEF10] =	vst v63  }
0x2f: {  	s19 =	rddreg [dreg:$0x6];
	s18 =	simm.s32 $0x100  }
0x30: {  	[tilespmem:s19], [sflag:$0x1] =	stream.indirect.gather [spmem:s2], $0x10, s18, s10, $0xb8;
	[tilespmem:$0xEF10] =	vst v63  }
0x31: {  	s21 =	simm.s32 $0x180;
	s20 =	rddreg [dreg:$0x7]  }
0x32: {  	[tilespmem:s20], [sflag:$0x1] =	stream.indirect.gather [spmem:s2], $0x10, s21, s10, $0xb8;
	[tilespmem:$0xEF10] =	vst v63  }
0x33: {  	s23 =	simm.s32 $0x200;
	s22 =	rddreg [dreg:$0x8]  }
0x34: {  	[tilespmem:s22], [sflag:$0x1] =	stream.indirect.gather [spmem:s2], $0x10, s23, s10, $0xb8;
	[tilespmem:$0xEF10] =	vst v63  }
0x35: {  	s25 =	simm.s32 $0x280;
	s24 =	rddreg [dreg:$0x9]  }
0x36: {  	[tilespmem:s24], [sflag:$0x1] =	stream.indirect.gather [spmem:s2], $0x10, s25, s10, $0xb8;
	[tilespmem:$0xEF10] =	vst v63  }
0x37: {  	s28 =	simm.s32 $0x300;
	s26 =	rddreg [dreg:$0xa]  }
0x38: {  	[tilespmem:s26], [sflag:$0x1] =	stream.indirect.gather [spmem:s2], $0x10, s28, s10, $0xb8;
	[tilespmem:$0xEF10] =	vst v63  }
0x39: {  	s29 =	rddreg [dreg:$0xb];
	s30 =	simm.s32 $0x380  }
0x3a: {  	[tilespmem:s29], [sflag:$0x1] =	stream.indirect.gather [spmem:s2], $0x10, s30, s10, $0xb8;
	[tilespmem:$0xEF10] =	vst v63  }
0x3b: {  	s31 =	rddreg [dreg:$0xc];
	s20 =	simm.s32 $0x400  }
0x3c: {  	[tilespmem:s31], [sflag:$0x1] =	stream.indirect.gather [spmem:s2], $0x10, s20, s10, $0xb8;
	[tilespmem:$0xEF10] =	vst v63  }
0x3d: {  	s21 =	rddreg [dreg:$0xd];
	s22 =	simm.s32 $0x480  }
0x3e: {  	[tilespmem:s21], [sflag:$0x1] =	stream.indirect.gather [spmem:s2], $0x10, s22, s10, $0xb8;
	[tilespmem:$0xEF10] =	vst v63  }
0x3f: {  	_ =	swait.ge [sflag:s9], $0x800  }
0x40: {  	[sflag:s9] =	ssyncset.done $0x0  }
0x41: {  	[sflag:s9] =	ssyncadd.s32 $0xFFFFF800  }
0x42: {  	_ =	swait.ge [sflag:s9], $0x800  }
0x43: {  	[sflag:s9] =	ssyncset.done $0x0  }
0x44: {  	[sflag:s9] =	ssyncadd.s32 $0xFFFFF800  }
0x45: {  	_ =	swait.ge [sflag:s9], $0x800  }
0x46: {  	[sflag:s9] =	ssyncset.done $0x0  }
0x47: {  	[sflag:s9] =	ssyncadd.s32 $0xFFFFF800  }
0x48: {  	_ =	swait.ge [sflag:s9], $0x800  }
0x49: {  	[sflag:s9] =	ssyncset.done $0x0  }
0x4a: {  	[sflag:s9] =	ssyncadd.s32 $0xFFFFF800  }
0x4b: {  	_ =	swait.ge [sflag:s9], $0x800  }
0x4c: {  	[sflag:s9] =	ssyncset.done $0x0  }
0x4d: {  	[sflag:s9] =	ssyncadd.s32 $0xFFFFF800  }
0x4e: {  	_ =	swait.ge [sflag:s9], $0x800  }
0x4f: {  	[sflag:s9] =	ssyncset.done $0x0  }
0x50: {  	[sflag:s9] =	ssyncadd.s32 $0xFFFFF800  }
0x51: {  	_ =	swait.ge [sflag:s9], $0x800  }
0x52: {  	[sflag:s9] =	ssyncset.done $0x0  }
0x53: {  	[sflag:s9] =	ssyncadd.s32 $0xFFFFF800  }
0x54: {  	_ =	swait.ge [sflag:s9], $0x800  }
0x55: {  	[sflag:s9] =	ssyncset.done $0x0  }
0x56: {  	[sflag:s9] =	ssyncadd.s32 $0xFFFFF800  }
0x57: {  	_ =	swait.ge [sflag:s9], $0x800  }
0x58: {  	[sflag:s9] =	ssyncset.done $0x0  }
0x59: {  	[sflag:s9] =	ssyncadd.s32 $0xFFFFF800  }
0x5a: {  	_ =	swait.ge [sflag:s9], $0x800  }
0x5b: {  	[sflag:s9] =	ssyncset.done $0x0  }
0x5c: {  	s17 =	simm.s32 @!p1 $0x4;
	[sflag:s9] =	ssyncadd.s32 $0xFFFFF800  }
0x5d: {  	[hbm4b:s7+s3] =	stream.linear.scatter [tilespmem:s11], [sflag:$0x3], $0x5000, $0x38;
	[tilespmem:$0xEF10] =	vst v63  }
0x5e: {  	_ =	swait.ge @!p1 [sflag:s17], $0x5000  }
0x5f: {  	[sflag:s17] =	ssyncset.done @!p1 $0x0  }
0x60: {  	s23 =	simm.s32 $0x500;
	[sflag:s17] =	ssyncadd.s32 @!p1 $0xFFFFB000  }
0x61: {  	[tilespmem:s12], [sflag:$0x2] =	stream.indirect.gather [spmem:s2], $0x10, s23, s10, $0xb8;
	[tilespmem:$0xEF10] =	vst v63  }
0x62: {  	s25 =	simm.s32 $0x580;
	s24 =	rddreg [dreg:$0xe]  }
0x63: {  	[tilespmem:s24], [sflag:$0x2] =	stream.indirect.gather [spmem:s2], $0x10, s25, s10, $0xb8;
	[tilespmem:$0xEF10] =	vst v63  }
0x64: {  	s28 =	simm.s32 $0x600;
	s26 =	rddreg [dreg:$0xf]  }
0x65: {  	[tilespmem:s26], [sflag:$0x2] =	stream.indirect.gather [spmem:s2], $0x10, s28, s10, $0xb8;
	[tilespmem:$0xEF10] =	vst v63  }
0x66: {  	s30 =	simm.s32 $0x680;
	s29 =	rddreg [dreg:$0x10]  }
0x67: {  	[tilespmem:s29], [sflag:$0x2] =	stream.indirect.gather [spmem:s2], $0x10, s30, s10, $0xb8;
	[tilespmem:$0xEF10] =	vst v63  }
0x68: {  	s20 =	simm.s32 $0x700;
	s31 =	rddreg [dreg:$0x11]  }
0x69: {  	[tilespmem:s31], [sflag:$0x2] =	stream.indirect.gather [spmem:s2], $0x10, s20, s10, $0xb8;
	[tilespmem:$0xEF10] =	vst v63  }
0x6a: {  	s22 =	simm.s32 $0x780;
	s21 =	rddreg [dreg:$0x12]  }
0x6b: {  	[tilespmem:s21], [sflag:$0x2] =	stream.indirect.gather [spmem:s2], $0x10, s22, s10, $0xb8;
	[tilespmem:$0xEF10] =	vst v63  }
0x6c: {  	s23 =	rddreg [dreg:$0x13];
	s24 =	simm.s32 $0x800  }
0x6d: {  	[tilespmem:s23], [sflag:$0x2] =	stream.indirect.gather [spmem:s2], $0x10, s24, s10, $0xb8;
	[tilespmem:$0xEF10] =	vst v63  }
0x6e: {  	s25 =	rddreg [dreg:$0x14];
	s26 =	simm.s32 $0x880  }
0x6f: {  	[tilespmem:s25], [sflag:$0x2] =	stream.indirect.gather [spmem:s2], $0x10, s26, s10, $0xb8;
	[tilespmem:$0xEF10] =	vst v63  }
0x70: {  	s28 =	rddreg [dreg:$0x15];
	s29 =	simm.s32 $0x900  }
0x71: {  	[tilespmem:s28], [sflag:$0x2] =	stream.indirect.gather [spmem:s2], $0x10, s29, s10, $0xb8;
	[tilespmem:$0xEF10] =	vst v63  }
0x72: {  	s30 =	rddreg [dreg:$0x16];
	s31 =	simm.s32 $0x980  }
0x73: {  	[tilespmem:s30], [sflag:$0x2] =	stream.indirect.gather [spmem:s2], $0x10, s31, s10, $0xb8;
	[tilespmem:$0xEF10] =	vst v63  }
0x74: {  	_ =	swait.ge [sflag:s13], $0x800  }
0x75: {  	[sflag:s13] =	ssyncset.done $0x0  }
0x76: {  	[sflag:s13] =	ssyncadd.s32 $0xFFFFF800  }
0x77: {  	_ =	swait.ge [sflag:s13], $0x800  }
0x78: {  	[sflag:s13] =	ssyncset.done $0x0  }
0x79: {  	[sflag:s13] =	ssyncadd.s32 $0xFFFFF800  }
0x7a: {  	_ =	swait.ge [sflag:s13], $0x800  }
0x7b: {  	[sflag:s13] =	ssyncset.done $0x0  }
0x7c: {  	[sflag:s13] =	ssyncadd.s32 $0xFFFFF800  }
0x7d: {  	_ =	swait.ge [sflag:s13], $0x800  }
0x7e: {  	[sflag:s13] =	ssyncset.done $0x0  }
0x7f: {  	[sflag:s13] =	ssyncadd.s32 $0xFFFFF800  }
0x80: {  	_ =	swait.ge [sflag:s13], $0x800  }
0x81: {  	[sflag:s13] =	ssyncset.done $0x0  }
0x82: {  	[sflag:s13] =	ssyncadd.s32 $0xFFFFF800  }
0x83: {  	_ =	swait.ge [sflag:s13], $0x800  }
0x84: {  	[sflag:s13] =	ssyncset.done $0x0  }
0x85: {  	[sflag:s13] =	ssyncadd.s32 $0xFFFFF800  }
0x86: {  	_ =	swait.ge [sflag:s13], $0x800  }
0x87: {  	[sflag:s13] =	ssyncset.done $0x0  }
0x88: {  	[sflag:s13] =	ssyncadd.s32 $0xFFFFF800  }
0x89: {  	_ =	swait.ge [sflag:s13], $0x800  }
0x8a: {  	[sflag:s13] =	ssyncset.done $0x0  }
0x8b: {  	[sflag:s13] =	ssyncadd.s32 $0xFFFFF800  }
0x8c: {  	_ =	swait.ge [sflag:s13], $0x800  }
0x8d: {  	[sflag:s13] =	ssyncset.done $0x0  }
0x8e: {  	p2 =	por $0x0, $0x0;
	s19 =	simm.s32 $0x2800;
	[sflag:s13] =	ssyncadd.s32 $0xFFFFF800  }
0x8f: {  	s18 =	sadd.s32 $0x1400, s7;
	s17 =	sadd.s32 $0x1400, s6;
	_ =	swait.ge [sflag:s13], $0x800  }
0x90: {  	s20 =	simm.s32 $0x5000;
	s21 =	smov.u32 s6;
	[sflag:s13] =	ssyncset.done $0x0  }
.LBB2_2:
0x91: {  	s22 =	simm.s32 @!p2 $0x3;
	[sflag:s13] =	ssyncadd.s32 $0xFFFFF800  }
0x92: {  	[hbm4b:s21+s3] =	stream.linear.scatter [tilespmem:s12], [sflag:$0x4], $0x5000, $0x38;
	[tilespmem:$0xEF10] =	vst v63  }
0x93: {  	_ =	swait.ge @!p2 [sflag:s22], $0x5000  }
0x94: {  	[sflag:s22] =	ssyncset.done @!p2 $0x0  }
0x95: {  	[sflag:s22] =	ssyncadd.s32 @!p2 $0xFFFFB000;
	s22 =	sshra.s32 s19, $0x2  }
0x96: {  	[tilespmem:s11], [sflag:$0x1] =	stream.indirect.gather [spmem:s2], $0x10, s22, s10, $0xb8;
	[tilespmem:$0xEF10] =	vst v63  }
0x97: {  	s24 =	rddreg [dreg:$0x5];
	s25 =	sadd.s32 $0x80, s22  }
0x98: {  	[tilespmem:s24], [sflag:$0x1] =	stream.indirect.gather [spmem:s2], $0x10, s25, s10, $0xb8;
	[tilespmem:$0xEF10] =	vst v63  }
0x99: {  	s26 =	rddreg [dreg:$0x6];
	s28 =	sadd.s32 $0x100, s22  }
0x9a: {  	[tilespmem:s26], [sflag:$0x1] =	stream.indirect.gather [spmem:s2], $0x10, s28, s10, $0xb8;
	[tilespmem:$0xEF10] =	vst v63  }
0x9b: {  	s29 =	rddreg [dreg:$0x7];
	s30 =	sadd.s32 $0x180, s22  }
0x9c: {  	[tilespmem:s29], [sflag:$0x1] =	stream.indirect.gather [spmem:s2], $0x10, s30, s10, $0xb8;
	[tilespmem:$0xEF10] =	vst v63  }
0x9d: {  	s31 =	rddreg [dreg:$0x8];
	s24 =	sadd.s32 $0x200, s22  }
0x9e: {  	[tilespmem:s31], [sflag:$0x1] =	stream.indirect.gather [spmem:s2], $0x10, s24, s10, $0xb8;
	[tilespmem:$0xEF10] =	vst v63  }
0x9f: {  	s26 =	rddreg [dreg:$0x9];
	s28 =	sadd.s32 $0x280, s22  }
0xa0: {  	[tilespmem:s26], [sflag:$0x1] =	stream.indirect.gather [spmem:s2], $0x10, s28, s10, $0xb8;
	[tilespmem:$0xEF10] =	vst v63  }
0xa1: {  	s29 =	rddreg [dreg:$0xa];
	s30 =	sadd.s32 $0x300, s22  }
0xa2: {  	[tilespmem:s29], [sflag:$0x1] =	stream.indirect.gather [spmem:s2], $0x10, s30, s10, $0xb8;
	[tilespmem:$0xEF10] =	vst v63  }
0xa3: {  	s31 =	rddreg [dreg:$0xb];
	s26 =	sadd.s32 $0x380, s22  }
0xa4: {  	[tilespmem:s31], [sflag:$0x1] =	stream.indirect.gather [spmem:s2], $0x10, s26, s10, $0xb8;
	[tilespmem:$0xEF10] =	vst v63  }
0xa5: {  	s28 =	rddreg [dreg:$0xc];
	s29 =	sadd.s32 $0x400, s22  }
0xa6: {  	[tilespmem:s28], [sflag:$0x1] =	stream.indirect.gather [spmem:s2], $0x10, s29, s10, $0xb8;
	[tilespmem:$0xEF10] =	vst v63  }
0xa7: {  	s30 =	rddreg [dreg:$0xd];
	s31 =	sadd.s32 $0x480, s22  }
0xa8: {  	[tilespmem:s30], [sflag:$0x1] =	stream.indirect.gather [spmem:s2], $0x10, s31, s10, $0xb8;
	[tilespmem:$0xEF10] =	vst v63  }
0xa9: {  	_ =	swait.ge [sflag:s9], $0x800  }
0xaa: {  	[sflag:s9] =	ssyncset.done $0x0  }
0xab: {  	[sflag:s9] =	ssyncadd.s32 $0xFFFFF800  }
0xac: {  	_ =	swait.ge [sflag:s9], $0x800  }
0xad: {  	[sflag:s9] =	ssyncset.done $0x0  }
0xae: {  	[sflag:s9] =	ssyncadd.s32 $0xFFFFF800  }
0xaf: {  	_ =	swait.ge [sflag:s9], $0x800  }
0xb0: {  	[sflag:s9] =	ssyncset.done $0x0  }
0xb1: {  	[sflag:s9] =	ssyncadd.s32 $0xFFFFF800  }
0xb2: {  	_ =	swait.ge [sflag:s9], $0x800  }
0xb3: {  	[sflag:s9] =	ssyncset.done $0x0  }
0xb4: {  	[sflag:s9] =	ssyncadd.s32 $0xFFFFF800  }
0xb5: {  	_ =	swait.ge [sflag:s9], $0x800  }
0xb6: {  	[sflag:s9] =	ssyncset.done $0x0  }
0xb7: {  	[sflag:s9] =	ssyncadd.s32 $0xFFFFF800  }
0xb8: {  	_ =	swait.ge [sflag:s9], $0x800  }
0xb9: {  	[sflag:s9] =	ssyncset.done $0x0  }
0xba: {  	[sflag:s9] =	ssyncadd.s32 $0xFFFFF800  }
0xbb: {  	_ =	swait.ge [sflag:s9], $0x800  }
0xbc: {  	[sflag:s9] =	ssyncset.done $0x0  }
0xbd: {  	[sflag:s9] =	ssyncadd.s32 $0xFFFFF800  }
0xbe: {  	_ =	swait.ge [sflag:s9], $0x800  }
0xbf: {  	[sflag:s9] =	ssyncset.done $0x0  }
0xc0: {  	[sflag:s9] =	ssyncadd.s32 $0xFFFFF800  }
0xc1: {  	_ =	swait.ge [sflag:s9], $0x800  }
0xc2: {  	[sflag:s9] =	ssyncset.done $0x0  }
0xc3: {  	[sflag:s9] =	ssyncadd.s32 $0xFFFFF800  }
0xc4: {  	_ =	swait.ge [sflag:s9], $0x800  }
0xc5: {  	s23 =	smov.u32 s20;
	[sflag:s9] =	ssyncset.done $0x0  }
0xc6: {  	s19 =	smov.u32 s23;
	s23 =	simm.s32 @!p2 $0x4;
	[sflag:s9] =	ssyncadd.s32 $0xFFFFF800  }
0xc7: {  	[hbm4b:s18+s3] =	stream.linear.scatter [tilespmem:s11], [sflag:$0x3], $0x5000, $0x38;
	[tilespmem:$0xEF10] =	vst v63  }
0xc8: {  	_ =	swait.ge @!p2 [sflag:s23], $0x5000  }
0xc9: {  	[sflag:s23] =	ssyncset.done @!p2 $0x0  }
0xca: {  	s25 =	sadd.s32 $0x500, s22;
	[sflag:s23] =	ssyncadd.s32 @!p2 $0xFFFFB000  }
0xcb: {  	[tilespmem:s12], [sflag:$0x2] =	stream.indirect.gather [spmem:s2], $0x10, s25, s10, $0xb8;
	[tilespmem:$0xEF10] =	vst v63  }
0xcc: {  	s28 =	sadd.s32 $0x580, s22;
	s26 =	rddreg [dreg:$0xe]  }
0xcd: {  	[tilespmem:s26], [sflag:$0x2] =	stream.indirect.gather [spmem:s2], $0x10, s28, s10, $0xb8;
	[tilespmem:$0xEF10] =	vst v63  }
0xce: {  	s30 =	sadd.s32 $0x600, s22;
	s29 =	rddreg [dreg:$0xf]  }
0xcf: {  	[tilespmem:s29], [sflag:$0x2] =	stream.indirect.gather [spmem:s2], $0x10, s30, s10, $0xb8;
	[tilespmem:$0xEF10] =	vst v63  }
0xd0: {  	s31 =	rddreg [dreg:$0x10];
	s25 =	sadd.s32 $0x680, s22  }
0xd1: {  	[tilespmem:s31], [sflag:$0x2] =	stream.indirect.gather [spmem:s2], $0x10, s25, s10, $0xb8;
	[tilespmem:$0xEF10] =	vst v63  }
0xd2: {  	s26 =	rddreg [dreg:$0x11];
	s28 =	sadd.s32 $0x700, s22  }
0xd3: {  	[tilespmem:s26], [sflag:$0x2] =	stream.indirect.gather [spmem:s2], $0x10, s28, s10, $0xb8;
	[tilespmem:$0xEF10] =	vst v63  }
0xd4: {  	s29 =	rddreg [dreg:$0x12];
	s30 =	sadd.s32 $0x780, s22  }
0xd5: {  	[tilespmem:s29], [sflag:$0x2] =	stream.indirect.gather [spmem:s2], $0x10, s30, s10, $0xb8;
	[tilespmem:$0xEF10] =	vst v63  }
0xd6: {  	s24 =	sadd.s32 $0x800, s22;
	s31 =	rddreg [dreg:$0x13]  }
0xd7: {  	[tilespmem:s31], [sflag:$0x2] =	stream.indirect.gather [spmem:s2], $0x10, s24, s10, $0xb8;
	[tilespmem:$0xEF10] =	vst v63  }
0xd8: {  	s26 =	rddreg [dreg:$0x14];
	s28 =	sadd.s32 $0x880, s22  }
0xd9: {  	[tilespmem:s26], [sflag:$0x2] =	stream.indirect.gather [spmem:s2], $0x10, s28, s10, $0xb8;
	[tilespmem:$0xEF10] =	vst v63  }
0xda: {  	s29 =	rddreg [dreg:$0x15];
	s30 =	sadd.s32 $0x900, s22  }
0xdb: {  	[tilespmem:s29], [sflag:$0x2] =	stream.indirect.gather [spmem:s2], $0x10, s30, s10, $0xb8;
	[tilespmem:$0xEF10] =	vst v63  }
0xdc: {  	s22 =	sadd.s32 $0x980, s22;
	s31 =	rddreg [dreg:$0x16]  }
0xdd: {  	[tilespmem:s31], [sflag:$0x2] =	stream.indirect.gather [spmem:s2], $0x10, s22, s10, $0xb8;
	[tilespmem:$0xEF10] =	vst v63  }
0xde: {  	_ =	swait.ge [sflag:s13], $0x800  }
0xdf: {  	[sflag:s13] =	ssyncset.done $0x0  }
0xe0: {  	[sflag:s13] =	ssyncadd.s32 $0xFFFFF800  }
0xe1: {  	_ =	swait.ge [sflag:s13], $0x800  }
0xe2: {  	[sflag:s13] =	ssyncset.done $0x0  }
0xe3: {  	[sflag:s13] =	ssyncadd.s32 $0xFFFFF800  }
0xe4: {  	_ =	swait.ge [sflag:s13], $0x800  }
0xe5: {  	[sflag:s13] =	ssyncset.done $0x0  }
0xe6: {  	[sflag:s13] =	ssyncadd.s32 $0xFFFFF800  }
0xe7: {  	_ =	swait.ge [sflag:s13], $0x800  }
0xe8: {  	[sflag:s13] =	ssyncset.done $0x0  }
0xe9: {  	[sflag:s13] =	ssyncadd.s32 $0xFFFFF800  }
0xea: {  	_ =	swait.ge [sflag:s13], $0x800  }
0xeb: {  	[sflag:s13] =	ssyncset.done $0x0  }
0xec: {  	[sflag:s13] =	ssyncadd.s32 $0xFFFFF800  }
0xed: {  	_ =	swait.ge [sflag:s13], $0x800  }
0xee: {  	[sflag:s13] =	ssyncset.done $0x0  }
0xef: {  	[sflag:s13] =	ssyncadd.s32 $0xFFFFF800  }
0xf0: {  	_ =	swait.ge [sflag:s13], $0x800  }
0xf1: {  	[sflag:s13] =	ssyncset.done $0x0  }
0xf2: {  	[sflag:s13] =	ssyncadd.s32 $0xFFFFF800  }
0xf3: {  	_ =	swait.ge [sflag:s13], $0x800  }
0xf4: {  	s20 =	sadd.s32 $0x2800, s20;
	[sflag:s13] =	ssyncset.done $0x0  }
0xf5: {  	p1 =	sne.s32 s20, $0xA000;
	[sflag:s13] =	ssyncadd.s32 $0xFFFFF800  }
.Ltmp0:
0xf6: {  	_ =	swait.ge [sflag:s13], $0x800;
	(pc) =	sbr.rel @p1 .LBB2_2-.Ltmp0, $4  }
0xf7: {  	[sflag:s13] =	ssyncset.done $0x0  }
0xf8: {  	[sflag:s13] =	ssyncadd.s32 $0xFFFFF800  }
0xf9: {  	s21 =	smov.u32 s17;
	s17 =	sadd.s32 $0x1400, s17;
	_ =	swait.ge [sflag:s13], $0x800  }
0xfa: {  	s18 =	sadd.s32 $0x1400, s18;
	p2 =	seq.s32 s19, $0x0;
	[sflag:s13] =	ssyncset.done $0x0  }
0xfb: {  	s20 =	simm.s32 @!p2 $0x3;
	[sflag:s13] =	ssyncadd.s32 $0xFFFFF800  }
0xfc: {  	[hbm4b:s21+s3] =	stream.linear.scatter [tilespmem:s12], [sflag:$0x4], $0x5000, $0x38;
	[tilespmem:$0xEF10] =	vst v63  }
0xfd: {  	_ =	swait.ge @!p2 [sflag:s20], $0x5000  }
0xfe: {  	[sflag:s20] =	ssyncset.done @!p2 $0x0  }
0xff: {  	s19 =	sshra.s32 s19, $0x2;
	[sflag:s20] =	ssyncadd.s32 @!p2 $0xFFFFB000  }
0x100: {  	[tilespmem:s11], [sflag:$0x1] =	stream.indirect.gather [spmem:s2], $0x10, s19, s10, $0xb8;
	[tilespmem:$0xEF10] =	vst v63  }
0x101: {  	s24 =	sadd.s32 $0x80, s19;
	s23 =	rddreg [dreg:$0x5]  }
0x102: {  	[tilespmem:s23], [sflag:$0x1] =	stream.indirect.gather [spmem:s2], $0x10, s24, s10, $0xb8;
	[tilespmem:$0xEF10] =	vst v63  }
0x103: {  	s25 =	sadd.s32 $0x100, s19;
	s22 =	rddreg [dreg:$0x6]  }
0x104: {  	[tilespmem:s22], [sflag:$0x1] =	stream.indirect.gather [spmem:s2], $0x10, s25, s10, $0xb8;
	[tilespmem:$0xEF10] =	vst v63  }
0x105: {  	s28 =	sadd.s32 $0x180, s19;
	s26 =	rddreg [dreg:$0x7]  }
0x106: {  	[tilespmem:s26], [sflag:$0x1] =	stream.indirect.gather [spmem:s2], $0x10, s28, s10, $0xb8;
	[tilespmem:$0xEF10] =	vst v63  }
0x107: {  	s30 =	sadd.s32 $0x200, s19;
	s29 =	rddreg [dreg:$0x8]  }
0x108: {  	[tilespmem:s29], [sflag:$0x1] =	stream.indirect.gather [spmem:s2], $0x10, s30, s10, $0xb8;
	[tilespmem:$0xEF10] =	vst v63  }
0x109: {  	s31 =	rddreg [dreg:$0x9];
	s22 =	sadd.s32 $0x280, s19  }
0x10a: {  	[tilespmem:s31], [sflag:$0x1] =	stream.indirect.gather [spmem:s2], $0x10, s22, s10, $0xb8;
	[tilespmem:$0xEF10] =	vst v63  }
0x10b: {  	s23 =	rddreg [dreg:$0xa];
	s24 =	sadd.s32 $0x300, s19  }
0x10c: {  	[tilespmem:s23], [sflag:$0x1] =	stream.indirect.gather [spmem:s2], $0x10, s24, s10, $0xb8;
	[tilespmem:$0xEF10] =	vst v63  }
0x10d: {  	s25 =	rddreg [dreg:$0xb];
	s26 =	sadd.s32 $0x380, s19  }
0x10e: {  	[tilespmem:s25], [sflag:$0x1] =	stream.indirect.gather [spmem:s2], $0x10, s26, s10, $0xb8;
	[tilespmem:$0xEF10] =	vst v63  }
0x10f: {  	s28 =	rddreg [dreg:$0xc];
	s29 =	sadd.s32 $0x400, s19  }
0x110: {  	[tilespmem:s28], [sflag:$0x1] =	stream.indirect.gather [spmem:s2], $0x10, s29, s10, $0xb8;
	[tilespmem:$0xEF10] =	vst v63  }
0x111: {  	s30 =	rddreg [dreg:$0xd];
	s31 =	sadd.s32 $0x480, s19  }
0x112: {  	[tilespmem:s30], [sflag:$0x1] =	stream.indirect.gather [spmem:s2], $0x10, s31, s10, $0xb8;
	[tilespmem:$0xEF10] =	vst v63  }
0x113: {  	_ =	swait.ge [sflag:s9], $0x800  }
0x114: {  	[sflag:s9] =	ssyncset.done $0x0  }
0x115: {  	[sflag:s9] =	ssyncadd.s32 $0xFFFFF800  }
0x116: {  	_ =	swait.ge [sflag:s9], $0x800  }
0x117: {  	[sflag:s9] =	ssyncset.done $0x0  }
0x118: {  	[sflag:s9] =	ssyncadd.s32 $0xFFFFF800  }
0x119: {  	_ =	swait.ge [sflag:s9], $0x800  }
0x11a: {  	[sflag:s9] =	ssyncset.done $0x0  }
0x11b: {  	[sflag:s9] =	ssyncadd.s32 $0xFFFFF800  }
0x11c: {  	_ =	swait.ge [sflag:s9], $0x800  }
0x11d: {  	[sflag:s9] =	ssyncset.done $0x0  }
0x11e: {  	[sflag:s9] =	ssyncadd.s32 $0xFFFFF800  }
0x11f: {  	_ =	swait.ge [sflag:s9], $0x800  }
0x120: {  	[sflag:s9] =	ssyncset.done $0x0  }
0x121: {  	[sflag:s9] =	ssyncadd.s32 $0xFFFFF800  }
0x122: {  	_ =	swait.ge [sflag:s9], $0x800  }
0x123: {  	[sflag:s9] =	ssyncset.done $0x0  }
0x124: {  	[sflag:s9] =	ssyncadd.s32 $0xFFFFF800  }
0x125: {  	_ =	swait.ge [sflag:s9], $0x800  }
0x126: {  	[sflag:s9] =	ssyncset.done $0x0  }
0x127: {  	[sflag:s9] =	ssyncadd.s32 $0xFFFFF800  }
0x128: {  	_ =	swait.ge [sflag:s9], $0x800  }
0x129: {  	[sflag:s9] =	ssyncset.done $0x0  }
0x12a: {  	[sflag:s9] =	ssyncadd.s32 $0xFFFFF800  }
0x12b: {  	_ =	swait.ge [sflag:s9], $0x800  }
0x12c: {  	[sflag:s9] =	ssyncset.done $0x0  }
0x12d: {  	[sflag:s9] =	ssyncadd.s32 $0xFFFFF800  }
0x12e: {  	_ =	swait.ge [sflag:s9], $0x800  }
0x12f: {  	[sflag:s9] =	ssyncset.done $0x0  }
0x130: {  	s20 =	simm.s32 @!p2 $0x4;
	[sflag:s9] =	ssyncadd.s32 $0xFFFFF800  }
0x131: {  	[hbm4b:s18+s3] =	stream.linear.scatter [tilespmem:s11], [sflag:$0x3], $0x5000, $0x38;
	[tilespmem:$0xEF10] =	vst v63  }
0x132: {  	_ =	swait.ge @!p2 [sflag:s20], $0x5000  }
0x133: {  	[sflag:s20] =	ssyncset.done @!p2 $0x0  }
0x134: {  	s21 =	sadd.s32 $0x500, s19;
	[sflag:s20] =	ssyncadd.s32 @!p2 $0xFFFFB000  }
0x135: {  	[tilespmem:s12], [sflag:$0x2] =	stream.indirect.gather [spmem:s2], $0x10, s21, s10, $0xb8;
	[tilespmem:$0xEF10] =	vst v63  }
0x136: {  	s23 =	sadd.s32 $0x580, s19;
	s22 =	rddreg [dreg:$0xe]  }
0x137: {  	[tilespmem:s22], [sflag:$0x2] =	stream.indirect.gather [spmem:s2], $0x10, s23, s10, $0xb8;
	[tilespmem:$0xEF10] =	vst v63  }
0x138: {  	s25 =	sadd.s32 $0x600, s19;
	s24 =	rddreg [dreg:$0xf]  }
0x139: {  	[tilespmem:s24], [sflag:$0x2] =	stream.indirect.gather [spmem:s2], $0x10, s25, s10, $0xb8;
	[tilespmem:$0xEF10] =	vst v63  }
0x13a: {  	s28 =	sadd.s32 $0x680, s19;
	s26 =	rddreg [dreg:$0x10]  }
0x13b: {  	[tilespmem:s26], [sflag:$0x2] =	stream.indirect.gather [spmem:s2], $0x10, s28, s10, $0xb8;
	[tilespmem:$0xEF10] =	vst v63  }
0x13c: {  	s30 =	sadd.s32 $0x700, s19;
	s29 =	rddreg [dreg:$0x11]  }
0x13d: {  	[tilespmem:s29], [sflag:$0x2] =	stream.indirect.gather [spmem:s2], $0x10, s30, s10, $0xb8;
	[tilespmem:$0xEF10] =	vst v63  }
0x13e: {  	s31 =	rddreg [dreg:$0x12];
	s22 =	sadd.s32 $0x780, s19  }
0x13f: {  	[tilespmem:s31], [sflag:$0x2] =	stream.indirect.gather [spmem:s2], $0x10, s22, s10, $0xb8;
	[tilespmem:$0xEF10] =	vst v63  }
0x140: {  	s23 =	rddreg [dreg:$0x13];
	s24 =	sadd.s32 $0x800, s19  }
0x141: {  	[tilespmem:s23], [sflag:$0x2] =	stream.indirect.gather [spmem:s2], $0x10, s24, s10, $0xb8;
	[tilespmem:$0xEF10] =	vst v63  }
0x142: {  	s25 =	rddreg [dreg:$0x14];
	s26 =	sadd.s32 $0x880, s19  }
0x143: {  	[tilespmem:s25], [sflag:$0x2] =	stream.indirect.gather [spmem:s2], $0x10, s26, s10, $0xb8;
	[tilespmem:$0xEF10] =	vst v63  }
0x144: {  	s28 =	rddreg [dreg:$0x15];
	s29 =	sadd.s32 $0x900, s19  }
0x145: {  	[tilespmem:s28], [sflag:$0x2] =	stream.indirect.gather [spmem:s2], $0x10, s29, s10, $0xb8;
	[tilespmem:$0xEF10] =	vst v63  }
0x146: {  	s30 =	rddreg [dreg:$0x16];
	s31 =	sadd.s32 $0x980, s19  }
0x147: {  	[tilespmem:s30], [sflag:$0x2] =	stream.indirect.gather [spmem:s2], $0x10, s31, s10, $0xb8;
	[tilespmem:$0xEF10] =	vst v63  }
0x148: {  	_ =	swait.ge [sflag:s13], $0x800  }
0x149: {  	[sflag:s13] =	ssyncset.done $0x0  }
0x14a: {  	[sflag:s13] =	ssyncadd.s32 $0xFFFFF800  }
0x14b: {  	_ =	swait.ge [sflag:s13], $0x800  }
0x14c: {  	[sflag:s13] =	ssyncset.done $0x0  }
0x14d: {  	[sflag:s13] =	ssyncadd.s32 $0xFFFFF800  }
0x14e: {  	_ =	swait.ge [sflag:s13], $0x800  }
0x14f: {  	[sflag:s13] =	ssyncset.done $0x0  }
0x150: {  	[sflag:s13] =	ssyncadd.s32 $0xFFFFF800  }
0x151: {  	_ =	swait.ge [sflag:s13], $0x800  }
0x152: {  	[sflag:s13] =	ssyncset.done $0x0  }
0x153: {  	[sflag:s13] =	ssyncadd.s32 $0xFFFFF800  }
0x154: {  	_ =	swait.ge [sflag:s13], $0x800  }
0x155: {  	[sflag:s13] =	ssyncset.done $0x0  }
0x156: {  	[sflag:s13] =	ssyncadd.s32 $0xFFFFF800  }
0x157: {  	_ =	swait.ge [sflag:s13], $0x800  }
0x158: {  	[sflag:s13] =	ssyncset.done $0x0  }
0x159: {  	[sflag:s13] =	ssyncadd.s32 $0xFFFFF800  }
0x15a: {  	_ =	swait.ge [sflag:s13], $0x800  }
0x15b: {  	[sflag:s13] =	ssyncset.done $0x0  }
0x15c: {  	[sflag:s13] =	ssyncadd.s32 $0xFFFFF800  }
0x15d: {  	_ =	swait.ge [sflag:s13], $0x800  }
0x15e: {  	[sflag:s13] =	ssyncset.done $0x0  }
0x15f: {  	[sflag:s13] =	ssyncadd.s32 $0xFFFFF800  }
0x160: {  	_ =	swait.ge [sflag:s13], $0x800  }
0x161: {  	[sflag:s13] =	ssyncset.done $0x0  }
0x162: {  	[sflag:s13] =	ssyncadd.s32 $0xFFFFF800  }
0x163: {  	_ =	swait.ge [sflag:s13], $0x800  }
0x164: {  	[sflag:s13] =	ssyncset.done $0x0  }
0x165: {  	s16 =	sadd.s32 $0x1, s16;
	[sflag:s13] =	ssyncadd.s32 $0xFFFFF800  }
0x166: {  	[hbm4b:s17+s3] =	stream.linear.scatter [tilespmem:s12], [sflag:$0x4], $0x5000, $0x38;
	[tilespmem:$0xEF10] =	vst v63  }
0x167: {  	p1 =	sne.s32 s16, s5;
	_ =	swait.ge [sflag:s14], $0x5000  }
.Ltmp1:
0x168: {  	[sflag:s14] =	ssyncset.done $0x0;
	(pc) =	sbr.rel @p1 .LBB2_1-.Ltmp1, $4  }
0x169: {  	[sflag:s14] =	ssyncadd.s32 $0xFFFFB000  }
0x16a: {  	_ =	swait.ge [sflag:s15], $0x5000  }
0x16b: {  	[sflag:s15] =	ssyncset.done $0x0  }
0x16c: {  	[sflag:s15] =	ssyncadd.s32 $0xFFFFB000  }
0x16d: {  	_ =	sfence.sel $0x180000  }
0x16e: {  	[bflag:$0x0] =	sbarrier.arrive $0xFFFF  }
0x16f: {  	_ =	strace $0x90000047  }
0x170: {  	s0 =	sadd.s32 @!p0 $0x100000, s0;
	[bflag:$0x2] =	sbarrier.arrive $0xFFFF  }
0x171: {  	[sflag:s0] =	ssyncadd.tile.s32 @!p0 $0x1;
	_ =	shalt  }
.Lfunc_end2:
_tile_overlayer_lowered:
.L_overlay_start_2:
0x172: {  	(tag) =	ssettag $0x2  }
0x173: {  	s0 =	rddreg [dreg:$0x0];
	s2 =	stileid.u32  }
0x174: {  	s1 =	rddreg [dreg:$0x1];
	p0 =	sne.s32 s2, $0x0  }
0x175: {  	s3 =	rddreg [dreg:$0x2];
	[bflag:$0x3] =	sbarrier.arrive $0xFFFF;
	s2 =	simm.s32 @!p0 $0x1C05  }
0x176: {  	[timem:s3], [sflag:s2] =	dma.local @!p0 [hbm:s0], s1  }
0x177: {  	s0 =	simm.s32 @!p0 $0x5  }
0x178: {  	_ =	swait.ge @!p0 [sflag:s0], s1  }
0x179: {  	s1 =	ssub.s32 @!p0 $0x0, s1;
	[sflag:s0] =	ssyncset.done @!p0 $0x0  }
0x17a: {  	[sflag:s0] =	ssyncadd.s32 @!p0 s1  }
0x17b: {  	[bflag:$0x3] =	sbarrier.arrive $0xFFFF  }
0x17c: {  	_ =	shalt  }

// kernel: kernel.14.cloned.1.call-start
scs
__scs_entry_jumppad:
0x0: {  	(pc) =	sbr.rel $0x88, $3  }
0x1: {  	(tag) =	ssettag $0x0;
	lr =	simm.s32 $0x1  }
0x2: {  	[smem:$0x3F9A] =	sst lr;
	_ =	strace $0xD0000000  }
0x3: {  	_ = 	snop  }
0x4: {  	_ = 	snop  }
0x5: {  	_ = 	snop  }
0x6: {  	_ = 	snop  }
0x7: {  	_ = 	snop  }
__scs_overlays_trampoline_lowered:
0x8: {  	[smem:$0x3FA9] =	sst s0  }
0x9: {  	[smem:$0x3FAA] =	sst s1  }
0xa: {  	[smem:$0x3FAB] =	sst s2  }
0xb: {  	[smem:$0x3FAC] =	sst s3  }
0xc: {  	[smem:$0x3FAD] =	sst s4  }
0xd: {  	[smem:$0x3FAE] =	sst s5  }
0xe: {  	[smem:$0x3FAF] =	sst s6  }
0xf: {  	[smem:$0x3FB0] =	sst s7  }
0x10: {  	[smem:$0x3FB1] =	sst s8  }
0x11: {  	[smem:$0x3FB2] =	sst s9;
	s0 =	simm.s32 @!p0 $0x0  }
0x12: {  	s1 =	sld [smem:$0x3F98];
	s0 =	simm.s32 @p0 $0x1  }
0x13: {  	[smem:$0x3FB3] =	sst s0;
	s0 =	simm.s32 @!p1 $0x0  }
0x14: {  	s2 =	sld [smem:$0x3F97];
	s0 =	simm.s32 @p1 $0x1  }
0x15: {  	[smem:$0x3FB4] =	sst s0;
	s0 =	simm.s32 @!p2 $0x0  }
0x16: {  	s3 =	sld [smem:$0x3FDB];
	s0 =	simm.s32 @p2 $0x1  }
0x17: {  	s4 =	simm.s32 $0x1BF5;
	[smem:$0x3FB6] =	sst s0  }
0x18: {  	s0 =	sld [smem:$0x3F99];
	_ =	swait.ge [sflag:s4], $0x0  }
0x19: {  	s7 =	sld [smem:$0x3F9A]  }
0x1a: {  	s8 =	sadd.s32 $0xFFFFE003, lr  }
0x1b: {  	s9 =	sadd.s32 $0xFFFFFEF7, lr;
	s5 =	simm.s32 $0xFFFFFFFF;
	p2 =	slt.u32 s8, $0xFFFFF086  }
0x1c: {  	p1 =	slt.u32 s9, $0xF7A;
	s5 =	simm.s32 @!p2 $0x0  }
0x1d: {  	s5 =	simm.s32 @p1 $0x1;
	p0 =	seq.s32 s7, s2  }
0x1e: {  	s7 =	smul.u32 @!p0 $0xF7A, s2;
	p2 =	seq.s32 @!p0 s5, $0x0  }
0x1f: {  	s9 =	smul.u32 $0xF7A, s1;
	s8 =	simm.s32 @!p0 $0x1BF5;
	p2 =	por !p2, p0  }
0x20: {  	[sflag:s8] =	ssyncset.s32 @!p0 $0xFFFFF086;
	s6 =	sadd.s32 @!p0 s3, s7;
	s7 =	simm.s32 @!p0 $0x108  }
0x21: {  	s3 =	sadd.s32 s3, s9;
	s6 =	sadd.s32 @!p0 $0x88, s6;
	s7 =	simm.s32 @p2 $0x1082  }
0x22: {  	[simem:s7], [sflag:s8] =	dma.local @!p0 [hbm:s6], $0xF7A  }
0x23: {  	s9 =	sor.u32 $0xD0000000, s2;
	s6 =	simm.s32 $0x108;
	_ =	swait.ge @!p0 [sflag:s8], $0x0  }
0x24: {  	s3 =	sadd.s32 $0x88, s3;
	s6 =	simm.s32 @!p1 $0x1082;
	[sflag:s4] =	ssyncset.s32 $0xFFFFF086  }
0x25: {  	[simem:s6], [sflag:s4] =	dma.local [hbm:s3], $0xF7A  }
0x26: {  	[smem:$0x3F9A] =	sst s1;
	(tag) =	ssettag s2;
	_ =	strace s9  }
0x27: {  	s1 =	sld [smem:$0x3FAA]  }
0x28: {  	s2 =	sld [smem:$0x3FAB]  }
0x29: {  	s4 =	sld [smem:$0x3FAD]  }
0x2a: {  	p0 =	seq.s32 s5, $0x0;
	s5 =	sld [smem:$0x3FAE]  }
0x2b: {  	s6 =	sld [smem:$0x3FAF]  }
0x2c: {  	s7 =	sld [smem:$0x3FB0]  }
0x2d: {  	s3 =	simm.s32 $0x108;
	s8 =	sld [smem:$0x3FB1]  }
0x2e: {  	s3 =	simm.s32 @!p0 $0x1082;
	s9 =	sld [smem:$0x3FB2]  }
0x2f: {  	lr =	sadd.s32 s0, s3;
	s0 =	sld [smem:$0x3FA9]  }
0x30: {  	s3 =	sld [smem:$0x3FAC]  }
0x31: {  	[smem:$0x3FB5] =	sst s10  }
0x32: {  	s10 =	sld [smem:$0x3FB3];
	_ =	sdelay $0x3  }
0x33: {  	p0 =	seq.s32 s10, $0x1;
	s10 =	sld [smem:$0x3FB5];
	_ =	sdelay $0x3  }
0x34: {  	[smem:$0x3FB5] =	sst s10  }
0x35: {  	s10 =	sld [smem:$0x3FB4];
	_ =	sdelay $0x3  }
0x36: {  	p1 =	seq.s32 s10, $0x1;
	s10 =	sld [smem:$0x3FB5];
	_ =	sdelay $0x3  }
0x37: {  	[smem:$0x3FB5] =	sst s10  }
0x38: {  	s10 =	sld [smem:$0x3FB6]  }
0x39: {  	_ = 	snop;
	(pc) =	sbr.ind lr, $3  }
0x3a: {  	_ = 	snop  }
0x3b: {  	_ = 	snop  }
0x3c: {  	p2 =	seq.s32 s10, $0x1;
	s10 =	sld [smem:$0x3FB5]  }
0x3d: {  	_ =	shalt  }
0x3e: {  	_ =	shalt  }
0x3f: {  	_ =	shalt  }
0x40: {  	_ =	shalt  }
0x41: {  	_ =	shalt  }
0x42: {  	_ =	shalt  }
0x43: {  	_ =	shalt  }
0x44: {  	_ =	shalt  }
0x45: {  	_ =	shalt  }
0x46: {  	_ =	shalt  }
0x47: {  	_ =	shalt  }
0x48: {  	_ =	shalt  }
0x49: {  	_ =	shalt  }
0x4a: {  	_ =	shalt  }
0x4b: {  	_ =	shalt  }
0x4c: {  	_ =	shalt  }
0x4d: {  	_ =	shalt  }
0x4e: {  	_ =	shalt  }
0x4f: {  	_ =	shalt  }
0x50: {  	_ =	shalt  }
0x51: {  	_ =	shalt  }
0x52: {  	_ =	shalt  }
0x53: {  	_ =	shalt  }
0x54: {  	_ =	shalt  }
0x55: {  	_ =	shalt  }
0x56: {  	_ =	shalt  }
0x57: {  	_ =	shalt  }
0x58: {  	_ =	shalt  }
0x59: {  	_ =	shalt  }
0x5a: {  	_ =	shalt  }
0x5b: {  	_ =	shalt  }
0x5c: {  	_ =	shalt  }
0x5d: {  	_ =	shalt  }
0x5e: {  	_ =	shalt  }
0x5f: {  	_ =	shalt  }
0x60: {  	_ =	shalt  }
0x61: {  	_ =	shalt  }
0x62: {  	_ =	shalt  }
0x63: {  	_ =	shalt  }
0x64: {  	_ =	shalt  }
0x65: {  	_ =	shalt  }
0x66: {  	_ =	shalt  }
0x67: {  	_ =	shalt  }
0x68: {  	_ =	shalt  }
0x69: {  	_ =	shalt  }
0x6a: {  	_ =	shalt  }
0x6b: {  	_ =	shalt  }
0x6c: {  	_ =	shalt  }
0x6d: {  	_ =	shalt  }
0x6e: {  	_ =	shalt  }
0x6f: {  	_ =	shalt  }
0x70: {  	_ =	shalt  }
0x71: {  	_ =	shalt  }
0x72: {  	_ =	shalt  }
0x73: {  	_ =	shalt  }
0x74: {  	_ =	shalt  }
0x75: {  	_ =	shalt  }
0x76: {  	_ =	shalt  }
0x77: {  	_ =	shalt  }
0x78: {  	_ =	shalt  }
0x79: {  	_ =	shalt  }
0x7a: {  	_ =	shalt  }
0x7b: {  	_ =	shalt  }
0x7c: {  	_ =	shalt  }
0x7d: {  	_ =	shalt  }
0x7e: {  	_ =	shalt  }
0x7f: {  	_ =	shalt  }
0x80: {  	_ =	shalt  }
0x81: {  	_ =	shalt  }
0x82: {  	_ =	shalt  }
0x83: {  	_ =	shalt  }
0x84: {  	_ =	shalt  }
0x85: {  	_ =	shalt  }
0x86: {  	_ =	shalt  }
0x87: {  	_ =	shalt  }
.Lfunc_end0:
.L_simem_size_0:
called_computation.1_lowered:
.L_overlay_start_0:
0x88: {  	s2 =	sld [smem:$0x3FD9]  }
0x89: {  	s3 =	sld [smem:$0x3FFE];
	_ =	sdelay $0x1  }
0x8a: {  	s1 =	srdreg.scid  }
0x8b: {  	s0 =	sand.u32 $0x1, s1  }
0x8c: {  	s16 =	sshll.u32 s0, $0xA;
	s2 =	sadd.s32 s3, s2  }
0x8d: {  	s2 =	sadd.s32 s2, s16  }
0x8e: {  	[smem:$0x3FC1] =	sst s2  }
0x8f: {  	_ = 	snop  }
0x90: {  	(tm) =	ssettm $0x1  }
0x91: {  	s17 =	sld [smem:$0x3FFB];
	_ =	sdelay $0x3  }
0x92: {  	_ =	strace s17  }
0x93: {  	s2 =	sld [smem:$0x3FFC];
	_ =	sdelay $0x3  }
0x94: {  	_ =	strace s2  }
0x95: {  	s2 =	sld [smem:$0x3FFD];
	_ =	sdelay $0x3  }
0x96: {  	_ =	strace s2  }
0x97: {  	_ =	strace $0x8FFFFFFF  }
0x98: {  	s18 =	sld [smem:$0x3FDB];
	_ =	sdelay $0x1  }
0x99: {  	s19 =	simm.s32 $_scs_section_size  }
0x9a: {  	s4 =	simm.s32 $_size__tile_overlayer_lowered;
	s5 =	simm.s32 $_tile_overlayer_lowered  }
0x9b: {  	s22 =	simm.s32 $0x1BFF;
	s21 =	sshll.u32 s5, $0x1;
	s2 =	sadd.s32 s19, s18  }
0x9c: {  	s6 =	simm.s32 $0x0;
	s20 =	sshll.u32 s4, $0x1;
	s4 =	sadd.s32 s21, s2  }
0x9d: {  	[timem:s6], [sflag:s22] =	dma.local [hbm:s4], s20  }
0x9e: {  	_ =	swait.ge [sflag:s22], s20  }
0x9f: {  	s3 =	ssub.s32 $0x0, s20;
	[sflag:s22] =	ssyncset.done $0x0  }
0xa0: {  	[sflag:s22] =	ssyncadd.s32 s3;
	_ =	sdelay $0x1  }
0xa1: {  	s23 =	simm.s32 $0x1B8B  }
0xa2: {  	_ =	swait.ge [sflag:s23], $0x1  }
0xa3: {  	[sflag:s23] =	ssyncset.done $0x0  }
0xa4: {  	s25 =	simm.s32 $0x1B8E;
	s24 =	sld [smem:$0x3FFE];
	[sflag:s23] =	ssyncadd.s32 $0xFFFFFFFF  }
0xa5: {  	s26 =	simm.s32 $execute0_lowered;
	[smem:$0x3FD2] =	sst s25  }
0xa6: {  	s4 =	sshll.u32 s26, $0x1;
	_ =	strace $0x80000049;
	[dreg:$0x1] =	wrdreg $0xFFFFFFFF  }
0xa7: {  	s28 =	simm.s32 $_size_execute0_lowered;
	s2 =	sadd.s32 s2, s4;
	[dreg:$0x0] =	wrdreg $0x0  }
0xa8: {  	s4 =	sshll.u32 s28, $0x1;
	[dreg:$0x2] =	wrdreg s2  }
0xa9: {  	[dreg:$0x3] =	wrdreg s4  }
0xaa: {  	[dreg:$0x4] =	wrdreg $0xC0  }
0xab: {  	_ =	task [dreg:s6], $0x5FFFF  }
0xac: {  	[dreg:$0x1] =	wrdreg $0xFFFFFFFF  }
0xad: {  	[dreg:$0x0] =	wrdreg $0x60  }
0xae: {  	[dreg:$0x2] =	wrdreg s24  }
0xaf: {  	[dreg:$0x3] =	wrdreg $0xEF800  }
0xb0: {  	[dreg:$0x4] =	wrdreg $0x9  }
0xb1: {  	_ =	task.clear_ibuf [dreg:s6], $0x5FFFF;
	_ =	strace $0x90000049  }
0xb2: {  	s29 =	simm.s32 $0x9;
	_ =	strace $0x8000004B  }
0xb3: {  	_ =	swait.ge [sflag:s29], $0x1  }
0xb4: {  	[sflag:s29] =	ssyncadd.s32 $0xFFFFFFFF  }
0xb5: {  	_ =	strace $0x9000004B  }
0xb6: {  	_ =	sfence  }
0xb7: {  	s30 =	sld [smem:$0x0];
	_ =	sdelay $0x2  }
0xb8: {  	s31 =	sshll.u32 s1, $0xD;
	s1 =	sshrl.u32 s1, $0x2  }
0xb9: {  	s3 =	sand.u32 $0x4000, s31;
	s1 =	sadd.s32 s1, s30  }
0xba: {  	s0 =	sor.u32 s3, s0;
	s1 =	sshll.u32 s1, $0x11  }
0xbb: {  	s0 =	sor.u32 s1, s0  }
0xbc: {  	s0 =	sadd.s32 $0x8F2B, s0  }
0xbd: {  	[sflag:s0] =	ssyncadd.remote.s32 $0x1  }
0xbe: {  	_ =	sfence.sel $0xFFFF  }
0xbf: {  	[dreg:$0x0] =	wrdreg $0xFFFFFFFF;
	(pc) =	sbr.abs _section_cstart, $3  }
0xc0: {  	[dreg:$0x1] =	wrdreg $0xFFFFFFFF  }
0xc1: {  	_ =	task.clear_ibuf [dreg:s6], $0x2FFFF;
	_ =	strace $0x9FFFFFFF  }
0xc2: {  	(tm) =	ssettm $0x7FFFFFFF  }
0xc3: {  	_ =	shalt  }
tec
execute0_lowered:
.L_overlay_start_1:
0x0: {  	(tag) =	ssettag $0x1  }
0x1: {  	s4 =	rddreg [dreg:$0x0]  }
0x2: {  	s2 =	rddreg [dreg:$0x1]  }
0x3: {  	s0 =	rddreg [dreg:$0x2];
	s3 =	simm.s32 $0x0  }
0x4: {  	s17 =	simm.s32 $0x3000;
	[smem:$0x7FF] =	sst s3  }
0x5: {  	s18 =	simm.s32 $0x3800;
	_ =	strace $0x8000004A;
	[dreg:$0x3] =	wrdreg s17  }
0x6: {  	s5 =	srdreg.scid;
	s19 =	simm.s32 $0x4000;
	[dreg:$0x4] =	wrdreg s18  }
0x7: {  	s1 =	stileid.u32;
	s21 =	simm.s32 $0x4800;
	[dreg:$0x5] =	wrdreg s19  }
0x8: {  	s23 =	simm.s32 $0x5000;
	s24 =	simm.s32 $0x5800;
	[dreg:$0x6] =	wrdreg s21  }
0x9: {  	s25 =	simm.s32 $0x6000;
	s26 =	simm.s32 $0x6800;
	[dreg:$0x7] =	wrdreg s23  }
0xa: {  	s28 =	simm.s32 $0x7000;
	s29 =	simm.s32 $0x8000;
	[dreg:$0x8] =	wrdreg s24  }
0xb: {  	s30 =	simm.s32 $0x8800;
	s31 =	simm.s32 $0x9000;
	[dreg:$0x9] =	wrdreg s25  }
0xc: {  	s8 =	sand.u32 $0x1, s5;
	s6 =	smul.u32 $0x4F0, s1;
	[dreg:$0xa] =	wrdreg s26  }
0xd: {  	s12 =	sshll.u32 s1, $0x1;
	s11 =	smul.u32 $0x9E00, s1;
	[dreg:$0xb] =	wrdreg s28  }
0xe: {  	s9 =	sadd.s32 $0xAD800, s4;
	s20 =	smul.u32 $0x5000, s1;
	[dreg:$0xc] =	wrdreg s29  }
0xf: {  	s5 =	sor.u32 s8, s12;
	s7 =	smul.u32 $0x4F00, s8;
	[dreg:$0xd] =	wrdreg s30  }
0x10: {  	s13 =	ssub.s32 $0x2, s8;
	s22 =	smul.u32 $0x2800, s8;
	[dreg:$0xe] =	wrdreg s31  }
0x11: {  	s17 =	simm.s32 $0xB000;
	s18 =	simm.s32 $0xB800;
	s19 =	simm.s32 $0xC000  }
0x12: {  	s10 =	smul.u32 $0x500, s5;
	s14 =	sshrl.u32 s13, $0x1;
	[dreg:$0x12] =	wrdreg s17  }
0x13: {  	s15 =	sshrl.u32 s11, $0x2;
	s16 =	smul.u32 $0x5000, s5;
	[dreg:$0x13] =	wrdreg s18  }
0x14: {  	s17 =	simm.s32 $0x80;
	s18 =	simm.s32 $0x2;
	[dreg:$0x14] =	wrdreg s19  }
0x15: {  	s19 =	simm.s32 $0x0;
	s6 =	sadd.s32 s6, s7;
	s13 =	ssub.s32 s13, s14  }
0x16: {  	s5 =	sadd.s32 s15, s2;
	s11 =	sadd.s32 s22, s20;
	s14 =	simm.s32 $0x9800  }
0x17: {  	s15 =	simm.s32 $0xA000;
	s10 =	sadd.s32 s10, s4;
	s12 =	sadd.s32 s6, s4  }
0x18: {  	s6 =	sadd.s32 s9, s16;
	s8 =	smax.u32 s13, $0x1;
	s11 =	sshll.u32 s11, $0x1  }
0x19: {  	s13 =	simm.s32 $0x3;
	[dreg:$0xf] =	wrdreg s14;
	s14 =	simm.s32 $0x2800  }
0x1a: {  	[dreg:$0x10] =	wrdreg s15;
	s16 =	simm.s32 $0xA800;
	s15 =	simm.s32 $0x1  }
0x1b: {  	s4 =	sadd.s32 $0xA3800, s10;
	s7 =	sadd.s32 $0x3800, s12;
	s11 =	sadd.s32 s11, s9  }
0x1c: {  	s12 =	simm.s32 $0x4;
	[dreg:$0x11] =	wrdreg s16;
	s16 =	simm.s32 $0x7800  }
0x1d: {  	v0 =	vimm.f32 $0.0e+00;
	s9 =	sadd.s32 $0x1400, s11;
	s10 =	sadd.s32 $0xA00, s11;
	s11 =	simm.s32 $0xC800  }
.LBB2_1:
0x1e: {  	[tilespmem:s3], [sflag:$0x3] =	stream.linear.gather [hbm4b:s4+s3], $0x2800, $0x38;
	[tilespmem:$0x11700] =	vst v63  }
0x1f: {  	s20 =	simm.s32 $0x40;
	s21 =	simm.s32 $0x0  }
.LBB2_2:
0x20: {  	p0 =	sne.s32 s20, $0x9DC0;
	[tilespmem:s21+$0xC800] =	vst v0;
	s21 =	smov.u32 s20;
	s20 =	sadd.s32 $0x40, s20  }
.Ltmp0:
0x21: {  	(pc) =	sbr.rel @p0 .LBB2_2-.Ltmp0, $2  }
0x22: {  	_ =	sdelay $0x2  }
0x23: {  	s21 =	sshra.s32 s21, $0x2  }
0x24: {  	[tilespmem:s21+$0xC800] =	vst v0  }
0x25: {  	[spmem:s5] =	stream.linear.scatter [tilespmem:s11], [sflag:$0x4], $0x2780, $0x38;
	[tilespmem:$0x11700] =	vst v63  }
0x26: {  	_ =	swait.ge [sflag:s12], $0x2780  }
0x27: {  	[sflag:s12] =	ssyncset.done $0x0  }
0x28: {  	[sflag:s12] =	ssyncadd.s32 $0xFFFFD880  }
0x29: {  	_ =	swait.ge [sflag:s13], $0x2800  }
0x2a: {  	[sflag:s13] =	ssyncset.done $0x0  }
0x2b: {  	[sflag:s13] =	ssyncadd.s32 $0xFFFFD800  }
0x2c: {  	s20 =	simm.s32 $0x0;
	[bflag:$0x0] =	sbarrier.arrive $0xFFFF  }
0x2d: {  	[tilespmem:s14], [sflag:$0x1] =	stream.linear.gather [hbm4b:s6+s20], $0x5000, $0x38;
	[tilespmem:$0x11700] =	vst v63  }
0x2e: {  	_ =	swait.ge [sflag:s15], $0x5000  }
0x2f: {  	[sflag:s15] =	ssyncset.done $0x0  }
0x30: {  	[sflag:s15] =	ssyncadd.s32 $0xFFFFB000  }
0x31: {  	[tilespmem:s16], [sflag:$0x2] =	stream.linear.gather [hbm4b:s10+s3], $0x5000, $0x38;
	[tilespmem:$0x11700] =	vst v63  }
0x32: {  	s22 =	simm.s32 $0x0  }
0x33: {  	[spmem:s2] =	stream.indirect.scatter.add.f32 [tilespmem:s14], [sflag:$0x3], $0x10, s22, s17, $0xb8;
	[tilespmem:$0x11700] =	vst v63  }
0x34: {  	s24 =	simm.s32 $0x80;
	s23 =	rddreg [dreg:$0x3]  }
0x35: {  	[spmem:s2] =	stream.indirect.scatter.add.f32 [tilespmem:s23], [sflag:$0x3], $0x10, s24, s17, $0xb8;
	[tilespmem:$0x11700] =	vst v63  }
0x36: {  	s25 =	simm.s32 $0x100;
	s22 =	rddreg [dreg:$0x4]  }
0x37: {  	[spmem:s2] =	stream.indirect.scatter.add.f32 [tilespmem:s22], [sflag:$0x3], $0x10, s25, s17, $0xb8;
	[tilespmem:$0x11700] =	vst v63  }
0x38: {  	s28 =	simm.s32 $0x180;
	s26 =	rddreg [dreg:$0x5]  }
0x39: {  	[spmem:s2] =	stream.indirect.scatter.add.f32 [tilespmem:s26], [sflag:$0x3], $0x10, s28, s17, $0xb8;
	[tilespmem:$0x11700] =	vst v63  }
0x3a: {  	s30 =	simm.s32 $0x200;
	s29 =	rddreg [dreg:$0x6]  }
0x3b: {  	[spmem:s2] =	stream.indirect.scatter.add.f32 [tilespmem:s29], [sflag:$0x3], $0x10, s30, s17, $0xb8;
	[tilespmem:$0x11700] =	vst v63  }
0x3c: {  	s31 =	rddreg [dreg:$0x7];
	s22 =	simm.s32 $0x280  }
0x3d: {  	[spmem:s2] =	stream.indirect.scatter.add.f32 [tilespmem:s31], [sflag:$0x3], $0x10, s22, s17, $0xb8;
	[tilespmem:$0x11700] =	vst v63  }
0x3e: {  	s23 =	rddreg [dreg:$0x8];
	s24 =	simm.s32 $0x300  }
0x3f: {  	[spmem:s2] =	stream.indirect.scatter.add.f32 [tilespmem:s23], [sflag:$0x3], $0x10, s24, s17, $0xb8;
	[tilespmem:$0x11700] =	vst v63  }
0x40: {  	s25 =	rddreg [dreg:$0x9];
	s26 =	simm.s32 $0x380  }
0x41: {  	[spmem:s2] =	stream.indirect.scatter.add.f32 [tilespmem:s25], [sflag:$0x3], $0x10, s26, s17, $0xb8;
	[tilespmem:$0x11700] =	vst v63  }
0x42: {  	s28 =	rddreg [dreg:$0xa];
	s29 =	simm.s32 $0x400  }
0x43: {  	[spmem:s2] =	stream.indirect.scatter.add.f32 [tilespmem:s28], [sflag:$0x3], $0x10, s29, s17, $0xb8;
	[tilespmem:$0x11700] =	vst v63  }
0x44: {  	s30 =	rddreg [dreg:$0xb];
	s31 =	simm.s32 $0x480  }
0x45: {  	[spmem:s2] =	stream.indirect.scatter.add.f32 [tilespmem:s30], [sflag:$0x3], $0x10, s31, s17, $0xb8;
	[tilespmem:$0x11700] =	vst v63  }
0x46: {  	_ =	swait.ge [sflag:s18], $0x5000  }
0x47: {  	[sflag:s18] =	ssyncset.done $0x0  }
0x48: {  	[sflag:s18] =	ssyncadd.s32 $0xFFFFB000  }
0x49: {  	_ =	swait.ge [sflag:s13], $0x800  }
0x4a: {  	[sflag:s13] =	ssyncset.done $0x0  }
0x4b: {  	[sflag:s13] =	ssyncadd.s32 $0xFFFFF800  }
0x4c: {  	_ =	swait.ge [sflag:s13], $0x800  }
0x4d: {  	[sflag:s13] =	ssyncset.done $0x0  }
0x4e: {  	[sflag:s13] =	ssyncadd.s32 $0xFFFFF800  }
0x4f: {  	_ =	swait.ge [sflag:s13], $0x800  }
0x50: {  	[sflag:s13] =	ssyncset.done $0x0  }
0x51: {  	[sflag:s13] =	ssyncadd.s32 $0xFFFFF800  }
0x52: {  	_ =	swait.ge [sflag:s13], $0x800  }
0x53: {  	[sflag:s13] =	ssyncset.done $0x0  }
0x54: {  	[sflag:s13] =	ssyncadd.s32 $0xFFFFF800  }
0x55: {  	_ =	swait.ge [sflag:s13], $0x800  }
0x56: {  	[sflag:s13] =	ssyncset.done $0x0  }
0x57: {  	[sflag:s13] =	ssyncadd.s32 $0xFFFFF800  }
0x58: {  	_ =	swait.ge [sflag:s13], $0x800  }
0x59: {  	[sflag:s13] =	ssyncset.done $0x0  }
0x5a: {  	[sflag:s13] =	ssyncadd.s32 $0xFFFFF800  }
0x5b: {  	_ =	swait.ge [sflag:s13], $0x800  }
0x5c: {  	[sflag:s13] =	ssyncset.done $0x0  }
0x5d: {  	[sflag:s13] =	ssyncadd.s32 $0xFFFFF800  }
0x5e: {  	_ =	swait.ge [sflag:s13], $0x800  }
0x5f: {  	[sflag:s13] =	ssyncset.done $0x0  }
0x60: {  	[sflag:s13] =	ssyncadd.s32 $0xFFFFF800  }
0x61: {  	_ =	swait.ge [sflag:s13], $0x800  }
0x62: {  	[sflag:s13] =	ssyncset.done $0x0  }
0x63: {  	[sflag:s13] =	ssyncadd.s32 $0xFFFFF800  }
0x64: {  	_ =	swait.ge [sflag:s13], $0x800  }
0x65: {  	p0 =	por $0x0, $0x0;
	[sflag:s13] =	ssyncset.done $0x0  }
0x66: {  	s21 =	simm.s32 @!p0 $0x2800;
	s20 =	simm.s32 @!p0 $0x0;
	[sflag:s13] =	ssyncadd.s32 $0xFFFFF800  }
0x67: {  	[tilespmem:s21], [sflag:$0x1] =	stream.linear.gather @!p0 [hbm4b:s9+s20], $0x5000, $0x38;
	[tilespmem:$0x11700] =	vst v63  }
0x68: {  	s21 =	simm.s32 $0x500  }
0x69: {  	[spmem:s2] =	stream.indirect.scatter.add.f32 [tilespmem:s16], [sflag:$0x3], $0x10, s21, s17, $0xb8;
	[tilespmem:$0x11700] =	vst v63  }
0x6a: {  	s23 =	simm.s32 $0x580;
	s22 =	rddreg [dreg:$0xc]  }
0x6b: {  	[spmem:s2] =	stream.indirect.scatter.add.f32 [tilespmem:s22], [sflag:$0x3], $0x10, s23, s17, $0xb8;
	[tilespmem:$0x11700] =	vst v63  }
0x6c: {  	s25 =	simm.s32 $0x600;
	s24 =	rddreg [dreg:$0xd]  }
0x6d: {  	[spmem:s2] =	stream.indirect.scatter.add.f32 [tilespmem:s24], [sflag:$0x3], $0x10, s25, s17, $0xb8;
	[tilespmem:$0x11700] =	vst v63  }
0x6e: {  	s28 =	simm.s32 $0x680;
	s26 =	rddreg [dreg:$0xe]  }
0x6f: {  	[spmem:s2] =	stream.indirect.scatter.add.f32 [tilespmem:s26], [sflag:$0x3], $0x10, s28, s17, $0xb8;
	[tilespmem:$0x11700] =	vst v63  }
0x70: {  	s30 =	simm.s32 $0x700;
	s29 =	rddreg [dreg:$0xf]  }
0x71: {  	[spmem:s2] =	stream.indirect.scatter.add.f32 [tilespmem:s29], [sflag:$0x3], $0x10, s30, s17, $0xb8;
	[tilespmem:$0x11700] =	vst v63  }
0x72: {  	s31 =	rddreg [dreg:$0x10];
	s22 =	simm.s32 $0x780  }
0x73: {  	[spmem:s2] =	stream.indirect.scatter.add.f32 [tilespmem:s31], [sflag:$0x3], $0x10, s22, s17, $0xb8;
	[tilespmem:$0x11700] =	vst v63  }
0x74: {  	s23 =	rddreg [dreg:$0x11];
	s24 =	simm.s32 $0x800  }
0x75: {  	[spmem:s2] =	stream.indirect.scatter.add.f32 [tilespmem:s23], [sflag:$0x3], $0x10, s24, s17, $0xb8;
	[tilespmem:$0x11700] =	vst v63  }
0x76: {  	s25 =	rddreg [dreg:$0x12];
	s26 =	simm.s32 $0x880  }
0x77: {  	[spmem:s2] =	stream.indirect.scatter.add.f32 [tilespmem:s25], [sflag:$0x3], $0x10, s26, s17, $0xb8;
	[tilespmem:$0x11700] =	vst v63  }
0x78: {  	s28 =	rddreg [dreg:$0x13];
	s29 =	simm.s32 $0x900  }
0x79: {  	[spmem:s2] =	stream.indirect.scatter.add.f32 [tilespmem:s28], [sflag:$0x3], $0x10, s29, s17, $0xb8;
	[tilespmem:$0x11700] =	vst v63  }
0x7a: {  	s30 =	rddreg [dreg:$0x14];
	s31 =	simm.s32 $0x980  }
0x7b: {  	[spmem:s2] =	stream.indirect.scatter.add.f32 [tilespmem:s30], [sflag:$0x3], $0x10, s31, s17, $0xb8;
	[tilespmem:$0x11700] =	vst v63  }
0x7c: {  	_ =	swait.ge [sflag:s13], $0x800  }
0x7d: {  	[sflag:s13] =	ssyncset.done $0x0  }
0x7e: {  	[sflag:s13] =	ssyncadd.s32 $0xFFFFF800  }
0x7f: {  	_ =	swait.ge [sflag:s13], $0x800  }
0x80: {  	[sflag:s13] =	ssyncset.done $0x0  }
0x81: {  	[sflag:s13] =	ssyncadd.s32 $0xFFFFF800  }
0x82: {  	_ =	swait.ge [sflag:s13], $0x800  }
0x83: {  	[sflag:s13] =	ssyncset.done $0x0  }
0x84: {  	[sflag:s13] =	ssyncadd.s32 $0xFFFFF800  }
0x85: {  	_ =	swait.ge [sflag:s13], $0x800  }
0x86: {  	[sflag:s13] =	ssyncset.done $0x0  }
0x87: {  	[sflag:s13] =	ssyncadd.s32 $0xFFFFF800  }
0x88: {  	_ =	swait.ge [sflag:s13], $0x800  }
0x89: {  	[sflag:s13] =	ssyncset.done $0x0  }
0x8a: {  	[sflag:s13] =	ssyncadd.s32 $0xFFFFF800  }
0x8b: {  	_ =	swait.ge [sflag:s13], $0x800  }
0x8c: {  	[sflag:s13] =	ssyncset.done $0x0  }
0x8d: {  	[sflag:s13] =	ssyncadd.s32 $0xFFFFF800  }
0x8e: {  	_ =	swait.ge [sflag:s13], $0x800  }
0x8f: {  	[sflag:s13] =	ssyncset.done $0x0  }
0x90: {  	[sflag:s13] =	ssyncadd.s32 $0xFFFFF800  }
0x91: {  	_ =	swait.ge [sflag:s13], $0x800  }
0x92: {  	[sflag:s13] =	ssyncset.done $0x0  }
0x93: {  	[sflag:s13] =	ssyncadd.s32 $0xFFFFF800  }
0x94: {  	_ =	swait.ge [sflag:s13], $0x800  }
0x95: {  	[sflag:s13] =	ssyncset.done $0x0  }
0x96: {  	[sflag:s13] =	ssyncadd.s32 $0xFFFFF800  }
0x97: {  	s20 =	simm.s32 $0x2800;
	_ =	swait.ge [sflag:s13], $0x800  }
0x98: {  	s21 =	sadd.s32 $0x1400, s10;
	s22 =	smov.u32 s9;
	[sflag:s13] =	ssyncset.done $0x0  }
.LBB2_4:
0x99: {  	[sflag:s13] =	ssyncadd.s32 $0xFFFFF800  }
0x9a: {  	_ =	swait.ge [sflag:s15], $0x5000  }
0x9b: {  	[sflag:s15] =	ssyncset.done $0x0  }
0x9c: {  	s24 =	smov.u32 s20;
	[sflag:s15] =	ssyncadd.s32 $0xFFFFB000  }
0x9d: {  	[tilespmem:s16], [sflag:$0x2] =	stream.linear.gather [hbm4b:s21+s3], $0x5000, $0x38;
	[tilespmem:$0x11700] =	vst v63  }
0x9e: {  	s23 =	sshra.s32 s24, $0x2  }
0x9f: {  	[spmem:s2] =	stream.indirect.scatter.add.f32 [tilespmem:s14], [sflag:$0x3], $0x10, s23, s17, $0xb8;
	[tilespmem:$0x11700] =	vst v63  }
0xa0: {  	s25 =	rddreg [dreg:$0x3];
	s26 =	sadd.s32 $0x80, s23  }
0xa1: {  	[spmem:s2] =	stream.indirect.scatter.add.f32 [tilespmem:s25], [sflag:$0x3], $0x10, s26, s17, $0xb8;
	[tilespmem:$0x11700] =	vst v63  }
0xa2: {  	s28 =	rddreg [dreg:$0x4];
	s26 =	sadd.s32 $0x100, s23  }
0xa3: {  	[spmem:s2] =	stream.indirect.scatter.add.f32 [tilespmem:s28], [sflag:$0x3], $0x10, s26, s17, $0xb8;
	[tilespmem:$0x11700] =	vst v63  }
0xa4: {  	s29 =	rddreg [dreg:$0x5];
	s30 =	sadd.s32 $0x180, s23  }
0xa5: {  	[spmem:s2] =	stream.indirect.scatter.add.f32 [tilespmem:s29], [sflag:$0x3], $0x10, s30, s17, $0xb8;
	[tilespmem:$0x11700] =	vst v63  }
0xa6: {  	s31 =	rddreg [dreg:$0x6];
	s26 =	sadd.s32 $0x200, s23  }
0xa7: {  	[spmem:s2] =	stream.indirect.scatter.add.f32 [tilespmem:s31], [sflag:$0x3], $0x10, s26, s17, $0xb8;
	[tilespmem:$0x11700] =	vst v63  }
0xa8: {  	s29 =	rddreg [dreg:$0x7];
	s30 =	sadd.s32 $0x280, s23  }
0xa9: {  	[spmem:s2] =	stream.indirect.scatter.add.f32 [tilespmem:s29], [sflag:$0x3], $0x10, s30, s17, $0xb8;
	[tilespmem:$0x11700] =	vst v63  }
0xaa: {  	s31 =	rddreg [dreg:$0x8];
	s26 =	sadd.s32 $0x300, s23  }
0xab: {  	[spmem:s2] =	stream.indirect.scatter.add.f32 [tilespmem:s31], [sflag:$0x3], $0x10, s26, s17, $0xb8;
	[tilespmem:$0x11700] =	vst v63  }
0xac: {  	s29 =	rddreg [dreg:$0x9];
	s30 =	sadd.s32 $0x380, s23  }
0xad: {  	[spmem:s2] =	stream.indirect.scatter.add.f32 [tilespmem:s29], [sflag:$0x3], $0x10, s30, s17, $0xb8;
	[tilespmem:$0x11700] =	vst v63  }
0xae: {  	s31 =	rddreg [dreg:$0xa];
	s29 =	sadd.s32 $0x400, s23  }
0xaf: {  	[spmem:s2] =	stream.indirect.scatter.add.f32 [tilespmem:s31], [sflag:$0x3], $0x10, s29, s17, $0xb8;
	[tilespmem:$0x11700] =	vst v63  }
0xb0: {  	s30 =	rddreg [dreg:$0xb];
	s31 =	sadd.s32 $0x480, s23  }
0xb1: {  	[spmem:s2] =	stream.indirect.scatter.add.f32 [tilespmem:s30], [sflag:$0x3], $0x10, s31, s17, $0xb8;
	[tilespmem:$0x11700] =	vst v63  }
0xb2: {  	_ =	swait.ge [sflag:s18], $0x5000  }
0xb3: {  	[sflag:s18] =	ssyncset.done $0x0  }
0xb4: {  	[sflag:s18] =	ssyncadd.s32 $0xFFFFB000  }
0xb5: {  	_ =	swait.ge [sflag:s13], $0x800  }
0xb6: {  	[sflag:s13] =	ssyncset.done $0x0  }
0xb7: {  	[sflag:s13] =	ssyncadd.s32 $0xFFFFF800  }
0xb8: {  	_ =	swait.ge [sflag:s13], $0x800  }
0xb9: {  	[sflag:s13] =	ssyncset.done $0x0  }
0xba: {  	[sflag:s13] =	ssyncadd.s32 $0xFFFFF800  }
0xbb: {  	_ =	swait.ge [sflag:s13], $0x800  }
0xbc: {  	[sflag:s13] =	ssyncset.done $0x0  }
0xbd: {  	[sflag:s13] =	ssyncadd.s32 $0xFFFFF800  }
0xbe: {  	_ =	swait.ge [sflag:s13], $0x800  }
0xbf: {  	[sflag:s13] =	ssyncset.done $0x0  }
0xc0: {  	[sflag:s13] =	ssyncadd.s32 $0xFFFFF800  }
0xc1: {  	_ =	swait.ge [sflag:s13], $0x800  }
0xc2: {  	[sflag:s13] =	ssyncset.done $0x0  }
0xc3: {  	[sflag:s13] =	ssyncadd.s32 $0xFFFFF800  }
0xc4: {  	_ =	swait.ge [sflag:s13], $0x800  }
0xc5: {  	[sflag:s13] =	ssyncset.done $0x0  }
0xc6: {  	[sflag:s13] =	ssyncadd.s32 $0xFFFFF800  }
0xc7: {  	_ =	swait.ge [sflag:s13], $0x800  }
0xc8: {  	[sflag:s13] =	ssyncset.done $0x0  }
0xc9: {  	[sflag:s13] =	ssyncadd.s32 $0xFFFFF800  }
0xca: {  	_ =	swait.ge [sflag:s13], $0x800  }
0xcb: {  	[sflag:s13] =	ssyncset.done $0x0  }
0xcc: {  	[sflag:s13] =	ssyncadd.s32 $0xFFFFF800  }
0xcd: {  	_ =	swait.ge [sflag:s13], $0x800  }
0xce: {  	[sflag:s13] =	ssyncset.done $0x0  }
0xcf: {  	[sflag:s13] =	ssyncadd.s32 $0xFFFFF800  }
0xd0: {  	_ =	swait.ge [sflag:s13], $0x800  }
0xd1: {  	s22 =	sadd.s32 $0x1400, s22;
	p1 =	seq.s32 s24, $0x7800;
	[sflag:s13] =	ssyncset.done $0x0  }
0xd2: {  	s24 =	simm.s32 @!p1 $0x0;
	s25 =	simm.s32 @!p1 $0x2800;
	[sflag:s13] =	ssyncadd.s32 $0xFFFFF800  }
0xd3: {  	[tilespmem:s25], [sflag:$0x1] =	stream.linear.gather @!p1 [hbm4b:s22+s24], $0x5000, $0x38;
	[tilespmem:$0x11700] =	vst v63  }
0xd4: {  	s25 =	sadd.s32 $0x500, s23  }
0xd5: {  	[spmem:s2] =	stream.indirect.scatter.add.f32 [tilespmem:s16], [sflag:$0x3], $0x10, s25, s17, $0xb8;
	[tilespmem:$0x11700] =	vst v63  }
0xd6: {  	s28 =	sadd.s32 $0x580, s23;
	s26 =	rddreg [dreg:$0xc]  }
0xd7: {  	[spmem:s2] =	stream.indirect.scatter.add.f32 [tilespmem:s26], [sflag:$0x3], $0x10, s28, s17, $0xb8;
	[tilespmem:$0x11700] =	vst v63  }
0xd8: {  	s30 =	sadd.s32 $0x600, s23;
	s29 =	rddreg [dreg:$0xd]  }
0xd9: {  	[spmem:s2] =	stream.indirect.scatter.add.f32 [tilespmem:s29], [sflag:$0x3], $0x10, s30, s17, $0xb8;
	[tilespmem:$0x11700] =	vst v63  }
0xda: {  	s31 =	rddreg [dreg:$0xe];
	s28 =	sadd.s32 $0x680, s23  }
0xdb: {  	[spmem:s2] =	stream.indirect.scatter.add.f32 [tilespmem:s31], [sflag:$0x3], $0x10, s28, s17, $0xb8;
	[tilespmem:$0x11700] =	vst v63  }
0xdc: {  	s29 =	rddreg [dreg:$0xf];
	s30 =	sadd.s32 $0x700, s23  }
0xdd: {  	[spmem:s2] =	stream.indirect.scatter.add.f32 [tilespmem:s29], [sflag:$0x3], $0x10, s30, s17, $0xb8;
	[tilespmem:$0x11700] =	vst v63  }
0xde: {  	s31 =	rddreg [dreg:$0x10];
	s28 =	sadd.s32 $0x780, s23  }
0xdf: {  	[spmem:s2] =	stream.indirect.scatter.add.f32 [tilespmem:s31], [sflag:$0x3], $0x10, s28, s17, $0xb8;
	[tilespmem:$0x11700] =	vst v63  }
0xe0: {  	s29 =	rddreg [dreg:$0x11];
	s30 =	sadd.s32 $0x800, s23  }
0xe1: {  	[spmem:s2] =	stream.indirect.scatter.add.f32 [tilespmem:s29], [sflag:$0x3], $0x10, s30, s17, $0xb8;
	[tilespmem:$0x11700] =	vst v63  }
0xe2: {  	s31 =	rddreg [dreg:$0x12];
	s28 =	sadd.s32 $0x880, s23  }
0xe3: {  	[spmem:s2] =	stream.indirect.scatter.add.f32 [tilespmem:s31], [sflag:$0x3], $0x10, s28, s17, $0xb8;
	[tilespmem:$0x11700] =	vst v63  }
0xe4: {  	s29 =	rddreg [dreg:$0x13];
	s30 =	sadd.s32 $0x900, s23  }
0xe5: {  	[spmem:s2] =	stream.indirect.scatter.add.f32 [tilespmem:s29], [sflag:$0x3], $0x10, s30, s17, $0xb8;
	[tilespmem:$0x11700] =	vst v63  }
0xe6: {  	s23 =	sadd.s32 $0x980, s23;
	s31 =	rddreg [dreg:$0x14]  }
0xe7: {  	[spmem:s2] =	stream.indirect.scatter.add.f32 [tilespmem:s31], [sflag:$0x3], $0x10, s23, s17, $0xb8;
	[tilespmem:$0x11700] =	vst v63  }
0xe8: {  	_ =	swait.ge [sflag:s13], $0x800  }
0xe9: {  	[sflag:s13] =	ssyncset.done $0x0  }
0xea: {  	[sflag:s13] =	ssyncadd.s32 $0xFFFFF800  }
0xeb: {  	_ =	swait.ge [sflag:s13], $0x800  }
0xec: {  	[sflag:s13] =	ssyncset.done $0x0  }
0xed: {  	[sflag:s13] =	ssyncadd.s32 $0xFFFFF800  }
0xee: {  	_ =	swait.ge [sflag:s13], $0x800  }
0xef: {  	[sflag:s13] =	ssyncset.done $0x0  }
0xf0: {  	[sflag:s13] =	ssyncadd.s32 $0xFFFFF800  }
0xf1: {  	_ =	swait.ge [sflag:s13], $0x800  }
0xf2: {  	[sflag:s13] =	ssyncset.done $0x0  }
0xf3: {  	[sflag:s13] =	ssyncadd.s32 $0xFFFFF800  }
0xf4: {  	_ =	swait.ge [sflag:s13], $0x800  }
0xf5: {  	[sflag:s13] =	ssyncset.done $0x0  }
0xf6: {  	[sflag:s13] =	ssyncadd.s32 $0xFFFFF800  }
0xf7: {  	_ =	swait.ge [sflag:s13], $0x800  }
0xf8: {  	[sflag:s13] =	ssyncset.done $0x0  }
0xf9: {  	[sflag:s13] =	ssyncadd.s32 $0xFFFFF800  }
0xfa: {  	_ =	swait.ge [sflag:s13], $0x800  }
0xfb: {  	[sflag:s13] =	ssyncset.done $0x0  }
0xfc: {  	[sflag:s13] =	ssyncadd.s32 $0xFFFFF800  }
0xfd: {  	_ =	swait.ge [sflag:s13], $0x800  }
0xfe: {  	s20 =	sadd.s32 $0x2800, s20;
	[sflag:s13] =	ssyncset.done $0x0  }
0xff: {  	p0 =	sne.s32 s20, $0xA000;
	[sflag:s13] =	ssyncadd.s32 $0xFFFFF800  }
.Ltmp1:
0x100: {  	_ =	swait.ge [sflag:s13], $0x800;
	(pc) =	sbr.rel @p0 .LBB2_4-.Ltmp1, $4  }
0x101: {  	[sflag:s13] =	ssyncset.done $0x0  }
0x102: {  	[sflag:s13] =	ssyncadd.s32 $0xFFFFF800  }
0x103: {  	_ =	swait.ge [sflag:s13], $0x800  }
0x104: {  	s21 =	sadd.s32 $0x1400, s21;
	[sflag:s13] =	ssyncset.done $0x0  }
0x105: {  	[sflag:s13] =	ssyncadd.s32 $0xFFFFF800  }
0x106: {  	[bflag:$0x0] =	sbarrier.arrive $0xFFFF  }
0x107: {  	[tilespmem:s11], [sflag:$0x4] =	stream.linear.gather [spmem:s5], $0x2780, $0x38;
	[tilespmem:$0x11700] =	vst v63  }
0x108: {  	s19 =	sadd.s32 $0x1, s19;
	_ =	swait.ge [sflag:s12], $0x2780  }
0x109: {  	p0 =	sne.s32 s19, s8;
	[sflag:s12] =	ssyncset.done $0x0  }
.Ltmp2:
0x10a: {  	[sflag:s12] =	ssyncadd.s32 $0xFFFFD880;
	(pc) =	sbr.rel @p0 .LBB2_1-.Ltmp2, $4  }
0x10b: {  	[hbm4b:s7+s3] =	stream.linear.scatter [tilespmem:s11], [sflag:$0x4], $0x2780, $0x38;
	[tilespmem:$0x11700] =	vst v63  }
0x10c: {  	_ =	swait.ge [sflag:s12], $0x2780  }
0x10d: {  	[sflag:s12] =	ssyncset.done $0x0  }
0x10e: {  	[sflag:s12] =	ssyncadd.s32 $0xFFFFD880  }
0x10f: {  	_ =	sfence.sel $0x180000  }
0x110: {  	[bflag:$0x0] =	sbarrier.arrive $0xFFFF  }
0x111: {  	p0 =	sne.s32 s1, $0x0;
	_ =	strace $0x9000004A  }
0x112: {  	s0 =	sadd.s32 @!p0 $0x100000, s0;
	[bflag:$0x2] =	sbarrier.arrive $0xFFFF  }
0x113: {  	[sflag:s0] =	ssyncadd.tile.s32 @!p0 $0x1;
	_ =	shalt  }
.Lfunc_end2:
_tile_overlayer_lowered:
.L_overlay_start_2:
0x114: {  	(tag) =	ssettag $0x2  }
0x115: {  	s0 =	rddreg [dreg:$0x0];
	s2 =	stileid.u32  }
0x116: {  	s1 =	rddreg [dreg:$0x1];
	p0 =	sne.s32 s2, $0x0  }
0x117: {  	s3 =	rddreg [dreg:$0x2];
	[bflag:$0x3] =	sbarrier.arrive $0xFFFF;
	s2 =	simm.s32 @!p0 $0x1C04  }
0x118: {  	[timem:s3], [sflag:s2] =	dma.local @!p0 [hbm:s0], s1  }
0x119: {  	s0 =	simm.s32 @!p0 $0x4  }
0x11a: {  	_ =	swait.ge @!p0 [sflag:s0], s1  }
0x11b: {  	s1 =	ssub.s32 @!p0 $0x0, s1;
	[sflag:s0] =	ssyncset.done @!p0 $0x0  }
0x11c: {  	[sflag:s0] =	ssyncadd.s32 @!p0 s1  }
0x11d: {  	[bflag:$0x3] =	sbarrier.arrive $0xFFFF  }
0x11e: {  	_ =	shalt  }

// kernel: kernel.17.cloned.1.call-start
scs
__scs_entry_jumppad:
0x0: {  	(pc) =	sbr.rel $0x88, $3  }
0x1: {  	(tag) =	ssettag $0x0;
	lr =	simm.s32 $0x1  }
0x2: {  	[smem:$0x3F9A] =	sst lr;
	_ =	strace $0xD0000000  }
0x3: {  	_ = 	snop  }
0x4: {  	_ = 	snop  }
0x5: {  	_ = 	snop  }
0x6: {  	_ = 	snop  }
0x7: {  	_ = 	snop  }
__scs_overlays_trampoline_lowered:
0x8: {  	[smem:$0x3FA9] =	sst s0  }
0x9: {  	[smem:$0x3FAA] =	sst s1  }
0xa: {  	[smem:$0x3FAB] =	sst s2  }
0xb: {  	[smem:$0x3FAC] =	sst s3  }
0xc: {  	[smem:$0x3FAD] =	sst s4  }
0xd: {  	[smem:$0x3FAE] =	sst s5  }
0xe: {  	[smem:$0x3FAF] =	sst s6  }
0xf: {  	[smem:$0x3FB0] =	sst s7  }
0x10: {  	[smem:$0x3FB1] =	sst s8  }
0x11: {  	[smem:$0x3FB2] =	sst s9;
	s0 =	simm.s32 @!p0 $0x0  }
0x12: {  	s1 =	sld [smem:$0x3F98];
	s0 =	simm.s32 @p0 $0x1  }
0x13: {  	[smem:$0x3FB3] =	sst s0;
	s0 =	simm.s32 @!p1 $0x0  }
0x14: {  	s2 =	sld [smem:$0x3F97];
	s0 =	simm.s32 @p1 $0x1  }
0x15: {  	[smem:$0x3FB4] =	sst s0;
	s0 =	simm.s32 @!p2 $0x0  }
0x16: {  	s3 =	sld [smem:$0x3FDB];
	s0 =	simm.s32 @p2 $0x1  }
0x17: {  	s4 =	simm.s32 $0x1BF5;
	[smem:$0x3FB6] =	sst s0  }
0x18: {  	s0 =	sld [smem:$0x3F99];
	_ =	swait.ge [sflag:s4], $0x0  }
0x19: {  	s7 =	sld [smem:$0x3F9A]  }
0x1a: {  	s8 =	sadd.s32 $0xFFFFE003, lr  }
0x1b: {  	s9 =	sadd.s32 $0xFFFFFEF7, lr;
	s5 =	simm.s32 $0xFFFFFFFF;
	p2 =	slt.u32 s8, $0xFFFFF086  }
0x1c: {  	p1 =	slt.u32 s9, $0xF7A;
	s5 =	simm.s32 @!p2 $0x0  }
0x1d: {  	s5 =	simm.s32 @p1 $0x1;
	p0 =	seq.s32 s7, s2  }
0x1e: {  	s7 =	smul.u32 @!p0 $0xF7A, s2;
	p2 =	seq.s32 @!p0 s5, $0x0  }
0x1f: {  	s9 =	smul.u32 $0xF7A, s1;
	s8 =	simm.s32 @!p0 $0x1BF5;
	p2 =	por !p2, p0  }
0x20: {  	[sflag:s8] =	ssyncset.s32 @!p0 $0xFFFFF086;
	s6 =	sadd.s32 @!p0 s3, s7;
	s7 =	simm.s32 @!p0 $0x108  }
0x21: {  	s3 =	sadd.s32 s3, s9;
	s6 =	sadd.s32 @!p0 $0x88, s6;
	s7 =	simm.s32 @p2 $0x1082  }
0x22: {  	[simem:s7], [sflag:s8] =	dma.local @!p0 [hbm:s6], $0xF7A  }
0x23: {  	s9 =	sor.u32 $0xD0000000, s2;
	s6 =	simm.s32 $0x108;
	_ =	swait.ge @!p0 [sflag:s8], $0x0  }
0x24: {  	s3 =	sadd.s32 $0x88, s3;
	s6 =	simm.s32 @!p1 $0x1082;
	[sflag:s4] =	ssyncset.s32 $0xFFFFF086  }
0x25: {  	[simem:s6], [sflag:s4] =	dma.local [hbm:s3], $0xF7A  }
0x26: {  	[smem:$0x3F9A] =	sst s1;
	(tag) =	ssettag s2;
	_ =	strace s9  }
0x27: {  	s1 =	sld [smem:$0x3FAA]  }
0x28: {  	s2 =	sld [smem:$0x3FAB]  }
0x29: {  	s4 =	sld [smem:$0x3FAD]  }
0x2a: {  	p0 =	seq.s32 s5, $0x0;
	s5 =	sld [smem:$0x3FAE]  }
0x2b: {  	s6 =	sld [smem:$0x3FAF]  }
0x2c: {  	s7 =	sld [smem:$0x3FB0]  }
0x2d: {  	s3 =	simm.s32 $0x108;
	s8 =	sld [smem:$0x3FB1]  }
0x2e: {  	s3 =	simm.s32 @!p0 $0x1082;
	s9 =	sld [smem:$0x3FB2]  }
0x2f: {  	lr =	sadd.s32 s0, s3;
	s0 =	sld [smem:$0x3FA9]  }
0x30: {  	s3 =	sld [smem:$0x3FAC]  }
0x31: {  	[smem:$0x3FB5] =	sst s10  }
0x32: {  	s10 =	sld [smem:$0x3FB3];
	_ =	sdelay $0x3  }
0x33: {  	p0 =	seq.s32 s10, $0x1;
	s10 =	sld [smem:$0x3FB5];
	_ =	sdelay $0x3  }
0x34: {  	[smem:$0x3FB5] =	sst s10  }
0x35: {  	s10 =	sld [smem:$0x3FB4];
	_ =	sdelay $0x3  }
0x36: {  	p1 =	seq.s32 s10, $0x1;
	s10 =	sld [smem:$0x3FB5];
	_ =	sdelay $0x3  }
0x37: {  	[smem:$0x3FB5] =	sst s10  }
0x38: {  	s10 =	sld [smem:$0x3FB6]  }
0x39: {  	_ = 	snop;
	(pc) =	sbr.ind lr, $3  }
0x3a: {  	_ = 	snop  }
0x3b: {  	_ = 	snop  }
0x3c: {  	p2 =	seq.s32 s10, $0x1;
	s10 =	sld [smem:$0x3FB5]  }
0x3d: {  	_ =	shalt  }
0x3e: {  	_ =	shalt  }
0x3f: {  	_ =	shalt  }
0x40: {  	_ =	shalt  }
0x41: {  	_ =	shalt  }
0x42: {  	_ =	shalt  }
0x43: {  	_ =	shalt  }
0x44: {  	_ =	shalt  }
0x45: {  	_ =	shalt  }
0x46: {  	_ =	shalt  }
0x47: {  	_ =	shalt  }
0x48: {  	_ =	shalt  }
0x49: {  	_ =	shalt  }
0x4a: {  	_ =	shalt  }
0x4b: {  	_ =	shalt  }
0x4c: {  	_ =	shalt  }
0x4d: {  	_ =	shalt  }
0x4e: {  	_ =	shalt  }
0x4f: {  	_ =	shalt  }
0x50: {  	_ =	shalt  }
0x51: {  	_ =	shalt  }
0x52: {  	_ =	shalt  }
0x53: {  	_ =	shalt  }
0x54: {  	_ =	shalt  }
0x55: {  	_ =	shalt  }
0x56: {  	_ =	shalt  }
0x57: {  	_ =	shalt  }
0x58: {  	_ =	shalt  }
0x59: {  	_ =	shalt  }
0x5a: {  	_ =	shalt  }
0x5b: {  	_ =	shalt  }
0x5c: {  	_ =	shalt  }
0x5d: {  	_ =	shalt  }
0x5e: {  	_ =	shalt  }
0x5f: {  	_ =	shalt  }
0x60: {  	_ =	shalt  }
0x61: {  	_ =	shalt  }
0x62: {  	_ =	shalt  }
0x63: {  	_ =	shalt  }
0x64: {  	_ =	shalt  }
0x65: {  	_ =	shalt  }
0x66: {  	_ =	shalt  }
0x67: {  	_ =	shalt  }
0x68: {  	_ =	shalt  }
0x69: {  	_ =	shalt  }
0x6a: {  	_ =	shalt  }
0x6b: {  	_ =	shalt  }
0x6c: {  	_ =	shalt  }
0x6d: {  	_ =	shalt  }
0x6e: {  	_ =	shalt  }
0x6f: {  	_ =	shalt  }
0x70: {  	_ =	shalt  }
0x71: {  	_ =	shalt  }
0x72: {  	_ =	shalt  }
0x73: {  	_ =	shalt  }
0x74: {  	_ =	shalt  }
0x75: {  	_ =	shalt  }
0x76: {  	_ =	shalt  }
0x77: {  	_ =	shalt  }
0x78: {  	_ =	shalt  }
0x79: {  	_ =	shalt  }
0x7a: {  	_ =	shalt  }
0x7b: {  	_ =	shalt  }
0x7c: {  	_ =	shalt  }
0x7d: {  	_ =	shalt  }
0x7e: {  	_ =	shalt  }
0x7f: {  	_ =	shalt  }
0x80: {  	_ =	shalt  }
0x81: {  	_ =	shalt  }
0x82: {  	_ =	shalt  }
0x83: {  	_ =	shalt  }
0x84: {  	_ =	shalt  }
0x85: {  	_ =	shalt  }
0x86: {  	_ =	shalt  }
0x87: {  	_ =	shalt  }
.Lfunc_end0:
.L_simem_size_0:
called_computation.2_lowered:
.L_overlay_start_0:
0x88: {  	s2 =	sld [smem:$0x3FD9]  }
0x89: {  	s3 =	sld [smem:$0x3FFE];
	_ =	sdelay $0x1  }
0x8a: {  	s1 =	srdreg.scid  }
0x8b: {  	s0 =	sand.u32 $0x1, s1  }
0x8c: {  	s14 =	sshll.u32 s0, $0xA;
	s2 =	sadd.s32 s3, s2  }
0x8d: {  	s2 =	sadd.s32 s2, s14  }
0x8e: {  	[smem:$0x3FC1] =	sst s2  }
0x8f: {  	_ = 	snop  }
0x90: {  	s2 =	sld [smem:$0x3FD0];
	_ =	sdelay $0x2  }
0x91: {  	s15 =	simm.s32 $0xA;
	s4 =	simm.s32 $0x10  }
0x92: {  	[smem:s4], [sflag:s15] =	dma.local [hbm:s2], $0x1  }
0x93: {  	_ =	swait.eq [sflag:s15], $0x1  }
0x94: {  	[sflag:s15] =	ssyncset.done $0x0  }
0x95: {  	[sflag:s15] =	ssyncadd.s32 $0xFFFFFFFF  }
0x96: {  	s16 =	sld [smem:$0x10];
	(tm) =	ssettm $0x1  }
0x97: {  	s17 =	sld [smem:$0x3FFB];
	_ =	sdelay $0x3  }
0x98: {  	_ =	strace s17  }
0x99: {  	s3 =	sld [smem:$0x3FFC];
	_ =	sdelay $0x3  }
0x9a: {  	_ =	strace s3  }
0x9b: {  	s3 =	sld [smem:$0x3FFD];
	_ =	sdelay $0x3  }
0x9c: {  	_ =	strace s3  }
0x9d: {  	_ =	strace $0x8FFFFFFF  }
0x9e: {  	s18 =	sld [smem:$0x3FDB];
	_ =	sdelay $0x1  }
0x9f: {  	s19 =	simm.s32 $_scs_section_size  }
0xa0: {  	s5 =	simm.s32 $_size__tile_overlayer_lowered;
	s6 =	simm.s32 $_tile_overlayer_lowered  }
0xa1: {  	s22 =	simm.s32 $0x1BFF;
	s21 =	sshll.u32 s6, $0x1;
	s3 =	sadd.s32 s19, s18  }
0xa2: {  	s7 =	simm.s32 $0x0;
	s20 =	sshll.u32 s5, $0x1;
	s5 =	sadd.s32 s21, s3  }
0xa3: {  	[timem:s7], [sflag:s22] =	dma.local [hbm:s5], s20  }
0xa4: {  	_ =	swait.ge [sflag:s22], s20  }
0xa5: {  	s4 =	ssub.s32 $0x0, s20;
	[sflag:s22] =	ssyncset.done $0x0  }
0xa6: {  	[sflag:s22] =	ssyncadd.s32 s4;
	_ =	sdelay $0x1  }
0xa7: {  	s23 =	simm.s32 $0x1B8B  }
0xa8: {  	_ =	swait.ge [sflag:s23], $0x1  }
0xa9: {  	[sflag:s23] =	ssyncset.done $0x0  }
0xaa: {  	s25 =	simm.s32 $0x1B8E;
	s24 =	sld [smem:$0x3FFE];
	[sflag:s23] =	ssyncadd.s32 $0xFFFFFFFF  }
0xab: {  	s26 =	simm.s32 $execute0_lowered;
	[smem:$0x3FD2] =	sst s25  }
0xac: {  	s5 =	sshll.u32 s26, $0x1;
	_ =	strace $0x8000004C;
	[dreg:$0x1] =	wrdreg $0xFFFFFFFF  }
0xad: {  	s28 =	simm.s32 $_size_execute0_lowered;
	s3 =	sadd.s32 s3, s5;
	[dreg:$0x0] =	wrdreg $0x0  }
0xae: {  	s5 =	sshll.u32 s28, $0x1;
	[dreg:$0x2] =	wrdreg s3  }
0xaf: {  	[dreg:$0x3] =	wrdreg s5  }
0xb0: {  	[dreg:$0x4] =	wrdreg $0xC0  }
0xb1: {  	_ =	task [dreg:s7], $0x5FFFF  }
0xb2: {  	[dreg:$0x1] =	wrdreg $0xFFFFFFFF  }
0xb3: {  	[dreg:$0x0] =	wrdreg $0x60  }
0xb4: {  	[dreg:$0x2] =	wrdreg s24  }
0xb5: {  	[dreg:$0x3] =	wrdreg s16  }
0xb6: {  	[dreg:$0x4] =	wrdreg $0xC8000  }
0xb7: {  	[dreg:$0x5] =	wrdreg $0x9  }
0xb8: {  	_ =	task.clear_ibuf [dreg:s7], $0x6FFFF;
	_ =	strace $0x9000004C  }
0xb9: {  	s29 =	simm.s32 $0x9;
	_ =	strace $0x8000004E  }
0xba: {  	_ =	swait.ge [sflag:s29], $0x1  }
0xbb: {  	[sflag:s29] =	ssyncadd.s32 $0xFFFFFFFF  }
0xbc: {  	_ =	strace $0x9000004E  }
0xbd: {  	_ =	sfence  }
0xbe: {  	s30 =	sld [smem:$0x0];
	_ =	sdelay $0x2  }
0xbf: {  	s31 =	sshll.u32 s1, $0xD;
	s1 =	sshrl.u32 s1, $0x2  }
0xc0: {  	s3 =	sand.u32 $0x4000, s31;
	s1 =	sadd.s32 s1, s30  }
0xc1: {  	s0 =	sor.u32 s3, s0;
	s1 =	sshll.u32 s1, $0x11  }
0xc2: {  	s0 =	sor.u32 s1, s0  }
0xc3: {  	s0 =	sadd.s32 $0x8F2B, s0  }
0xc4: {  	[sflag:s0] =	ssyncadd.remote.s32 $0x1  }
0xc5: {  	_ =	sfence.sel $0xFFFF  }
0xc6: {  	[dreg:$0x0] =	wrdreg $0xFFFFFFFF;
	(pc) =	sbr.abs _section_cstart, $3  }
0xc7: {  	[dreg:$0x1] =	wrdreg $0xFFFFFFFF  }
0xc8: {  	_ =	task.clear_ibuf [dreg:s7], $0x2FFFF;
	_ =	strace $0x9FFFFFFF  }
0xc9: {  	(tm) =	ssettm $0x7FFFFFFF  }
tec
execute0_lowered:
.L_overlay_start_1:
0x0: {  	(tag) =	ssettag $0x1  }
0x1: {  	s4 =	rddreg [dreg:$0x0]  }
0x2: {  	s5 =	rddreg [dreg:$0x1]  }
0x3: {  	s1 =	rddreg [dreg:$0x2]  }
0x4: {  	s0 =	rddreg [dreg:$0x3];
	s2 =	simm.s32 $0x0  }
0x5: {  	s12 =	simm.s32 $0x3000;
	[smem:$0x7FF] =	sst s2  }
0x6: {  	s13 =	simm.s32 $0x3800;
	_ =	strace $0x8000004D;
	[dreg:$0x4] =	wrdreg s12  }
0x7: {  	s3 =	srdreg.scid;
	s15 =	simm.s32 $0x4000;
	[dreg:$0x5] =	wrdreg s13  }
0x8: {  	s8 =	stileid.u32;
	s17 =	simm.s32 $0x5000;
	[dreg:$0x6] =	wrdreg s15  }
0x9: {  	s18 =	simm.s32 $0x5800;
	s19 =	simm.s32 $0x6000;
	[dreg:$0x8] =	wrdreg s17  }
0xa: {  	s20 =	simm.s32 $0x6800;
	s21 =	simm.s32 $0x7000;
	[dreg:$0x9] =	wrdreg s18  }
0xb: {  	s23 =	simm.s32 $0x8000;
	s24 =	simm.s32 $0x8800;
	[dreg:$0xa] =	wrdreg s19  }
0xc: {  	s25 =	simm.s32 $0x9000;
	s26 =	simm.s32 $0x9800;
	[dreg:$0xb] =	wrdreg s20  }
0xd: {  	s28 =	simm.s32 $0xA000;
	s29 =	simm.s32 $0xA800;
	[dreg:$0xc] =	wrdreg s21  }
0xe: {  	s30 =	simm.s32 $0xB000;
	s31 =	simm.s32 $0xB800;
	[dreg:$0xd] =	wrdreg s23  }
0xf: {  	s7 =	sand.u32 $0x1, s3;
	s11 =	sshll.u32 s8, $0x1;
	[dreg:$0xe] =	wrdreg s24  }
0x10: {  	s3 =	sadd.s32 $0x3800, s4;
	s14 =	smul.u32 $0x5000, s8;
	[dreg:$0xf] =	wrdreg s25  }
0x11: {  	s22 =	smul.u32 $0xA000, s8;
	p0 =	sne.s32 s8, $0x0;
	[dreg:$0x10] =	wrdreg s26  }
0x12: {  	s6 =	ssub.s32 $0x2, s7;
	s9 =	sor.u32 s7, s11;
	[dreg:$0x11] =	wrdreg s28  }
0x13: {  	s11 =	sadd.s32 $0xAD800, s4;
	s16 =	smul.u32 $0x2800, s7;
	[dreg:$0x12] =	wrdreg s29  }
0x14: {  	s12 =	simm.s32 $0x4800;
	s7 =	smul.u32 $0x5000, s7;
	[dreg:$0x13] =	wrdreg s30  }
0x15: {  	s8 =	sshrl.u32 @!p0 s1, $0x3;
	[dreg:$0x14] =	wrdreg s31;
	s13 =	simm.s32 $0xC000  }
0x16: {  	s15 =	simm.s32 $0x4;
	s10 =	sshrl.u32 s6, $0x1;
	[dreg:$0x7] =	wrdreg s12  }
0x17: {  	s9 =	smul.u32 $0x500, s9;
	s12 =	simm.s32 $0x7800;
	[dreg:$0x15] =	wrdreg s13  }
0x18: {  	s13 =	simm.s32 $0x2;
	s6 =	ssub.s32 s6, s10;
	s10 =	sadd.s32 s22, s11  }
0x19: {  	s4 =	sadd.s32 s5, s9;
	s5 =	smax.u32 s6, $0x1;
	s9 =	sadd.s32 s16, s14  }
0x1a: {  	s7 =	sadd.s32 s7, s10;
	s10 =	simm.s32 $0x80;
	s9 =	sshll.u32 s9, $0x1  }
0x1b: {  	s14 =	simm.s32 $0x3;
	s16 =	simm.s32 $0x0;
	s9 =	sadd.s32 s9, s11  }
0x1c: {  	s11 =	simm.s32 $0x2800;
	s6 =	sadd.s32 $0xA00, s9;
	s9 =	simm.s32 $0x1  }
.LBB2_1:
0x1d: {  	[tilespmem:s2], [sflag:$0x1] =	stream.linear.gather [hbm4b:s4+s2], $0x2800, $0x38;
	[tilespmem:$0xEF10] =	vst v63  }
0x1e: {  	s17 =	simm.s32 @!p0 $0x1C05  }
0x1f: {  	[spmem:s8], [sflag:s17] =	dma.local @!p0 [hbm:s3], $0x4E20  }
0x20: {  	s17 =	simm.s32 @!p0 $0x5  }
0x21: {  	_ =	swait.ge @!p0 [sflag:s17], $0x4E20  }
0x22: {  	[sflag:s17] =	ssyncset.done @!p0 $0x0  }
0x23: {  	[sflag:s17] =	ssyncadd.s32 @!p0 $0xFFFFB1E0  }
0x24: {  	_ =	swait.ge [sflag:s9], $0x2800  }
0x25: {  	[sflag:s9] =	ssyncset.done $0x0  }
0x26: {  	p1 =	por $0x1, $0x1;
	[sflag:s9] =	ssyncadd.s32 $0xFFFFD800  }
0x27: {  	s17 =	simm.s32 @!p1 $0x3;
	[bflag:$0x0] =	sbarrier.arrive $0xFFFF  }
0x28: {  	_ =	swait.ge @!p1 [sflag:s17], $0x5000  }
0x29: {  	[sflag:s17] =	ssyncset.done @!p1 $0x0  }
0x2a: {  	s30 =	simm.s32 $0x0;
	[sflag:s17] =	ssyncadd.s32 @!p1 $0xFFFFB000  }
0x2b: {  	[tilespmem:s11], [sflag:$0x1] =	stream.indirect.gather [spmem:s1], $0x10, s30, s10, $0xb8;
	[tilespmem:$0xEF10] =	vst v63  }
0x2c: {  	s31 =	simm.s32 $0x80;
	s18 =	rddreg [dreg:$0x4]  }
0x2d: {  	[tilespmem:s18], [sflag:$0x1] =	stream.indirect.gather [spmem:s1], $0x10, s31, s10, $0xb8;
	[tilespmem:$0xEF10] =	vst v63  }
0x2e: {  	s19 =	rddreg [dreg:$0x5];
	s18 =	simm.s32 $0x100  }
0x2f: {  	[tilespmem:s19], [sflag:$0x1] =	stream.indirect.gather [spmem:s1], $0x10, s18, s10, $0xb8;
	[tilespmem:$0xEF10] =	vst v63  }
0x30: {  	s21 =	simm.s32 $0x180;
	s20 =	rddreg [dreg:$0x6]  }
0x31: {  	[tilespmem:s20], [sflag:$0x1] =	stream.indirect.gather [spmem:s1], $0x10, s21, s10, $0xb8;
	[tilespmem:$0xEF10] =	vst v63  }
0x32: {  	s23 =	simm.s32 $0x200;
	s22 =	rddreg [dreg:$0x7]  }
0x33: {  	[tilespmem:s22], [sflag:$0x1] =	stream.indirect.gather [spmem:s1], $0x10, s23, s10, $0xb8;
	[tilespmem:$0xEF10] =	vst v63  }
0x34: {  	s25 =	simm.s32 $0x280;
	s24 =	rddreg [dreg:$0x8]  }
0x35: {  	[tilespmem:s24], [sflag:$0x1] =	stream.indirect.gather [spmem:s1], $0x10, s25, s10, $0xb8;
	[tilespmem:$0xEF10] =	vst v63  }
0x36: {  	s28 =	simm.s32 $0x300;
	s26 =	rddreg [dreg:$0x9]  }
0x37: {  	[tilespmem:s26], [sflag:$0x1] =	stream.indirect.gather [spmem:s1], $0x10, s28, s10, $0xb8;
	[tilespmem:$0xEF10] =	vst v63  }
0x38: {  	s29 =	rddreg [dreg:$0xa];
	s30 =	simm.s32 $0x380  }
0x39: {  	[tilespmem:s29], [sflag:$0x1] =	stream.indirect.gather [spmem:s1], $0x10, s30, s10, $0xb8;
	[tilespmem:$0xEF10] =	vst v63  }
0x3a: {  	s31 =	rddreg [dreg:$0xb];
	s20 =	simm.s32 $0x400  }
0x3b: {  	[tilespmem:s31], [sflag:$0x1] =	stream.indirect.gather [spmem:s1], $0x10, s20, s10, $0xb8;
	[tilespmem:$0xEF10] =	vst v63  }
0x3c: {  	s21 =	rddreg [dreg:$0xc];
	s22 =	simm.s32 $0x480  }
0x3d: {  	[tilespmem:s21], [sflag:$0x1] =	stream.indirect.gather [spmem:s1], $0x10, s22, s10, $0xb8;
	[tilespmem:$0xEF10] =	vst v63  }
0x3e: {  	_ =	swait.ge [sflag:s9], $0x800  }
0x3f: {  	[sflag:s9] =	ssyncset.done $0x0  }
0x40: {  	[sflag:s9] =	ssyncadd.s32 $0xFFFFF800  }
0x41: {  	_ =	swait.ge [sflag:s9], $0x800  }
0x42: {  	[sflag:s9] =	ssyncset.done $0x0  }
0x43: {  	[sflag:s9] =	ssyncadd.s32 $0xFFFFF800  }
0x44: {  	_ =	swait.ge [sflag:s9], $0x800  }
0x45: {  	[sflag:s9] =	ssyncset.done $0x0  }
0x46: {  	[sflag:s9] =	ssyncadd.s32 $0xFFFFF800  }
0x47: {  	_ =	swait.ge [sflag:s9], $0x800  }
0x48: {  	[sflag:s9] =	ssyncset.done $0x0  }
0x49: {  	[sflag:s9] =	ssyncadd.s32 $0xFFFFF800  }
0x4a: {  	_ =	swait.ge [sflag:s9], $0x800  }
0x4b: {  	[sflag:s9] =	ssyncset.done $0x0  }
0x4c: {  	[sflag:s9] =	ssyncadd.s32 $0xFFFFF800  }
0x4d: {  	_ =	swait.ge [sflag:s9], $0x800  }
0x4e: {  	[sflag:s9] =	ssyncset.done $0x0  }
0x4f: {  	[sflag:s9] =	ssyncadd.s32 $0xFFFFF800  }
0x50: {  	_ =	swait.ge [sflag:s9], $0x800  }
0x51: {  	[sflag:s9] =	ssyncset.done $0x0  }
0x52: {  	[sflag:s9] =	ssyncadd.s32 $0xFFFFF800  }
0x53: {  	_ =	swait.ge [sflag:s9], $0x800  }
0x54: {  	[sflag:s9] =	ssyncset.done $0x0  }
0x55: {  	[sflag:s9] =	ssyncadd.s32 $0xFFFFF800  }
0x56: {  	_ =	swait.ge [sflag:s9], $0x800  }
0x57: {  	[sflag:s9] =	ssyncset.done $0x0  }
0x58: {  	[sflag:s9] =	ssyncadd.s32 $0xFFFFF800  }
0x59: {  	_ =	swait.ge [sflag:s9], $0x800  }
0x5a: {  	[sflag:s9] =	ssyncset.done $0x0  }
0x5b: {  	s17 =	simm.s32 @!p1 $0x4;
	[sflag:s9] =	ssyncadd.s32 $0xFFFFF800  }
0x5c: {  	[hbm4b:s7+s2] =	stream.linear.scatter [tilespmem:s11], [sflag:$0x3], $0x5000, $0x38;
	[tilespmem:$0xEF10] =	vst v63  }
0x5d: {  	_ =	swait.ge @!p1 [sflag:s17], $0x5000  }
0x5e: {  	[sflag:s17] =	ssyncset.done @!p1 $0x0  }
0x5f: {  	s23 =	simm.s32 $0x500;
	[sflag:s17] =	ssyncadd.s32 @!p1 $0xFFFFB000  }
0x60: {  	[tilespmem:s12], [sflag:$0x2] =	stream.indirect.gather [spmem:s1], $0x10, s23, s10, $0xb8;
	[tilespmem:$0xEF10] =	vst v63  }
0x61: {  	s25 =	simm.s32 $0x580;
	s24 =	rddreg [dreg:$0xd]  }
0x62: {  	[tilespmem:s24], [sflag:$0x2] =	stream.indirect.gather [spmem:s1], $0x10, s25, s10, $0xb8;
	[tilespmem:$0xEF10] =	vst v63  }
0x63: {  	s28 =	simm.s32 $0x600;
	s26 =	rddreg [dreg:$0xe]  }
0x64: {  	[tilespmem:s26], [sflag:$0x2] =	stream.indirect.gather [spmem:s1], $0x10, s28, s10, $0xb8;
	[tilespmem:$0xEF10] =	vst v63  }
0x65: {  	s30 =	simm.s32 $0x680;
	s29 =	rddreg [dreg:$0xf]  }
0x66: {  	[tilespmem:s29], [sflag:$0x2] =	stream.indirect.gather [spmem:s1], $0x10, s30, s10, $0xb8;
	[tilespmem:$0xEF10] =	vst v63  }
0x67: {  	s20 =	simm.s32 $0x700;
	s31 =	rddreg [dreg:$0x10]  }
0x68: {  	[tilespmem:s31], [sflag:$0x2] =	stream.indirect.gather [spmem:s1], $0x10, s20, s10, $0xb8;
	[tilespmem:$0xEF10] =	vst v63  }
0x69: {  	s22 =	simm.s32 $0x780;
	s21 =	rddreg [dreg:$0x11]  }
0x6a: {  	[tilespmem:s21], [sflag:$0x2] =	stream.indirect.gather [spmem:s1], $0x10, s22, s10, $0xb8;
	[tilespmem:$0xEF10] =	vst v63  }
0x6b: {  	s23 =	rddreg [dreg:$0x12];
	s24 =	simm.s32 $0x800  }
0x6c: {  	[tilespmem:s23], [sflag:$0x2] =	stream.indirect.gather [spmem:s1], $0x10, s24, s10, $0xb8;
	[tilespmem:$0xEF10] =	vst v63  }
0x6d: {  	s25 =	rddreg [dreg:$0x13];
	s26 =	simm.s32 $0x880  }
0x6e: {  	[tilespmem:s25], [sflag:$0x2] =	stream.indirect.gather [spmem:s1], $0x10, s26, s10, $0xb8;
	[tilespmem:$0xEF10] =	vst v63  }
0x6f: {  	s28 =	rddreg [dreg:$0x14];
	s29 =	simm.s32 $0x900  }
0x70: {  	[tilespmem:s28], [sflag:$0x2] =	stream.indirect.gather [spmem:s1], $0x10, s29, s10, $0xb8;
	[tilespmem:$0xEF10] =	vst v63  }
0x71: {  	s30 =	rddreg [dreg:$0x15];
	s31 =	simm.s32 $0x980  }
0x72: {  	[tilespmem:s30], [sflag:$0x2] =	stream.indirect.gather [spmem:s1], $0x10, s31, s10, $0xb8;
	[tilespmem:$0xEF10] =	vst v63  }
0x73: {  	_ =	swait.ge [sflag:s13], $0x800  }
0x74: {  	[sflag:s13] =	ssyncset.done $0x0  }
0x75: {  	[sflag:s13] =	ssyncadd.s32 $0xFFFFF800  }
0x76: {  	_ =	swait.ge [sflag:s13], $0x800  }
0x77: {  	[sflag:s13] =	ssyncset.done $0x0  }
0x78: {  	[sflag:s13] =	ssyncadd.s32 $0xFFFFF800  }
0x79: {  	_ =	swait.ge [sflag:s13], $0x800  }
0x7a: {  	[sflag:s13] =	ssyncset.done $0x0  }
0x7b: {  	[sflag:s13] =	ssyncadd.s32 $0xFFFFF800  }
0x7c: {  	_ =	swait.ge [sflag:s13], $0x800  }
0x7d: {  	[sflag:s13] =	ssyncset.done $0x0  }
0x7e: {  	[sflag:s13] =	ssyncadd.s32 $0xFFFFF800  }
0x7f: {  	_ =	swait.ge [sflag:s13], $0x800  }
0x80: {  	[sflag:s13] =	ssyncset.done $0x0  }
0x81: {  	[sflag:s13] =	ssyncadd.s32 $0xFFFFF800  }
0x82: {  	_ =	swait.ge [sflag:s13], $0x800  }
0x83: {  	[sflag:s13] =	ssyncset.done $0x0  }
0x84: {  	[sflag:s13] =	ssyncadd.s32 $0xFFFFF800  }
0x85: {  	_ =	swait.ge [sflag:s13], $0x800  }
0x86: {  	[sflag:s13] =	ssyncset.done $0x0  }
0x87: {  	[sflag:s13] =	ssyncadd.s32 $0xFFFFF800  }
0x88: {  	_ =	swait.ge [sflag:s13], $0x800  }
0x89: {  	[sflag:s13] =	ssyncset.done $0x0  }
0x8a: {  	[sflag:s13] =	ssyncadd.s32 $0xFFFFF800  }
0x8b: {  	_ =	swait.ge [sflag:s13], $0x800  }
0x8c: {  	[sflag:s13] =	ssyncset.done $0x0  }
0x8d: {  	p2 =	por $0x0, $0x0;
	s19 =	simm.s32 $0x2800;
	[sflag:s13] =	ssyncadd.s32 $0xFFFFF800  }
0x8e: {  	s18 =	sadd.s32 $0x1400, s7;
	s17 =	sadd.s32 $0x1400, s6;
	_ =	swait.ge [sflag:s13], $0x800  }
0x8f: {  	s20 =	simm.s32 $0x5000;
	s21 =	smov.u32 s6;
	[sflag:s13] =	ssyncset.done $0x0  }
.LBB2_2:
0x90: {  	s22 =	simm.s32 @!p2 $0x3;
	[sflag:s13] =	ssyncadd.s32 $0xFFFFF800  }
0x91: {  	[hbm4b:s21+s2] =	stream.linear.scatter [tilespmem:s12], [sflag:$0x4], $0x5000, $0x38;
	[tilespmem:$0xEF10] =	vst v63  }
0x92: {  	_ =	swait.ge @!p2 [sflag:s22], $0x5000  }
0x93: {  	[sflag:s22] =	ssyncset.done @!p2 $0x0  }
0x94: {  	[sflag:s22] =	ssyncadd.s32 @!p2 $0xFFFFB000;
	s22 =	sshra.s32 s19, $0x2  }
0x95: {  	[tilespmem:s11], [sflag:$0x1] =	stream.indirect.gather [spmem:s1], $0x10, s22, s10, $0xb8;
	[tilespmem:$0xEF10] =	vst v63  }
0x96: {  	s24 =	rddreg [dreg:$0x4];
	s25 =	sadd.s32 $0x80, s22  }
0x97: {  	[tilespmem:s24], [sflag:$0x1] =	stream.indirect.gather [spmem:s1], $0x10, s25, s10, $0xb8;
	[tilespmem:$0xEF10] =	vst v63  }
0x98: {  	s26 =	rddreg [dreg:$0x5];
	s28 =	sadd.s32 $0x100, s22  }
0x99: {  	[tilespmem:s26], [sflag:$0x1] =	stream.indirect.gather [spmem:s1], $0x10, s28, s10, $0xb8;
	[tilespmem:$0xEF10] =	vst v63  }
0x9a: {  	s29 =	rddreg [dreg:$0x6];
	s30 =	sadd.s32 $0x180, s22  }
0x9b: {  	[tilespmem:s29], [sflag:$0x1] =	stream.indirect.gather [spmem:s1], $0x10, s30, s10, $0xb8;
	[tilespmem:$0xEF10] =	vst v63  }
0x9c: {  	s31 =	rddreg [dreg:$0x7];
	s24 =	sadd.s32 $0x200, s22  }
0x9d: {  	[tilespmem:s31], [sflag:$0x1] =	stream.indirect.gather [spmem:s1], $0x10, s24, s10, $0xb8;
	[tilespmem:$0xEF10] =	vst v63  }
0x9e: {  	s26 =	rddreg [dreg:$0x8];
	s28 =	sadd.s32 $0x280, s22  }
0x9f: {  	[tilespmem:s26], [sflag:$0x1] =	stream.indirect.gather [spmem:s1], $0x10, s28, s10, $0xb8;
	[tilespmem:$0xEF10] =	vst v63  }
0xa0: {  	s29 =	rddreg [dreg:$0x9];
	s30 =	sadd.s32 $0x300, s22  }
0xa1: {  	[tilespmem:s29], [sflag:$0x1] =	stream.indirect.gather [spmem:s1], $0x10, s30, s10, $0xb8;
	[tilespmem:$0xEF10] =	vst v63  }
0xa2: {  	s31 =	rddreg [dreg:$0xa];
	s26 =	sadd.s32 $0x380, s22  }
0xa3: {  	[tilespmem:s31], [sflag:$0x1] =	stream.indirect.gather [spmem:s1], $0x10, s26, s10, $0xb8;
	[tilespmem:$0xEF10] =	vst v63  }
0xa4: {  	s28 =	rddreg [dreg:$0xb];
	s29 =	sadd.s32 $0x400, s22  }
0xa5: {  	[tilespmem:s28], [sflag:$0x1] =	stream.indirect.gather [spmem:s1], $0x10, s29, s10, $0xb8;
	[tilespmem:$0xEF10] =	vst v63  }
0xa6: {  	s30 =	rddreg [dreg:$0xc];
	s31 =	sadd.s32 $0x480, s22  }
0xa7: {  	[tilespmem:s30], [sflag:$0x1] =	stream.indirect.gather [spmem:s1], $0x10, s31, s10, $0xb8;
	[tilespmem:$0xEF10] =	vst v63  }
0xa8: {  	_ =	swait.ge [sflag:s9], $0x800  }
0xa9: {  	[sflag:s9] =	ssyncset.done $0x0  }
0xaa: {  	[sflag:s9] =	ssyncadd.s32 $0xFFFFF800  }
0xab: {  	_ =	swait.ge [sflag:s9], $0x800  }
0xac: {  	[sflag:s9] =	ssyncset.done $0x0  }
0xad: {  	[sflag:s9] =	ssyncadd.s32 $0xFFFFF800  }
0xae: {  	_ =	swait.ge [sflag:s9], $0x800  }
0xaf: {  	[sflag:s9] =	ssyncset.done $0x0  }
0xb0: {  	[sflag:s9] =	ssyncadd.s32 $0xFFFFF800  }
0xb1: {  	_ =	swait.ge [sflag:s9], $0x800  }
0xb2: {  	[sflag:s9] =	ssyncset.done $0x0  }
0xb3: {  	[sflag:s9] =	ssyncadd.s32 $0xFFFFF800  }
0xb4: {  	_ =	swait.ge [sflag:s9], $0x800  }
0xb5: {  	[sflag:s9] =	ssyncset.done $0x0  }
0xb6: {  	[sflag:s9] =	ssyncadd.s32 $0xFFFFF800  }
0xb7: {  	_ =	swait.ge [sflag:s9], $0x800  }
0xb8: {  	[sflag:s9] =	ssyncset.done $0x0  }
0xb9: {  	[sflag:s9] =	ssyncadd.s32 $0xFFFFF800  }
0xba: {  	_ =	swait.ge [sflag:s9], $0x800  }
0xbb: {  	[sflag:s9] =	ssyncset.done $0x0  }
0xbc: {  	[sflag:s9] =	ssyncadd.s32 $0xFFFFF800  }
0xbd: {  	_ =	swait.ge [sflag:s9], $0x800  }
0xbe: {  	[sflag:s9] =	ssyncset.done $0x0  }
0xbf: {  	[sflag:s9] =	ssyncadd.s32 $0xFFFFF800  }
0xc0: {  	_ =	swait.ge [sflag:s9], $0x800  }
0xc1: {  	[sflag:s9] =	ssyncset.done $0x0  }
0xc2: {  	[sflag:s9] =	ssyncadd.s32 $0xFFFFF800  }
0xc3: {  	_ =	swait.ge [sflag:s9], $0x800  }
0xc4: {  	s23 =	smov.u32 s20;
	[sflag:s9] =	ssyncset.done $0x0  }
0xc5: {  	s19 =	smov.u32 s23;
	s23 =	simm.s32 @!p2 $0x4;
	[sflag:s9] =	ssyncadd.s32 $0xFFFFF800  }
0xc6: {  	[hbm4b:s18+s2] =	stream.linear.scatter [tilespmem:s11], [sflag:$0x3], $0x5000, $0x38;
	[tilespmem:$0xEF10] =	vst v63  }
0xc7: {  	_ =	swait.ge @!p2 [sflag:s23], $0x5000  }
0xc8: {  	[sflag:s23] =	ssyncset.done @!p2 $0x0  }
0xc9: {  	s25 =	sadd.s32 $0x500, s22;
	[sflag:s23] =	ssyncadd.s32 @!p2 $0xFFFFB000  }
0xca: {  	[tilespmem:s12], [sflag:$0x2] =	stream.indirect.gather [spmem:s1], $0x10, s25, s10, $0xb8;
	[tilespmem:$0xEF10] =	vst v63  }
0xcb: {  	s28 =	sadd.s32 $0x580, s22;
	s26 =	rddreg [dreg:$0xd]  }
0xcc: {  	[tilespmem:s26], [sflag:$0x2] =	stream.indirect.gather [spmem:s1], $0x10, s28, s10, $0xb8;
	[tilespmem:$0xEF10] =	vst v63  }
0xcd: {  	s30 =	sadd.s32 $0x600, s22;
	s29 =	rddreg [dreg:$0xe]  }
0xce: {  	[tilespmem:s29], [sflag:$0x2] =	stream.indirect.gather [spmem:s1], $0x10, s30, s10, $0xb8;
	[tilespmem:$0xEF10] =	vst v63  }
0xcf: {  	s31 =	rddreg [dreg:$0xf];
	s25 =	sadd.s32 $0x680, s22  }
0xd0: {  	[tilespmem:s31], [sflag:$0x2] =	stream.indirect.gather [spmem:s1], $0x10, s25, s10, $0xb8;
	[tilespmem:$0xEF10] =	vst v63  }
0xd1: {  	s26 =	rddreg [dreg:$0x10];
	s28 =	sadd.s32 $0x700, s22  }
0xd2: {  	[tilespmem:s26], [sflag:$0x2] =	stream.indirect.gather [spmem:s1], $0x10, s28, s10, $0xb8;
	[tilespmem:$0xEF10] =	vst v63  }
0xd3: {  	s29 =	rddreg [dreg:$0x11];
	s30 =	sadd.s32 $0x780, s22  }
0xd4: {  	[tilespmem:s29], [sflag:$0x2] =	stream.indirect.gather [spmem:s1], $0x10, s30, s10, $0xb8;
	[tilespmem:$0xEF10] =	vst v63  }
0xd5: {  	s24 =	sadd.s32 $0x800, s22;
	s31 =	rddreg [dreg:$0x12]  }
0xd6: {  	[tilespmem:s31], [sflag:$0x2] =	stream.indirect.gather [spmem:s1], $0x10, s24, s10, $0xb8;
	[tilespmem:$0xEF10] =	vst v63  }
0xd7: {  	s26 =	rddreg [dreg:$0x13];
	s28 =	sadd.s32 $0x880, s22  }
0xd8: {  	[tilespmem:s26], [sflag:$0x2] =	stream.indirect.gather [spmem:s1], $0x10, s28, s10, $0xb8;
	[tilespmem:$0xEF10] =	vst v63  }
0xd9: {  	s29 =	rddreg [dreg:$0x14];
	s30 =	sadd.s32 $0x900, s22  }
0xda: {  	[tilespmem:s29], [sflag:$0x2] =	stream.indirect.gather [spmem:s1], $0x10, s30, s10, $0xb8;
	[tilespmem:$0xEF10] =	vst v63  }
0xdb: {  	s22 =	sadd.s32 $0x980, s22;
	s31 =	rddreg [dreg:$0x15]  }
0xdc: {  	[tilespmem:s31], [sflag:$0x2] =	stream.indirect.gather [spmem:s1], $0x10, s22, s10, $0xb8;
	[tilespmem:$0xEF10] =	vst v63  }
0xdd: {  	_ =	swait.ge [sflag:s13], $0x800  }
0xde: {  	[sflag:s13] =	ssyncset.done $0x0  }
0xdf: {  	[sflag:s13] =	ssyncadd.s32 $0xFFFFF800  }
0xe0: {  	_ =	swait.ge [sflag:s13], $0x800  }
0xe1: {  	[sflag:s13] =	ssyncset.done $0x0  }
0xe2: {  	[sflag:s13] =	ssyncadd.s32 $0xFFFFF800  }
0xe3: {  	_ =	swait.ge [sflag:s13], $0x800  }
0xe4: {  	[sflag:s13] =	ssyncset.done $0x0  }
0xe5: {  	[sflag:s13] =	ssyncadd.s32 $0xFFFFF800  }
0xe6: {  	_ =	swait.ge [sflag:s13], $0x800  }
0xe7: {  	[sflag:s13] =	ssyncset.done $0x0  }
0xe8: {  	[sflag:s13] =	ssyncadd.s32 $0xFFFFF800  }
0xe9: {  	_ =	swait.ge [sflag:s13], $0x800  }
0xea: {  	[sflag:s13] =	ssyncset.done $0x0  }
0xeb: {  	[sflag:s13] =	ssyncadd.s32 $0xFFFFF800  }
0xec: {  	_ =	swait.ge [sflag:s13], $0x800  }
0xed: {  	[sflag:s13] =	ssyncset.done $0x0  }
0xee: {  	[sflag:s13] =	ssyncadd.s32 $0xFFFFF800  }
0xef: {  	_ =	swait.ge [sflag:s13], $0x800  }
0xf0: {  	[sflag:s13] =	ssyncset.done $0x0  }
0xf1: {  	[sflag:s13] =	ssyncadd.s32 $0xFFFFF800  }
0xf2: {  	_ =	swait.ge [sflag:s13], $0x800  }
0xf3: {  	s20 =	sadd.s32 $0x2800, s20;
	[sflag:s13] =	ssyncset.done $0x0  }
0xf4: {  	p1 =	sne.s32 s20, $0xA000;
	[sflag:s13] =	ssyncadd.s32 $0xFFFFF800  }
.Ltmp0:
0xf5: {  	_ =	swait.ge [sflag:s13], $0x800;
	(pc) =	sbr.rel @p1 .LBB2_2-.Ltmp0, $4  }
0xf6: {  	[sflag:s13] =	ssyncset.done $0x0  }
0xf7: {  	[sflag:s13] =	ssyncadd.s32 $0xFFFFF800  }
0xf8: {  	s21 =	smov.u32 s17;
	s17 =	sadd.s32 $0x1400, s17;
	_ =	swait.ge [sflag:s13], $0x800  }
0xf9: {  	s18 =	sadd.s32 $0x1400, s18;
	p2 =	seq.s32 s19, $0x0;
	[sflag:s13] =	ssyncset.done $0x0  }
0xfa: {  	s20 =	simm.s32 @!p2 $0x3;
	[sflag:s13] =	ssyncadd.s32 $0xFFFFF800  }
0xfb: {  	[hbm4b:s21+s2] =	stream.linear.scatter [tilespmem:s12], [sflag:$0x4], $0x5000, $0x38;
	[tilespmem:$0xEF10] =	vst v63  }
0xfc: {  	_ =	swait.ge @!p2 [sflag:s20], $0x5000  }
0xfd: {  	[sflag:s20] =	ssyncset.done @!p2 $0x0  }
0xfe: {  	s19 =	sshra.s32 s19, $0x2;
	[sflag:s20] =	ssyncadd.s32 @!p2 $0xFFFFB000  }
0xff: {  	[tilespmem:s11], [sflag:$0x1] =	stream.indirect.gather [spmem:s1], $0x10, s19, s10, $0xb8;
	[tilespmem:$0xEF10] =	vst v63  }
0x100: {  	s24 =	sadd.s32 $0x80, s19;
	s23 =	rddreg [dreg:$0x4]  }
0x101: {  	[tilespmem:s23], [sflag:$0x1] =	stream.indirect.gather [spmem:s1], $0x10, s24, s10, $0xb8;
	[tilespmem:$0xEF10] =	vst v63  }
0x102: {  	s25 =	sadd.s32 $0x100, s19;
	s22 =	rddreg [dreg:$0x5]  }
0x103: {  	[tilespmem:s22], [sflag:$0x1] =	stream.indirect.gather [spmem:s1], $0x10, s25, s10, $0xb8;
	[tilespmem:$0xEF10] =	vst v63  }
0x104: {  	s28 =	sadd.s32 $0x180, s19;
	s26 =	rddreg [dreg:$0x6]  }
0x105: {  	[tilespmem:s26], [sflag:$0x1] =	stream.indirect.gather [spmem:s1], $0x10, s28, s10, $0xb8;
	[tilespmem:$0xEF10] =	vst v63  }
0x106: {  	s30 =	sadd.s32 $0x200, s19;
	s29 =	rddreg [dreg:$0x7]  }
0x107: {  	[tilespmem:s29], [sflag:$0x1] =	stream.indirect.gather [spmem:s1], $0x10, s30, s10, $0xb8;
	[tilespmem:$0xEF10] =	vst v63  }
0x108: {  	s31 =	rddreg [dreg:$0x8];
	s22 =	sadd.s32 $0x280, s19  }
0x109: {  	[tilespmem:s31], [sflag:$0x1] =	stream.indirect.gather [spmem:s1], $0x10, s22, s10, $0xb8;
	[tilespmem:$0xEF10] =	vst v63  }
0x10a: {  	s23 =	rddreg [dreg:$0x9];
	s24 =	sadd.s32 $0x300, s19  }
0x10b: {  	[tilespmem:s23], [sflag:$0x1] =	stream.indirect.gather [spmem:s1], $0x10, s24, s10, $0xb8;
	[tilespmem:$0xEF10] =	vst v63  }
0x10c: {  	s25 =	rddreg [dreg:$0xa];
	s26 =	sadd.s32 $0x380, s19  }
0x10d: {  	[tilespmem:s25], [sflag:$0x1] =	stream.indirect.gather [spmem:s1], $0x10, s26, s10, $0xb8;
	[tilespmem:$0xEF10] =	vst v63  }
0x10e: {  	s28 =	rddreg [dreg:$0xb];
	s29 =	sadd.s32 $0x400, s19  }
0x10f: {  	[tilespmem:s28], [sflag:$0x1] =	stream.indirect.gather [spmem:s1], $0x10, s29, s10, $0xb8;
	[tilespmem:$0xEF10] =	vst v63  }
0x110: {  	s30 =	rddreg [dreg:$0xc];
	s31 =	sadd.s32 $0x480, s19  }
0x111: {  	[tilespmem:s30], [sflag:$0x1] =	stream.indirect.gather [spmem:s1], $0x10, s31, s10, $0xb8;
	[tilespmem:$0xEF10] =	vst v63  }
0x112: {  	_ =	swait.ge [sflag:s9], $0x800  }
0x113: {  	[sflag:s9] =	ssyncset.done $0x0  }
0x114: {  	[sflag:s9] =	ssyncadd.s32 $0xFFFFF800  }
0x115: {  	_ =	swait.ge [sflag:s9], $0x800  }
0x116: {  	[sflag:s9] =	ssyncset.done $0x0  }
0x117: {  	[sflag:s9] =	ssyncadd.s32 $0xFFFFF800  }
0x118: {  	_ =	swait.ge [sflag:s9], $0x800  }
0x119: {  	[sflag:s9] =	ssyncset.done $0x0  }
0x11a: {  	[sflag:s9] =	ssyncadd.s32 $0xFFFFF800  }
0x11b: {  	_ =	swait.ge [sflag:s9], $0x800  }
0x11c: {  	[sflag:s9] =	ssyncset.done $0x0  }
0x11d: {  	[sflag:s9] =	ssyncadd.s32 $0xFFFFF800  }
0x11e: {  	_ =	swait.ge [sflag:s9], $0x800  }
0x11f: {  	[sflag:s9] =	ssyncset.done $0x0  }
0x120: {  	[sflag:s9] =	ssyncadd.s32 $0xFFFFF800  }
0x121: {  	_ =	swait.ge [sflag:s9], $0x800  }
0x122: {  	[sflag:s9] =	ssyncset.done $0x0  }
0x123: {  	[sflag:s9] =	ssyncadd.s32 $0xFFFFF800  }
0x124: {  	_ =	swait.ge [sflag:s9], $0x800  }
0x125: {  	[sflag:s9] =	ssyncset.done $0x0  }
0x126: {  	[sflag:s9] =	ssyncadd.s32 $0xFFFFF800  }
0x127: {  	_ =	swait.ge [sflag:s9], $0x800  }
0x128: {  	[sflag:s9] =	ssyncset.done $0x0  }
0x129: {  	[sflag:s9] =	ssyncadd.s32 $0xFFFFF800  }
0x12a: {  	_ =	swait.ge [sflag:s9], $0x800  }
0x12b: {  	[sflag:s9] =	ssyncset.done $0x0  }
0x12c: {  	[sflag:s9] =	ssyncadd.s32 $0xFFFFF800  }
0x12d: {  	_ =	swait.ge [sflag:s9], $0x800  }
0x12e: {  	[sflag:s9] =	ssyncset.done $0x0  }
0x12f: {  	s20 =	simm.s32 @!p2 $0x4;
	[sflag:s9] =	ssyncadd.s32 $0xFFFFF800  }
0x130: {  	[hbm4b:s18+s2] =	stream.linear.scatter [tilespmem:s11], [sflag:$0x3], $0x5000, $0x38;
	[tilespmem:$0xEF10] =	vst v63  }
0x131: {  	_ =	swait.ge @!p2 [sflag:s20], $0x5000  }
0x132: {  	[sflag:s20] =	ssyncset.done @!p2 $0x0  }
0x133: {  	s21 =	sadd.s32 $0x500, s19;
	[sflag:s20] =	ssyncadd.s32 @!p2 $0xFFFFB000  }
0x134: {  	[tilespmem:s12], [sflag:$0x2] =	stream.indirect.gather [spmem:s1], $0x10, s21, s10, $0xb8;
	[tilespmem:$0xEF10] =	vst v63  }
0x135: {  	s23 =	sadd.s32 $0x580, s19;
	s22 =	rddreg [dreg:$0xd]  }
0x136: {  	[tilespmem:s22], [sflag:$0x2] =	stream.indirect.gather [spmem:s1], $0x10, s23, s10, $0xb8;
	[tilespmem:$0xEF10] =	vst v63  }
0x137: {  	s25 =	sadd.s32 $0x600, s19;
	s24 =	rddreg [dreg:$0xe]  }
0x138: {  	[tilespmem:s24], [sflag:$0x2] =	stream.indirect.gather [spmem:s1], $0x10, s25, s10, $0xb8;
	[tilespmem:$0xEF10] =	vst v63  }
0x139: {  	s28 =	sadd.s32 $0x680, s19;
	s26 =	rddreg [dreg:$0xf]  }
0x13a: {  	[tilespmem:s26], [sflag:$0x2] =	stream.indirect.gather [spmem:s1], $0x10, s28, s10, $0xb8;
	[tilespmem:$0xEF10] =	vst v63  }
0x13b: {  	s30 =	sadd.s32 $0x700, s19;
	s29 =	rddreg [dreg:$0x10]  }
0x13c: {  	[tilespmem:s29], [sflag:$0x2] =	stream.indirect.gather [spmem:s1], $0x10, s30, s10, $0xb8;
	[tilespmem:$0xEF10] =	vst v63  }
0x13d: {  	s31 =	rddreg [dreg:$0x11];
	s22 =	sadd.s32 $0x780, s19  }
0x13e: {  	[tilespmem:s31], [sflag:$0x2] =	stream.indirect.gather [spmem:s1], $0x10, s22, s10, $0xb8;
	[tilespmem:$0xEF10] =	vst v63  }
0x13f: {  	s23 =	rddreg [dreg:$0x12];
	s24 =	sadd.s32 $0x800, s19  }
0x140: {  	[tilespmem:s23], [sflag:$0x2] =	stream.indirect.gather [spmem:s1], $0x10, s24, s10, $0xb8;
	[tilespmem:$0xEF10] =	vst v63  }
0x141: {  	s25 =	rddreg [dreg:$0x13];
	s26 =	sadd.s32 $0x880, s19  }
0x142: {  	[tilespmem:s25], [sflag:$0x2] =	stream.indirect.gather [spmem:s1], $0x10, s26, s10, $0xb8;
	[tilespmem:$0xEF10] =	vst v63  }
0x143: {  	s28 =	rddreg [dreg:$0x14];
	s29 =	sadd.s32 $0x900, s19  }
0x144: {  	[tilespmem:s28], [sflag:$0x2] =	stream.indirect.gather [spmem:s1], $0x10, s29, s10, $0xb8;
	[tilespmem:$0xEF10] =	vst v63  }
0x145: {  	s30 =	rddreg [dreg:$0x15];
	s31 =	sadd.s32 $0x980, s19  }
0x146: {  	[tilespmem:s30], [sflag:$0x2] =	stream.indirect.gather [spmem:s1], $0x10, s31, s10, $0xb8;
	[tilespmem:$0xEF10] =	vst v63  }
0x147: {  	_ =	swait.ge [sflag:s13], $0x800  }
0x148: {  	[sflag:s13] =	ssyncset.done $0x0  }
0x149: {  	[sflag:s13] =	ssyncadd.s32 $0xFFFFF800  }
0x14a: {  	_ =	swait.ge [sflag:s13], $0x800  }
0x14b: {  	[sflag:s13] =	ssyncset.done $0x0  }
0x14c: {  	[sflag:s13] =	ssyncadd.s32 $0xFFFFF800  }
0x14d: {  	_ =	swait.ge [sflag:s13], $0x800  }
0x14e: {  	[sflag:s13] =	ssyncset.done $0x0  }
0x14f: {  	[sflag:s13] =	ssyncadd.s32 $0xFFFFF800  }
0x150: {  	_ =	swait.ge [sflag:s13], $0x800  }
0x151: {  	[sflag:s13] =	ssyncset.done $0x0  }
0x152: {  	[sflag:s13] =	ssyncadd.s32 $0xFFFFF800  }
0x153: {  	_ =	swait.ge [sflag:s13], $0x800  }
0x154: {  	[sflag:s13] =	ssyncset.done $0x0  }
0x155: {  	[sflag:s13] =	ssyncadd.s32 $0xFFFFF800  }
0x156: {  	_ =	swait.ge [sflag:s13], $0x800  }
0x157: {  	[sflag:s13] =	ssyncset.done $0x0  }
0x158: {  	[sflag:s13] =	ssyncadd.s32 $0xFFFFF800  }
0x159: {  	_ =	swait.ge [sflag:s13], $0x800  }
0x15a: {  	[sflag:s13] =	ssyncset.done $0x0  }
0x15b: {  	[sflag:s13] =	ssyncadd.s32 $0xFFFFF800  }
0x15c: {  	_ =	swait.ge [sflag:s13], $0x800  }
0x15d: {  	[sflag:s13] =	ssyncset.done $0x0  }
0x15e: {  	[sflag:s13] =	ssyncadd.s32 $0xFFFFF800  }
0x15f: {  	_ =	swait.ge [sflag:s13], $0x800  }
0x160: {  	[sflag:s13] =	ssyncset.done $0x0  }
0x161: {  	[sflag:s13] =	ssyncadd.s32 $0xFFFFF800  }
0x162: {  	_ =	swait.ge [sflag:s13], $0x800  }
0x163: {  	[sflag:s13] =	ssyncset.done $0x0  }
0x164: {  	s16 =	sadd.s32 $0x1, s16;
	[sflag:s13] =	ssyncadd.s32 $0xFFFFF800  }
0x165: {  	[hbm4b:s17+s2] =	stream.linear.scatter [tilespmem:s12], [sflag:$0x4], $0x5000, $0x38;
	[tilespmem:$0xEF10] =	vst v63  }
0x166: {  	p1 =	sne.s32 s16, s5;
	_ =	swait.ge [sflag:s14], $0x5000  }
.Ltmp1:
0x167: {  	[sflag:s14] =	ssyncset.done $0x0;
	(pc) =	sbr.rel @p1 .LBB2_1-.Ltmp1, $4  }
0x168: {  	[sflag:s14] =	ssyncadd.s32 $0xFFFFB000  }
0x169: {  	_ =	swait.ge [sflag:s15], $0x5000  }
0x16a: {  	[sflag:s15] =	ssyncset.done $0x0  }
0x16b: {  	[sflag:s15] =	ssyncadd.s32 $0xFFFFB000  }
0x16c: {  	_ =	sfence.sel $0x180000  }
0x16d: {  	[bflag:$0x0] =	sbarrier.arrive $0xFFFF  }
0x16e: {  	_ =	strace $0x9000004D  }
0x16f: {  	s0 =	sadd.s32 @!p0 $0x100000, s0;
	[bflag:$0x2] =	sbarrier.arrive $0xFFFF  }
0x170: {  	[sflag:s0] =	ssyncadd.tile.s32 @!p0 $0x1;
	_ =	shalt  }
.Lfunc_end2:
_tile_overlayer_lowered:
.L_overlay_start_2:
0x171: {  	(tag) =	ssettag $0x2  }
0x172: {  	s0 =	rddreg [dreg:$0x0];
	s2 =	stileid.u32  }
0x173: {  	s1 =	rddreg [dreg:$0x1];
	p0 =	sne.s32 s2, $0x0  }
0x174: {  	s3 =	rddreg [dreg:$0x2];
	[bflag:$0x3] =	sbarrier.arrive $0xFFFF;
	s2 =	simm.s32 @!p0 $0x1C05  }
0x175: {  	[timem:s3], [sflag:s2] =	dma.local @!p0 [hbm:s0], s1  }
0x176: {  	s0 =	simm.s32 @!p0 $0x5  }
0x177: {  	_ =	swait.ge @!p0 [sflag:s0], s1  }
0x178: {  	s1 =	ssub.s32 @!p0 $0x0, s1;
	[sflag:s0] =	ssyncset.done @!p0 $0x0  }
0x179: {  	[sflag:s0] =	ssyncadd.s32 @!p0 s1  }
0x17a: {  	[bflag:$0x3] =	sbarrier.arrive $0xFFFF  }
0x17b: {  	_ =	shalt  }

// kernel: kernel.20.cloned.1.call-start
scs
__scs_entry_jumppad:
0x0: {  	(pc) =	sbr.rel $0x88, $3  }
0x1: {  	(tag) =	ssettag $0x0;
	lr =	simm.s32 $0x1  }
0x2: {  	[smem:$0x3F9A] =	sst lr;
	_ =	strace $0xD0000000  }
0x3: {  	_ = 	snop  }
0x4: {  	_ = 	snop  }
0x5: {  	_ = 	snop  }
0x6: {  	_ = 	snop  }
0x7: {  	_ = 	snop  }
__scs_overlays_trampoline_lowered:
0x8: {  	[smem:$0x3FA9] =	sst s0  }
0x9: {  	[smem:$0x3FAA] =	sst s1  }
0xa: {  	[smem:$0x3FAB] =	sst s2  }
0xb: {  	[smem:$0x3FAC] =	sst s3  }
0xc: {  	[smem:$0x3FAD] =	sst s4  }
0xd: {  	[smem:$0x3FAE] =	sst s5  }
0xe: {  	[smem:$0x3FAF] =	sst s6  }
0xf: {  	[smem:$0x3FB0] =	sst s7  }
0x10: {  	[smem:$0x3FB1] =	sst s8  }
0x11: {  	[smem:$0x3FB2] =	sst s9;
	s0 =	simm.s32 @!p0 $0x0  }
0x12: {  	s1 =	sld [smem:$0x3F98];
	s0 =	simm.s32 @p0 $0x1  }
0x13: {  	[smem:$0x3FB3] =	sst s0;
	s0 =	simm.s32 @!p1 $0x0  }
0x14: {  	s2 =	sld [smem:$0x3F97];
	s0 =	simm.s32 @p1 $0x1  }
0x15: {  	[smem:$0x3FB4] =	sst s0;
	s0 =	simm.s32 @!p2 $0x0  }
0x16: {  	s3 =	sld [smem:$0x3FDB];
	s0 =	simm.s32 @p2 $0x1  }
0x17: {  	s4 =	simm.s32 $0x1BF5;
	[smem:$0x3FB6] =	sst s0  }
0x18: {  	s0 =	sld [smem:$0x3F99];
	_ =	swait.ge [sflag:s4], $0x0  }
0x19: {  	s7 =	sld [smem:$0x3F9A]  }
0x1a: {  	s8 =	sadd.s32 $0xFFFFE003, lr  }
0x1b: {  	s9 =	sadd.s32 $0xFFFFFEF7, lr;
	s5 =	simm.s32 $0xFFFFFFFF;
	p2 =	slt.u32 s8, $0xFFFFF086  }
0x1c: {  	p1 =	slt.u32 s9, $0xF7A;
	s5 =	simm.s32 @!p2 $0x0  }
0x1d: {  	s5 =	simm.s32 @p1 $0x1;
	p0 =	seq.s32 s7, s2  }
0x1e: {  	s7 =	smul.u32 @!p0 $0xF7A, s2;
	p2 =	seq.s32 @!p0 s5, $0x0  }
0x1f: {  	s9 =	smul.u32 $0xF7A, s1;
	s8 =	simm.s32 @!p0 $0x1BF5;
	p2 =	por !p2, p0  }
0x20: {  	[sflag:s8] =	ssyncset.s32 @!p0 $0xFFFFF086;
	s6 =	sadd.s32 @!p0 s3, s7;
	s7 =	simm.s32 @!p0 $0x108  }
0x21: {  	s3 =	sadd.s32 s3, s9;
	s6 =	sadd.s32 @!p0 $0x88, s6;
	s7 =	simm.s32 @p2 $0x1082  }
0x22: {  	[simem:s7], [sflag:s8] =	dma.local @!p0 [hbm:s6], $0xF7A  }
0x23: {  	s9 =	sor.u32 $0xD0000000, s2;
	s6 =	simm.s32 $0x108;
	_ =	swait.ge @!p0 [sflag:s8], $0x0  }
0x24: {  	s3 =	sadd.s32 $0x88, s3;
	s6 =	simm.s32 @!p1 $0x1082;
	[sflag:s4] =	ssyncset.s32 $0xFFFFF086  }
0x25: {  	[simem:s6], [sflag:s4] =	dma.local [hbm:s3], $0xF7A  }
0x26: {  	[smem:$0x3F9A] =	sst s1;
	(tag) =	ssettag s2;
	_ =	strace s9  }
0x27: {  	s1 =	sld [smem:$0x3FAA]  }
0x28: {  	s2 =	sld [smem:$0x3FAB]  }
0x29: {  	s4 =	sld [smem:$0x3FAD]  }
0x2a: {  	p0 =	seq.s32 s5, $0x0;
	s5 =	sld [smem:$0x3FAE]  }
0x2b: {  	s6 =	sld [smem:$0x3FAF]  }
0x2c: {  	s7 =	sld [smem:$0x3FB0]  }
0x2d: {  	s3 =	simm.s32 $0x108;
	s8 =	sld [smem:$0x3FB1]  }
0x2e: {  	s3 =	simm.s32 @!p0 $0x1082;
	s9 =	sld [smem:$0x3FB2]  }
0x2f: {  	lr =	sadd.s32 s0, s3;
	s0 =	sld [smem:$0x3FA9]  }
0x30: {  	s3 =	sld [smem:$0x3FAC]  }
0x31: {  	[smem:$0x3FB5] =	sst s10  }
0x32: {  	s10 =	sld [smem:$0x3FB3];
	_ =	sdelay $0x3  }
0x33: {  	p0 =	seq.s32 s10, $0x1;
	s10 =	sld [smem:$0x3FB5];
	_ =	sdelay $0x3  }
0x34: {  	[smem:$0x3FB5] =	sst s10  }
0x35: {  	s10 =	sld [smem:$0x3FB4];
	_ =	sdelay $0x3  }
0x36: {  	p1 =	seq.s32 s10, $0x1;
	s10 =	sld [smem:$0x3FB5];
	_ =	sdelay $0x3  }
0x37: {  	[smem:$0x3FB5] =	sst s10  }
0x38: {  	s10 =	sld [smem:$0x3FB6]  }
0x39: {  	_ = 	snop;
	(pc) =	sbr.ind lr, $3  }
0x3a: {  	_ = 	snop  }
0x3b: {  	_ = 	snop  }
0x3c: {  	p2 =	seq.s32 s10, $0x1;
	s10 =	sld [smem:$0x3FB5]  }
0x3d: {  	_ =	shalt  }
0x3e: {  	_ =	shalt  }
0x3f: {  	_ =	shalt  }
0x40: {  	_ =	shalt  }
0x41: {  	_ =	shalt  }
0x42: {  	_ =	shalt  }
0x43: {  	_ =	shalt  }
0x44: {  	_ =	shalt  }
0x45: {  	_ =	shalt  }
0x46: {  	_ =	shalt  }
0x47: {  	_ =	shalt  }
0x48: {  	_ =	shalt  }
0x49: {  	_ =	shalt  }
0x4a: {  	_ =	shalt  }
0x4b: {  	_ =	shalt  }
0x4c: {  	_ =	shalt  }
0x4d: {  	_ =	shalt  }
0x4e: {  	_ =	shalt  }
0x4f: {  	_ =	shalt  }
0x50: {  	_ =	shalt  }
0x51: {  	_ =	shalt  }
0x52: {  	_ =	shalt  }
0x53: {  	_ =	shalt  }
0x54: {  	_ =	shalt  }
0x55: {  	_ =	shalt  }
0x56: {  	_ =	shalt  }
0x57: {  	_ =	shalt  }
0x58: {  	_ =	shalt  }
0x59: {  	_ =	shalt  }
0x5a: {  	_ =	shalt  }
0x5b: {  	_ =	shalt  }
0x5c: {  	_ =	shalt  }
0x5d: {  	_ =	shalt  }
0x5e: {  	_ =	shalt  }
0x5f: {  	_ =	shalt  }
0x60: {  	_ =	shalt  }
0x61: {  	_ =	shalt  }
0x62: {  	_ =	shalt  }
0x63: {  	_ =	shalt  }
0x64: {  	_ =	shalt  }
0x65: {  	_ =	shalt  }
0x66: {  	_ =	shalt  }
0x67: {  	_ =	shalt  }
0x68: {  	_ =	shalt  }
0x69: {  	_ =	shalt  }
0x6a: {  	_ =	shalt  }
0x6b: {  	_ =	shalt  }
0x6c: {  	_ =	shalt  }
0x6d: {  	_ =	shalt  }
0x6e: {  	_ =	shalt  }
0x6f: {  	_ =	shalt  }
0x70: {  	_ =	shalt  }
0x71: {  	_ =	shalt  }
0x72: {  	_ =	shalt  }
0x73: {  	_ =	shalt  }
0x74: {  	_ =	shalt  }
0x75: {  	_ =	shalt  }
0x76: {  	_ =	shalt  }
0x77: {  	_ =	shalt  }
0x78: {  	_ =	shalt  }
0x79: {  	_ =	shalt  }
0x7a: {  	_ =	shalt  }
0x7b: {  	_ =	shalt  }
0x7c: {  	_ =	shalt  }
0x7d: {  	_ =	shalt  }
0x7e: {  	_ =	shalt  }
0x7f: {  	_ =	shalt  }
0x80: {  	_ =	shalt  }
0x81: {  	_ =	shalt  }
0x82: {  	_ =	shalt  }
0x83: {  	_ =	shalt  }
0x84: {  	_ =	shalt  }
0x85: {  	_ =	shalt  }
0x86: {  	_ =	shalt  }
0x87: {  	_ =	shalt  }
.Lfunc_end0:
.L_simem_size_0:
called_computation.3_lowered:
.L_overlay_start_0:
0x88: {  	s2 =	sld [smem:$0x3FD9]  }
0x89: {  	s3 =	sld [smem:$0x3FFE];
	_ =	sdelay $0x1  }
0x8a: {  	s1 =	srdreg.scid  }
0x8b: {  	s0 =	sand.u32 $0x1, s1  }
0x8c: {  	s14 =	sshll.u32 s0, $0xA;
	s2 =	sadd.s32 s3, s2  }
0x8d: {  	s2 =	sadd.s32 s2, s14  }
0x8e: {  	[smem:$0x3FC1] =	sst s2  }
0x8f: {  	_ = 	snop  }
0x90: {  	s2 =	sld [smem:$0x3FD0];
	_ =	sdelay $0x2  }
0x91: {  	s15 =	simm.s32 $0xA;
	s4 =	simm.s32 $0x10  }
0x92: {  	[smem:s4], [sflag:s15] =	dma.local [hbm:s2], $0x1  }
0x93: {  	_ =	swait.eq [sflag:s15], $0x1  }
0x94: {  	[sflag:s15] =	ssyncset.done $0x0  }
0x95: {  	[sflag:s15] =	ssyncadd.s32 $0xFFFFFFFF  }
0x96: {  	s16 =	sld [smem:$0x10];
	(tm) =	ssettm $0x1  }
0x97: {  	s17 =	sld [smem:$0x3FFB];
	_ =	sdelay $0x3  }
0x98: {  	_ =	strace s17  }
0x99: {  	s3 =	sld [smem:$0x3FFC];
	_ =	sdelay $0x3  }
0x9a: {  	_ =	strace s3  }
0x9b: {  	s3 =	sld [smem:$0x3FFD];
	_ =	sdelay $0x3  }
0x9c: {  	_ =	strace s3  }
0x9d: {  	_ =	strace $0x8FFFFFFF  }
0x9e: {  	s18 =	sld [smem:$0x3FDB];
	_ =	sdelay $0x1  }
0x9f: {  	s19 =	simm.s32 $_scs_section_size  }
0xa0: {  	s5 =	simm.s32 $_size__tile_overlayer_lowered;
	s6 =	simm.s32 $_tile_overlayer_lowered  }
0xa1: {  	s22 =	simm.s32 $0x1BFF;
	s21 =	sshll.u32 s6, $0x1;
	s3 =	sadd.s32 s19, s18  }
0xa2: {  	s7 =	simm.s32 $0x0;
	s20 =	sshll.u32 s5, $0x1;
	s5 =	sadd.s32 s21, s3  }
0xa3: {  	[timem:s7], [sflag:s22] =	dma.local [hbm:s5], s20  }
0xa4: {  	_ =	swait.ge [sflag:s22], s20  }
0xa5: {  	s4 =	ssub.s32 $0x0, s20;
	[sflag:s22] =	ssyncset.done $0x0  }
0xa6: {  	[sflag:s22] =	ssyncadd.s32 s4;
	_ =	sdelay $0x1  }
0xa7: {  	s23 =	simm.s32 $0x1B8B  }
0xa8: {  	_ =	swait.ge [sflag:s23], $0x1  }
0xa9: {  	[sflag:s23] =	ssyncset.done $0x0  }
0xaa: {  	s25 =	simm.s32 $0x1B8E;
	s24 =	sld [smem:$0x3FFE];
	[sflag:s23] =	ssyncadd.s32 $0xFFFFFFFF  }
0xab: {  	s26 =	simm.s32 $execute0_lowered;
	[smem:$0x3FD2] =	sst s25  }
0xac: {  	s5 =	sshll.u32 s26, $0x1;
	_ =	strace $0x8000004F;
	[dreg:$0x1] =	wrdreg $0xFFFFFFFF  }
0xad: {  	s28 =	simm.s32 $_size_execute0_lowered;
	s3 =	sadd.s32 s3, s5;
	[dreg:$0x0] =	wrdreg $0x0  }
0xae: {  	s5 =	sshll.u32 s28, $0x1;
	[dreg:$0x2] =	wrdreg s3  }
0xaf: {  	[dreg:$0x3] =	wrdreg s5  }
0xb0: {  	[dreg:$0x4] =	wrdreg $0xC0  }
0xb1: {  	_ =	task [dreg:s7], $0x5FFFF  }
0xb2: {  	[dreg:$0x1] =	wrdreg $0xFFFFFFFF  }
0xb3: {  	[dreg:$0x0] =	wrdreg $0x60  }
0xb4: {  	[dreg:$0x2] =	wrdreg s24  }
0xb5: {  	[dreg:$0x3] =	wrdreg s16  }
0xb6: {  	[dreg:$0x4] =	wrdreg $0xEF800  }
0xb7: {  	[dreg:$0x5] =	wrdreg $0x9  }
0xb8: {  	_ =	task.clear_ibuf [dreg:s7], $0x6FFFF;
	_ =	strace $0x9000004F  }
0xb9: {  	s29 =	simm.s32 $0x9;
	_ =	strace $0x80000051  }
0xba: {  	_ =	swait.ge [sflag:s29], $0x1  }
0xbb: {  	[sflag:s29] =	ssyncadd.s32 $0xFFFFFFFF  }
0xbc: {  	_ =	strace $0x90000051  }
0xbd: {  	_ =	sfence  }
0xbe: {  	s30 =	sld [smem:$0x0];
	_ =	sdelay $0x2  }
0xbf: {  	s31 =	sshll.u32 s1, $0xD;
	s1 =	sshrl.u32 s1, $0x2  }
0xc0: {  	s3 =	sand.u32 $0x4000, s31;
	s1 =	sadd.s32 s1, s30  }
0xc1: {  	s0 =	sor.u32 s3, s0;
	s1 =	sshll.u32 s1, $0x11  }
0xc2: {  	s0 =	sor.u32 s1, s0  }
0xc3: {  	s0 =	sadd.s32 $0x8F2B, s0  }
0xc4: {  	[sflag:s0] =	ssyncadd.remote.s32 $0x1  }
0xc5: {  	_ =	sfence.sel $0xFFFF  }
0xc6: {  	[dreg:$0x0] =	wrdreg $0xFFFFFFFF;
	(pc) =	sbr.abs _section_cstart, $3  }
0xc7: {  	[dreg:$0x1] =	wrdreg $0xFFFFFFFF  }
0xc8: {  	_ =	task.clear_ibuf [dreg:s7], $0x2FFFF;
	_ =	strace $0x9FFFFFFF  }
0xc9: {  	(tm) =	ssettm $0x7FFFFFFF  }
tec
execute0_lowered:
.L_overlay_start_1:
0x0: {  	(tag) =	ssettag $0x1  }
0x1: {  	s4 =	rddreg [dreg:$0x0]  }
0x2: {  	s7 =	rddreg [dreg:$0x1]  }
0x3: {  	s1 =	srdreg.scid;
	s2 =	rddreg [dreg:$0x2]  }
0x4: {  	s3 =	simm.s32 $0x0;
	s8 =	sand.u32 $0x1, s1;
	s1 =	rddreg [dreg:$0x3]  }
0x5: {  	s16 =	simm.s32 $0x3000;
	[smem:$0x7FF] =	sst s3  }
0x6: {  	s17 =	simm.s32 $0x3800;
	_ =	strace $0x80000050;
	[dreg:$0x4] =	wrdreg s16  }
0x7: {  	s0 =	stileid.u32;
	s18 =	simm.s32 $0x4000;
	[dreg:$0x5] =	wrdreg s17  }
0x8: {  	s20 =	simm.s32 $0x4800;
	s22 =	simm.s32 $0x5000;
	[dreg:$0x6] =	wrdreg s18  }
0x9: {  	s23 =	simm.s32 $0x5800;
	s25 =	simm.s32 $0x6000;
	[dreg:$0x7] =	wrdreg s20  }
0xa: {  	s26 =	simm.s32 $0x6800;
	s28 =	simm.s32 $0x7000;
	[dreg:$0x8] =	wrdreg s22  }
0xb: {  	s29 =	simm.s32 $0x8000;
	s30 =	simm.s32 $0x8800;
	[dreg:$0x9] =	wrdreg s23  }
0xc: {  	s31 =	simm.s32 $0x9000;
	s10 =	smul.u32 $0x4F0, s0;
	[dreg:$0xa] =	wrdreg s25  }
0xd: {  	s5 =	sshll.u32 s0, $0x1;
	s13 =	smul.u32 $0x9E00, s0;
	[dreg:$0xb] =	wrdreg s26  }
0xe: {  	s11 =	sadd.s32 $0x3800, s4;
	s19 =	smul.u32 $0x5000, s0;
	[dreg:$0xc] =	wrdreg s28  }
0xf: {  	s5 =	sor.u32 s8, s5;
	s15 =	smul.u32 $0x4F00, s8;
	[dreg:$0xd] =	wrdreg s29  }
0x10: {  	s9 =	ssub.s32 $0x2, s8;
	s21 =	smul.u32 $0x2800, s8;
	[dreg:$0xe] =	wrdreg s30  }
0x11: {  	[dreg:$0xf] =	wrdreg s31;
	s16 =	simm.s32 $0xA800;
	s17 =	simm.s32 $0xB000  }
0x12: {  	s18 =	simm.s32 $0xB800;
	s6 =	smul.u32 $0x500, s5;
	s12 =	sshrl.u32 s9, $0x1  }
0x13: {  	s14 =	sshrl.u32 s13, $0x2;
	s13 =	simm.s32 $0x3;
	[dreg:$0x12] =	wrdreg s16  }
0x14: {  	s16 =	simm.s32 $0x7800;
	[dreg:$0x13] =	wrdreg s17;
	s17 =	simm.s32 $0x80  }
0x15: {  	[dreg:$0x14] =	wrdreg s18;
	s18 =	simm.s32 $0x2;
	s9 =	ssub.s32 s9, s12  }
0x16: {  	s12 =	smul.u32 $0x5000, s5;
	s5 =	sadd.s32 s14, s2;
	s10 =	sadd.s32 s10, s15  }
0x17: {  	s24 =	sadd.s32 s21, s19;
	s14 =	simm.s32 $0x9800;
	s15 =	simm.s32 $0xA000  }
0x18: {  	s19 =	simm.s32 $0xC000;
	s4 =	sadd.s32 s6, s4;
	s7 =	sadd.s32 s7, s10  }
0x19: {  	s8 =	smax.u32 s9, $0x1;
	s10 =	sshll.u32 s24, $0x1;
	[dreg:$0x10] =	wrdreg s14  }
0x1a: {  	s14 =	simm.s32 $0x2800;
	[dreg:$0x11] =	wrdreg s15;
	s15 =	simm.s32 $0x1  }
0x1b: {  	[dreg:$0x15] =	wrdreg s19;
	s19 =	simm.s32 $0x0;
	s4 =	sadd.s32 $0xA3800, s4  }
0x1c: {  	s6 =	sadd.s32 s11, s12;
	s10 =	sadd.s32 s10, s11;
	s11 =	simm.s32 $0xC800  }
0x1d: {  	v0 =	vimm.f32 $0.0e+00;
	s12 =	simm.s32 $0x4;
	s9 =	sadd.s32 $0x1400, s10;
	s10 =	sadd.s32 $0xA00, s10  }
.LBB2_1:
0x1e: {  	[tilespmem:s3], [sflag:$0x3] =	stream.linear.gather [hbm4b:s4+s3], $0x2800, $0x38;
	[tilespmem:$0x11700] =	vst v63  }
0x1f: {  	s20 =	simm.s32 $0x40;
	s21 =	simm.s32 $0x0  }
.LBB2_2:
0x20: {  	p0 =	sne.s32 s20, $0x9DC0;
	[tilespmem:s21+$0xC800] =	vst v0;
	s21 =	smov.u32 s20;
	s20 =	sadd.s32 $0x40, s20  }
.Ltmp0:
0x21: {  	(pc) =	sbr.rel @p0 .LBB2_2-.Ltmp0, $2  }
0x22: {  	_ =	sdelay $0x2  }
0x23: {  	s21 =	sshra.s32 s21, $0x2  }
0x24: {  	[tilespmem:s21+$0xC800] =	vst v0  }
0x25: {  	[spmem:s5] =	stream.linear.scatter [tilespmem:s11], [sflag:$0x4], $0x2780, $0x38;
	[tilespmem:$0x11700] =	vst v63  }
0x26: {  	_ =	swait.ge [sflag:s12], $0x2780  }
0x27: {  	[sflag:s12] =	ssyncset.done $0x0  }
0x28: {  	[sflag:s12] =	ssyncadd.s32 $0xFFFFD880  }
0x29: {  	_ =	swait.ge [sflag:s13], $0x2800  }
0x2a: {  	[sflag:s13] =	ssyncset.done $0x0  }
0x2b: {  	[sflag:s13] =	ssyncadd.s32 $0xFFFFD800  }
0x2c: {  	s20 =	simm.s32 $0x0;
	[bflag:$0x0] =	sbarrier.arrive $0xFFFF  }
0x2d: {  	[tilespmem:s14], [sflag:$0x1] =	stream.linear.gather [hbm4b:s6+s20], $0x5000, $0x38;
	[tilespmem:$0x11700] =	vst v63  }
0x2e: {  	_ =	swait.ge [sflag:s15], $0x5000  }
0x2f: {  	[sflag:s15] =	ssyncset.done $0x0  }
0x30: {  	[sflag:s15] =	ssyncadd.s32 $0xFFFFB000  }
0x31: {  	[tilespmem:s16], [sflag:$0x2] =	stream.linear.gather [hbm4b:s10+s3], $0x5000, $0x38;
	[tilespmem:$0x11700] =	vst v63  }
0x32: {  	s22 =	simm.s32 $0x0  }
0x33: {  	[spmem:s2] =	stream.indirect.scatter.add.f32 [tilespmem:s14], [sflag:$0x3], $0x10, s22, s17, $0xb8;
	[tilespmem:$0x11700] =	vst v63  }
0x34: {  	s24 =	simm.s32 $0x80;
	s23 =	rddreg [dreg:$0x4]  }
0x35: {  	[spmem:s2] =	stream.indirect.scatter.add.f32 [tilespmem:s23], [sflag:$0x3], $0x10, s24, s17, $0xb8;
	[tilespmem:$0x11700] =	vst v63  }
0x36: {  	s25 =	simm.s32 $0x100;
	s22 =	rddreg [dreg:$0x5]  }
0x37: {  	[spmem:s2] =	stream.indirect.scatter.add.f32 [tilespmem:s22], [sflag:$0x3], $0x10, s25, s17, $0xb8;
	[tilespmem:$0x11700] =	vst v63  }
0x38: {  	s28 =	simm.s32 $0x180;
	s26 =	rddreg [dreg:$0x6]  }
0x39: {  	[spmem:s2] =	stream.indirect.scatter.add.f32 [tilespmem:s26], [sflag:$0x3], $0x10, s28, s17, $0xb8;
	[tilespmem:$0x11700] =	vst v63  }
0x3a: {  	s30 =	simm.s32 $0x200;
	s29 =	rddreg [dreg:$0x7]  }
0x3b: {  	[spmem:s2] =	stream.indirect.scatter.add.f32 [tilespmem:s29], [sflag:$0x3], $0x10, s30, s17, $0xb8;
	[tilespmem:$0x11700] =	vst v63  }
0x3c: {  	s31 =	rddreg [dreg:$0x8];
	s22 =	simm.s32 $0x280  }
0x3d: {  	[spmem:s2] =	stream.indirect.scatter.add.f32 [tilespmem:s31], [sflag:$0x3], $0x10, s22, s17, $0xb8;
	[tilespmem:$0x11700] =	vst v63  }
0x3e: {  	s23 =	rddreg [dreg:$0x9];
	s24 =	simm.s32 $0x300  }
0x3f: {  	[spmem:s2] =	stream.indirect.scatter.add.f32 [tilespmem:s23], [sflag:$0x3], $0x10, s24, s17, $0xb8;
	[tilespmem:$0x11700] =	vst v63  }
0x40: {  	s25 =	rddreg [dreg:$0xa];
	s26 =	simm.s32 $0x380  }
0x41: {  	[spmem:s2] =	stream.indirect.scatter.add.f32 [tilespmem:s25], [sflag:$0x3], $0x10, s26, s17, $0xb8;
	[tilespmem:$0x11700] =	vst v63  }
0x42: {  	s28 =	rddreg [dreg:$0xb];
	s29 =	simm.s32 $0x400  }
0x43: {  	[spmem:s2] =	stream.indirect.scatter.add.f32 [tilespmem:s28], [sflag:$0x3], $0x10, s29, s17, $0xb8;
	[tilespmem:$0x11700] =	vst v63  }
0x44: {  	s30 =	rddreg [dreg:$0xc];
	s31 =	simm.s32 $0x480  }
0x45: {  	[spmem:s2] =	stream.indirect.scatter.add.f32 [tilespmem:s30], [sflag:$0x3], $0x10, s31, s17, $0xb8;
	[tilespmem:$0x11700] =	vst v63  }
0x46: {  	_ =	swait.ge [sflag:s18], $0x5000  }
0x47: {  	[sflag:s18] =	ssyncset.done $0x0  }
0x48: {  	[sflag:s18] =	ssyncadd.s32 $0xFFFFB000  }
0x49: {  	_ =	swait.ge [sflag:s13], $0x800  }
0x4a: {  	[sflag:s13] =	ssyncset.done $0x0  }
0x4b: {  	[sflag:s13] =	ssyncadd.s32 $0xFFFFF800  }
0x4c: {  	_ =	swait.ge [sflag:s13], $0x800  }
0x4d: {  	[sflag:s13] =	ssyncset.done $0x0  }
0x4e: {  	[sflag:s13] =	ssyncadd.s32 $0xFFFFF800  }
0x4f: {  	_ =	swait.ge [sflag:s13], $0x800  }
0x50: {  	[sflag:s13] =	ssyncset.done $0x0  }
0x51: {  	[sflag:s13] =	ssyncadd.s32 $0xFFFFF800  }
0x52: {  	_ =	swait.ge [sflag:s13], $0x800  }
0x53: {  	[sflag:s13] =	ssyncset.done $0x0  }
0x54: {  	[sflag:s13] =	ssyncadd.s32 $0xFFFFF800  }
0x55: {  	_ =	swait.ge [sflag:s13], $0x800  }
0x56: {  	[sflag:s13] =	ssyncset.done $0x0  }
0x57: {  	[sflag:s13] =	ssyncadd.s32 $0xFFFFF800  }
0x58: {  	_ =	swait.ge [sflag:s13], $0x800  }
0x59: {  	[sflag:s13] =	ssyncset.done $0x0  }
0x5a: {  	[sflag:s13] =	ssyncadd.s32 $0xFFFFF800  }
0x5b: {  	_ =	swait.ge [sflag:s13], $0x800  }
0x5c: {  	[sflag:s13] =	ssyncset.done $0x0  }
0x5d: {  	[sflag:s13] =	ssyncadd.s32 $0xFFFFF800  }
0x5e: {  	_ =	swait.ge [sflag:s13], $0x800  }
0x5f: {  	[sflag:s13] =	ssyncset.done $0x0  }
0x60: {  	[sflag:s13] =	ssyncadd.s32 $0xFFFFF800  }
0x61: {  	_ =	swait.ge [sflag:s13], $0x800  }
0x62: {  	[sflag:s13] =	ssyncset.done $0x0  }
0x63: {  	[sflag:s13] =	ssyncadd.s32 $0xFFFFF800  }
0x64: {  	_ =	swait.ge [sflag:s13], $0x800  }
0x65: {  	p0 =	por $0x0, $0x0;
	[sflag:s13] =	ssyncset.done $0x0  }
0x66: {  	s21 =	simm.s32 @!p0 $0x2800;
	s20 =	simm.s32 @!p0 $0x0;
	[sflag:s13] =	ssyncadd.s32 $0xFFFFF800  }
0x67: {  	[tilespmem:s21], [sflag:$0x1] =	stream.linear.gather @!p0 [hbm4b:s9+s20], $0x5000, $0x38;
	[tilespmem:$0x11700] =	vst v63  }
0x68: {  	s21 =	simm.s32 $0x500  }
0x69: {  	[spmem:s2] =	stream.indirect.scatter.add.f32 [tilespmem:s16], [sflag:$0x3], $0x10, s21, s17, $0xb8;
	[tilespmem:$0x11700] =	vst v63  }
0x6a: {  	s23 =	simm.s32 $0x580;
	s22 =	rddreg [dreg:$0xd]  }
0x6b: {  	[spmem:s2] =	stream.indirect.scatter.add.f32 [tilespmem:s22], [sflag:$0x3], $0x10, s23, s17, $0xb8;
	[tilespmem:$0x11700] =	vst v63  }
0x6c: {  	s25 =	simm.s32 $0x600;
	s24 =	rddreg [dreg:$0xe]  }
0x6d: {  	[spmem:s2] =	stream.indirect.scatter.add.f32 [tilespmem:s24], [sflag:$0x3], $0x10, s25, s17, $0xb8;
	[tilespmem:$0x11700] =	vst v63  }
0x6e: {  	s28 =	simm.s32 $0x680;
	s26 =	rddreg [dreg:$0xf]  }
0x6f: {  	[spmem:s2] =	stream.indirect.scatter.add.f32 [tilespmem:s26], [sflag:$0x3], $0x10, s28, s17, $0xb8;
	[tilespmem:$0x11700] =	vst v63  }
0x70: {  	s30 =	simm.s32 $0x700;
	s29 =	rddreg [dreg:$0x10]  }
0x71: {  	[spmem:s2] =	stream.indirect.scatter.add.f32 [tilespmem:s29], [sflag:$0x3], $0x10, s30, s17, $0xb8;
	[tilespmem:$0x11700] =	vst v63  }
0x72: {  	s31 =	rddreg [dreg:$0x11];
	s22 =	simm.s32 $0x780  }
0x73: {  	[spmem:s2] =	stream.indirect.scatter.add.f32 [tilespmem:s31], [sflag:$0x3], $0x10, s22, s17, $0xb8;
	[tilespmem:$0x11700] =	vst v63  }
0x74: {  	s23 =	rddreg [dreg:$0x12];
	s24 =	simm.s32 $0x800  }
0x75: {  	[spmem:s2] =	stream.indirect.scatter.add.f32 [tilespmem:s23], [sflag:$0x3], $0x10, s24, s17, $0xb8;
	[tilespmem:$0x11700] =	vst v63  }
0x76: {  	s25 =	rddreg [dreg:$0x13];
	s26 =	simm.s32 $0x880  }
0x77: {  	[spmem:s2] =	stream.indirect.scatter.add.f32 [tilespmem:s25], [sflag:$0x3], $0x10, s26, s17, $0xb8;
	[tilespmem:$0x11700] =	vst v63  }
0x78: {  	s28 =	rddreg [dreg:$0x14];
	s29 =	simm.s32 $0x900  }
0x79: {  	[spmem:s2] =	stream.indirect.scatter.add.f32 [tilespmem:s28], [sflag:$0x3], $0x10, s29, s17, $0xb8;
	[tilespmem:$0x11700] =	vst v63  }
0x7a: {  	s30 =	rddreg [dreg:$0x15];
	s31 =	simm.s32 $0x980  }
0x7b: {  	[spmem:s2] =	stream.indirect.scatter.add.f32 [tilespmem:s30], [sflag:$0x3], $0x10, s31, s17, $0xb8;
	[tilespmem:$0x11700] =	vst v63  }
0x7c: {  	_ =	swait.ge [sflag:s13], $0x800  }
0x7d: {  	[sflag:s13] =	ssyncset.done $0x0  }
0x7e: {  	[sflag:s13] =	ssyncadd.s32 $0xFFFFF800  }
0x7f: {  	_ =	swait.ge [sflag:s13], $0x800  }
0x80: {  	[sflag:s13] =	ssyncset.done $0x0  }
0x81: {  	[sflag:s13] =	ssyncadd.s32 $0xFFFFF800  }
0x82: {  	_ =	swait.ge [sflag:s13], $0x800  }
0x83: {  	[sflag:s13] =	ssyncset.done $0x0  }
0x84: {  	[sflag:s13] =	ssyncadd.s32 $0xFFFFF800  }
0x85: {  	_ =	swait.ge [sflag:s13], $0x800  }
0x86: {  	[sflag:s13] =	ssyncset.done $0x0  }
0x87: {  	[sflag:s13] =	ssyncadd.s32 $0xFFFFF800  }
0x88: {  	_ =	swait.ge [sflag:s13], $0x800  }
0x89: {  	[sflag:s13] =	ssyncset.done $0x0  }
0x8a: {  	[sflag:s13] =	ssyncadd.s32 $0xFFFFF800  }
0x8b: {  	_ =	swait.ge [sflag:s13], $0x800  }
0x8c: {  	[sflag:s13] =	ssyncset.done $0x0  }
0x8d: {  	[sflag:s13] =	ssyncadd.s32 $0xFFFFF800  }
0x8e: {  	_ =	swait.ge [sflag:s13], $0x800  }
0x8f: {  	[sflag:s13] =	ssyncset.done $0x0  }
0x90: {  	[sflag:s13] =	ssyncadd.s32 $0xFFFFF800  }
0x91: {  	_ =	swait.ge [sflag:s13], $0x800  }
0x92: {  	[sflag:s13] =	ssyncset.done $0x0  }
0x93: {  	[sflag:s13] =	ssyncadd.s32 $0xFFFFF800  }
0x94: {  	_ =	swait.ge [sflag:s13], $0x800  }
0x95: {  	[sflag:s13] =	ssyncset.done $0x0  }
0x96: {  	[sflag:s13] =	ssyncadd.s32 $0xFFFFF800  }
0x97: {  	s20 =	simm.s32 $0x2800;
	_ =	swait.ge [sflag:s13], $0x800  }
0x98: {  	s21 =	sadd.s32 $0x1400, s10;
	s22 =	smov.u32 s9;
	[sflag:s13] =	ssyncset.done $0x0  }
.LBB2_4:
0x99: {  	[sflag:s13] =	ssyncadd.s32 $0xFFFFF800  }
0x9a: {  	_ =	swait.ge [sflag:s15], $0x5000  }
0x9b: {  	[sflag:s15] =	ssyncset.done $0x0  }
0x9c: {  	s24 =	smov.u32 s20;
	[sflag:s15] =	ssyncadd.s32 $0xFFFFB000  }
0x9d: {  	[tilespmem:s16], [sflag:$0x2] =	stream.linear.gather [hbm4b:s21+s3], $0x5000, $0x38;
	[tilespmem:$0x11700] =	vst v63  }
0x9e: {  	s23 =	sshra.s32 s24, $0x2  }
0x9f: {  	[spmem:s2] =	stream.indirect.scatter.add.f32 [tilespmem:s14], [sflag:$0x3], $0x10, s23, s17, $0xb8;
	[tilespmem:$0x11700] =	vst v63  }
0xa0: {  	s25 =	rddreg [dreg:$0x4];
	s26 =	sadd.s32 $0x80, s23  }
0xa1: {  	[spmem:s2] =	stream.indirect.scatter.add.f32 [tilespmem:s25], [sflag:$0x3], $0x10, s26, s17, $0xb8;
	[tilespmem:$0x11700] =	vst v63  }
0xa2: {  	s28 =	rddreg [dreg:$0x5];
	s26 =	sadd.s32 $0x100, s23  }
0xa3: {  	[spmem:s2] =	stream.indirect.scatter.add.f32 [tilespmem:s28], [sflag:$0x3], $0x10, s26, s17, $0xb8;
	[tilespmem:$0x11700] =	vst v63  }
0xa4: {  	s29 =	rddreg [dreg:$0x6];
	s30 =	sadd.s32 $0x180, s23  }
0xa5: {  	[spmem:s2] =	stream.indirect.scatter.add.f32 [tilespmem:s29], [sflag:$0x3], $0x10, s30, s17, $0xb8;
	[tilespmem:$0x11700] =	vst v63  }
0xa6: {  	s31 =	rddreg [dreg:$0x7];
	s26 =	sadd.s32 $0x200, s23  }
0xa7: {  	[spmem:s2] =	stream.indirect.scatter.add.f32 [tilespmem:s31], [sflag:$0x3], $0x10, s26, s17, $0xb8;
	[tilespmem:$0x11700] =	vst v63  }
0xa8: {  	s29 =	rddreg [dreg:$0x8];
	s30 =	sadd.s32 $0x280, s23  }
0xa9: {  	[spmem:s2] =	stream.indirect.scatter.add.f32 [tilespmem:s29], [sflag:$0x3], $0x10, s30, s17, $0xb8;
	[tilespmem:$0x11700] =	vst v63  }
0xaa: {  	s31 =	rddreg [dreg:$0x9];
	s26 =	sadd.s32 $0x300, s23  }
0xab: {  	[spmem:s2] =	stream.indirect.scatter.add.f32 [tilespmem:s31], [sflag:$0x3], $0x10, s26, s17, $0xb8;
	[tilespmem:$0x11700] =	vst v63  }
0xac: {  	s29 =	rddreg [dreg:$0xa];
	s30 =	sadd.s32 $0x380, s23  }
0xad: {  	[spmem:s2] =	stream.indirect.scatter.add.f32 [tilespmem:s29], [sflag:$0x3], $0x10, s30, s17, $0xb8;
	[tilespmem:$0x11700] =	vst v63  }
0xae: {  	s31 =	rddreg [dreg:$0xb];
	s29 =	sadd.s32 $0x400, s23  }
0xaf: {  	[spmem:s2] =	stream.indirect.scatter.add.f32 [tilespmem:s31], [sflag:$0x3], $0x10, s29, s17, $0xb8;
	[tilespmem:$0x11700] =	vst v63  }
0xb0: {  	s30 =	rddreg [dreg:$0xc];
	s31 =	sadd.s32 $0x480, s23  }
0xb1: {  	[spmem:s2] =	stream.indirect.scatter.add.f32 [tilespmem:s30], [sflag:$0x3], $0x10, s31, s17, $0xb8;
	[tilespmem:$0x11700] =	vst v63  }
0xb2: {  	_ =	swait.ge [sflag:s18], $0x5000  }
0xb3: {  	[sflag:s18] =	ssyncset.done $0x0  }
0xb4: {  	[sflag:s18] =	ssyncadd.s32 $0xFFFFB000  }
0xb5: {  	_ =	swait.ge [sflag:s13], $0x800  }
0xb6: {  	[sflag:s13] =	ssyncset.done $0x0  }
0xb7: {  	[sflag:s13] =	ssyncadd.s32 $0xFFFFF800  }
0xb8: {  	_ =	swait.ge [sflag:s13], $0x800  }
0xb9: {  	[sflag:s13] =	ssyncset.done $0x0  }
0xba: {  	[sflag:s13] =	ssyncadd.s32 $0xFFFFF800  }
0xbb: {  	_ =	swait.ge [sflag:s13], $0x800  }
0xbc: {  	[sflag:s13] =	ssyncset.done $0x0  }
0xbd: {  	[sflag:s13] =	ssyncadd.s32 $0xFFFFF800  }
0xbe: {  	_ =	swait.ge [sflag:s13], $0x800  }
0xbf: {  	[sflag:s13] =	ssyncset.done $0x0  }
0xc0: {  	[sflag:s13] =	ssyncadd.s32 $0xFFFFF800  }
0xc1: {  	_ =	swait.ge [sflag:s13], $0x800  }
0xc2: {  	[sflag:s13] =	ssyncset.done $0x0  }
0xc3: {  	[sflag:s13] =	ssyncadd.s32 $0xFFFFF800  }
0xc4: {  	_ =	swait.ge [sflag:s13], $0x800  }
0xc5: {  	[sflag:s13] =	ssyncset.done $0x0  }
0xc6: {  	[sflag:s13] =	ssyncadd.s32 $0xFFFFF800  }
0xc7: {  	_ =	swait.ge [sflag:s13], $0x800  }
0xc8: {  	[sflag:s13] =	ssyncset.done $0x0  }
0xc9: {  	[sflag:s13] =	ssyncadd.s32 $0xFFFFF800  }
0xca: {  	_ =	swait.ge [sflag:s13], $0x800  }
0xcb: {  	[sflag:s13] =	ssyncset.done $0x0  }
0xcc: {  	[sflag:s13] =	ssyncadd.s32 $0xFFFFF800  }
0xcd: {  	_ =	swait.ge [sflag:s13], $0x800  }
0xce: {  	[sflag:s13] =	ssyncset.done $0x0  }
0xcf: {  	[sflag:s13] =	ssyncadd.s32 $0xFFFFF800  }
0xd0: {  	_ =	swait.ge [sflag:s13], $0x800  }
0xd1: {  	s22 =	sadd.s32 $0x1400, s22;
	p1 =	seq.s32 s24, $0x7800;
	[sflag:s13] =	ssyncset.done $0x0  }
0xd2: {  	s24 =	simm.s32 @!p1 $0x0;
	s25 =	simm.s32 @!p1 $0x2800;
	[sflag:s13] =	ssyncadd.s32 $0xFFFFF800  }
0xd3: {  	[tilespmem:s25], [sflag:$0x1] =	stream.linear.gather @!p1 [hbm4b:s22+s24], $0x5000, $0x38;
	[tilespmem:$0x11700] =	vst v63  }
0xd4: {  	s25 =	sadd.s32 $0x500, s23  }
0xd5: {  	[spmem:s2] =	stream.indirect.scatter.add.f32 [tilespmem:s16], [sflag:$0x3], $0x10, s25, s17, $0xb8;
	[tilespmem:$0x11700] =	vst v63  }
0xd6: {  	s28 =	sadd.s32 $0x580, s23;
	s26 =	rddreg [dreg:$0xd]  }
0xd7: {  	[spmem:s2] =	stream.indirect.scatter.add.f32 [tilespmem:s26], [sflag:$0x3], $0x10, s28, s17, $0xb8;
	[tilespmem:$0x11700] =	vst v63  }
0xd8: {  	s30 =	sadd.s32 $0x600, s23;
	s29 =	rddreg [dreg:$0xe]  }
0xd9: {  	[spmem:s2] =	stream.indirect.scatter.add.f32 [tilespmem:s29], [sflag:$0x3], $0x10, s30, s17, $0xb8;
	[tilespmem:$0x11700] =	vst v63  }
0xda: {  	s31 =	rddreg [dreg:$0xf];
	s28 =	sadd.s32 $0x680, s23  }
0xdb: {  	[spmem:s2] =	stream.indirect.scatter.add.f32 [tilespmem:s31], [sflag:$0x3], $0x10, s28, s17, $0xb8;
	[tilespmem:$0x11700] =	vst v63  }
0xdc: {  	s29 =	rddreg [dreg:$0x10];
	s30 =	sadd.s32 $0x700, s23  }
0xdd: {  	[spmem:s2] =	stream.indirect.scatter.add.f32 [tilespmem:s29], [sflag:$0x3], $0x10, s30, s17, $0xb8;
	[tilespmem:$0x11700] =	vst v63  }
0xde: {  	s31 =	rddreg [dreg:$0x11];
	s28 =	sadd.s32 $0x780, s23  }
0xdf: {  	[spmem:s2] =	stream.indirect.scatter.add.f32 [tilespmem:s31], [sflag:$0x3], $0x10, s28, s17, $0xb8;
	[tilespmem:$0x11700] =	vst v63  }
0xe0: {  	s29 =	rddreg [dreg:$0x12];
	s30 =	sadd.s32 $0x800, s23  }
0xe1: {  	[spmem:s2] =	stream.indirect.scatter.add.f32 [tilespmem:s29], [sflag:$0x3], $0x10, s30, s17, $0xb8;
	[tilespmem:$0x11700] =	vst v63  }
0xe2: {  	s31 =	rddreg [dreg:$0x13];
	s28 =	sadd.s32 $0x880, s23  }
0xe3: {  	[spmem:s2] =	stream.indirect.scatter.add.f32 [tilespmem:s31], [sflag:$0x3], $0x10, s28, s17, $0xb8;
	[tilespmem:$0x11700] =	vst v63  }
0xe4: {  	s29 =	rddreg [dreg:$0x14];
	s30 =	sadd.s32 $0x900, s23  }
0xe5: {  	[spmem:s2] =	stream.indirect.scatter.add.f32 [tilespmem:s29], [sflag:$0x3], $0x10, s30, s17, $0xb8;
	[tilespmem:$0x11700] =	vst v63  }
0xe6: {  	s23 =	sadd.s32 $0x980, s23;
	s31 =	rddreg [dreg:$0x15]  }
0xe7: {  	[spmem:s2] =	stream.indirect.scatter.add.f32 [tilespmem:s31], [sflag:$0x3], $0x10, s23, s17, $0xb8;
	[tilespmem:$0x11700] =	vst v63  }
0xe8: {  	_ =	swait.ge [sflag:s13], $0x800  }
0xe9: {  	[sflag:s13] =	ssyncset.done $0x0  }
0xea: {  	[sflag:s13] =	ssyncadd.s32 $0xFFFFF800  }
0xeb: {  	_ =	swait.ge [sflag:s13], $0x800  }
0xec: {  	[sflag:s13] =	ssyncset.done $0x0  }
0xed: {  	[sflag:s13] =	ssyncadd.s32 $0xFFFFF800  }
0xee: {  	_ =	swait.ge [sflag:s13], $0x800  }
0xef: {  	[sflag:s13] =	ssyncset.done $0x0  }
0xf0: {  	[sflag:s13] =	ssyncadd.s32 $0xFFFFF800  }
0xf1: {  	_ =	swait.ge [sflag:s13], $0x800  }
0xf2: {  	[sflag:s13] =	ssyncset.done $0x0  }
0xf3: {  	[sflag:s13] =	ssyncadd.s32 $0xFFFFF800  }
0xf4: {  	_ =	swait.ge [sflag:s13], $0x800  }
0xf5: {  	[sflag:s13] =	ssyncset.done $0x0  }
0xf6: {  	[sflag:s13] =	ssyncadd.s32 $0xFFFFF800  }
0xf7: {  	_ =	swait.ge [sflag:s13], $0x800  }
0xf8: {  	[sflag:s13] =	ssyncset.done $0x0  }
0xf9: {  	[sflag:s13] =	ssyncadd.s32 $0xFFFFF800  }
0xfa: {  	_ =	swait.ge [sflag:s13], $0x800  }
0xfb: {  	[sflag:s13] =	ssyncset.done $0x0  }
0xfc: {  	[sflag:s13] =	ssyncadd.s32 $0xFFFFF800  }
0xfd: {  	_ =	swait.ge [sflag:s13], $0x800  }
0xfe: {  	s20 =	sadd.s32 $0x2800, s20;
	[sflag:s13] =	ssyncset.done $0x0  }
0xff: {  	p0 =	sne.s32 s20, $0xA000;
	[sflag:s13] =	ssyncadd.s32 $0xFFFFF800  }
.Ltmp1:
0x100: {  	_ =	swait.ge [sflag:s13], $0x800;
	(pc) =	sbr.rel @p0 .LBB2_4-.Ltmp1, $4  }
0x101: {  	[sflag:s13] =	ssyncset.done $0x0  }
0x102: {  	[sflag:s13] =	ssyncadd.s32 $0xFFFFF800  }
0x103: {  	_ =	swait.ge [sflag:s13], $0x800  }
0x104: {  	s21 =	sadd.s32 $0x1400, s21;
	[sflag:s13] =	ssyncset.done $0x0  }
0x105: {  	[sflag:s13] =	ssyncadd.s32 $0xFFFFF800  }
0x106: {  	[bflag:$0x0] =	sbarrier.arrive $0xFFFF  }
0x107: {  	[tilespmem:s11], [sflag:$0x4] =	stream.linear.gather [spmem:s5], $0x2780, $0x38;
	[tilespmem:$0x11700] =	vst v63  }
0x108: {  	s19 =	sadd.s32 $0x1, s19;
	_ =	swait.ge [sflag:s12], $0x2780  }
0x109: {  	p0 =	sne.s32 s19, s8;
	[sflag:s12] =	ssyncset.done $0x0  }
.Ltmp2:
0x10a: {  	[sflag:s12] =	ssyncadd.s32 $0xFFFFD880;
	(pc) =	sbr.rel @p0 .LBB2_1-.Ltmp2, $4  }
0x10b: {  	[hbm4b:s7+s3] =	stream.linear.scatter [tilespmem:s11], [sflag:$0x4], $0x2780, $0x38;
	[tilespmem:$0x11700] =	vst v63  }
0x10c: {  	_ =	swait.ge [sflag:s12], $0x2780  }
0x10d: {  	[sflag:s12] =	ssyncset.done $0x0  }
0x10e: {  	[sflag:s12] =	ssyncadd.s32 $0xFFFFD880  }
0x10f: {  	_ =	sfence.sel $0x180000  }
0x110: {  	[bflag:$0x0] =	sbarrier.arrive $0xFFFF  }
0x111: {  	p0 =	sne.s32 s0, $0x0;
	_ =	strace $0x90000050  }
0x112: {  	s0 =	sadd.s32 @!p0 $0x100000, s1;
	[bflag:$0x2] =	sbarrier.arrive $0xFFFF  }
0x113: {  	[sflag:s0] =	ssyncadd.tile.s32 @!p0 $0x1;
	_ =	shalt  }
.Lfunc_end2:
_tile_overlayer_lowered:
.L_overlay_start_2:
0x114: {  	(tag) =	ssettag $0x2  }
0x115: {  	s0 =	rddreg [dreg:$0x0];
	s2 =	stileid.u32  }
0x116: {  	s1 =	rddreg [dreg:$0x1];
	p0 =	sne.s32 s2, $0x0  }
0x117: {  	s3 =	rddreg [dreg:$0x2];
	[bflag:$0x3] =	sbarrier.arrive $0xFFFF;
	s2 =	simm.s32 @!p0 $0x1C04  }
0x118: {  	[timem:s3], [sflag:s2] =	dma.local @!p0 [hbm:s0], s1  }
0x119: {  	s0 =	simm.s32 @!p0 $0x4  }
0x11a: {  	_ =	swait.ge @!p0 [sflag:s0], s1  }
0x11b: {  	s1 =	ssub.s32 @!p0 $0x0, s1;
	[sflag:s0] =	ssyncset.done @!p0 $0x0  }
0x11c: {  	[sflag:s0] =	ssyncadd.s32 @!p0 s1  }
0x11d: {  	[bflag:$0x3] =	sbarrier.arrive $0xFFFF  }
0x11e: {  	_ =	shalt  }

</sc_bundles>
